<compile_context>
chip_gen: v7x
topology: tpu7x:2x2x1
jax: 0.10.2.dev20260603
libtpu: 0.0.44.dev20260713+nightly
codegen_flags: <defaults>
</compile_context>

<pallas_src>
import functools

import jax
import jax.numpy as jnp
from jax import lax
from jax.experimental import pallas as pl
from jax.experimental.pallas import tpu as pltpu
from jax.experimental.pallas import tpu_sc as plsc

N_NODES = 10000
N_EDGES = 320000
D = 128

NC = 2
NS = 16
NW = NC * NS
CHUNK = 128
CPR = 160
CPT0 = 80
CPT1 = CPR - CPT0
NB = 2
G = 16
R_PAD = 10240
RPT = R_PAD // NS


def _make_sc_segment_sum(with_deg: bool):
    mesh = plsc.VectorSubcoreMesh(core_axis_name="c", subcore_axis_name="s")
    out_type = [jax.ShapeDtypeStruct((NC, R_PAD, D), jnp.float32)]
    scratch = [
        pltpu.VMEM_SHARED((R_PAD, D), jnp.float32),
        pltpu.VMEM((G, CHUNK), jnp.int32),
        pltpu.VMEM((G, CHUNK), jnp.int32),
        [pltpu.VMEM((CHUNK, D), jnp.float32)] * NB,
        pltpu.SemaphoreType.DMA,
        pltpu.SemaphoreType.DMA,
    ]
    if with_deg:
        out_type.append(jax.ShapeDtypeStruct((NC, R_PAD, 16), jnp.float32))
        scratch += [
            pltpu.VMEM_SHARED((R_PAD, 16), jnp.float32),
            pltpu.VMEM((CHUNK, 16), jnp.float32),
        ]

    def body(m_hbm, src_hbm, dst_hbm, *rest):
        if with_deg:
            (zc_hbm, z16_hbm, o16_hbm, acc_out, deg_out, acc_sh,
             src_v, dst_v, rows, gsem, ssem, deg_sh, ones_v) = rest
        else:
            (zc_hbm, acc_out, acc_sh, src_v, dst_v, rows, gsem, ssem) = rest
        cid = lax.axis_index("c")
        sid = lax.axis_index("s")
        base = sid * RPT

        pltpu.sync_copy(zc_hbm, rows[0])

        @pl.loop(0, RPT, step=CHUNK)
        def _(r):
            pltpu.sync_copy(rows[0], acc_sh.at[pl.ds(base + r, CHUNK)])

        if with_deg:
            pltpu.sync_copy(z16_hbm, ones_v)

            @pl.loop(0, RPT, step=CHUNK)
            def _(r):
                pltpu.sync_copy(ones_v, deg_sh.at[pl.ds(base + r, CHUNK)])

            pltpu.sync_copy(o16_hbm, ones_v)

        plsc.subcore_barrier()

        def edge_loop(c_lo, c_hi):
            @pl.loop(c_lo, c_hi, step=G)
            def _(g0):
                pltpu.sync_copy(src_hbm.at[sid, pl.ds(g0, G)], src_v)
                pltpu.sync_copy(dst_hbm.at[sid, pl.ds(g0, G)], dst_v)

                @pl.loop(0, G, step=NB)
                def _(j):
                    gathers = [
                        pltpu.async_copy(m_hbm.at[src_v.at[j + b]], rows[b],
                                         gsem)
                        for b in range(NB)]
                    scatters = []
                    for b in range(NB):
                        gathers[b].wait()
                        scatters.append(pltpu.async_copy(
                            rows[b], acc_sh.at[dst_v.at[j + b]], ssem,
                            add=True))
                        if with_deg:
                            scatters.append(pltpu.async_copy(
                                ones_v, deg_sh.at[dst_v.at[j + b]], ssem,
                                add=True))
                    for cp in scatters:
                        cp.wait()

        with jax.named_scope("edge_loop"):
            @pl.when(cid == 0)
            def _():
                edge_loop(0, CPT0)

            @pl.when(cid == 1)
            def _():
                edge_loop(CPT0, CPR)

        plsc.subcore_barrier()

        with jax.named_scope("writeback"):
            @pl.loop(0, RPT, step=CHUNK)
            def _(r):
                pltpu.sync_copy(acc_sh.at[pl.ds(base + r, CHUNK)], rows[0])
                pltpu.sync_copy(rows[0],
                                acc_out.at[cid, pl.ds(base + r, CHUNK)])

            if with_deg:
                @pl.loop(0, RPT, step=CHUNK)
                def _(r):
                    pltpu.sync_copy(deg_sh.at[pl.ds(base + r, CHUNK)], ones_v)
                    pltpu.sync_copy(ones_v,
                                    deg_out.at[cid, pl.ds(base + r, CHUNK)])

    return pl.kernel(
        body, out_type=out_type, mesh=mesh, scratch_types=scratch,
        compiler_params=pltpu.CompilerParams(use_tc_tiling_on_sc=False))


_BR = 2000


def _tc_layer_in(x, w_self, w_neigh, b):
    n = x.shape[0]

    def body(x_ref, ws_ref, wn_ref, b_ref, s_ref, m_ref):
        xb = x_ref[...]
        s_ref[...] = (jnp.dot(xb, ws_ref[...],
                              preferred_element_type=jnp.float32) + b_ref[...])
        m_ref[...] = jnp.dot(xb, wn_ref[...],
                             preferred_element_type=jnp.float32)

    return pl.pallas_call(
        body,
        grid=(n // _BR,),
        in_specs=[
            pl.BlockSpec((_BR, D), lambda i: (i, 0)),
            pl.BlockSpec((D, D), lambda i: (0, 0)),
            pl.BlockSpec((D, D), lambda i: (0, 0)),
            pl.BlockSpec((1, D), lambda i: (0, 0)),
        ],
        out_specs=[
            pl.BlockSpec((_BR, D), lambda i: (i, 0)),
            pl.BlockSpec((_BR, D), lambda i: (i, 0)),
        ],
        out_shape=[jax.ShapeDtypeStruct((n, D), jnp.float32)] * 2,
    )(x, w_self, w_neigh, b.reshape(1, D))


def _tc_layer_mid(s1, accp, degp, w_self, w_neigh, b):
    n = s1.shape[0]

    def body(s1_ref, acc_ref, deg_ref, ws_ref, wn_ref, b_ref, s_ref, m_ref):
        agg = acc_ref[0] + acc_ref[1]
        deg = deg_ref[0][:, 0:1] + deg_ref[1][:, 0:1]
        rdeg = 1.0 / jnp.maximum(deg, 1.0)
        h = jnp.maximum(s1_ref[...] + agg * rdeg, 0.0)
        s_ref[...] = (jnp.dot(h, ws_ref[...],
                              preferred_element_type=jnp.float32) + b_ref[...])
        m_ref[...] = jnp.dot(h, wn_ref[...],
                             preferred_element_type=jnp.float32)

    return pl.pallas_call(
        body,
        grid=(n // _BR,),
        in_specs=[
            pl.BlockSpec((_BR, D), lambda i: (i, 0)),
            pl.BlockSpec((NC, _BR, D), lambda i: (0, i, 0)),
            pl.BlockSpec((NC, _BR, 16), lambda i: (0, i, 0)),
            pl.BlockSpec((D, D), lambda i: (0, 0)),
            pl.BlockSpec((D, D), lambda i: (0, 0)),
            pl.BlockSpec((1, D), lambda i: (0, 0)),
        ],
        out_specs=[
            pl.BlockSpec((_BR, D), lambda i: (i, 0)),
            pl.BlockSpec((_BR, D), lambda i: (i, 0)),
        ],
        out_shape=[jax.ShapeDtypeStruct((n, D), jnp.float32)] * 2,
    )(s1, accp, degp, w_self, w_neigh, b.reshape(1, D))


def _tc_layer_out(s2, accp, degp):
    n = s2.shape[0]

    def body(s2_ref, acc_ref, deg_ref, o_ref):
        agg = acc_ref[0] + acc_ref[1]
        deg = deg_ref[0][:, 0:1] + deg_ref[1][:, 0:1]
        rdeg = 1.0 / jnp.maximum(deg, 1.0)
        o_ref[...] = s2_ref[...] + agg * rdeg

    return pl.pallas_call(
        body,
        grid=(n // _BR,),
        in_specs=[
            pl.BlockSpec((_BR, D), lambda i: (i, 0)),
            pl.BlockSpec((NC, _BR, D), lambda i: (0, i, 0)),
            pl.BlockSpec((NC, _BR, 16), lambda i: (0, i, 0)),
        ],
        out_specs=pl.BlockSpec((_BR, D), lambda i: (i, 0)),
        out_shape=jax.ShapeDtypeStruct((n, D), jnp.float32),
    )(s2, accp, degp)


def kernel(x, edge_index, W_self1, W_neigh1, b1, W_self2, W_neigh2, b2):
    src = edge_index[0].astype(jnp.int32)
    dst = edge_index[1].astype(jnp.int32)
    pad = NS * CPR * CHUNK - src.shape[0]
    pad_iota = jnp.arange(pad, dtype=jnp.int32)
    pad_src = pad_iota % N_NODES
    pad_dst = N_NODES + pad_iota % (R_PAD - N_NODES)
    src_r = jnp.concatenate([src, pad_src]).reshape(NS, CPR, CHUNK)
    dst_r = jnp.concatenate([dst, pad_dst]).reshape(NS, CPR, CHUNK)

    zc = jnp.zeros((CHUNK, D), jnp.float32)
    z16 = jnp.zeros((CHUNK, 16), jnp.float32)
    o16 = jnp.ones((CHUNK, 16), jnp.float32)

    s1, m1 = _tc_layer_in(x, W_self1, W_neigh1, b1)
    accp1, degp = _make_sc_segment_sum(True)(m1, src_r, dst_r, zc, z16, o16)
    s2, m2 = _tc_layer_mid(s1, accp1, degp, W_self2, W_neigh2, b2)
    accp2, = _make_sc_segment_sum(False)(m2, src_r, dst_r, zc)
    return _tc_layer_out(s2, accp2, degp)

# --- scband reference (transcript-rebuilt; emitter-appended) ---
"""Pipeline reference for scband-graph-sage-59854664237965 (READ-ONLY COPY).

The authoritative reference and input builder live on the scoring server;
editing this copy changes nothing except your own understanding.
"""

import jax, jax.numpy as jnp
import numpy as np

N_NODES = 10000
N_EDGES = 320000
D_FEAT = 128
H_FEATS = 128


def setup_inputs(seed: int = 0) -> dict:
    key = jax.random.key(seed)
    ks = jax.random.split(key, 8)
    scale = 1.0 / np.sqrt(D_FEAT)
    x = jax.random.normal(ks[0], (N_NODES, D_FEAT), dtype=jnp.float32)
    edge_index = jax.random.randint(ks[1], (2, N_EDGES), 0, N_NODES, dtype=jnp.int64)
    W_self1 = jax.random.normal(ks[2], (D_FEAT, H_FEATS), dtype=jnp.float32) * scale
    W_neigh1 = jax.random.normal(ks[3], (D_FEAT, H_FEATS), dtype=jnp.float32) * scale
    b1 = jnp.zeros((H_FEATS,), dtype=jnp.float32)
    W_self2 = jax.random.normal(ks[4], (H_FEATS, H_FEATS), dtype=jnp.float32) * scale
    W_neigh2 = jax.random.normal(ks[5], (H_FEATS, H_FEATS), dtype=jnp.float32) * scale
    b2 = jnp.zeros((H_FEATS,), dtype=jnp.float32)
    return {"x": x, "edge_index": edge_index, "W_self1": W_self1, "W_neigh1": W_neigh1,
            "b1": b1, "W_self2": W_self2, "W_neigh2": W_neigh2, "b2": b2}


def _sage_conv(h, src, dst, n_nodes, W_self, W_neigh, b):
    # DGL SAGEConv with 'mean' aggregator:
    #   h_neigh = mean over in-neighbors (zero for isolated nodes)
    #   out = h @ W_self + h_neigh @ W_neigh + b
    msg = jnp.take(h, src, axis=0)
    agg = jax.ops.segment_sum(msg, dst, num_segments=n_nodes)
    deg = jax.ops.segment_sum(jnp.ones((src.shape[0],), dtype=h.dtype), dst, num_segments=n_nodes)
    agg = agg / jnp.clip(deg, 1.0, None)[:, None]
    return h @ W_self + agg @ W_neigh + b


def reference(x, edge_index, W_self1, W_neigh1, b1, W_self2, W_neigh2, b2):
    src = edge_index[0]
    dst = edge_index[1]
    n_nodes = x.shape[0]
    h = _sage_conv(x, src, dst, n_nodes, W_self1, W_neigh1, b1)
    h = jax.nn.relu(h)
    h = _sage_conv(h, src, dst, n_nodes, W_self2, W_neigh2, b2)
    return h

if __name__ == "__main__":
    import jax
    _d = setup_inputs()
    print(jax.jit(kernel)(*tuple(_d.values())))

</pallas_src>

<mosaic_0001>
#map = affine_map<(d0, d1) -> (0, 0)>
#map1 = affine_map<(d0, d1) -> (0, 0, 0)>
module attributes {stable_mosaic.version = 14 : i64} {
  func.func @body(%arg0: i32, %arg1: i32, %arg2: memref<10000x128xf32, #tpu.memory_space<hbm>>, %arg3: memref<16x160x128xi32, #tpu.memory_space<hbm>>, %arg4: memref<16x160x128xi32, #tpu.memory_space<hbm>>, %arg5: memref<128x128xf32, #tpu.memory_space<hbm>>, %arg6: memref<2x10240x128xf32, #tpu.memory_space<hbm>>, %arg7: memref<10240x128xf32, #tpu.memory_space<vmem_shared>>, %arg8: memref<16x128xi32, #tpu.memory_space<vmem>>, %arg9: memref<16x128xi32, #tpu.memory_space<vmem>>, %arg10: memref<128x128xf32, #tpu.memory_space<vmem>>, %arg11: memref<128x128xf32, #tpu.memory_space<vmem>>, %arg12: memref<!tpu.dma_semaphore, #tpu.memory_space<semaphore_mem>>, %arg13: memref<!tpu.dma_semaphore, #tpu.memory_space<semaphore_mem>>) attributes {dimension_semantics = [#tpu.dimension_semantics<core_parallel>, #tpu.dimension_semantics<subcore_parallel>], iteration_bounds = array<i64: 2, 16>, scalar_prefetch = 0 : i64, scratch_operands = 7 : i64, tpu.core_type = #tpu.core_type<sc_vector_subcore>, window_params = [{transform_indices = #map}, {transform_indices = #map1}, {transform_indices = #map1}, {transform_indices = #map}, {transform_indices = #map1}]} {
    %mul3A = arith.constant 640 : i32
    %mul3A_0 = arith.muli %arg1, %mul3A : i32
    "tpu.region"() ({
      %run_scoped3A = tpu.sem_alloc : memref<!tpu.dma_semaphore, #tpu.memory_space<semaphore_mem>>
      tpu.enqueue_dma source(%arg5 : memref<128x128xf32, #tpu.memory_space<hbm>>) target(%arg10 : memref<128x128xf32, #tpu.memory_space<vmem>>) target_semaphore(%run_scoped3A : memref<!tpu.dma_semaphore, #tpu.memory_space<semaphore_mem>>)
      tpu.wait_dma2 semaphore(%run_scoped3A : memref<!tpu.dma_semaphore, #tpu.memory_space<semaphore_mem>>) src(%arg5 : memref<128x128xf32, #tpu.memory_space<hbm>>) dst(%arg10 : memref<128x128xf32, #tpu.memory_space<vmem>>)
      tpu.yield
    }) : () -> ()
    %scan3A = arith.constant 0 : i32
    %scan3A_1 = arith.constant 5 : i32
    %scan3A_2 = arith.addi %scan3A, %scan3A_1 : i32
    %scan3A_3 = arith.constant 1 : i32
    scf.for %scan3A_18 = %scan3A to %scan3A_2 step %scan3A_3  : i32 {
      %mul3A_19 = arith.constant 128 : i32
      %mul3A_20 = arith.muli %scan3A_18, %mul3A_19 : i32
      %add3A = arith.constant 0 : i32
      %add3A_21 = arith.addi %add3A, %mul3A_20 : i32
      %add3A_22 = arith.addi %mul3A_0, %add3A_21 : i32
      "tpu.region"() ({
        %run_scoped3A = tpu.sem_alloc : memref<!tpu.dma_semaphore, #tpu.memory_space<semaphore_mem>>
        %dma_start3A = arith.constant 0 : i32
        %dma_start3A_23 = tpu.memref_slice %arg7[%add3A_22, %dma_start3A] : memref<10240x128xf32, #tpu.memory_space<vmem_shared>> -> memref<128x128xf32, #tpu.memory_space<vmem_shared>>
        %dma_start3A_24 = arith.constant 0 : i32
        %dma_start3A_25 = tpu.memref_slice %arg7[%add3A_22, %dma_start3A_24] : memref<10240x128xf32, #tpu.memory_space<vmem_shared>> -> memref<128x128xf32, #tpu.memory_space<vmem_shared>>
        tpu.enqueue_dma source(%arg10 : memref<128x128xf32, #tpu.memory_space<vmem>>) target(%dma_start3A_25 : memref<128x128xf32, #tpu.memory_space<vmem_shared>>) target_semaphore(%run_scoped3A : memref<!tpu.dma_semaphore, #tpu.memory_space<semaphore_mem>>)
        %dma_wait3A = arith.constant 0 : i32
        %dma_wait3A_26 = tpu.memref_slice %arg7[%add3A_22, %dma_wait3A] : memref<10240x128xf32, #tpu.memory_space<vmem_shared>> -> memref<128x128xf32, #tpu.memory_space<vmem_shared>>
        %dma_wait3A_27 = arith.constant 0 : i32
        %dma_wait3A_28 = tpu.memref_slice %arg7[%add3A_22, %dma_wait3A_27] : memref<10240x128xf32, #tpu.memory_space<vmem_shared>> -> memref<128x128xf32, #tpu.memory_space<vmem_shared>>
        tpu.wait_dma2 semaphore(%run_scoped3A : memref<!tpu.dma_semaphore, #tpu.memory_space<semaphore_mem>>) src(%arg10 : memref<128x128xf32, #tpu.memory_space<vmem>>) dst(%dma_wait3A_28 : memref<128x128xf32, #tpu.memory_space<vmem_shared>>)
        tpu.yield
      }) : () -> ()
    }
    %scan3A_4 = arith.constant 5 : i32
    %barrier3A = arith.constant 0 : index
    tpu.barrier barrier_id(%barrier3A)
    %eq3A = arith.constant 0 : i32
    "tpu.trace_start"() <{level = 10 : i32, message = "edge_loop"}> : () -> ()
    %eq3A_5 = arith.cmpi eq, %arg0, %eq3A : i32
    %convert_element_type3A = arith.extui %eq3A_5 : i1 to i32
    %cond3A = arith.constant 0 : i32
    %cond3A_6 = arith.cmpi ne, %convert_element_type3A, %cond3A : i32
    scf.if %cond3A_6 {
      %scan3A_18 = arith.constant 0 : i32
      %scan3A_19 = arith.constant 5 : i32
      %scan3A_20 = arith.addi %scan3A_18, %scan3A_19 : i32
      %scan3A_21 = arith.constant 1 : i32
      scf.for %scan3A_23 = %scan3A_18 to %scan3A_20 step %scan3A_21  : i32 {
        %mul3A_24 = arith.constant 16 : i32
        %mul3A_25 = arith.muli %scan3A_23, %mul3A_24 : i32
        %add3A = arith.constant 0 : i32
        %add3A_26 = arith.addi %add3A, %mul3A_25 : i32
        "tpu.region"() ({
          %run_scoped3A = tpu.sem_alloc : memref<!tpu.dma_semaphore, #tpu.memory_space<semaphore_mem>>
          %dma_start3A = arith.constant 0 : i32
          %dma_start3A_32 = tpu.memref_slice %arg3[%arg1, %add3A_26, %dma_start3A] : memref<16x160x128xi32, #tpu.memory_space<hbm>> -> memref<1x16x128xi32, #tpu.memory_space<hbm>>
          %dma_start3A_33 = tpu.memref_squeeze %dma_start3A_32 : memref<1x16x128xi32, #tpu.memory_space<hbm>> -> memref<16x128xi32, #tpu.memory_space<hbm>>
          %dma_start3A_34 = arith.constant 0 : i32
          %dma_start3A_35 = tpu.memref_slice %arg3[%arg1, %add3A_26, %dma_start3A_34] : memref<16x160x128xi32, #tpu.memory_space<hbm>> -> memref<1x16x128xi32, #tpu.memory_space<hbm>>
          %dma_start3A_36 = tpu.memref_squeeze %dma_start3A_35 : memref<1x16x128xi32, #tpu.memory_space<hbm>> -> memref<16x128xi32, #tpu.memory_space<hbm>>
          tpu.enqueue_dma source(%dma_start3A_36 : memref<16x128xi32, #tpu.memory_space<hbm>>) target(%arg8 : memref<16x128xi32, #tpu.memory_space<vmem>>) target_semaphore(%run_scoped3A : memref<!tpu.dma_semaphore, #tpu.memory_space<semaphore_mem>>)
          %dma_wait3A = arith.constant 0 : i32
          %dma_wait3A_37 = tpu.memref_slice %arg3[%arg1, %add3A_26, %dma_wait3A] : memref<16x160x128xi32, #tpu.memory_space<hbm>> -> memref<1x16x128xi32, #tpu.memory_space<hbm>>
          %dma_wait3A_38 = tpu.memref_squeeze %dma_wait3A_37 : memref<1x16x128xi32, #tpu.memory_space<hbm>> -> memref<16x128xi32, #tpu.memory_space<hbm>>
          %dma_wait3A_39 = arith.constant 0 : i32
          %dma_wait3A_40 = tpu.memref_slice %arg3[%arg1, %add3A_26, %dma_wait3A_39] : memref<16x160x128xi32, #tpu.memory_space<hbm>> -> memref<1x16x128xi32, #tpu.memory_space<hbm>>
          %dma_wait3A_41 = tpu.memref_squeeze %dma_wait3A_40 : memref<1x16x128xi32, #tpu.memory_space<hbm>> -> memref<16x128xi32, #tpu.memory_space<hbm>>
          tpu.wait_dma2 semaphore(%run_scoped3A : memref<!tpu.dma_semaphore, #tpu.memory_space<semaphore_mem>>) src(%dma_wait3A_41 : memref<16x128xi32, #tpu.memory_space<hbm>>) dst(%arg8 : memref<16x128xi32, #tpu.memory_space<vmem>>)
          tpu.yield
        }) : () -> ()
        "tpu.region"() ({
          %run_scoped3A = tpu.sem_alloc : memref<!tpu.dma_semaphore, #tpu.memory_space<semaphore_mem>>
          %dma_start3A = arith.constant 0 : i32
          %dma_start3A_32 = tpu.memref_slice %arg4[%arg1, %add3A_26, %dma_start3A] : memref<16x160x128xi32, #tpu.memory_space<hbm>> -> memref<1x16x128xi32, #tpu.memory_space<hbm>>
          %dma_start3A_33 = tpu.memref_squeeze %dma_start3A_32 : memref<1x16x128xi32, #tpu.memory_space<hbm>> -> memref<16x128xi32, #tpu.memory_space<hbm>>
          %dma_start3A_34 = arith.constant 0 : i32
          %dma_start3A_35 = tpu.memref_slice %arg4[%arg1, %add3A_26, %dma_start3A_34] : memref<16x160x128xi32, #tpu.memory_space<hbm>> -> memref<1x16x128xi32, #tpu.memory_space<hbm>>
          %dma_start3A_36 = tpu.memref_squeeze %dma_start3A_35 : memref<1x16x128xi32, #tpu.memory_space<hbm>> -> memref<16x128xi32, #tpu.memory_space<hbm>>
          tpu.enqueue_dma source(%dma_start3A_36 : memref<16x128xi32, #tpu.memory_space<hbm>>) target(%arg9 : memref<16x128xi32, #tpu.memory_space<vmem>>) target_semaphore(%run_scoped3A : memref<!tpu.dma_semaphore, #tpu.memory_space<semaphore_mem>>)
          %dma_wait3A = arith.constant 0 : i32
          %dma_wait3A_37 = tpu.memref_slice %arg4[%arg1, %add3A_26, %dma_wait3A] : memref<16x160x128xi32, #tpu.memory_space<hbm>> -> memref<1x16x128xi32, #tpu.memory_space<hbm>>
          %dma_wait3A_38 = tpu.memref_squeeze %dma_wait3A_37 : memref<1x16x128xi32, #tpu.memory_space<hbm>> -> memref<16x128xi32, #tpu.memory_space<hbm>>
          %dma_wait3A_39 = arith.constant 0 : i32
          %dma_wait3A_40 = tpu.memref_slice %arg4[%arg1, %add3A_26, %dma_wait3A_39] : memref<16x160x128xi32, #tpu.memory_space<hbm>> -> memref<1x16x128xi32, #tpu.memory_space<hbm>>
          %dma_wait3A_41 = tpu.memref_squeeze %dma_wait3A_40 : memref<1x16x128xi32, #tpu.memory_space<hbm>> -> memref<16x128xi32, #tpu.memory_space<hbm>>
          tpu.wait_dma2 semaphore(%run_scoped3A : memref<!tpu.dma_semaphore, #tpu.memory_space<semaphore_mem>>) src(%dma_wait3A_41 : memref<16x128xi32, #tpu.memory_space<hbm>>) dst(%arg9 : memref<16x128xi32, #tpu.memory_space<vmem>>)
          tpu.yield
        }) : () -> ()
        %scan3A_27 = arith.constant 0 : i32
        %scan3A_28 = arith.constant 8 : i32
        %scan3A_29 = arith.addi %scan3A_27, %scan3A_28 : i32
        %scan3A_30 = arith.constant 1 : i32
        scf.for %scan3A_32 = %scan3A_27 to %scan3A_29 step %scan3A_30  : i32 {
          %mul3A_33 = arith.constant 2 : i32
          %mul3A_34 = arith.muli %scan3A_32, %mul3A_33 : i32
          %add3A_35 = arith.constant 0 : i32
          %add3A_36 = arith.addi %add3A_35, %mul3A_34 : i32
          %add3A_37 = arith.constant 0 : i32
          %add3A_38 = arith.addi %add3A_36, %add3A_37 : i32
          %dma_start3A = arith.constant 0 : i32
          %dma_start3A_39 = tpu.memref_slice %arg8[%add3A_38, %dma_start3A] : memref<16x128xi32, #tpu.memory_space<vmem>> -> memref<1x128xi32, #tpu.memory_space<vmem>>
          %dma_start3A_40 = tpu.memref_squeeze %dma_start3A_39 : memref<1x128xi32, #tpu.memory_space<vmem>> -> memref<128xi32, #tpu.memory_space<vmem>>
          %dma_start3A_41 = arith.constant 0 : i32
          %dma_start3A_42 = arith.constant 0 : i32
          %dma_start3A_43 = tpu.memref_slice %arg2[%dma_start3A_41, %dma_start3A_42] : memref<10000x128xf32, #tpu.memory_space<hbm>> -> memref<10000x128xf32, #tpu.memory_space<hbm>>
          tpu.enqueue_indirect_dma source(%dma_start3A_43 : memref<10000x128xf32, #tpu.memory_space<hbm>>) target(%arg10 : memref<128x128xf32, #tpu.memory_space<vmem>>) offsets(%dma_start3A_40 : memref<128xi32, #tpu.memory_space<vmem>>) semaphore(%arg12 : memref<!tpu.dma_semaphore, #tpu.memory_space<semaphore_mem>>)
          %add3A_44 = arith.constant 1 : i32
          %add3A_45 = arith.addi %add3A_36, %add3A_44 : i32
          %dma_start3A_46 = arith.constant 0 : i32
          %dma_start3A_47 = tpu.memref_slice %arg8[%add3A_45, %dma_start3A_46] : memref<16x128xi32, #tpu.memory_space<vmem>> -> memref<1x128xi32, #tpu.memory_space<vmem>>
          %dma_start3A_48 = tpu.memref_squeeze %dma_start3A_47 : memref<1x128xi32, #tpu.memory_space<vmem>> -> memref<128xi32, #tpu.memory_space<vmem>>
          %dma_start3A_49 = arith.constant 0 : i32
          %dma_start3A_50 = arith.constant 0 : i32
          %dma_start3A_51 = tpu.memref_slice %arg2[%dma_start3A_49, %dma_start3A_50] : memref<10000x128xf32, #tpu.memory_space<hbm>> -> memref<10000x128xf32, #tpu.memory_space<hbm>>
          tpu.enqueue_indirect_dma source(%dma_start3A_51 : memref<10000x128xf32, #tpu.memory_space<hbm>>) target(%arg11 : memref<128x128xf32, #tpu.memory_space<vmem>>) offsets(%dma_start3A_48 : memref<128xi32, #tpu.memory_space<vmem>>) semaphore(%arg12 : memref<!tpu.dma_semaphore, #tpu.memory_space<semaphore_mem>>)
          %dma_wait3A = arith.constant 0 : i32
          %dma_wait3A_52 = tpu.memref_slice %arg8[%add3A_38, %dma_wait3A] : memref<16x128xi32, #tpu.memory_space<vmem>> -> memref<1x128xi32, #tpu.memory_space<vmem>>
          %dma_wait3A_53 = tpu.memref_squeeze %dma_wait3A_52 : memref<1x128xi32, #tpu.memory_space<vmem>> -> memref<128xi32, #tpu.memory_space<vmem>>
          %dma_wait3A_54 = arith.constant 0 : i32
          %dma_wait3A_55 = arith.constant 0 : i32
          %dma_wait3A_56 = tpu.memref_slice %arg2[%dma_wait3A_54, %dma_wait3A_55] : memref<10000x128xf32, #tpu.memory_space<hbm>> -> memref<10000x128xf32, #tpu.memory_space<hbm>>
          tpu.wait_indirect_dma semaphore(%arg12 : memref<!tpu.dma_semaphore, #tpu.memory_space<semaphore_mem>>) src(%dma_wait3A_56 : memref<10000x128xf32, #tpu.memory_space<hbm>>) dst(%arg10 : memref<128x128xf32, #tpu.memory_space<vmem>>)
          %add3A_57 = arith.constant 0 : i32
          %add3A_58 = arith.addi %add3A_36, %add3A_57 : i32
          %dma_start3A_59 = arith.constant 0 : i32
          %dma_start3A_60 = tpu.memref_slice %arg9[%add3A_58, %dma_start3A_59] : memref<16x128xi32, #tpu.memory_space<vmem>> -> memref<1x128xi32, #tpu.memory_space<vmem>>
          %dma_start3A_61 = tpu.memref_squeeze %dma_start3A_60 : memref<1x128xi32, #tpu.memory_space<vmem>> -> memref<128xi32, #tpu.memory_space<vmem>>
          %dma_start3A_62 = arith.constant 0 : i32
          %dma_start3A_63 = arith.constant 0 : i32
          %dma_start3A_64 = tpu.memref_slice %arg7[%dma_start3A_62, %dma_start3A_63] : memref<10240x128xf32, #tpu.memory_space<vmem_shared>> -> memref<10240x128xf32, #tpu.memory_space<vmem_shared>>
          tpu.enqueue_indirect_dma source(%arg10 : memref<128x128xf32, #tpu.memory_space<vmem>>) target(%dma_start3A_64 : memref<10240x128xf32, #tpu.memory_space<vmem_shared>>) offsets(%dma_start3A_61 : memref<128xi32, #tpu.memory_space<vmem>>) semaphore(%arg13 : memref<!tpu.dma_semaphore, #tpu.memory_space<semaphore_mem>>) {add = true}
          %dma_wait3A_65 = arith.constant 0 : i32
          %dma_wait3A_66 = tpu.memref_slice %arg8[%add3A_45, %dma_wait3A_65] : memref<16x128xi32, #tpu.memory_space<vmem>> -> memref<1x128xi32, #tpu.memory_space<vmem>>
          %dma_wait3A_67 = tpu.memref_squeeze %dma_wait3A_66 : memref<1x128xi32, #tpu.memory_space<vmem>> -> memref<128xi32, #tpu.memory_space<vmem>>
          %dma_wait3A_68 = arith.constant 0 : i32
          %dma_wait3A_69 = arith.constant 0 : i32
          %dma_wait3A_70 = tpu.memref_slice %arg2[%dma_wait3A_68, %dma_wait3A_69] : memref<10000x128xf32, #tpu.memory_space<hbm>> -> memref<10000x128xf32, #tpu.memory_space<hbm>>
          tpu.wait_indirect_dma semaphore(%arg12 : memref<!tpu.dma_semaphore, #tpu.memory_space<semaphore_mem>>) src(%dma_wait3A_70 : memref<10000x128xf32, #tpu.memory_space<hbm>>) dst(%arg11 : memref<128x128xf32, #tpu.memory_space<vmem>>)
          %add3A_71 = arith.constant 1 : i32
          %add3A_72 = arith.addi %add3A_36, %add3A_71 : i32
          %dma_start3A_73 = arith.constant 0 : i32
          %dma_start3A_74 = tpu.memref_slice %arg9[%add3A_72, %dma_start3A_73] : memref<16x128xi32, #tpu.memory_space<vmem>> -> memref<1x128xi32, #tpu.memory_space<vmem>>
          %dma_start3A_75 = tpu.memref_squeeze %dma_start3A_74 : memref<1x128xi32, #tpu.memory_space<vmem>> -> memref<128xi32, #tpu.memory_space<vmem>>
          %dma_start3A_76 = arith.constant 0 : i32
          %dma_start3A_77 = arith.constant 0 : i32
          %dma_start3A_78 = tpu.memref_slice %arg7[%dma_start3A_76, %dma_start3A_77] : memref<10240x128xf32, #tpu.memory_space<vmem_shared>> -> memref<10240x128xf32, #tpu.memory_space<vmem_shared>>
          tpu.enqueue_indirect_dma source(%arg11 : memref<128x128xf32, #tpu.memory_space<vmem>>) target(%dma_start3A_78 : memref<10240x128xf32, #tpu.memory_space<vmem_shared>>) offsets(%dma_start3A_75 : memref<128xi32, #tpu.memory_space<vmem>>) semaphore(%arg13 : memref<!tpu.dma_semaphore, #tpu.memory_space<semaphore_mem>>) {add = true}
          %dma_wait3A_79 = arith.constant 0 : i32
          %dma_wait3A_80 = tpu.memref_slice %arg9[%add3A_58, %dma_wait3A_79] : memref<16x128xi32, #tpu.memory_space<vmem>> -> memref<1x128xi32, #tpu.memory_space<vmem>>
          %dma_wait3A_81 = tpu.memref_squeeze %dma_wait3A_80 : memref<1x128xi32, #tpu.memory_space<vmem>> -> memref<128xi32, #tpu.memory_space<vmem>>
          %dma_wait3A_82 = arith.constant 0 : i32
          %dma_wait3A_83 = arith.constant 0 : i32
          %dma_wait3A_84 = tpu.memref_slice %arg7[%dma_wait3A_82, %dma_wait3A_83] : memref<10240x128xf32, #tpu.memory_space<vmem_shared>> -> memref<10240x128xf32, #tpu.memory_space<vmem_shared>>
          tpu.wait_indirect_dma semaphore(%arg13 : memref<!tpu.dma_semaphore, #tpu.memory_space<semaphore_mem>>) src(%arg10 : memref<128x128xf32, #tpu.memory_space<vmem>>) dst(%dma_wait3A_84 : memref<10240x128xf32, #tpu.memory_space<vmem_shared>>)
          %dma_wait3A_85 = arith.constant 0 : i32
          %dma_wait3A_86 = tpu.memref_slice %arg9[%add3A_72, %dma_wait3A_85] : memref<16x128xi32, #tpu.memory_space<vmem>> -> memref<1x128xi32, #tpu.memory_space<vmem>>
          %dma_wait3A_87 = tpu.memref_squeeze %dma_wait3A_86 : memref<1x128xi32, #tpu.memory_space<vmem>> -> memref<128xi32, #tpu.memory_space<vmem>>
          %dma_wait3A_88 = arith.constant 0 : i32
          %dma_wait3A_89 = arith.constant 0 : i32
          %dma_wait3A_90 = tpu.memref_slice %arg7[%dma_wait3A_88, %dma_wait3A_89] : memref<10240x128xf32, #tpu.memory_space<vmem_shared>> -> memref<10240x128xf32, #tpu.memory_space<vmem_shared>>
          tpu.wait_indirect_dma semaphore(%arg13 : memref<!tpu.dma_semaphore, #tpu.memory_space<semaphore_mem>>) src(%arg11 : memref<128x128xf32, #tpu.memory_space<vmem>>) dst(%dma_wait3A_90 : memref<10240x128xf32, #tpu.memory_space<vmem_shared>>)
        }
        %scan3A_31 = arith.constant 8 : i32
      }
      %scan3A_22 = arith.constant 5 : i32
    } else {
    }
    %eq3A_7 = arith.constant 1 : i32
    %eq3A_8 = arith.cmpi eq, %arg0, %eq3A_7 : i32
    %convert_element_type3A_9 = arith.extui %eq3A_8 : i1 to i32
    %cond3A_10 = arith.constant 0 : i32
    %cond3A_11 = arith.cmpi ne, %convert_element_type3A_9, %cond3A_10 : i32
    scf.if %cond3A_11 {
      %scan3A_18 = arith.constant 0 : i32
      %scan3A_19 = arith.constant 5 : i32
      %scan3A_20 = arith.addi %scan3A_18, %scan3A_19 : i32
      %scan3A_21 = arith.constant 1 : i32
      scf.for %scan3A_23 = %scan3A_18 to %scan3A_20 step %scan3A_21  : i32 {
        %mul3A_24 = arith.constant 16 : i32
        %mul3A_25 = arith.muli %scan3A_23, %mul3A_24 : i32
        %add3A = arith.constant 80 : i32
        %add3A_26 = arith.addi %add3A, %mul3A_25 : i32
        "tpu.region"() ({
          %run_scoped3A = tpu.sem_alloc : memref<!tpu.dma_semaphore, #tpu.memory_space<semaphore_mem>>
          %dma_start3A = arith.constant 0 : i32
          %dma_start3A_32 = tpu.memref_slice %arg3[%arg1, %add3A_26, %dma_start3A] : memref<16x160x128xi32, #tpu.memory_space<hbm>> -> memref<1x16x128xi32, #tpu.memory_space<hbm>>
          %dma_start3A_33 = tpu.memref_squeeze %dma_start3A_32 : memref<1x16x128xi32, #tpu.memory_space<hbm>> -> memref<16x128xi32, #tpu.memory_space<hbm>>
          %dma_start3A_34 = arith.constant 0 : i32
          %dma_start3A_35 = tpu.memref_slice %arg3[%arg1, %add3A_26, %dma_start3A_34] : memref<16x160x128xi32, #tpu.memory_space<hbm>> -> memref<1x16x128xi32, #tpu.memory_space<hbm>>
          %dma_start3A_36 = tpu.memref_squeeze %dma_start3A_35 : memref<1x16x128xi32, #tpu.memory_space<hbm>> -> memref<16x128xi32, #tpu.memory_space<hbm>>
          tpu.enqueue_dma source(%dma_start3A_36 : memref<16x128xi32, #tpu.memory_space<hbm>>) target(%arg8 : memref<16x128xi32, #tpu.memory_space<vmem>>) target_semaphore(%run_scoped3A : memref<!tpu.dma_semaphore, #tpu.memory_space<semaphore_mem>>)
          %dma_wait3A = arith.constant 0 : i32
          %dma_wait3A_37 = tpu.memref_slice %arg3[%arg1, %add3A_26, %dma_wait3A] : memref<16x160x128xi32, #tpu.memory_space<hbm>> -> memref<1x16x128xi32, #tpu.memory_space<hbm>>
          %dma_wait3A_38 = tpu.memref_squeeze %dma_wait3A_37 : memref<1x16x128xi32, #tpu.memory_space<hbm>> -> memref<16x128xi32, #tpu.memory_space<hbm>>
          %dma_wait3A_39 = arith.constant 0 : i32
          %dma_wait3A_40 = tpu.memref_slice %arg3[%arg1, %add3A_26, %dma_wait3A_39] : memref<16x160x128xi32, #tpu.memory_space<hbm>> -> memref<1x16x128xi32, #tpu.memory_space<hbm>>
          %dma_wait3A_41 = tpu.memref_squeeze %dma_wait3A_40 : memref<1x16x128xi32, #tpu.memory_space<hbm>> -> memref<16x128xi32, #tpu.memory_space<hbm>>
          tpu.wait_dma2 semaphore(%run_scoped3A : memref<!tpu.dma_semaphore, #tpu.memory_space<semaphore_mem>>) src(%dma_wait3A_41 : memref<16x128xi32, #tpu.memory_space<hbm>>) dst(%arg8 : memref<16x128xi32, #tpu.memory_space<vmem>>)
          tpu.yield
        }) : () -> ()
        "tpu.region"() ({
          %run_scoped3A = tpu.sem_alloc : memref<!tpu.dma_semaphore, #tpu.memory_space<semaphore_mem>>
          %dma_start3A = arith.constant 0 : i32
          %dma_start3A_32 = tpu.memref_slice %arg4[%arg1, %add3A_26, %dma_start3A] : memref<16x160x128xi32, #tpu.memory_space<hbm>> -> memref<1x16x128xi32, #tpu.memory_space<hbm>>
          %dma_start3A_33 = tpu.memref_squeeze %dma_start3A_32 : memref<1x16x128xi32, #tpu.memory_space<hbm>> -> memref<16x128xi32, #tpu.memory_space<hbm>>
          %dma_start3A_34 = arith.constant 0 : i32
          %dma_start3A_35 = tpu.memref_slice %arg4[%arg1, %add3A_26, %dma_start3A_34] : memref<16x160x128xi32, #tpu.memory_space<hbm>> -> memref<1x16x128xi32, #tpu.memory_space<hbm>>
          %dma_start3A_36 = tpu.memref_squeeze %dma_start3A_35 : memref<1x16x128xi32, #tpu.memory_space<hbm>> -> memref<16x128xi32, #tpu.memory_space<hbm>>
          tpu.enqueue_dma source(%dma_start3A_36 : memref<16x128xi32, #tpu.memory_space<hbm>>) target(%arg9 : memref<16x128xi32, #tpu.memory_space<vmem>>) target_semaphore(%run_scoped3A : memref<!tpu.dma_semaphore, #tpu.memory_space<semaphore_mem>>)
          %dma_wait3A = arith.constant 0 : i32
          %dma_wait3A_37 = tpu.memref_slice %arg4[%arg1, %add3A_26, %dma_wait3A] : memref<16x160x128xi32, #tpu.memory_space<hbm>> -> memref<1x16x128xi32, #tpu.memory_space<hbm>>
          %dma_wait3A_38 = tpu.memref_squeeze %dma_wait3A_37 : memref<1x16x128xi32, #tpu.memory_space<hbm>> -> memref<16x128xi32, #tpu.memory_space<hbm>>
          %dma_wait3A_39 = arith.constant 0 : i32
          %dma_wait3A_40 = tpu.memref_slice %arg4[%arg1, %add3A_26, %dma_wait3A_39] : memref<16x160x128xi32, #tpu.memory_space<hbm>> -> memref<1x16x128xi32, #tpu.memory_space<hbm>>
          %dma_wait3A_41 = tpu.memref_squeeze %dma_wait3A_40 : memref<1x16x128xi32, #tpu.memory_space<hbm>> -> memref<16x128xi32, #tpu.memory_space<hbm>>
          tpu.wait_dma2 semaphore(%run_scoped3A : memref<!tpu.dma_semaphore, #tpu.memory_space<semaphore_mem>>) src(%dma_wait3A_41 : memref<16x128xi32, #tpu.memory_space<hbm>>) dst(%arg9 : memref<16x128xi32, #tpu.memory_space<vmem>>)
          tpu.yield
        }) : () -> ()
        %scan3A_27 = arith.constant 0 : i32
        %scan3A_28 = arith.constant 8 : i32
        %scan3A_29 = arith.addi %scan3A_27, %scan3A_28 : i32
        %scan3A_30 = arith.constant 1 : i32
        scf.for %scan3A_32 = %scan3A_27 to %scan3A_29 step %scan3A_30  : i32 {
          %mul3A_33 = arith.constant 2 : i32
          %mul3A_34 = arith.muli %scan3A_32, %mul3A_33 : i32
          %add3A_35 = arith.constant 0 : i32
          %add3A_36 = arith.addi %add3A_35, %mul3A_34 : i32
          %add3A_37 = arith.constant 0 : i32
          %add3A_38 = arith.addi %add3A_36, %add3A_37 : i32
          %dma_start3A = arith.constant 0 : i32
          %dma_start3A_39 = tpu.memref_slice %arg8[%add3A_38, %dma_start3A] : memref<16x128xi32, #tpu.memory_space<vmem>> -> memref<1x128xi32, #tpu.memory_space<vmem>>
          %dma_start3A_40 = tpu.memref_squeeze %dma_start3A_39 : memref<1x128xi32, #tpu.memory_space<vmem>> -> memref<128xi32, #tpu.memory_space<vmem>>
          %dma_start3A_41 = arith.constant 0 : i32
          %dma_start3A_42 = arith.constant 0 : i32
          %dma_start3A_43 = tpu.memref_slice %arg2[%dma_start3A_41, %dma_start3A_42] : memref<10000x128xf32, #tpu.memory_space<hbm>> -> memref<10000x128xf32, #tpu.memory_space<hbm>>
          tpu.enqueue_indirect_dma source(%dma_start3A_43 : memref<10000x128xf32, #tpu.memory_space<hbm>>) target(%arg10 : memref<128x128xf32, #tpu.memory_space<vmem>>) offsets(%dma_start3A_40 : memref<128xi32, #tpu.memory_space<vmem>>) semaphore(%arg12 : memref<!tpu.dma_semaphore, #tpu.memory_space<semaphore_mem>>)
          %add3A_44 = arith.constant 1 : i32
          %add3A_45 = arith.addi %add3A_36, %add3A_44 : i32
          %dma_start3A_46 = arith.constant 0 : i32
          %dma_start3A_47 = tpu.memref_slice %arg8[%add3A_45, %dma_start3A_46] : memref<16x128xi32, #tpu.memory_space<vmem>> -> memref<1x128xi32, #tpu.memory_space<vmem>>
          %dma_start3A_48 = tpu.memref_squeeze %dma_start3A_47 : memref<1x128xi32, #tpu.memory_space<vmem>> -> memref<128xi32, #tpu.memory_space<vmem>>
          %dma_start3A_49 = arith.constant 0 : i32
          %dma_start3A_50 = arith.constant 0 : i32
          %dma_start3A_51 = tpu.memref_slice %arg2[%dma_start3A_49, %dma_start3A_50] : memref<10000x128xf32, #tpu.memory_space<hbm>> -> memref<10000x128xf32, #tpu.memory_space<hbm>>
          tpu.enqueue_indirect_dma source(%dma_start3A_51 : memref<10000x128xf32, #tpu.memory_space<hbm>>) target(%arg11 : memref<128x128xf32, #tpu.memory_space<vmem>>) offsets(%dma_start3A_48 : memref<128xi32, #tpu.memory_space<vmem>>) semaphore(%arg12 : memref<!tpu.dma_semaphore, #tpu.memory_space<semaphore_mem>>)
          %dma_wait3A = arith.constant 0 : i32
          %dma_wait3A_52 = tpu.memref_slice %arg8[%add3A_38, %dma_wait3A] : memref<16x128xi32, #tpu.memory_space<vmem>> -> memref<1x128xi32, #tpu.memory_space<vmem>>
          %dma_wait3A_53 = tpu.memref_squeeze %dma_wait3A_52 : memref<1x128xi32, #tpu.memory_space<vmem>> -> memref<128xi32, #tpu.memory_space<vmem>>
          %dma_wait3A_54 = arith.constant 0 : i32
          %dma_wait3A_55 = arith.constant 0 : i32
          %dma_wait3A_56 = tpu.memref_slice %arg2[%dma_wait3A_54, %dma_wait3A_55] : memref<10000x128xf32, #tpu.memory_space<hbm>> -> memref<10000x128xf32, #tpu.memory_space<hbm>>
          tpu.wait_indirect_dma semaphore(%arg12 : memref<!tpu.dma_semaphore, #tpu.memory_space<semaphore_mem>>) src(%dma_wait3A_56 : memref<10000x128xf32, #tpu.memory_space<hbm>>) dst(%arg10 : memref<128x128xf32, #tpu.memory_space<vmem>>)
          %add3A_57 = arith.constant 0 : i32
          %add3A_58 = arith.addi %add3A_36, %add3A_57 : i32
          %dma_start3A_59 = arith.constant 0 : i32
          %dma_start3A_60 = tpu.memref_slice %arg9[%add3A_58, %dma_start3A_59] : memref<16x128xi32, #tpu.memory_space<vmem>> -> memref<1x128xi32, #tpu.memory_space<vmem>>
          %dma_start3A_61 = tpu.memref_squeeze %dma_start3A_60 : memref<1x128xi32, #tpu.memory_space<vmem>> -> memref<128xi32, #tpu.memory_space<vmem>>
          %dma_start3A_62 = arith.constant 0 : i32
          %dma_start3A_63 = arith.constant 0 : i32
          %dma_start3A_64 = tpu.memref_slice %arg7[%dma_start3A_62, %dma_start3A_63] : memref<10240x128xf32, #tpu.memory_space<vmem_shared>> -> memref<10240x128xf32, #tpu.memory_space<vmem_shared>>
          tpu.enqueue_indirect_dma source(%arg10 : memref<128x128xf32, #tpu.memory_space<vmem>>) target(%dma_start3A_64 : memref<10240x128xf32, #tpu.memory_space<vmem_shared>>) offsets(%dma_start3A_61 : memref<128xi32, #tpu.memory_space<vmem>>) semaphore(%arg13 : memref<!tpu.dma_semaphore, #tpu.memory_space<semaphore_mem>>) {add = true}
          %dma_wait3A_65 = arith.constant 0 : i32
          %dma_wait3A_66 = tpu.memref_slice %arg8[%add3A_45, %dma_wait3A_65] : memref<16x128xi32, #tpu.memory_space<vmem>> -> memref<1x128xi32, #tpu.memory_space<vmem>>
          %dma_wait3A_67 = tpu.memref_squeeze %dma_wait3A_66 : memref<1x128xi32, #tpu.memory_space<vmem>> -> memref<128xi32, #tpu.memory_space<vmem>>
          %dma_wait3A_68 = arith.constant 0 : i32
          %dma_wait3A_69 = arith.constant 0 : i32
          %dma_wait3A_70 = tpu.memref_slice %arg2[%dma_wait3A_68, %dma_wait3A_69] : memref<10000x128xf32, #tpu.memory_space<hbm>> -> memref<10000x128xf32, #tpu.memory_space<hbm>>
          tpu.wait_indirect_dma semaphore(%arg12 : memref<!tpu.dma_semaphore, #tpu.memory_space<semaphore_mem>>) src(%dma_wait3A_70 : memref<10000x128xf32, #tpu.memory_space<hbm>>) dst(%arg11 : memref<128x128xf32, #tpu.memory_space<vmem>>)
          %add3A_71 = arith.constant 1 : i32
          %add3A_72 = arith.addi %add3A_36, %add3A_71 : i32
          %dma_start3A_73 = arith.constant 0 : i32
          %dma_start3A_74 = tpu.memref_slice %arg9[%add3A_72, %dma_start3A_73] : memref<16x128xi32, #tpu.memory_space<vmem>> -> memref<1x128xi32, #tpu.memory_space<vmem>>
          %dma_start3A_75 = tpu.memref_squeeze %dma_start3A_74 : memref<1x128xi32, #tpu.memory_space<vmem>> -> memref<128xi32, #tpu.memory_space<vmem>>
          %dma_start3A_76 = arith.constant 0 : i32
          %dma_start3A_77 = arith.constant 0 : i32
          %dma_start3A_78 = tpu.memref_slice %arg7[%dma_start3A_76, %dma_start3A_77] : memref<10240x128xf32, #tpu.memory_space<vmem_shared>> -> memref<10240x128xf32, #tpu.memory_space<vmem_shared>>
          tpu.enqueue_indirect_dma source(%arg11 : memref<128x128xf32, #tpu.memory_space<vmem>>) target(%dma_start3A_78 : memref<10240x128xf32, #tpu.memory_space<vmem_shared>>) offsets(%dma_start3A_75 : memref<128xi32, #tpu.memory_space<vmem>>) semaphore(%arg13 : memref<!tpu.dma_semaphore, #tpu.memory_space<semaphore_mem>>) {add = true}
          %dma_wait3A_79 = arith.constant 0 : i32
          %dma_wait3A_80 = tpu.memref_slice %arg9[%add3A_58, %dma_wait3A_79] : memref<16x128xi32, #tpu.memory_space<vmem>> -> memref<1x128xi32, #tpu.memory_space<vmem>>
          %dma_wait3A_81 = tpu.memref_squeeze %dma_wait3A_80 : memref<1x128xi32, #tpu.memory_space<vmem>> -> memref<128xi32, #tpu.memory_space<vmem>>
          %dma_wait3A_82 = arith.constant 0 : i32
          %dma_wait3A_83 = arith.constant 0 : i32
          %dma_wait3A_84 = tpu.memref_slice %arg7[%dma_wait3A_82, %dma_wait3A_83] : memref<10240x128xf32, #tpu.memory_space<vmem_shared>> -> memref<10240x128xf32, #tpu.memory_space<vmem_shared>>
          tpu.wait_indirect_dma semaphore(%arg13 : memref<!tpu.dma_semaphore, #tpu.memory_space<semaphore_mem>>) src(%arg10 : memref<128x128xf32, #tpu.memory_space<vmem>>) dst(%dma_wait3A_84 : memref<10240x128xf32, #tpu.memory_space<vmem_shared>>)
          %dma_wait3A_85 = arith.constant 0 : i32
          %dma_wait3A_86 = tpu.memref_slice %arg9[%add3A_72, %dma_wait3A_85] : memref<16x128xi32, #tpu.memory_space<vmem>> -> memref<1x128xi32, #tpu.memory_space<vmem>>
          %dma_wait3A_87 = tpu.memref_squeeze %dma_wait3A_86 : memref<1x128xi32, #tpu.memory_space<vmem>> -> memref<128xi32, #tpu.memory_space<vmem>>
          %dma_wait3A_88 = arith.constant 0 : i32
          %dma_wait3A_89 = arith.constant 0 : i32
          %dma_wait3A_90 = tpu.memref_slice %arg7[%dma_wait3A_88, %dma_wait3A_89] : memref<10240x128xf32, #tpu.memory_space<vmem_shared>> -> memref<10240x128xf32, #tpu.memory_space<vmem_shared>>
          tpu.wait_indirect_dma semaphore(%arg13 : memref<!tpu.dma_semaphore, #tpu.memory_space<semaphore_mem>>) src(%arg11 : memref<128x128xf32, #tpu.memory_space<vmem>>) dst(%dma_wait3A_90 : memref<10240x128xf32, #tpu.memory_space<vmem_shared>>)
        }
        %scan3A_31 = arith.constant 8 : i32
      }
      %scan3A_22 = arith.constant 5 : i32
    } else {
    }
    "tpu.trace_stop"() : () -> ()
    %barrier3A_12 = arith.constant 0 : index
    tpu.barrier barrier_id(%barrier3A_12)
    "tpu.trace_start"() <{level = 10 : i32, message = "writeback"}> : () -> ()
    %scan3A_13 = arith.constant 0 : i32
    %scan3A_14 = arith.constant 5 : i32
    %scan3A_15 = arith.addi %scan3A_13, %scan3A_14 : i32
    %scan3A_16 = arith.constant 1 : i32
    scf.for %scan3A_18 = %scan3A_13 to %scan3A_15 step %scan3A_16  : i32 {
      %mul3A_19 = arith.constant 128 : i32
      %mul3A_20 = arith.muli %scan3A_18, %mul3A_19 : i32
      %add3A = arith.constant 0 : i32
      %add3A_21 = arith.addi %add3A, %mul3A_20 : i32
      %add3A_22 = arith.addi %mul3A_0, %add3A_21 : i32
      "tpu.region"() ({
        %run_scoped3A = tpu.sem_alloc : memref<!tpu.dma_semaphore, #tpu.memory_space<semaphore_mem>>
        %dma_start3A = arith.constant 0 : i32
        %dma_start3A_24 = tpu.memref_slice %arg7[%add3A_22, %dma_start3A] : memref<10240x128xf32, #tpu.memory_space<vmem_shared>> -> memref<128x128xf32, #tpu.memory_space<vmem_shared>>
        %dma_start3A_25 = arith.constant 0 : i32
        %dma_start3A_26 = tpu.memref_slice %arg7[%add3A_22, %dma_start3A_25] : memref<10240x128xf32, #tpu.memory_space<vmem_shared>> -> memref<128x128xf32, #tpu.memory_space<vmem_shared>>
        tpu.enqueue_dma source(%dma_start3A_26 : memref<128x128xf32, #tpu.memory_space<vmem_shared>>) target(%arg10 : memref<128x128xf32, #tpu.memory_space<vmem>>) target_semaphore(%run_scoped3A : memref<!tpu.dma_semaphore, #tpu.memory_space<semaphore_mem>>)
        %dma_wait3A = arith.constant 0 : i32
        %dma_wait3A_27 = tpu.memref_slice %arg7[%add3A_22, %dma_wait3A] : memref<10240x128xf32, #tpu.memory_space<vmem_shared>> -> memref<128x128xf32, #tpu.memory_space<vmem_shared>>
        %dma_wait3A_28 = arith.constant 0 : i32
        %dma_wait3A_29 = tpu.memref_slice %arg7[%add3A_22, %dma_wait3A_28] : memref<10240x128xf32, #tpu.memory_space<vmem_shared>> -> memref<128x128xf32, #tpu.memory_space<vmem_shared>>
        tpu.wait_dma2 semaphore(%run_scoped3A : memref<!tpu.dma_semaphore, #tpu.memory_space<semaphore_mem>>) src(%dma_wait3A_29 : memref<128x128xf32, #tpu.memory_space<vmem_shared>>) dst(%arg10 : memref<128x128xf32, #tpu.memory_space<vmem>>)
        tpu.yield
      }) : () -> ()
      %add3A_23 = arith.addi %mul3A_0, %add3A_21 : i32
      "tpu.region"() ({
        %run_scoped3A = tpu.sem_alloc : memref<!tpu.dma_semaphore, #tpu.memory_space<semaphore_mem>>
        %dma_start3A = arith.constant 0 : i32
        %dma_start3A_24 = tpu.memref_slice %arg6[%arg0, %add3A_23, %dma_start3A] : memref<2x10240x128xf32, #tpu.memory_space<hbm>> -> memref<1x128x128xf32, #tpu.memory_space<hbm>>
        %dma_start3A_25 = tpu.memref_squeeze %dma_start3A_24 : memref<1x128x128xf32, #tpu.memory_space<hbm>> -> memref<128x128xf32, #tpu.memory_space<hbm>>
        %dma_start3A_26 = arith.constant 0 : i32
        %dma_start3A_27 = tpu.memref_slice %arg6[%arg0, %add3A_23, %dma_start3A_26] : memref<2x10240x128xf32, #tpu.memory_space<hbm>> -> memref<1x128x128xf32, #tpu.memory_space<hbm>>
        %dma_start3A_28 = tpu.memref_squeeze %dma_start3A_27 : memref<1x128x128xf32, #tpu.memory_space<hbm>> -> memref<128x128xf32, #tpu.memory_space<hbm>>
        tpu.enqueue_dma source(%arg10 : memref<128x128xf32, #tpu.memory_space<vmem>>) target(%dma_start3A_28 : memref<128x128xf32, #tpu.memory_space<hbm>>) target_semaphore(%run_scoped3A : memref<!tpu.dma_semaphore, #tpu.memory_space<semaphore_mem>>)
        %dma_wait3A = arith.constant 0 : i32
        %dma_wait3A_29 = tpu.memref_slice %arg6[%arg0, %add3A_23, %dma_wait3A] : memref<2x10240x128xf32, #tpu.memory_space<hbm>> -> memref<1x128x128xf32, #tpu.memory_space<hbm>>
        %dma_wait3A_30 = tpu.memref_squeeze %dma_wait3A_29 : memref<1x128x128xf32, #tpu.memory_space<hbm>> -> memref<128x128xf32, #tpu.memory_space<hbm>>
        %dma_wait3A_31 = arith.constant 0 : i32
        %dma_wait3A_32 = tpu.memref_slice %arg6[%arg0, %add3A_23, %dma_wait3A_31] : memref<2x10240x128xf32, #tpu.memory_space<hbm>> -> memref<1x128x128xf32, #tpu.memory_space<hbm>>
        %dma_wait3A_33 = tpu.memref_squeeze %dma_wait3A_32 : memref<1x128x128xf32, #tpu.memory_space<hbm>> -> memref<128x128xf32, #tpu.memory_space<hbm>>
        tpu.wait_dma2 semaphore(%run_scoped3A : memref<!tpu.dma_semaphore, #tpu.memory_space<semaphore_mem>>) src(%arg10 : memref<128x128xf32, #tpu.memory_space<vmem>>) dst(%dma_wait3A_33 : memref<128x128xf32, #tpu.memory_space<hbm>>)
        tpu.yield
      }) : () -> ()
    }
    %scan3A_17 = arith.constant 5 : i32
    "tpu.trace_stop"() : () -> ()
    return
  }
}

#map = affine_map<(d0, d1) -> (0, 0)>
#map1 = affine_map<(d0, d1) -> (0, 0, 0)>
module attributes {stable_mosaic.version = 14 : i64} {
  func.func @body(%arg0: i32, %arg1: i32, %arg2: memref<10000x128xf32, #tpu.memory_space<hbm>>, %arg3: memref<16x160x128xi32, #tpu.memory_space<hbm>>, %arg4: memref<16x160x128xi32, #tpu.memory_space<hbm>>, %arg5: memref<128x128xf32, #tpu.memory_space<hbm>>, %arg6: memref<128x16xf32, #tpu.memory_space<hbm>>, %arg7: memref<128x16xf32, #tpu.memory_space<hbm>>, %arg8: memref<2x10240x128xf32, #tpu.memory_space<hbm>>, %arg9: memref<2x10240x16xf32, #tpu.memory_space<hbm>>, %arg10: memref<10240x128xf32, #tpu.memory_space<vmem_shared>>, %arg11: memref<16x128xi32, #tpu.memory_space<vmem>>, %arg12: memref<16x128xi32, #tpu.memory_space<vmem>>, %arg13: memref<128x128xf32, #tpu.memory_space<vmem>>, %arg14: memref<128x128xf32, #tpu.memory_space<vmem>>, %arg15: memref<!tpu.dma_semaphore, #tpu.memory_space<semaphore_mem>>, %arg16: memref<!tpu.dma_semaphore, #tpu.memory_space<semaphore_mem>>, %arg17: memref<10240x16xf32, #tpu.memory_space<vmem_shared>>, %arg18: memref<128x16xf32, #tpu.memory_space<vmem>>) attributes {dimension_semantics = [#tpu.dimension_semantics<core_parallel>, #tpu.dimension_semantics<subcore_parallel>], iteration_bounds = array<i64: 2, 16>, scalar_prefetch = 0 : i64, scratch_operands = 9 : i64, tpu.core_type = #tpu.core_type<sc_vector_subcore>, window_params = [{transform_indices = #map}, {transform_indices = #map1}, {transform_indices = #map1}, {transform_indices = #map}, {transform_indices = #map}, {transform_indices = #map}, {transform_indices = #map1}, {transform_indices = #map1}]} {
    %mul3A = arith.constant 640 : i32
    %mul3A_0 = arith.muli %arg1, %mul3A : i32
    "tpu.region"() ({
      %run_scoped3A = tpu.sem_alloc : memref<!tpu.dma_semaphore, #tpu.memory_space<semaphore_mem>>
      tpu.enqueue_dma source(%arg5 : memref<128x128xf32, #tpu.memory_space<hbm>>) target(%arg13 : memref<128x128xf32, #tpu.memory_space<vmem>>) target_semaphore(%run_scoped3A : memref<!tpu.dma_semaphore, #tpu.memory_space<semaphore_mem>>)
      tpu.wait_dma2 semaphore(%run_scoped3A : memref<!tpu.dma_semaphore, #tpu.memory_space<semaphore_mem>>) src(%arg5 : memref<128x128xf32, #tpu.memory_space<hbm>>) dst(%arg13 : memref<128x128xf32, #tpu.memory_space<vmem>>)
      tpu.yield
    }) : () -> ()
    %scan3A = arith.constant 0 : i32
    %scan3A_1 = arith.constant 5 : i32
    %scan3A_2 = arith.addi %scan3A, %scan3A_1 : i32
    %scan3A_3 = arith.constant 1 : i32
    scf.for %scan3A_28 = %scan3A to %scan3A_2 step %scan3A_3  : i32 {
      %mul3A_29 = arith.constant 128 : i32
      %mul3A_30 = arith.muli %scan3A_28, %mul3A_29 : i32
      %add3A = arith.constant 0 : i32
      %add3A_31 = arith.addi %add3A, %mul3A_30 : i32
      %add3A_32 = arith.addi %mul3A_0, %add3A_31 : i32
      "tpu.region"() ({
        %run_scoped3A = tpu.sem_alloc : memref<!tpu.dma_semaphore, #tpu.memory_space<semaphore_mem>>
        %dma_start3A = arith.constant 0 : i32
        %dma_start3A_33 = tpu.memref_slice %arg10[%add3A_32, %dma_start3A] : memref<10240x128xf32, #tpu.memory_space<vmem_shared>> -> memref<128x128xf32, #tpu.memory_space<vmem_shared>>
        %dma_start3A_34 = arith.constant 0 : i32
        %dma_start3A_35 = tpu.memref_slice %arg10[%add3A_32, %dma_start3A_34] : memref<10240x128xf32, #tpu.memory_space<vmem_shared>> -> memref<128x128xf32, #tpu.memory_space<vmem_shared>>
        tpu.enqueue_dma source(%arg13 : memref<128x128xf32, #tpu.memory_space<vmem>>) target(%dma_start3A_35 : memref<128x128xf32, #tpu.memory_space<vmem_shared>>) target_semaphore(%run_scoped3A : memref<!tpu.dma_semaphore, #tpu.memory_space<semaphore_mem>>)
        %dma_wait3A = arith.constant 0 : i32
        %dma_wait3A_36 = tpu.memref_slice %arg10[%add3A_32, %dma_wait3A] : memref<10240x128xf32, #tpu.memory_space<vmem_shared>> -> memref<128x128xf32, #tpu.memory_space<vmem_shared>>
        %dma_wait3A_37 = arith.constant 0 : i32
        %dma_wait3A_38 = tpu.memref_slice %arg10[%add3A_32, %dma_wait3A_37] : memref<10240x128xf32, #tpu.memory_space<vmem_shared>> -> memref<128x128xf32, #tpu.memory_space<vmem_shared>>
        tpu.wait_dma2 semaphore(%run_scoped3A : memref<!tpu.dma_semaphore, #tpu.memory_space<semaphore_mem>>) src(%arg13 : memref<128x128xf32, #tpu.memory_space<vmem>>) dst(%dma_wait3A_38 : memref<128x128xf32, #tpu.memory_space<vmem_shared>>)
        tpu.yield
      }) : () -> ()
    }
    %scan3A_4 = arith.constant 5 : i32
    "tpu.region"() ({
      %run_scoped3A = tpu.sem_alloc : memref<!tpu.dma_semaphore, #tpu.memory_space<semaphore_mem>>
      tpu.enqueue_dma source(%arg6 : memref<128x16xf32, #tpu.memory_space<hbm>>) target(%arg18 : memref<128x16xf32, #tpu.memory_space<vmem>>) target_semaphore(%run_scoped3A : memref<!tpu.dma_semaphore, #tpu.memory_space<semaphore_mem>>)
      tpu.wait_dma2 semaphore(%run_scoped3A : memref<!tpu.dma_semaphore, #tpu.memory_space<semaphore_mem>>) src(%arg6 : memref<128x16xf32, #tpu.memory_space<hbm>>) dst(%arg18 : memref<128x16xf32, #tpu.memory_space<vmem>>)
      tpu.yield
    }) : () -> ()
    %scan3A_5 = arith.constant 0 : i32
    %scan3A_6 = arith.constant 5 : i32
    %scan3A_7 = arith.addi %scan3A_5, %scan3A_6 : i32
    %scan3A_8 = arith.constant 1 : i32
    scf.for %scan3A_28 = %scan3A_5 to %scan3A_7 step %scan3A_8  : i32 {
      %mul3A_29 = arith.constant 128 : i32
      %mul3A_30 = arith.muli %scan3A_28, %mul3A_29 : i32
      %add3A = arith.constant 0 : i32
      %add3A_31 = arith.addi %add3A, %mul3A_30 : i32
      %add3A_32 = arith.addi %mul3A_0, %add3A_31 : i32
      "tpu.region"() ({
        %run_scoped3A = tpu.sem_alloc : memref<!tpu.dma_semaphore, #tpu.memory_space<semaphore_mem>>
        %dma_start3A = arith.constant 0 : i32
        %dma_start3A_33 = tpu.memref_slice %arg17[%add3A_32, %dma_start3A] : memref<10240x16xf32, #tpu.memory_space<vmem_shared>> -> memref<128x16xf32, #tpu.memory_space<vmem_shared>>
        %dma_start3A_34 = arith.constant 0 : i32
        %dma_start3A_35 = tpu.memref_slice %arg17[%add3A_32, %dma_start3A_34] : memref<10240x16xf32, #tpu.memory_space<vmem_shared>> -> memref<128x16xf32, #tpu.memory_space<vmem_shared>>
        tpu.enqueue_dma source(%arg18 : memref<128x16xf32, #tpu.memory_space<vmem>>) target(%dma_start3A_35 : memref<128x16xf32, #tpu.memory_space<vmem_shared>>) target_semaphore(%run_scoped3A : memref<!tpu.dma_semaphore, #tpu.memory_space<semaphore_mem>>)
        %dma_wait3A = arith.constant 0 : i32
        %dma_wait3A_36 = tpu.memref_slice %arg17[%add3A_32, %dma_wait3A] : memref<10240x16xf32, #tpu.memory_space<vmem_shared>> -> memref<128x16xf32, #tpu.memory_space<vmem_shared>>
        %dma_wait3A_37 = arith.constant 0 : i32
        %dma_wait3A_38 = tpu.memref_slice %arg17[%add3A_32, %dma_wait3A_37] : memref<10240x16xf32, #tpu.memory_space<vmem_shared>> -> memref<128x16xf32, #tpu.memory_space<vmem_shared>>
        tpu.wait_dma2 semaphore(%run_scoped3A : memref<!tpu.dma_semaphore, #tpu.memory_space<semaphore_mem>>) src(%arg18 : memref<128x16xf32, #tpu.memory_space<vmem>>) dst(%dma_wait3A_38 : memref<128x16xf32, #tpu.memory_space<vmem_shared>>)
        tpu.yield
      }) : () -> ()
    }
    %scan3A_9 = arith.constant 5 : i32
    "tpu.region"() ({
      %run_scoped3A = tpu.sem_alloc : memref<!tpu.dma_semaphore, #tpu.memory_space<semaphore_mem>>
      tpu.enqueue_dma source(%arg7 : memref<128x16xf32, #tpu.memory_space<hbm>>) target(%arg18 : memref<128x16xf32, #tpu.memory_space<vmem>>) target_semaphore(%run_scoped3A : memref<!tpu.dma_semaphore, #tpu.memory_space<semaphore_mem>>)
      tpu.wait_dma2 semaphore(%run_scoped3A : memref<!tpu.dma_semaphore, #tpu.memory_space<semaphore_mem>>) src(%arg7 : memref<128x16xf32, #tpu.memory_space<hbm>>) dst(%arg18 : memref<128x16xf32, #tpu.memory_space<vmem>>)
      tpu.yield
    }) : () -> ()
    %barrier3A = arith.constant 0 : index
    tpu.barrier barrier_id(%barrier3A)
    %eq3A = arith.constant 0 : i32
    "tpu.trace_start"() <{level = 10 : i32, message = "edge_loop"}> : () -> ()
    %eq3A_10 = arith.cmpi eq, %arg0, %eq3A : i32
    %convert_element_type3A = arith.extui %eq3A_10 : i1 to i32
    %cond3A = arith.constant 0 : i32
    %cond3A_11 = arith.cmpi ne, %convert_element_type3A, %cond3A : i32
    scf.if %cond3A_11 {
      %scan3A_28 = arith.constant 0 : i32
      %scan3A_29 = arith.constant 5 : i32
      %scan3A_30 = arith.addi %scan3A_28, %scan3A_29 : i32
      %scan3A_31 = arith.constant 1 : i32
      scf.for %scan3A_33 = %scan3A_28 to %scan3A_30 step %scan3A_31  : i32 {
        %mul3A_34 = arith.constant 16 : i32
        %mul3A_35 = arith.muli %scan3A_33, %mul3A_34 : i32
        %add3A = arith.constant 0 : i32
        %add3A_36 = arith.addi %add3A, %mul3A_35 : i32
        "tpu.region"() ({
          %run_scoped3A = tpu.sem_alloc : memref<!tpu.dma_semaphore, #tpu.memory_space<semaphore_mem>>
          %dma_start3A = arith.constant 0 : i32
          %dma_start3A_42 = tpu.memref_slice %arg3[%arg1, %add3A_36, %dma_start3A] : memref<16x160x128xi32, #tpu.memory_space<hbm>> -> memref<1x16x128xi32, #tpu.memory_space<hbm>>
          %dma_start3A_43 = tpu.memref_squeeze %dma_start3A_42 : memref<1x16x128xi32, #tpu.memory_space<hbm>> -> memref<16x128xi32, #tpu.memory_space<hbm>>
          %dma_start3A_44 = arith.constant 0 : i32
          %dma_start3A_45 = tpu.memref_slice %arg3[%arg1, %add3A_36, %dma_start3A_44] : memref<16x160x128xi32, #tpu.memory_space<hbm>> -> memref<1x16x128xi32, #tpu.memory_space<hbm>>
          %dma_start3A_46 = tpu.memref_squeeze %dma_start3A_45 : memref<1x16x128xi32, #tpu.memory_space<hbm>> -> memref<16x128xi32, #tpu.memory_space<hbm>>
          tpu.enqueue_dma source(%dma_start3A_46 : memref<16x128xi32, #tpu.memory_space<hbm>>) target(%arg11 : memref<16x128xi32, #tpu.memory_space<vmem>>) target_semaphore(%run_scoped3A : memref<!tpu.dma_semaphore, #tpu.memory_space<semaphore_mem>>)
          %dma_wait3A = arith.constant 0 : i32
          %dma_wait3A_47 = tpu.memref_slice %arg3[%arg1, %add3A_36, %dma_wait3A] : memref<16x160x128xi32, #tpu.memory_space<hbm>> -> memref<1x16x128xi32, #tpu.memory_space<hbm>>
          %dma_wait3A_48 = tpu.memref_squeeze %dma_wait3A_47 : memref<1x16x128xi32, #tpu.memory_space<hbm>> -> memref<16x128xi32, #tpu.memory_space<hbm>>
          %dma_wait3A_49 = arith.constant 0 : i32
          %dma_wait3A_50 = tpu.memref_slice %arg3[%arg1, %add3A_36, %dma_wait3A_49] : memref<16x160x128xi32, #tpu.memory_space<hbm>> -> memref<1x16x128xi32, #tpu.memory_space<hbm>>
          %dma_wait3A_51 = tpu.memref_squeeze %dma_wait3A_50 : memref<1x16x128xi32, #tpu.memory_space<hbm>> -> memref<16x128xi32, #tpu.memory_space<hbm>>
          tpu.wait_dma2 semaphore(%run_scoped3A : memref<!tpu.dma_semaphore, #tpu.memory_space<semaphore_mem>>) src(%dma_wait3A_51 : memref<16x128xi32, #tpu.memory_space<hbm>>) dst(%arg11 : memref<16x128xi32, #tpu.memory_space<vmem>>)
          tpu.yield
        }) : () -> ()
        "tpu.region"() ({
          %run_scoped3A = tpu.sem_alloc : memref<!tpu.dma_semaphore, #tpu.memory_space<semaphore_mem>>
          %dma_start3A = arith.constant 0 : i32
          %dma_start3A_42 = tpu.memref_slice %arg4[%arg1, %add3A_36, %dma_start3A] : memref<16x160x128xi32, #tpu.memory_space<hbm>> -> memref<1x16x128xi32, #tpu.memory_space<hbm>>
          %dma_start3A_43 = tpu.memref_squeeze %dma_start3A_42 : memref<1x16x128xi32, #tpu.memory_space<hbm>> -> memref<16x128xi32, #tpu.memory_space<hbm>>
          %dma_start3A_44 = arith.constant 0 : i32
          %dma_start3A_45 = tpu.memref_slice %arg4[%arg1, %add3A_36, %dma_start3A_44] : memref<16x160x128xi32, #tpu.memory_space<hbm>> -> memref<1x16x128xi32, #tpu.memory_space<hbm>>
          %dma_start3A_46 = tpu.memref_squeeze %dma_start3A_45 : memref<1x16x128xi32, #tpu.memory_space<hbm>> -> memref<16x128xi32, #tpu.memory_space<hbm>>
          tpu.enqueue_dma source(%dma_start3A_46 : memref<16x128xi32, #tpu.memory_space<hbm>>) target(%arg12 : memref<16x128xi32, #tpu.memory_space<vmem>>) target_semaphore(%run_scoped3A : memref<!tpu.dma_semaphore, #tpu.memory_space<semaphore_mem>>)
          %dma_wait3A = arith.constant 0 : i32
          %dma_wait3A_47 = tpu.memref_slice %arg4[%arg1, %add3A_36, %dma_wait3A] : memref<16x160x128xi32, #tpu.memory_space<hbm>> -> memref<1x16x128xi32, #tpu.memory_space<hbm>>
          %dma_wait3A_48 = tpu.memref_squeeze %dma_wait3A_47 : memref<1x16x128xi32, #tpu.memory_space<hbm>> -> memref<16x128xi32, #tpu.memory_space<hbm>>
          %dma_wait3A_49 = arith.constant 0 : i32
          %dma_wait3A_50 = tpu.memref_slice %arg4[%arg1, %add3A_36, %dma_wait3A_49] : memref<16x160x128xi32, #tpu.memory_space<hbm>> -> memref<1x16x128xi32, #tpu.memory_space<hbm>>
          %dma_wait3A_51 = tpu.memref_squeeze %dma_wait3A_50 : memref<1x16x128xi32, #tpu.memory_space<hbm>> -> memref<16x128xi32, #tpu.memory_space<hbm>>
          tpu.wait_dma2 semaphore(%run_scoped3A : memref<!tpu.dma_semaphore, #tpu.memory_space<semaphore_mem>>) src(%dma_wait3A_51 : memref<16x128xi32, #tpu.memory_space<hbm>>) dst(%arg12 : memref<16x128xi32, #tpu.memory_space<vmem>>)
          tpu.yield
        }) : () -> ()
        %scan3A_37 = arith.constant 0 : i32
        %scan3A_38 = arith.constant 8 : i32
        %scan3A_39 = arith.addi %scan3A_37, %scan3A_38 : i32
        %scan3A_40 = arith.constant 1 : i32
        scf.for %scan3A_42 = %scan3A_37 to %scan3A_39 step %scan3A_40  : i32 {
          %mul3A_43 = arith.constant 2 : i32
          %mul3A_44 = arith.muli %scan3A_42, %mul3A_43 : i32
          %add3A_45 = arith.constant 0 : i32
          %add3A_46 = arith.addi %add3A_45, %mul3A_44 : i32
          %add3A_47 = arith.constant 0 : i32
          %add3A_48 = arith.addi %add3A_46, %add3A_47 : i32
          %dma_start3A = arith.constant 0 : i32
          %dma_start3A_49 = tpu.memref_slice %arg11[%add3A_48, %dma_start3A] : memref<16x128xi32, #tpu.memory_space<vmem>> -> memref<1x128xi32, #tpu.memory_space<vmem>>
          %dma_start3A_50 = tpu.memref_squeeze %dma_start3A_49 : memref<1x128xi32, #tpu.memory_space<vmem>> -> memref<128xi32, #tpu.memory_space<vmem>>
          %dma_start3A_51 = arith.constant 0 : i32
          %dma_start3A_52 = arith.constant 0 : i32
          %dma_start3A_53 = tpu.memref_slice %arg2[%dma_start3A_51, %dma_start3A_52] : memref<10000x128xf32, #tpu.memory_space<hbm>> -> memref<10000x128xf32, #tpu.memory_space<hbm>>
          tpu.enqueue_indirect_dma source(%dma_start3A_53 : memref<10000x128xf32, #tpu.memory_space<hbm>>) target(%arg13 : memref<128x128xf32, #tpu.memory_space<vmem>>) offsets(%dma_start3A_50 : memref<128xi32, #tpu.memory_space<vmem>>) semaphore(%arg15 : memref<!tpu.dma_semaphore, #tpu.memory_space<semaphore_mem>>)
          %add3A_54 = arith.constant 1 : i32
          %add3A_55 = arith.addi %add3A_46, %add3A_54 : i32
          %dma_start3A_56 = arith.constant 0 : i32
          %dma_start3A_57 = tpu.memref_slice %arg11[%add3A_55, %dma_start3A_56] : memref<16x128xi32, #tpu.memory_space<vmem>> -> memref<1x128xi32, #tpu.memory_space<vmem>>
          %dma_start3A_58 = tpu.memref_squeeze %dma_start3A_57 : memref<1x128xi32, #tpu.memory_space<vmem>> -> memref<128xi32, #tpu.memory_space<vmem>>
          %dma_start3A_59 = arith.constant 0 : i32
          %dma_start3A_60 = arith.constant 0 : i32
          %dma_start3A_61 = tpu.memref_slice %arg2[%dma_start3A_59, %dma_start3A_60] : memref<10000x128xf32, #tpu.memory_space<hbm>> -> memref<10000x128xf32, #tpu.memory_space<hbm>>
          tpu.enqueue_indirect_dma source(%dma_start3A_61 : memref<10000x128xf32, #tpu.memory_space<hbm>>) target(%arg14 : memref<128x128xf32, #tpu.memory_space<vmem>>) offsets(%dma_start3A_58 : memref<128xi32, #tpu.memory_space<vmem>>) semaphore(%arg15 : memref<!tpu.dma_semaphore, #tpu.memory_space<semaphore_mem>>)
          %dma_wait3A = arith.constant 0 : i32
          %dma_wait3A_62 = tpu.memref_slice %arg11[%add3A_48, %dma_wait3A] : memref<16x128xi32, #tpu.memory_space<vmem>> -> memref<1x128xi32, #tpu.memory_space<vmem>>
          %dma_wait3A_63 = tpu.memref_squeeze %dma_wait3A_62 : memref<1x128xi32, #tpu.memory_space<vmem>> -> memref<128xi32, #tpu.memory_space<vmem>>
          %dma_wait3A_64 = arith.constant 0 : i32
          %dma_wait3A_65 = arith.constant 0 : i32
          %dma_wait3A_66 = tpu.memref_slice %arg2[%dma_wait3A_64, %dma_wait3A_65] : memref<10000x128xf32, #tpu.memory_space<hbm>> -> memref<10000x128xf32, #tpu.memory_space<hbm>>
          tpu.wait_indirect_dma semaphore(%arg15 : memref<!tpu.dma_semaphore, #tpu.memory_space<semaphore_mem>>) src(%dma_wait3A_66 : memref<10000x128xf32, #tpu.memory_space<hbm>>) dst(%arg13 : memref<128x128xf32, #tpu.memory_space<vmem>>)
          %add3A_67 = arith.constant 0 : i32
          %add3A_68 = arith.addi %add3A_46, %add3A_67 : i32
          %dma_start3A_69 = arith.constant 0 : i32
          %dma_start3A_70 = tpu.memref_slice %arg12[%add3A_68, %dma_start3A_69] : memref<16x128xi32, #tpu.memory_space<vmem>> -> memref<1x128xi32, #tpu.memory_space<vmem>>
          %dma_start3A_71 = tpu.memref_squeeze %dma_start3A_70 : memref<1x128xi32, #tpu.memory_space<vmem>> -> memref<128xi32, #tpu.memory_space<vmem>>
          %dma_start3A_72 = arith.constant 0 : i32
          %dma_start3A_73 = arith.constant 0 : i32
          %dma_start3A_74 = tpu.memref_slice %arg10[%dma_start3A_72, %dma_start3A_73] : memref<10240x128xf32, #tpu.memory_space<vmem_shared>> -> memref<10240x128xf32, #tpu.memory_space<vmem_shared>>
          tpu.enqueue_indirect_dma source(%arg13 : memref<128x128xf32, #tpu.memory_space<vmem>>) target(%dma_start3A_74 : memref<10240x128xf32, #tpu.memory_space<vmem_shared>>) offsets(%dma_start3A_71 : memref<128xi32, #tpu.memory_space<vmem>>) semaphore(%arg16 : memref<!tpu.dma_semaphore, #tpu.memory_space<semaphore_mem>>) {add = true}
          %add3A_75 = arith.constant 0 : i32
          %add3A_76 = arith.addi %add3A_46, %add3A_75 : i32
          %dma_start3A_77 = arith.constant 0 : i32
          %dma_start3A_78 = tpu.memref_slice %arg12[%add3A_76, %dma_start3A_77] : memref<16x128xi32, #tpu.memory_space<vmem>> -> memref<1x128xi32, #tpu.memory_space<vmem>>
          %dma_start3A_79 = tpu.memref_squeeze %dma_start3A_78 : memref<1x128xi32, #tpu.memory_space<vmem>> -> memref<128xi32, #tpu.memory_space<vmem>>
          %dma_start3A_80 = arith.constant 0 : i32
          %dma_start3A_81 = arith.constant 0 : i32
          %dma_start3A_82 = tpu.memref_slice %arg17[%dma_start3A_80, %dma_start3A_81] : memref<10240x16xf32, #tpu.memory_space<vmem_shared>> -> memref<10240x16xf32, #tpu.memory_space<vmem_shared>>
          tpu.enqueue_indirect_dma source(%arg18 : memref<128x16xf32, #tpu.memory_space<vmem>>) target(%dma_start3A_82 : memref<10240x16xf32, #tpu.memory_space<vmem_shared>>) offsets(%dma_start3A_79 : memref<128xi32, #tpu.memory_space<vmem>>) semaphore(%arg16 : memref<!tpu.dma_semaphore, #tpu.memory_space<semaphore_mem>>) {add = true}
          %dma_wait3A_83 = arith.constant 0 : i32
          %dma_wait3A_84 = tpu.memref_slice %arg11[%add3A_55, %dma_wait3A_83] : memref<16x128xi32, #tpu.memory_space<vmem>> -> memref<1x128xi32, #tpu.memory_space<vmem>>
          %dma_wait3A_85 = tpu.memref_squeeze %dma_wait3A_84 : memref<1x128xi32, #tpu.memory_space<vmem>> -> memref<128xi32, #tpu.memory_space<vmem>>
          %dma_wait3A_86 = arith.constant 0 : i32
          %dma_wait3A_87 = arith.constant 0 : i32
          %dma_wait3A_88 = tpu.memref_slice %arg2[%dma_wait3A_86, %dma_wait3A_87] : memref<10000x128xf32, #tpu.memory_space<hbm>> -> memref<10000x128xf32, #tpu.memory_space<hbm>>
          tpu.wait_indirect_dma semaphore(%arg15 : memref<!tpu.dma_semaphore, #tpu.memory_space<semaphore_mem>>) src(%dma_wait3A_88 : memref<10000x128xf32, #tpu.memory_space<hbm>>) dst(%arg14 : memref<128x128xf32, #tpu.memory_space<vmem>>)
          %add3A_89 = arith.constant 1 : i32
          %add3A_90 = arith.addi %add3A_46, %add3A_89 : i32
          %dma_start3A_91 = arith.constant 0 : i32
          %dma_start3A_92 = tpu.memref_slice %arg12[%add3A_90, %dma_start3A_91] : memref<16x128xi32, #tpu.memory_space<vmem>> -> memref<1x128xi32, #tpu.memory_space<vmem>>
          %dma_start3A_93 = tpu.memref_squeeze %dma_start3A_92 : memref<1x128xi32, #tpu.memory_space<vmem>> -> memref<128xi32, #tpu.memory_space<vmem>>
          %dma_start3A_94 = arith.constant 0 : i32
          %dma_start3A_95 = arith.constant 0 : i32
          %dma_start3A_96 = tpu.memref_slice %arg10[%dma_start3A_94, %dma_start3A_95] : memref<10240x128xf32, #tpu.memory_space<vmem_shared>> -> memref<10240x128xf32, #tpu.memory_space<vmem_shared>>
          tpu.enqueue_indirect_dma source(%arg14 : memref<128x128xf32, #tpu.memory_space<vmem>>) target(%dma_start3A_96 : memref<10240x128xf32, #tpu.memory_space<vmem_shared>>) offsets(%dma_start3A_93 : memref<128xi32, #tpu.memory_space<vmem>>) semaphore(%arg16 : memref<!tpu.dma_semaphore, #tpu.memory_space<semaphore_mem>>) {add = true}
          %add3A_97 = arith.constant 1 : i32
          %add3A_98 = arith.addi %add3A_46, %add3A_97 : i32
          %dma_start3A_99 = arith.constant 0 : i32
          %dma_start3A_100 = tpu.memref_slice %arg12[%add3A_98, %dma_start3A_99] : memref<16x128xi32, #tpu.memory_space<vmem>> -> memref<1x128xi32, #tpu.memory_space<vmem>>
          %dma_start3A_101 = tpu.memref_squeeze %dma_start3A_100 : memref<1x128xi32, #tpu.memory_space<vmem>> -> memref<128xi32, #tpu.memory_space<vmem>>
          %dma_start3A_102 = arith.constant 0 : i32
          %dma_start3A_103 = arith.constant 0 : i32
          %dma_start3A_104 = tpu.memref_slice %arg17[%dma_start3A_102, %dma_start3A_103] : memref<10240x16xf32, #tpu.memory_space<vmem_shared>> -> memref<10240x16xf32, #tpu.memory_space<vmem_shared>>
          tpu.enqueue_indirect_dma source(%arg18 : memref<128x16xf32, #tpu.memory_space<vmem>>) target(%dma_start3A_104 : memref<10240x16xf32, #tpu.memory_space<vmem_shared>>) offsets(%dma_start3A_101 : memref<128xi32, #tpu.memory_space<vmem>>) semaphore(%arg16 : memref<!tpu.dma_semaphore, #tpu.memory_space<semaphore_mem>>) {add = true}
          %dma_wait3A_105 = arith.constant 0 : i32
          %dma_wait3A_106 = tpu.memref_slice %arg12[%add3A_68, %dma_wait3A_105] : memref<16x128xi32, #tpu.memory_space<vmem>> -> memref<1x128xi32, #tpu.memory_space<vmem>>
          %dma_wait3A_107 = tpu.memref_squeeze %dma_wait3A_106 : memref<1x128xi32, #tpu.memory_space<vmem>> -> memref<128xi32, #tpu.memory_space<vmem>>
          %dma_wait3A_108 = arith.constant 0 : i32
          %dma_wait3A_109 = arith.constant 0 : i32
          %dma_wait3A_110 = tpu.memref_slice %arg10[%dma_wait3A_108, %dma_wait3A_109] : memref<10240x128xf32, #tpu.memory_space<vmem_shared>> -> memref<10240x128xf32, #tpu.memory_space<vmem_shared>>
          tpu.wait_indirect_dma semaphore(%arg16 : memref<!tpu.dma_semaphore, #tpu.memory_space<semaphore_mem>>) src(%arg13 : memref<128x128xf32, #tpu.memory_space<vmem>>) dst(%dma_wait3A_110 : memref<10240x128xf32, #tpu.memory_space<vmem_shared>>)
          %dma_wait3A_111 = arith.constant 0 : i32
          %dma_wait3A_112 = tpu.memref_slice %arg12[%add3A_76, %dma_wait3A_111] : memref<16x128xi32, #tpu.memory_space<vmem>> -> memref<1x128xi32, #tpu.memory_space<vmem>>
          %dma_wait3A_113 = tpu.memref_squeeze %dma_wait3A_112 : memref<1x128xi32, #tpu.memory_space<vmem>> -> memref<128xi32, #tpu.memory_space<vmem>>
          %dma_wait3A_114 = arith.constant 0 : i32
          %dma_wait3A_115 = arith.constant 0 : i32
          %dma_wait3A_116 = tpu.memref_slice %arg17[%dma_wait3A_114, %dma_wait3A_115] : memref<10240x16xf32, #tpu.memory_space<vmem_shared>> -> memref<10240x16xf32, #tpu.memory_space<vmem_shared>>
          tpu.wait_indirect_dma semaphore(%arg16 : memref<!tpu.dma_semaphore, #tpu.memory_space<semaphore_mem>>) src(%arg18 : memref<128x16xf32, #tpu.memory_space<vmem>>) dst(%dma_wait3A_116 : memref<10240x16xf32, #tpu.memory_space<vmem_shared>>)
          %dma_wait3A_117 = arith.constant 0 : i32
          %dma_wait3A_118 = tpu.memref_slice %arg12[%add3A_90, %dma_wait3A_117] : memref<16x128xi32, #tpu.memory_space<vmem>> -> memref<1x128xi32, #tpu.memory_space<vmem>>
          %dma_wait3A_119 = tpu.memref_squeeze %dma_wait3A_118 : memref<1x128xi32, #tpu.memory_space<vmem>> -> memref<128xi32, #tpu.memory_space<vmem>>
          %dma_wait3A_120 = arith.constant 0 : i32
          %dma_wait3A_121 = arith.constant 0 : i32
          %dma_wait3A_122 = tpu.memref_slice %arg10[%dma_wait3A_120, %dma_wait3A_121] : memref<10240x128xf32, #tpu.memory_space<vmem_shared>> -> memref<10240x128xf32, #tpu.memory_space<vmem_shared>>
          tpu.wait_indirect_dma semaphore(%arg16 : memref<!tpu.dma_semaphore, #tpu.memory_space<semaphore_mem>>) src(%arg14 : memref<128x128xf32, #tpu.memory_space<vmem>>) dst(%dma_wait3A_122 : memref<10240x128xf32, #tpu.memory_space<vmem_shared>>)
          %dma_wait3A_123 = arith.constant 0 : i32
          %dma_wait3A_124 = tpu.memref_slice %arg12[%add3A_98, %dma_wait3A_123] : memref<16x128xi32, #tpu.memory_space<vmem>> -> memref<1x128xi32, #tpu.memory_space<vmem>>
          %dma_wait3A_125 = tpu.memref_squeeze %dma_wait3A_124 : memref<1x128xi32, #tpu.memory_space<vmem>> -> memref<128xi32, #tpu.memory_space<vmem>>
          %dma_wait3A_126 = arith.constant 0 : i32
          %dma_wait3A_127 = arith.constant 0 : i32
          %dma_wait3A_128 = tpu.memref_slice %arg17[%dma_wait3A_126, %dma_wait3A_127] : memref<10240x16xf32, #tpu.memory_space<vmem_shared>> -> memref<10240x16xf32, #tpu.memory_space<vmem_shared>>
          tpu.wait_indirect_dma semaphore(%arg16 : memref<!tpu.dma_semaphore, #tpu.memory_space<semaphore_mem>>) src(%arg18 : memref<128x16xf32, #tpu.memory_space<vmem>>) dst(%dma_wait3A_128 : memref<10240x16xf32, #tpu.memory_space<vmem_shared>>)
        }
        %scan3A_41 = arith.constant 8 : i32
      }
      %scan3A_32 = arith.constant 5 : i32
    } else {
    }
    %eq3A_12 = arith.constant 1 : i32
    %eq3A_13 = arith.cmpi eq, %arg0, %eq3A_12 : i32
    %convert_element_type3A_14 = arith.extui %eq3A_13 : i1 to i32
    %cond3A_15 = arith.constant 0 : i32
    %cond3A_16 = arith.cmpi ne, %convert_element_type3A_14, %cond3A_15 : i32
    scf.if %cond3A_16 {
      %scan3A_28 = arith.constant 0 : i32
      %scan3A_29 = arith.constant 5 : i32
      %scan3A_30 = arith.addi %scan3A_28, %scan3A_29 : i32
      %scan3A_31 = arith.constant 1 : i32
      scf.for %scan3A_33 = %scan3A_28 to %scan3A_30 step %scan3A_31  : i32 {
        %mul3A_34 = arith.constant 16 : i32
        %mul3A_35 = arith.muli %scan3A_33, %mul3A_34 : i32
        %add3A = arith.constant 80 : i32
        %add3A_36 = arith.addi %add3A, %mul3A_35 : i32
        "tpu.region"() ({
          %run_scoped3A = tpu.sem_alloc : memref<!tpu.dma_semaphore, #tpu.memory_space<semaphore_mem>>
          %dma_start3A = arith.constant 0 : i32
          %dma_start3A_42 = tpu.memref_slice %arg3[%arg1, %add3A_36, %dma_start3A] : memref<16x160x128xi32, #tpu.memory_space<hbm>> -> memref<1x16x128xi32, #tpu.memory_space<hbm>>
          %dma_start3A_43 = tpu.memref_squeeze %dma_start3A_42 : memref<1x16x128xi32, #tpu.memory_space<hbm>> -> memref<16x128xi32, #tpu.memory_space<hbm>>
          %dma_start3A_44 = arith.constant 0 : i32
          %dma_start3A_45 = tpu.memref_slice %arg3[%arg1, %add3A_36, %dma_start3A_44] : memref<16x160x128xi32, #tpu.memory_space<hbm>> -> memref<1x16x128xi32, #tpu.memory_space<hbm>>
          %dma_start3A_46 = tpu.memref_squeeze %dma_start3A_45 : memref<1x16x128xi32, #tpu.memory_space<hbm>> -> memref<16x128xi32, #tpu.memory_space<hbm>>
          tpu.enqueue_dma source(%dma_start3A_46 : memref<16x128xi32, #tpu.memory_space<hbm>>) target(%arg11 : memref<16x128xi32, #tpu.memory_space<vmem>>) target_semaphore(%run_scoped3A : memref<!tpu.dma_semaphore, #tpu.memory_space<semaphore_mem>>)
          %dma_wait3A = arith.constant 0 : i32
          %dma_wait3A_47 = tpu.memref_slice %arg3[%arg1, %add3A_36, %dma_wait3A] : memref<16x160x128xi32, #tpu.memory_space<hbm>> -> memref<1x16x128xi32, #tpu.memory_space<hbm>>
          %dma_wait3A_48 = tpu.memref_squeeze %dma_wait3A_47 : memref<1x16x128xi32, #tpu.memory_space<hbm>> -> memref<16x128xi32, #tpu.memory_space<hbm>>
          %dma_wait3A_49 = arith.constant 0 : i32
          %dma_wait3A_50 = tpu.memref_slice %arg3[%arg1, %add3A_36, %dma_wait3A_49] : memref<16x160x128xi32, #tpu.memory_space<hbm>> -> memref<1x16x128xi32, #tpu.memory_space<hbm>>
          %dma_wait3A_51 = tpu.memref_squeeze %dma_wait3A_50 : memref<1x16x128xi32, #tpu.memory_space<hbm>> -> memref<16x128xi32, #tpu.memory_space<hbm>>
          tpu.wait_dma2 semaphore(%run_scoped3A : memref<!tpu.dma_semaphore, #tpu.memory_space<semaphore_mem>>) src(%dma_wait3A_51 : memref<16x128xi32, #tpu.memory_space<hbm>>) dst(%arg11 : memref<16x128xi32, #tpu.memory_space<vmem>>)
          tpu.yield
        }) : () -> ()
        "tpu.region"() ({
          %run_scoped3A = tpu.sem_alloc : memref<!tpu.dma_semaphore, #tpu.memory_space<semaphore_mem>>
          %dma_start3A = arith.constant 0 : i32
          %dma_start3A_42 = tpu.memref_slice %arg4[%arg1, %add3A_36, %dma_start3A] : memref<16x160x128xi32, #tpu.memory_space<hbm>> -> memref<1x16x128xi32, #tpu.memory_space<hbm>>
          %dma_start3A_43 = tpu.memref_squeeze %dma_start3A_42 : memref<1x16x128xi32, #tpu.memory_space<hbm>> -> memref<16x128xi32, #tpu.memory_space<hbm>>
          %dma_start3A_44 = arith.constant 0 : i32
          %dma_start3A_45 = tpu.memref_slice %arg4[%arg1, %add3A_36, %dma_start3A_44] : memref<16x160x128xi32, #tpu.memory_space<hbm>> -> memref<1x16x128xi32, #tpu.memory_space<hbm>>
          %dma_start3A_46 = tpu.memref_squeeze %dma_start3A_45 : memref<1x16x128xi32, #tpu.memory_space<hbm>> -> memref<16x128xi32, #tpu.memory_space<hbm>>
          tpu.enqueue_dma source(%dma_start3A_46 : memref<16x128xi32, #tpu.memory_space<hbm>>) target(%arg12 : memref<16x128xi32, #tpu.memory_space<vmem>>) target_semaphore(%run_scoped3A : memref<!tpu.dma_semaphore, #tpu.memory_space<semaphore_mem>>)
          %dma_wait3A = arith.constant 0 : i32
          %dma_wait3A_47 = tpu.memref_slice %arg4[%arg1, %add3A_36, %dma_wait3A] : memref<16x160x128xi32, #tpu.memory_space<hbm>> -> memref<1x16x128xi32, #tpu.memory_space<hbm>>
          %dma_wait3A_48 = tpu.memref_squeeze %dma_wait3A_47 : memref<1x16x128xi32, #tpu.memory_space<hbm>> -> memref<16x128xi32, #tpu.memory_space<hbm>>
          %dma_wait3A_49 = arith.constant 0 : i32
          %dma_wait3A_50 = tpu.memref_slice %arg4[%arg1, %add3A_36, %dma_wait3A_49] : memref<16x160x128xi32, #tpu.memory_space<hbm>> -> memref<1x16x128xi32, #tpu.memory_space<hbm>>
          %dma_wait3A_51 = tpu.memref_squeeze %dma_wait3A_50 : memref<1x16x128xi32, #tpu.memory_space<hbm>> -> memref<16x128xi32, #tpu.memory_space<hbm>>
          tpu.wait_dma2 semaphore(%run_scoped3A : memref<!tpu.dma_semaphore, #tpu.memory_space<semaphore_mem>>) src(%dma_wait3A_51 : memref<16x128xi32, #tpu.memory_space<hbm>>) dst(%arg12 : memref<16x128xi32, #tpu.memory_space<vmem>>)
          tpu.yield
        }) : () -> ()
        %scan3A_37 = arith.constant 0 : i32
        %scan3A_38 = arith.constant 8 : i32
        %scan3A_39 = arith.addi %scan3A_37, %scan3A_38 : i32
        %scan3A_40 = arith.constant 1 : i32
        scf.for %scan3A_42 = %scan3A_37 to %scan3A_39 step %scan3A_40  : i32 {
          %mul3A_43 = arith.constant 2 : i32
          %mul3A_44 = arith.muli %scan3A_42, %mul3A_43 : i32
          %add3A_45 = arith.constant 0 : i32
          %add3A_46 = arith.addi %add3A_45, %mul3A_44 : i32
          %add3A_47 = arith.constant 0 : i32
          %add3A_48 = arith.addi %add3A_46, %add3A_47 : i32
          %dma_start3A = arith.constant 0 : i32
          %dma_start3A_49 = tpu.memref_slice %arg11[%add3A_48, %dma_start3A] : memref<16x128xi32, #tpu.memory_space<vmem>> -> memref<1x128xi32, #tpu.memory_space<vmem>>
          %dma_start3A_50 = tpu.memref_squeeze %dma_start3A_49 : memref<1x128xi32, #tpu.memory_space<vmem>> -> memref<128xi32, #tpu.memory_space<vmem>>
          %dma_start3A_51 = arith.constant 0 : i32
          %dma_start3A_52 = arith.constant 0 : i32
          %dma_start3A_53 = tpu.memref_slice %arg2[%dma_start3A_51, %dma_start3A_52] : memref<10000x128xf32, #tpu.memory_space<hbm>> -> memref<10000x128xf32, #tpu.memory_space<hbm>>
          tpu.enqueue_indirect_dma source(%dma_start3A_53 : memref<10000x128xf32, #tpu.memory_space<hbm>>) target(%arg13 : memref<128x128xf32, #tpu.memory_space<vmem>>) offsets(%dma_start3A_50 : memref<128xi32, #tpu.memory_space<vmem>>) semaphore(%arg15 : memref<!tpu.dma_semaphore, #tpu.memory_space<semaphore_mem>>)
          %add3A_54 = arith.constant 1 : i32
          %add3A_55 = arith.addi %add3A_46, %add3A_54 : i32
          %dma_start3A_56 = arith.constant 0 : i32
          %dma_start3A_57 = tpu.memref_slice %arg11[%add3A_55, %dma_start3A_56] : memref<16x128xi32, #tpu.memory_space<vmem>> -> memref<1x128xi32, #tpu.memory_space<vmem>>
          %dma_start3A_58 = tpu.memref_squeeze %dma_start3A_57 : memref<1x128xi32, #tpu.memory_space<vmem>> -> memref<128xi32, #tpu.memory_space<vmem>>
          %dma_start3A_59 = arith.constant 0 : i32
          %dma_start3A_60 = arith.constant 0 : i32
          %dma_start3A_61 = tpu.memref_slice %arg2[%dma_start3A_59, %dma_start3A_60] : memref<10000x128xf32, #tpu.memory_space<hbm>> -> memref<10000x128xf32, #tpu.memory_space<hbm>>
          tpu.enqueue_indirect_dma source(%dma_start3A_61 : memref<10000x128xf32, #tpu.memory_space<hbm>>) target(%arg14 : memref<128x128xf32, #tpu.memory_space<vmem>>) offsets(%dma_start3A_58 : memref<128xi32, #tpu.memory_space<vmem>>) semaphore(%arg15 : memref<!tpu.dma_semaphore, #tpu.memory_space<semaphore_mem>>)
          %dma_wait3A = arith.constant 0 : i32
          %dma_wait3A_62 = tpu.memref_slice %arg11[%add3A_48, %dma_wait3A] : memref<16x128xi32, #tpu.memory_space<vmem>> -> memref<1x128xi32, #tpu.memory_space<vmem>>
          %dma_wait3A_63 = tpu.memref_squeeze %dma_wait3A_62 : memref<1x128xi32, #tpu.memory_space<vmem>> -> memref<128xi32, #tpu.memory_space<vmem>>
          %dma_wait3A_64 = arith.constant 0 : i32
          %dma_wait3A_65 = arith.constant 0 : i32
          %dma_wait3A_66 = tpu.memref_slice %arg2[%dma_wait3A_64, %dma_wait3A_65] : memref<10000x128xf32, #tpu.memory_space<hbm>> -> memref<10000x128xf32, #tpu.memory_space<hbm>>
          tpu.wait_indirect_dma semaphore(%arg15 : memref<!tpu.dma_semaphore, #tpu.memory_space<semaphore_mem>>) src(%dma_wait3A_66 : memref<10000x128xf32, #tpu.memory_space<hbm>>) dst(%arg13 : memref<128x128xf32, #tpu.memory_space<vmem>>)
          %add3A_67 = arith.constant 0 : i32
          %add3A_68 = arith.addi %add3A_46, %add3A_67 : i32
          %dma_start3A_69 = arith.constant 0 : i32
          %dma_start3A_70 = tpu.memref_slice %arg12[%add3A_68, %dma_start3A_69] : memref<16x128xi32, #tpu.memory_space<vmem>> -> memref<1x128xi32, #tpu.memory_space<vmem>>
          %dma_start3A_71 = tpu.memref_squeeze %dma_start3A_70 : memref<1x128xi32, #tpu.memory_space<vmem>> -> memref<128xi32, #tpu.memory_space<vmem>>
          %dma_start3A_72 = arith.constant 0 : i32
          %dma_start3A_73 = arith.constant 0 : i32
          %dma_start3A_74 = tpu.memref_slice %arg10[%dma_start3A_72, %dma_start3A_73] : memref<10240x128xf32, #tpu.memory_space<vmem_shared>> -> memref<10240x128xf32, #tpu.memory_space<vmem_shared>>
          tpu.enqueue_indirect_dma source(%arg13 : memref<128x128xf32, #tpu.memory_space<vmem>>) target(%dma_start3A_74 : memref<10240x128xf32, #tpu.memory_space<vmem_shared>>) offsets(%dma_start3A_71 : memref<128xi32, #tpu.memory_space<vmem>>) semaphore(%arg16 : memref<!tpu.dma_semaphore, #tpu.memory_space<semaphore_mem>>) {add = true}
          %add3A_75 = arith.constant 0 : i32
          %add3A_76 = arith.addi %add3A_46, %add3A_75 : i32
          %dma_start3A_77 = arith.constant 0 : i32
          %dma_start3A_78 = tpu.memref_slice %arg12[%add3A_76, %dma_start3A_77] : memref<16x128xi32, #tpu.memory_space<vmem>> -> memref<1x128xi32, #tpu.memory_space<vmem>>
          %dma_start3A_79 = tpu.memref_squeeze %dma_start3A_78 : memref<1x128xi32, #tpu.memory_space<vmem>> -> memref<128xi32, #tpu.memory_space<vmem>>
          %dma_start3A_80 = arith.constant 0 : i32
          %dma_start3A_81 = arith.constant 0 : i32
          %dma_start3A_82 = tpu.memref_slice %arg17[%dma_start3A_80, %dma_start3A_81] : memref<10240x16xf32, #tpu.memory_space<vmem_shared>> -> memref<10240x16xf32, #tpu.memory_space<vmem_shared>>
          tpu.enqueue_indirect_dma source(%arg18 : memref<128x16xf32, #tpu.memory_space<vmem>>) target(%dma_start3A_82 : memref<10240x16xf32, #tpu.memory_space<vmem_shared>>) offsets(%dma_start3A_79 : memref<128xi32, #tpu.memory_space<vmem>>) semaphore(%arg16 : memref<!tpu.dma_semaphore, #tpu.memory_space<semaphore_mem>>) {add = true}
          %dma_wait3A_83 = arith.constant 0 : i32
          %dma_wait3A_84 = tpu.memref_slice %arg11[%add3A_55, %dma_wait3A_83] : memref<16x128xi32, #tpu.memory_space<vmem>> -> memref<1x128xi32, #tpu.memory_space<vmem>>
          %dma_wait3A_85 = tpu.memref_squeeze %dma_wait3A_84 : memref<1x128xi32, #tpu.memory_space<vmem>> -> memref<128xi32, #tpu.memory_space<vmem>>
          %dma_wait3A_86 = arith.constant 0 : i32
          %dma_wait3A_87 = arith.constant 0 : i32
          %dma_wait3A_88 = tpu.memref_slice %arg2[%dma_wait3A_86, %dma_wait3A_87] : memref<10000x128xf32, #tpu.memory_space<hbm>> -> memref<10000x128xf32, #tpu.memory_space<hbm>>
          tpu.wait_indirect_dma semaphore(%arg15 : memref<!tpu.dma_semaphore, #tpu.memory_space<semaphore_mem>>) src(%dma_wait3A_88 : memref<10000x128xf32, #tpu.memory_space<hbm>>) dst(%arg14 : memref<128x128xf32, #tpu.memory_space<vmem>>)
          %add3A_89 = arith.constant 1 : i32
          %add3A_90 = arith.addi %add3A_46, %add3A_89 : i32
          %dma_start3A_91 = arith.constant 0 : i32
          %dma_start3A_92 = tpu.memref_slice %arg12[%add3A_90, %dma_start3A_91] : memref<16x128xi32, #tpu.memory_space<vmem>> -> memref<1x128xi32, #tpu.memory_space<vmem>>
          %dma_start3A_93 = tpu.memref_squeeze %dma_start3A_92 : memref<1x128xi32, #tpu.memory_space<vmem>> -> memref<128xi32, #tpu.memory_space<vmem>>
          %dma_start3A_94 = arith.constant 0 : i32
          %dma_start3A_95 = arith.constant 0 : i32
          %dma_start3A_96 = tpu.memref_slice %arg10[%dma_start3A_94, %dma_start3A_95] : memref<10240x128xf32, #tpu.memory_space<vmem_shared>> -> memref<10240x128xf32, #tpu.memory_space<vmem_shared>>
          tpu.enqueue_indirect_dma source(%arg14 : memref<128x128xf32, #tpu.memory_space<vmem>>) target(%dma_start3A_96 : memref<10240x128xf32, #tpu.memory_space<vmem_shared>>) offsets(%dma_start3A_93 : memref<128xi32, #tpu.memory_space<vmem>>) semaphore(%arg16 : memref<!tpu.dma_semaphore, #tpu.memory_space<semaphore_mem>>) {add = true}
          %add3A_97 = arith.constant 1 : i32
          %add3A_98 = arith.addi %add3A_46, %add3A_97 : i32
          %dma_start3A_99 = arith.constant 0 : i32
          %dma_start3A_100 = tpu.memref_slice %arg12[%add3A_98, %dma_start3A_99] : memref<16x128xi32, #tpu.memory_space<vmem>> -> memref<1x128xi32, #tpu.memory_space<vmem>>
          %dma_start3A_101 = tpu.memref_squeeze %dma_start3A_100 : memref<1x128xi32, #tpu.memory_space<vmem>> -> memref<128xi32, #tpu.memory_space<vmem>>
          %dma_start3A_102 = arith.constant 0 : i32
          %dma_start3A_103 = arith.constant 0 : i32
          %dma_start3A_104 = tpu.memref_slice %arg17[%dma_start3A_102, %dma_start3A_103] : memref<10240x16xf32, #tpu.memory_space<vmem_shared>> -> memref<10240x16xf32, #tpu.memory_space<vmem_shared>>
          tpu.enqueue_indirect_dma source(%arg18 : memref<128x16xf32, #tpu.memory_space<vmem>>) target(%dma_start3A_104 : memref<10240x16xf32, #tpu.memory_space<vmem_shared>>) offsets(%dma_start3A_101 : memref<128xi32, #tpu.memory_space<vmem>>) semaphore(%arg16 : memref<!tpu.dma_semaphore, #tpu.memory_space<semaphore_mem>>) {add = true}
          %dma_wait3A_105 = arith.constant 0 : i32
          %dma_wait3A_106 = tpu.memref_slice %arg12[%add3A_68, %dma_wait3A_105] : memref<16x128xi32, #tpu.memory_space<vmem>> -> memref<1x128xi32, #tpu.memory_space<vmem>>
          %dma_wait3A_107 = tpu.memref_squeeze %dma_wait3A_106 : memref<1x128xi32, #tpu.memory_space<vmem>> -> memref<128xi32, #tpu.memory_space<vmem>>
          %dma_wait3A_108 = arith.constant 0 : i32
          %dma_wait3A_109 = arith.constant 0 : i32
          %dma_wait3A_110 = tpu.memref_slice %arg10[%dma_wait3A_108, %dma_wait3A_109] : memref<10240x128xf32, #tpu.memory_space<vmem_shared>> -> memref<10240x128xf32, #tpu.memory_space<vmem_shared>>
          tpu.wait_indirect_dma semaphore(%arg16 : memref<!tpu.dma_semaphore, #tpu.memory_space<semaphore_mem>>) src(%arg13 : memref<128x128xf32, #tpu.memory_space<vmem>>) dst(%dma_wait3A_110 : memref<10240x128xf32, #tpu.memory_space<vmem_shared>>)
          %dma_wait3A_111 = arith.constant 0 : i32
          %dma_wait3A_112 = tpu.memref_slice %arg12[%add3A_76, %dma_wait3A_111] : memref<16x128xi32, #tpu.memory_space<vmem>> -> memref<1x128xi32, #tpu.memory_space<vmem>>
          %dma_wait3A_113 = tpu.memref_squeeze %dma_wait3A_112 : memref<1x128xi32, #tpu.memory_space<vmem>> -> memref<128xi32, #tpu.memory_space<vmem>>
          %dma_wait3A_114 = arith.constant 0 : i32
          %dma_wait3A_115 = arith.constant 0 : i32
          %dma_wait3A_116 = tpu.memref_slice %arg17[%dma_wait3A_114, %dma_wait3A_115] : memref<10240x16xf32, #tpu.memory_space<vmem_shared>> -> memref<10240x16xf32, #tpu.memory_space<vmem_shared>>
          tpu.wait_indirect_dma semaphore(%arg16 : memref<!tpu.dma_semaphore, #tpu.memory_space<semaphore_mem>>) src(%arg18 : memref<128x16xf32, #tpu.memory_space<vmem>>) dst(%dma_wait3A_116 : memref<10240x16xf32, #tpu.memory_space<vmem_shared>>)
          %dma_wait3A_117 = arith.constant 0 : i32
          %dma_wait3A_118 = tpu.memref_slice %arg12[%add3A_90, %dma_wait3A_117] : memref<16x128xi32, #tpu.memory_space<vmem>> -> memref<1x128xi32, #tpu.memory_space<vmem>>
          %dma_wait3A_119 = tpu.memref_squeeze %dma_wait3A_118 : memref<1x128xi32, #tpu.memory_space<vmem>> -> memref<128xi32, #tpu.memory_space<vmem>>
          %dma_wait3A_120 = arith.constant 0 : i32
          %dma_wait3A_121 = arith.constant 0 : i32
          %dma_wait3A_122 = tpu.memref_slice %arg10[%dma_wait3A_120, %dma_wait3A_121] : memref<10240x128xf32, #tpu.memory_space<vmem_shared>> -> memref<10240x128xf32, #tpu.memory_space<vmem_shared>>
          tpu.wait_indirect_dma semaphore(%arg16 : memref<!tpu.dma_semaphore, #tpu.memory_space<semaphore_mem>>) src(%arg14 : memref<128x128xf32, #tpu.memory_space<vmem>>) dst(%dma_wait3A_122 : memref<10240x128xf32, #tpu.memory_space<vmem_shared>>)
          %dma_wait3A_123 = arith.constant 0 : i32
          %dma_wait3A_124 = tpu.memref_slice %arg12[%add3A_98, %dma_wait3A_123] : memref<16x128xi32, #tpu.memory_space<vmem>> -> memref<1x128xi32, #tpu.memory_space<vmem>>
          %dma_wait3A_125 = tpu.memref_squeeze %dma_wait3A_124 : memref<1x128xi32, #tpu.memory_space<vmem>> -> memref<128xi32, #tpu.memory_space<vmem>>
          %dma_wait3A_126 = arith.constant 0 : i32
          %dma_wait3A_127 = arith.constant 0 : i32
          %dma_wait3A_128 = tpu.memref_slice %arg17[%dma_wait3A_126, %dma_wait3A_127] : memref<10240x16xf32, #tpu.memory_space<vmem_shared>> -> memref<10240x16xf32, #tpu.memory_space<vmem_shared>>
          tpu.wait_indirect_dma semaphore(%arg16 : memref<!tpu.dma_semaphore, #tpu.memory_space<semaphore_mem>>) src(%arg18 : memref<128x16xf32, #tpu.memory_space<vmem>>) dst(%dma_wait3A_128 : memref<10240x16xf32, #tpu.memory_space<vmem_shared>>)
        }
        %scan3A_41 = arith.constant 8 : i32
      }
      %scan3A_32 = arith.constant 5 : i32
    } else {
    }
    "tpu.trace_stop"() : () -> ()
    %barrier3A_17 = arith.constant 0 : index
    tpu.barrier barrier_id(%barrier3A_17)
    "tpu.trace_start"() <{level = 10 : i32, message = "writeback"}> : () -> ()
    %scan3A_18 = arith.constant 0 : i32
    %scan3A_19 = arith.constant 5 : i32
    %scan3A_20 = arith.addi %scan3A_18, %scan3A_19 : i32
    %scan3A_21 = arith.constant 1 : i32
    scf.for %scan3A_28 = %scan3A_18 to %scan3A_20 step %scan3A_21  : i32 {
      %mul3A_29 = arith.constant 128 : i32
      %mul3A_30 = arith.muli %scan3A_28, %mul3A_29 : i32
      %add3A = arith.constant 0 : i32
      %add3A_31 = arith.addi %add3A, %mul3A_30 : i32
      %add3A_32 = arith.addi %mul3A_0, %add3A_31 : i32
      "tpu.region"() ({
        %run_scoped3A = tpu.sem_alloc : memref<!tpu.dma_semaphore, #tpu.memory_space<semaphore_mem>>
        %dma_start3A = arith.constant 0 : i32
        %dma_start3A_34 = tpu.memref_slice %arg10[%add3A_32, %dma_start3A] : memref<10240x128xf32, #tpu.memory_space<vmem_shared>> -> memref<128x128xf32, #tpu.memory_space<vmem_shared>>
        %dma_start3A_35 = arith.constant 0 : i32
        %dma_start3A_36 = tpu.memref_slice %arg10[%add3A_32, %dma_start3A_35] : memref<10240x128xf32, #tpu.memory_space<vmem_shared>> -> memref<128x128xf32, #tpu.memory_space<vmem_shared>>
        tpu.enqueue_dma source(%dma_start3A_36 : memref<128x128xf32, #tpu.memory_space<vmem_shared>>) target(%arg13 : memref<128x128xf32, #tpu.memory_space<vmem>>) target_semaphore(%run_scoped3A : memref<!tpu.dma_semaphore, #tpu.memory_space<semaphore_mem>>)
        %dma_wait3A = arith.constant 0 : i32
        %dma_wait3A_37 = tpu.memref_slice %arg10[%add3A_32, %dma_wait3A] : memref<10240x128xf32, #tpu.memory_space<vmem_shared>> -> memref<128x128xf32, #tpu.memory_space<vmem_shared>>
        %dma_wait3A_38 = arith.constant 0 : i32
        %dma_wait3A_39 = tpu.memref_slice %arg10[%add3A_32, %dma_wait3A_38] : memref<10240x128xf32, #tpu.memory_space<vmem_shared>> -> memref<128x128xf32, #tpu.memory_space<vmem_shared>>
        tpu.wait_dma2 semaphore(%run_scoped3A : memref<!tpu.dma_semaphore, #tpu.memory_space<semaphore_mem>>) src(%dma_wait3A_39 : memref<128x128xf32, #tpu.memory_space<vmem_shared>>) dst(%arg13 : memref<128x128xf32, #tpu.memory_space<vmem>>)
        tpu.yield
      }) : () -> ()
      %add3A_33 = arith.addi %mul3A_0, %add3A_31 : i32
      "tpu.region"() ({
        %run_scoped3A = tpu.sem_alloc : memref<!tpu.dma_semaphore, #tpu.memory_space<semaphore_mem>>
        %dma_start3A = arith.constant 0 : i32
        %dma_start3A_34 = tpu.memref_slice %arg8[%arg0, %add3A_33, %dma_start3A] : memref<2x10240x128xf32, #tpu.memory_space<hbm>> -> memref<1x128x128xf32, #tpu.memory_space<hbm>>
        %dma_start3A_35 = tpu.memref_squeeze %dma_start3A_34 : memref<1x128x128xf32, #tpu.memory_space<hbm>> -> memref<128x128xf32, #tpu.memory_space<hbm>>
        %dma_start3A_36 = arith.constant 0 : i32
        %dma_start3A_37 = tpu.memref_slice %arg8[%arg0, %add3A_33, %dma_start3A_36] : memref<2x10240x128xf32, #tpu.memory_space<hbm>> -> memref<1x128x128xf32, #tpu.memory_space<hbm>>
        %dma_start3A_38 = tpu.memref_squeeze %dma_start3A_37 : memref<1x128x128xf32, #tpu.memory_space<hbm>> -> memref<128x128xf32, #tpu.memory_space<hbm>>
        tpu.enqueue_dma source(%arg13 : memref<128x128xf32, #tpu.memory_space<vmem>>) target(%dma_start3A_38 : memref<128x128xf32, #tpu.memory_space<hbm>>) target_semaphore(%run_scoped3A : memref<!tpu.dma_semaphore, #tpu.memory_space<semaphore_mem>>)
        %dma_wait3A = arith.constant 0 : i32
        %dma_wait3A_39 = tpu.memref_slice %arg8[%arg0, %add3A_33, %dma_wait3A] : memref<2x10240x128xf32, #tpu.memory_space<hbm>> -> memref<1x128x128xf32, #tpu.memory_space<hbm>>
        %dma_wait3A_40 = tpu.memref_squeeze %dma_wait3A_39 : memref<1x128x128xf32, #tpu.memory_space<hbm>> -> memref<128x128xf32, #tpu.memory_space<hbm>>
        %dma_wait3A_41 = arith.constant 0 : i32
        %dma_wait3A_42 = tpu.memref_slice %arg8[%arg0, %add3A_33, %dma_wait3A_41] : memref<2x10240x128xf32, #tpu.memory_space<hbm>> -> memref<1x128x128xf32, #tpu.memory_space<hbm>>
        %dma_wait3A_43 = tpu.memref_squeeze %dma_wait3A_42 : memref<1x128x128xf32, #tpu.memory_space<hbm>> -> memref<128x128xf32, #tpu.memory_space<hbm>>
        tpu.wait_dma2 semaphore(%run_scoped3A : memref<!tpu.dma_semaphore, #tpu.memory_space<semaphore_mem>>) src(%arg13 : memref<128x128xf32, #tpu.memory_space<vmem>>) dst(%dma_wait3A_43 : memref<128x128xf32, #tpu.memory_space<hbm>>)
        tpu.yield
      }) : () -> ()
    }
    %scan3A_22 = arith.constant 5 : i32
    %scan3A_23 = arith.constant 0 : i32
    %scan3A_24 = arith.constant 5 : i32
    %scan3A_25 = arith.addi %scan3A_23, %scan3A_24 : i32
    %scan3A_26 = arith.constant 1 : i32
    scf.for %scan3A_28 = %scan3A_23 to %scan3A_25 step %scan3A_26  : i32 {
      %mul3A_29 = arith.constant 128 : i32
      %mul3A_30 = arith.muli %scan3A_28, %mul3A_29 : i32
      %add3A = arith.constant 0 : i32
      %add3A_31 = arith.addi %add3A, %mul3A_30 : i32
      %add3A_32 = arith.addi %mul3A_0, %add3A_31 : i32
      "tpu.region"() ({
        %run_scoped3A = tpu.sem_alloc : memref<!tpu.dma_semaphore, #tpu.memory_space<semaphore_mem>>
        %dma_start3A = arith.constant 0 : i32
        %dma_start3A_34 = tpu.memref_slice %arg17[%add3A_32, %dma_start3A] : memref<10240x16xf32, #tpu.memory_space<vmem_shared>> -> memref<128x16xf32, #tpu.memory_space<vmem_shared>>
        %dma_start3A_35 = arith.constant 0 : i32
        %dma_start3A_36 = tpu.memref_slice %arg17[%add3A_32, %dma_start3A_35] : memref<10240x16xf32, #tpu.memory_space<vmem_shared>> -> memref<128x16xf32, #tpu.memory_space<vmem_shared>>
        tpu.enqueue_dma source(%dma_start3A_36 : memref<128x16xf32, #tpu.memory_space<vmem_shared>>) target(%arg18 : memref<128x16xf32, #tpu.memory_space<vmem>>) target_semaphore(%run_scoped3A : memref<!tpu.dma_semaphore, #tpu.memory_space<semaphore_mem>>)
        %dma_wait3A = arith.constant 0 : i32
        %dma_wait3A_37 = tpu.memref_slice %arg17[%add3A_32, %dma_wait3A] : memref<10240x16xf32, #tpu.memory_space<vmem_shared>> -> memref<128x16xf32, #tpu.memory_space<vmem_shared>>
        %dma_wait3A_38 = arith.constant 0 : i32
        %dma_wait3A_39 = tpu.memref_slice %arg17[%add3A_32, %dma_wait3A_38] : memref<10240x16xf32, #tpu.memory_space<vmem_shared>> -> memref<128x16xf32, #tpu.memory_space<vmem_shared>>
        tpu.wait_dma2 semaphore(%run_scoped3A : memref<!tpu.dma_semaphore, #tpu.memory_space<semaphore_mem>>) src(%dma_wait3A_39 : memref<128x16xf32, #tpu.memory_space<vmem_shared>>) dst(%arg18 : memref<128x16xf32, #tpu.memory_space<vmem>>)
        tpu.yield
      }) : () -> ()
      %add3A_33 = arith.addi %mul3A_0, %add3A_31 : i32
      "tpu.region"() ({
        %run_scoped3A = tpu.sem_alloc : memref<!tpu.dma_semaphore, #tpu.memory_space<semaphore_mem>>
        %dma_start3A = arith.constant 0 : i32
        %dma_start3A_34 = tpu.memref_slice %arg9[%arg0, %add3A_33, %dma_start3A] : memref<2x10240x16xf32, #tpu.memory_space<hbm>> -> memref<1x128x16xf32, #tpu.memory_space<hbm>>
        %dma_start3A_35 = tpu.memref_squeeze %dma_start3A_34 : memref<1x128x16xf32, #tpu.memory_space<hbm>> -> memref<128x16xf32, #tpu.memory_space<hbm>>
        %dma_start3A_36 = arith.constant 0 : i32
        %dma_start3A_37 = tpu.memref_slice %arg9[%arg0, %add3A_33, %dma_start3A_36] : memref<2x10240x16xf32, #tpu.memory_space<hbm>> -> memref<1x128x16xf32, #tpu.memory_space<hbm>>
        %dma_start3A_38 = tpu.memref_squeeze %dma_start3A_37 : memref<1x128x16xf32, #tpu.memory_space<hbm>> -> memref<128x16xf32, #tpu.memory_space<hbm>>
        tpu.enqueue_dma source(%arg18 : memref<128x16xf32, #tpu.memory_space<vmem>>) target(%dma_start3A_38 : memref<128x16xf32, #tpu.memory_space<hbm>>) target_semaphore(%run_scoped3A : memref<!tpu.dma_semaphore, #tpu.memory_space<semaphore_mem>>)
        %dma_wait3A = arith.constant 0 : i32
        %dma_wait3A_39 = tpu.memref_slice %arg9[%arg0, %add3A_33, %dma_wait3A] : memref<2x10240x16xf32, #tpu.memory_space<hbm>> -> memref<1x128x16xf32, #tpu.memory_space<hbm>>
        %dma_wait3A_40 = tpu.memref_squeeze %dma_wait3A_39 : memref<1x128x16xf32, #tpu.memory_space<hbm>> -> memref<128x16xf32, #tpu.memory_space<hbm>>
        %dma_wait3A_41 = arith.constant 0 : i32
        %dma_wait3A_42 = tpu.memref_slice %arg9[%arg0, %add3A_33, %dma_wait3A_41] : memref<2x10240x16xf32, #tpu.memory_space<hbm>> -> memref<1x128x16xf32, #tpu.memory_space<hbm>>
        %dma_wait3A_43 = tpu.memref_squeeze %dma_wait3A_42 : memref<1x128x16xf32, #tpu.memory_space<hbm>> -> memref<128x16xf32, #tpu.memory_space<hbm>>
        tpu.wait_dma2 semaphore(%run_scoped3A : memref<!tpu.dma_semaphore, #tpu.memory_space<semaphore_mem>>) src(%arg18 : memref<128x16xf32, #tpu.memory_space<vmem>>) dst(%dma_wait3A_43 : memref<128x16xf32, #tpu.memory_space<hbm>>)
        tpu.yield
      }) : () -> ()
    }
    %scan3A_27 = arith.constant 5 : i32
    "tpu.trace_stop"() : () -> ()
    return
  }
}

module attributes {stable_mosaic.version = 14 : i64} {
  func.func @body(%arg0: i32, %arg1: memref<2000x128xf32, #tpu.memory_space<vmem>>, %arg2: memref<128x128xf32, #tpu.memory_space<vmem>>, %arg3: memref<128x128xf32, #tpu.memory_space<vmem>>, %arg4: memref<1x128xf32, #tpu.memory_space<vmem>>, %arg5: memref<2000x128xf32, #tpu.memory_space<vmem>>, %arg6: memref<2000x128xf32, #tpu.memory_space<vmem>>) attributes {dimension_semantics = [#tpu.dimension_semantics<arbitrary>], iteration_bounds = array<i64: 5>, scalar_prefetch = 0 : i64, scratch_operands = 0 : i64, tpu.core_type = #tpu.core_type<tc>, window_params = [{transform_indices = @transform_0, window_bounds = array<i64: 2000, 128>}, {pipeline_mode = #tpu.pipeline_mode<synchronous>, transform_indices = @transform_1, window_bounds = array<i64: 128, 128>}, {pipeline_mode = #tpu.pipeline_mode<synchronous>, transform_indices = @transform_2, window_bounds = array<i64: 128, 128>}, {pipeline_mode = #tpu.pipeline_mode<synchronous>, transform_indices = @transform_3, window_bounds = array<i64: 1, 128>}, {transform_indices = @transform_4, window_bounds = array<i64: 2000, 128>}, {transform_indices = @transform_5, window_bounds = array<i64: 2000, 128>}]} {
    %get3A = arith.constant 0 : index
    %get3A_0 = arith.constant 0 : index
    %get3A_1 = vector.load %arg1[%get3A, %get3A_0] : memref<2000x128xf32, #tpu.memory_space<vmem>>, vector<2000x128xf32>
    %get3A_2 = arith.constant 0 : index
    %get3A_3 = arith.constant 0 : index
    %get3A_4 = vector.load %arg2[%get3A_2, %get3A_3] : memref<128x128xf32, #tpu.memory_space<vmem>>, vector<128x128xf32>
    %dot_general3A = arith.constant dense<0.000000e+00> : vector<2000x128xf32>
    %dot_general3A_5 = tpu.matmul %get3A_1, %get3A_4, %dot_general3A {dimension_numbers = #tpu.dot_dimension_numbers<[1], [0], [0], [1], [0, 0, 1, 1], [], []>, transpose_lhs_hint = false} : vector<2000x128xf32>, vector<128x128xf32>, vector<2000x128xf32> -> vector<2000x128xf32>
    %get3A_6 = arith.constant 0 : index
    %get3A_7 = arith.constant 0 : index
    %get3A_8 = vector.load %arg4[%get3A_6, %get3A_7] : memref<1x128xf32, #tpu.memory_space<vmem>>, vector<1x128xf32>
    %add3A = vector.broadcast %get3A_8 : vector<1x128xf32> to vector<2000x128xf32>
    %add3A_9 = arith.addf %dot_general3A_5, %add3A : vector<2000x128xf32>
    %swap3A = arith.constant 0 : index
    %swap3A_10 = arith.constant 0 : index
    %swap3A_11 = vector.load %arg5[%swap3A, %swap3A_10] : memref<2000x128xf32, #tpu.memory_space<vmem>>, vector<2000x128xf32>
    tpu.vector_store %arg5[%swap3A, %swap3A_10], %add3A_9 {strides = array<i32>} : memref<2000x128xf32, #tpu.memory_space<vmem>>, vector<2000x128xf32>,
    %get3A_12 = arith.constant 0 : index
    %get3A_13 = arith.constant 0 : index
    %get3A_14 = vector.load %arg3[%get3A_12, %get3A_13] : memref<128x128xf32, #tpu.memory_space<vmem>>, vector<128x128xf32>
    %dot_general3A_15 = arith.constant dense<0.000000e+00> : vector<2000x128xf32>
    %dot_general3A_16 = tpu.matmul %get3A_1, %get3A_14, %dot_general3A_15 {dimension_numbers = #tpu.dot_dimension_numbers<[1], [0], [0], [1], [0, 0, 1, 1], [], []>, transpose_lhs_hint = false} : vector<2000x128xf32>, vector<128x128xf32>, vector<2000x128xf32> -> vector<2000x128xf32>
    %swap3A_17 = arith.constant 0 : index
    %swap3A_18 = arith.constant 0 : index
    %swap3A_19 = vector.load %arg6[%swap3A_17, %swap3A_18] : memref<2000x128xf32, #tpu.memory_space<vmem>>, vector<2000x128xf32>
    tpu.vector_store %arg6[%swap3A_17, %swap3A_18], %dot_general3A_16 {strides = array<i32>} : memref<2000x128xf32, #tpu.memory_space<vmem>>, vector<2000x128xf32>,
    return
  }
  func.func @transform_0(%arg0: i32) -> (i32, i32) {
    %c0_i32 = arith.constant 0 : i32
    %c0_i32_0 = arith.constant 0 : i32
    return %arg0, %c0_i32 : i32, i32
  }
  func.func @transform_1(%arg0: i32) -> (i32, i32) {
    %c0_i32 = arith.constant 0 : i32
    %c0_i32_0 = arith.constant 0 : i32
    %c0_i32_1 = arith.constant 0 : i32
    return %c0_i32, %c0_i32_0 : i32, i32
  }
  func.func @transform_2(%arg0: i32) -> (i32, i32) {
    %c0_i32 = arith.constant 0 : i32
    %c0_i32_0 = arith.constant 0 : i32
    %c0_i32_1 = arith.constant 0 : i32
    return %c0_i32, %c0_i32_0 : i32, i32
  }
  func.func @transform_3(%arg0: i32) -> (i32, i32) {
    %c0_i32 = arith.constant 0 : i32
    %c0_i32_0 = arith.constant 0 : i32
    %c0_i32_1 = arith.constant 0 : i32
    return %c0_i32, %c0_i32_0 : i32, i32
  }
  func.func @transform_4(%arg0: i32) -> (i32, i32) {
    %c0_i32 = arith.constant 0 : i32
    %c0_i32_0 = arith.constant 0 : i32
    return %arg0, %c0_i32 : i32, i32
  }
  func.func @transform_5(%arg0: i32) -> (i32, i32) {
    %c0_i32 = arith.constant 0 : i32
    %c0_i32_0 = arith.constant 0 : i32
    return %arg0, %c0_i32 : i32, i32
  }
}

module attributes {stable_mosaic.version = 14 : i64} {
  func.func @body(%arg0: i32, %arg1: memref<2000x128xf32, #tpu.memory_space<vmem>>, %arg2: memref<2x2000x128xf32, #tpu.memory_space<vmem>>, %arg3: memref<2x2000x16xf32, #tpu.memory_space<vmem>>, %arg4: memref<128x128xf32, #tpu.memory_space<vmem>>, %arg5: memref<128x128xf32, #tpu.memory_space<vmem>>, %arg6: memref<1x128xf32, #tpu.memory_space<vmem>>, %arg7: memref<2000x128xf32, #tpu.memory_space<vmem>>, %arg8: memref<2000x128xf32, #tpu.memory_space<vmem>>) attributes {dimension_semantics = [#tpu.dimension_semantics<arbitrary>], iteration_bounds = array<i64: 5>, scalar_prefetch = 0 : i64, scratch_operands = 0 : i64, tpu.core_type = #tpu.core_type<tc>, window_params = [{transform_indices = @transform_0, window_bounds = array<i64: 2000, 128>}, {transform_indices = @transform_1, window_bounds = array<i64: 2, 2000, 128>}, {transform_indices = @transform_2, window_bounds = array<i64: 2, 2000, 16>}, {pipeline_mode = #tpu.pipeline_mode<synchronous>, transform_indices = @transform_3, window_bounds = array<i64: 128, 128>}, {pipeline_mode = #tpu.pipeline_mode<synchronous>, transform_indices = @transform_4, window_bounds = array<i64: 128, 128>}, {pipeline_mode = #tpu.pipeline_mode<synchronous>, transform_indices = @transform_5, window_bounds = array<i64: 1, 128>}, {transform_indices = @transform_6, window_bounds = array<i64: 2000, 128>}, {transform_indices = @transform_7, window_bounds = array<i64: 2000, 128>}]} {
    %get3A = arith.constant 0 : index
    %get3A_0 = arith.constant 0 : index
    %get3A_1 = arith.constant 0 : index
    %get3A_2 = vector.load %arg2[%get3A, %get3A_0, %get3A_1] : memref<2x2000x128xf32, #tpu.memory_space<vmem>>, vector<1x2000x128xf32>
    %get3A_3 = vector.shape_cast %get3A_2 : vector<1x2000x128xf32> to vector<2000x128xf32>
    %get3A_4 = arith.constant 1 : index
    %get3A_5 = arith.constant 0 : index
    %get3A_6 = arith.constant 0 : index
    %get3A_7 = vector.load %arg2[%get3A_4, %get3A_5, %get3A_6] : memref<2x2000x128xf32, #tpu.memory_space<vmem>>, vector<1x2000x128xf32>
    %get3A_8 = vector.shape_cast %get3A_7 : vector<1x2000x128xf32> to vector<2000x128xf32>
    %add3A = arith.addf %get3A_3, %get3A_8 : vector<2000x128xf32>
    %get3A_9 = arith.constant 0 : index
    %get3A_10 = arith.constant 0 : index
    %get3A_11 = arith.constant 0 : index
    %get3A_12 = vector.load %arg3[%get3A_9, %get3A_10, %get3A_11] : memref<2x2000x16xf32, #tpu.memory_space<vmem>>, vector<1x2000x16xf32>
    %get3A_13 = vector.shape_cast %get3A_12 : vector<1x2000x16xf32> to vector<2000x16xf32>
    %slice3A = vector.extract_strided_slice %get3A_13 {offsets = [0, 0], sizes = [2000, 1], strides = [1, 1]} : vector<2000x16xf32> to vector<2000x1xf32>
    %get3A_14 = arith.constant 1 : index
    %get3A_15 = arith.constant 0 : index
    %get3A_16 = arith.constant 0 : index
    %get3A_17 = vector.load %arg3[%get3A_14, %get3A_15, %get3A_16] : memref<2x2000x16xf32, #tpu.memory_space<vmem>>, vector<1x2000x16xf32>
    %get3A_18 = vector.shape_cast %get3A_17 : vector<1x2000x16xf32> to vector<2000x16xf32>
    %slice3A_19 = vector.extract_strided_slice %get3A_18 {offsets = [0, 0], sizes = [2000, 1], strides = [1, 1]} : vector<2000x16xf32> to vector<2000x1xf32>
    %add3A_20 = arith.addf %slice3A, %slice3A_19 : vector<2000x1xf32>
    %max3A = arith.constant 1.000000e+00 : f32
    %max3A_21 = vector.broadcast %max3A : f32 to vector<2000x1xf32>
    %max3A_22 = arith.maximumf %add3A_20, %max3A_21 : vector<2000x1xf32>
    %div3A = arith.constant 1.000000e+00 : f32
    %div3A_23 = vector.broadcast %div3A : f32 to vector<2000x1xf32>
    %div3A_24 = arith.divf %div3A_23, %max3A_22 : vector<2000x1xf32>
    %get3A_25 = arith.constant 0 : index
    %get3A_26 = arith.constant 0 : index
    %get3A_27 = vector.load %arg1[%get3A_25, %get3A_26] : memref<2000x128xf32, #tpu.memory_space<vmem>>, vector<2000x128xf32>
    %mul3A = vector.broadcast %div3A_24 : vector<2000x1xf32> to vector<2000x128xf32>
    %mul3A_28 = arith.mulf %add3A, %mul3A : vector<2000x128xf32>
    %add3A_29 = arith.addf %get3A_27, %mul3A_28 : vector<2000x128xf32>
    %max3A_30 = arith.constant 0.000000e+00 : f32
    %max3A_31 = vector.broadcast %max3A_30 : f32 to vector<2000x128xf32>
    %max3A_32 = arith.maximumf %add3A_29, %max3A_31 : vector<2000x128xf32>
    %get3A_33 = arith.constant 0 : index
    %get3A_34 = arith.constant 0 : index
    %get3A_35 = vector.load %arg4[%get3A_33, %get3A_34] : memref<128x128xf32, #tpu.memory_space<vmem>>, vector<128x128xf32>
    %dot_general3A = arith.constant dense<0.000000e+00> : vector<2000x128xf32>
    %dot_general3A_36 = tpu.matmul %max3A_32, %get3A_35, %dot_general3A {dimension_numbers = #tpu.dot_dimension_numbers<[1], [0], [0], [1], [0, 0, 1, 1], [], []>, transpose_lhs_hint = false} : vector<2000x128xf32>, vector<128x128xf32>, vector<2000x128xf32> -> vector<2000x128xf32>
    %get3A_37 = arith.constant 0 : index
    %get3A_38 = arith.constant 0 : index
    %get3A_39 = vector.load %arg6[%get3A_37, %get3A_38] : memref<1x128xf32, #tpu.memory_space<vmem>>, vector<1x128xf32>
    %add3A_40 = vector.broadcast %get3A_39 : vector<1x128xf32> to vector<2000x128xf32>
    %add3A_41 = arith.addf %dot_general3A_36, %add3A_40 : vector<2000x128xf32>
    %swap3A = arith.constant 0 : index
    %swap3A_42 = arith.constant 0 : index
    %swap3A_43 = vector.load %arg7[%swap3A, %swap3A_42] : memref<2000x128xf32, #tpu.memory_space<vmem>>, vector<2000x128xf32>
    tpu.vector_store %arg7[%swap3A, %swap3A_42], %add3A_41 {strides = array<i32>} : memref<2000x128xf32, #tpu.memory_space<vmem>>, vector<2000x128xf32>,
    %get3A_44 = arith.constant 0 : index
    %get3A_45 = arith.constant 0 : index
    %get3A_46 = vector.load %arg5[%get3A_44, %get3A_45] : memref<128x128xf32, #tpu.memory_space<vmem>>, vector<128x128xf32>
    %dot_general3A_47 = arith.constant dense<0.000000e+00> : vector<2000x128xf32>
    %dot_general3A_48 = tpu.matmul %max3A_32, %get3A_46, %dot_general3A_47 {dimension_numbers = #tpu.dot_dimension_numbers<[1], [0], [0], [1], [0, 0, 1, 1], [], []>, transpose_lhs_hint = false} : vector<2000x128xf32>, vector<128x128xf32>, vector<2000x128xf32> -> vector<2000x128xf32>
    %swap3A_49 = arith.constant 0 : index
    %swap3A_50 = arith.constant 0 : index
    %swap3A_51 = vector.load %arg8[%swap3A_49, %swap3A_50] : memref<2000x128xf32, #tpu.memory_space<vmem>>, vector<2000x128xf32>
    tpu.vector_store %arg8[%swap3A_49, %swap3A_50], %dot_general3A_48 {strides = array<i32>} : memref<2000x128xf32, #tpu.memory_space<vmem>>, vector<2000x128xf32>,
    return
  }
  func.func @transform_0(%arg0: i32) -> (i32, i32) {
    %c0_i32 = arith.constant 0 : i32
    %c0_i32_0 = arith.constant 0 : i32
    return %arg0, %c0_i32 : i32, i32
  }
  func.func @transform_1(%arg0: i32) -> (i32, i32, i32) {
    %c0_i32 = arith.constant 0 : i32
    %c0_i32_0 = arith.constant 0 : i32
    %c0_i32_1 = arith.constant 0 : i32
    return %c0_i32, %arg0, %c0_i32_0 : i32, i32, i32
  }
  func.func @transform_2(%arg0: i32) -> (i32, i32, i32) {
    %c0_i32 = arith.constant 0 : i32
    %c0_i32_0 = arith.constant 0 : i32
    %c0_i32_1 = arith.constant 0 : i32
    return %c0_i32, %arg0, %c0_i32_0 : i32, i32, i32
  }
  func.func @transform_3(%arg0: i32) -> (i32, i32) {
    %c0_i32 = arith.constant 0 : i32
    %c0_i32_0 = arith.constant 0 : i32
    %c0_i32_1 = arith.constant 0 : i32
    return %c0_i32, %c0_i32_0 : i32, i32
  }
  func.func @transform_4(%arg0: i32) -> (i32, i32) {
    %c0_i32 = arith.constant 0 : i32
    %c0_i32_0 = arith.constant 0 : i32
    %c0_i32_1 = arith.constant 0 : i32
    return %c0_i32, %c0_i32_0 : i32, i32
  }
  func.func @transform_5(%arg0: i32) -> (i32, i32) {
    %c0_i32 = arith.constant 0 : i32
    %c0_i32_0 = arith.constant 0 : i32
    %c0_i32_1 = arith.constant 0 : i32
    return %c0_i32, %c0_i32_0 : i32, i32
  }
  func.func @transform_6(%arg0: i32) -> (i32, i32) {
    %c0_i32 = arith.constant 0 : i32
    %c0_i32_0 = arith.constant 0 : i32
    return %arg0, %c0_i32 : i32, i32
  }
  func.func @transform_7(%arg0: i32) -> (i32, i32) {
    %c0_i32 = arith.constant 0 : i32
    %c0_i32_0 = arith.constant 0 : i32
    return %arg0, %c0_i32 : i32, i32
  }
}

module attributes {stable_mosaic.version = 14 : i64} {
  func.func @body(%arg0: i32, %arg1: memref<2000x128xf32, #tpu.memory_space<vmem>>, %arg2: memref<2x2000x128xf32, #tpu.memory_space<vmem>>, %arg3: memref<2x2000x16xf32, #tpu.memory_space<vmem>>, %arg4: memref<2000x128xf32, #tpu.memory_space<vmem>>) attributes {dimension_semantics = [#tpu.dimension_semantics<arbitrary>], iteration_bounds = array<i64: 5>, scalar_prefetch = 0 : i64, scratch_operands = 0 : i64, tpu.core_type = #tpu.core_type<tc>, window_params = [{transform_indices = @transform_0, window_bounds = array<i64: 2000, 128>}, {transform_indices = @transform_1, window_bounds = array<i64: 2, 2000, 128>}, {transform_indices = @transform_2, window_bounds = array<i64: 2, 2000, 16>}, {transform_indices = @transform_3, window_bounds = array<i64: 2000, 128>}]} {
    %get3A = arith.constant 0 : index
    %get3A_0 = arith.constant 0 : index
    %get3A_1 = arith.constant 0 : index
    %get3A_2 = vector.load %arg2[%get3A, %get3A_0, %get3A_1] : memref<2x2000x128xf32, #tpu.memory_space<vmem>>, vector<1x2000x128xf32>
    %get3A_3 = vector.shape_cast %get3A_2 : vector<1x2000x128xf32> to vector<2000x128xf32>
    %get3A_4 = arith.constant 1 : index
    %get3A_5 = arith.constant 0 : index
    %get3A_6 = arith.constant 0 : index
    %get3A_7 = vector.load %arg2[%get3A_4, %get3A_5, %get3A_6] : memref<2x2000x128xf32, #tpu.memory_space<vmem>>, vector<1x2000x128xf32>
    %get3A_8 = vector.shape_cast %get3A_7 : vector<1x2000x128xf32> to vector<2000x128xf32>
    %add3A = arith.addf %get3A_3, %get3A_8 : vector<2000x128xf32>
    %get3A_9 = arith.constant 0 : index
    %get3A_10 = arith.constant 0 : index
    %get3A_11 = arith.constant 0 : index
    %get3A_12 = vector.load %arg3[%get3A_9, %get3A_10, %get3A_11] : memref<2x2000x16xf32, #tpu.memory_space<vmem>>, vector<1x2000x16xf32>
    %get3A_13 = vector.shape_cast %get3A_12 : vector<1x2000x16xf32> to vector<2000x16xf32>
    %slice3A = vector.extract_strided_slice %get3A_13 {offsets = [0, 0], sizes = [2000, 1], strides = [1, 1]} : vector<2000x16xf32> to vector<2000x1xf32>
    %get3A_14 = arith.constant 1 : index
    %get3A_15 = arith.constant 0 : index
    %get3A_16 = arith.constant 0 : index
    %get3A_17 = vector.load %arg3[%get3A_14, %get3A_15, %get3A_16] : memref<2x2000x16xf32, #tpu.memory_space<vmem>>, vector<1x2000x16xf32>
    %get3A_18 = vector.shape_cast %get3A_17 : vector<1x2000x16xf32> to vector<2000x16xf32>
    %slice3A_19 = vector.extract_strided_slice %get3A_18 {offsets = [0, 0], sizes = [2000, 1], strides = [1, 1]} : vector<2000x16xf32> to vector<2000x1xf32>
    %add3A_20 = arith.addf %slice3A, %slice3A_19 : vector<2000x1xf32>
    %max3A = arith.constant 1.000000e+00 : f32
    %max3A_21 = vector.broadcast %max3A : f32 to vector<2000x1xf32>
    %max3A_22 = arith.maximumf %add3A_20, %max3A_21 : vector<2000x1xf32>
    %div3A = arith.constant 1.000000e+00 : f32
    %div3A_23 = vector.broadcast %div3A : f32 to vector<2000x1xf32>
    %div3A_24 = arith.divf %div3A_23, %max3A_22 : vector<2000x1xf32>
    %get3A_25 = arith.constant 0 : index
    %get3A_26 = arith.constant 0 : index
    %get3A_27 = vector.load %arg1[%get3A_25, %get3A_26] : memref<2000x128xf32, #tpu.memory_space<vmem>>, vector<2000x128xf32>
    %mul3A = vector.broadcast %div3A_24 : vector<2000x1xf32> to vector<2000x128xf32>
    %mul3A_28 = arith.mulf %add3A, %mul3A : vector<2000x128xf32>
    %add3A_29 = arith.addf %get3A_27, %mul3A_28 : vector<2000x128xf32>
    %swap3A = arith.constant 0 : index
    %swap3A_30 = arith.constant 0 : index
    %swap3A_31 = vector.load %arg4[%swap3A, %swap3A_30] : memref<2000x128xf32, #tpu.memory_space<vmem>>, vector<2000x128xf32>
    tpu.vector_store %arg4[%swap3A, %swap3A_30], %add3A_29 {strides = array<i32>} : memref<2000x128xf32, #tpu.memory_space<vmem>>, vector<2000x128xf32>,
    return
  }
  func.func @transform_0(%arg0: i32) -> (i32, i32) {
    %c0_i32 = arith.constant 0 : i32
    %c0_i32_0 = arith.constant 0 : i32
    return %arg0, %c0_i32 : i32, i32
  }
  func.func @transform_1(%arg0: i32) -> (i32, i32, i32) {
    %c0_i32 = arith.constant 0 : i32
    %c0_i32_0 = arith.constant 0 : i32
    %c0_i32_1 = arith.constant 0 : i32
    return %c0_i32, %arg0, %c0_i32_0 : i32, i32, i32
  }
  func.func @transform_2(%arg0: i32) -> (i32, i32, i32) {
    %c0_i32 = arith.constant 0 : i32
    %c0_i32_0 = arith.constant 0 : i32
    %c0_i32_1 = arith.constant 0 : i32
    return %c0_i32, %arg0, %c0_i32_0 : i32, i32, i32
  }
  func.func @transform_3(%arg0: i32) -> (i32, i32) {
    %c0_i32 = arith.constant 0 : i32
    %c0_i32_0 = arith.constant 0 : i32
    return %arg0, %c0_i32 : i32, i32
  }
}

</mosaic_0001>

<sc_bundles>
// kernel: kernel.10.cloned.1.call-start
scs
__scs_entry_jumppad:
0x0: {  	(pc) =	sbr.rel $0x88, $3  }
0x1: {  	(tag) =	ssettag $0x0;
	lr =	simm.s32 $0x1  }
0x2: {  	[smem:$0x3F99] =	sst lr;
	_ =	strace $0xD0000000  }
0x3: {  	_ = 	snop  }
0x4: {  	_ = 	snop  }
0x5: {  	_ = 	snop  }
0x6: {  	_ = 	snop  }
0x7: {  	_ = 	snop  }
__scs_overlays_trampoline_lowered:
0x8: {  	[smem:$0x3FA8] =	sst s0  }
0x9: {  	[smem:$0x3FA9] =	sst s1  }
0xa: {  	[smem:$0x3FAA] =	sst s2  }
0xb: {  	[smem:$0x3FAB] =	sst s3  }
0xc: {  	[smem:$0x3FAC] =	sst s4  }
0xd: {  	[smem:$0x3FAD] =	sst s5  }
0xe: {  	[smem:$0x3FAE] =	sst s6  }
0xf: {  	[smem:$0x3FAF] =	sst s7  }
0x10: {  	[smem:$0x3FB0] =	sst s8  }
0x11: {  	[smem:$0x3FB1] =	sst s9;
	s0 =	simm.s32 @!p0 $0x0  }
0x12: {  	s1 =	sld [smem:$0x3F97];
	s0 =	simm.s32 @p0 $0x1  }
0x13: {  	[smem:$0x3FB2] =	sst s0;
	s0 =	simm.s32 @!p1 $0x0  }
0x14: {  	s2 =	sld [smem:$0x3F96];
	s0 =	simm.s32 @p1 $0x1  }
0x15: {  	[smem:$0x3FB3] =	sst s0;
	s0 =	simm.s32 @!p2 $0x0  }
0x16: {  	s3 =	sld [smem:$0x3FDB];
	s0 =	simm.s32 @p2 $0x1  }
0x17: {  	s4 =	simm.s32 $0x1BF5;
	[smem:$0x3FB5] =	sst s0  }
0x18: {  	s0 =	sld [smem:$0x3F98];
	_ =	swait.ge [sflag:s4], $0x0  }
0x19: {  	s7 =	sld [smem:$0x3F99]  }
0x1a: {  	s8 =	sadd.s32 $0xFFFFE003, lr  }
0x1b: {  	s9 =	sadd.s32 $0xFFFFFEF7, lr;
	s5 =	simm.s32 $0xFFFFFFFF;
	p2 =	slt.u32 s8, $0xFFFFF086  }
0x1c: {  	p1 =	slt.u32 s9, $0xF7A;
	s5 =	simm.s32 @!p2 $0x0  }
0x1d: {  	s5 =	simm.s32 @p1 $0x1;
	p0 =	seq.s32 s7, s2  }
0x1e: {  	s7 =	smul.u32 @!p0 $0xF7A, s2;
	p2 =	seq.s32 @!p0 s5, $0x0  }
0x1f: {  	s9 =	smul.u32 $0xF7A, s1;
	s8 =	simm.s32 @!p0 $0x1BF5;
	p2 =	por !p2, p0  }
0x20: {  	[sflag:s8] =	ssyncset.s32 @!p0 $0xFFFFF086;
	s6 =	sadd.s32 @!p0 s3, s7;
	s7 =	simm.s32 @!p0 $0x108  }
0x21: {  	s3 =	sadd.s32 s3, s9;
	s6 =	sadd.s32 @!p0 $0x88, s6;
	s7 =	simm.s32 @p2 $0x1082  }
0x22: {  	[simem:s7], [sflag:s8] =	dma.local @!p0 [hbm:s6], $0xF7A  }
0x23: {  	s9 =	sor.u32 $0xD0000000, s2;
	s6 =	simm.s32 $0x108;
	_ =	swait.ge @!p0 [sflag:s8], $0x0  }
0x24: {  	s3 =	sadd.s32 $0x88, s3;
	s6 =	simm.s32 @!p1 $0x1082;
	[sflag:s4] =	ssyncset.s32 $0xFFFFF086  }
0x25: {  	[simem:s6], [sflag:s4] =	dma.local [hbm:s3], $0xF7A  }
0x26: {  	[smem:$0x3F99] =	sst s1;
	(tag) =	ssettag s2;
	_ =	strace s9  }
0x27: {  	s1 =	sld [smem:$0x3FA9]  }
0x28: {  	s2 =	sld [smem:$0x3FAA]  }
0x29: {  	s4 =	sld [smem:$0x3FAC]  }
0x2a: {  	p0 =	seq.s32 s5, $0x0;
	s5 =	sld [smem:$0x3FAD]  }
0x2b: {  	s6 =	sld [smem:$0x3FAE]  }
0x2c: {  	s7 =	sld [smem:$0x3FAF]  }
0x2d: {  	s3 =	simm.s32 $0x108;
	s8 =	sld [smem:$0x3FB0]  }
0x2e: {  	s3 =	simm.s32 @!p0 $0x1082;
	s9 =	sld [smem:$0x3FB1]  }
0x2f: {  	lr =	sadd.s32 s0, s3;
	s0 =	sld [smem:$0x3FA8]  }
0x30: {  	s3 =	sld [smem:$0x3FAB]  }
0x31: {  	[smem:$0x3FB4] =	sst s10  }
0x32: {  	s10 =	sld [smem:$0x3FB2];
	_ =	sdelay $0x3  }
0x33: {  	p0 =	seq.s32 s10, $0x1;
	s10 =	sld [smem:$0x3FB4];
	_ =	sdelay $0x3  }
0x34: {  	[smem:$0x3FB4] =	sst s10  }
0x35: {  	s10 =	sld [smem:$0x3FB3];
	_ =	sdelay $0x3  }
0x36: {  	p1 =	seq.s32 s10, $0x1;
	s10 =	sld [smem:$0x3FB4];
	_ =	sdelay $0x3  }
0x37: {  	[smem:$0x3FB4] =	sst s10  }
0x38: {  	s10 =	sld [smem:$0x3FB5]  }
0x39: {  	_ = 	snop;
	(pc) =	sbr.ind lr, $3  }
0x3a: {  	_ = 	snop  }
0x3b: {  	_ = 	snop  }
0x3c: {  	p2 =	seq.s32 s10, $0x1;
	s10 =	sld [smem:$0x3FB4]  }
0x3d: {  	_ =	shalt  }
0x3e: {  	_ =	shalt  }
0x3f: {  	_ =	shalt  }
0x40: {  	_ =	shalt  }
0x41: {  	_ =	shalt  }
0x42: {  	_ =	shalt  }
0x43: {  	_ =	shalt  }
0x44: {  	_ =	shalt  }
0x45: {  	_ =	shalt  }
0x46: {  	_ =	shalt  }
0x47: {  	_ =	shalt  }
0x48: {  	_ =	shalt  }
0x49: {  	_ =	shalt  }
0x4a: {  	_ =	shalt  }
0x4b: {  	_ =	shalt  }
0x4c: {  	_ =	shalt  }
0x4d: {  	_ =	shalt  }
0x4e: {  	_ =	shalt  }
0x4f: {  	_ =	shalt  }
0x50: {  	_ =	shalt  }
0x51: {  	_ =	shalt  }
0x52: {  	_ =	shalt  }
0x53: {  	_ =	shalt  }
0x54: {  	_ =	shalt  }
0x55: {  	_ =	shalt  }
0x56: {  	_ =	shalt  }
0x57: {  	_ =	shalt  }
0x58: {  	_ =	shalt  }
0x59: {  	_ =	shalt  }
0x5a: {  	_ =	shalt  }
0x5b: {  	_ =	shalt  }
0x5c: {  	_ =	shalt  }
0x5d: {  	_ =	shalt  }
0x5e: {  	_ =	shalt  }
0x5f: {  	_ =	shalt  }
0x60: {  	_ =	shalt  }
0x61: {  	_ =	shalt  }
0x62: {  	_ =	shalt  }
0x63: {  	_ =	shalt  }
0x64: {  	_ =	shalt  }
0x65: {  	_ =	shalt  }
0x66: {  	_ =	shalt  }
0x67: {  	_ =	shalt  }
0x68: {  	_ =	shalt  }
0x69: {  	_ =	shalt  }
0x6a: {  	_ =	shalt  }
0x6b: {  	_ =	shalt  }
0x6c: {  	_ =	shalt  }
0x6d: {  	_ =	shalt  }
0x6e: {  	_ =	shalt  }
0x6f: {  	_ =	shalt  }
0x70: {  	_ =	shalt  }
0x71: {  	_ =	shalt  }
0x72: {  	_ =	shalt  }
0x73: {  	_ =	shalt  }
0x74: {  	_ =	shalt  }
0x75: {  	_ =	shalt  }
0x76: {  	_ =	shalt  }
0x77: {  	_ =	shalt  }
0x78: {  	_ =	shalt  }
0x79: {  	_ =	shalt  }
0x7a: {  	_ =	shalt  }
0x7b: {  	_ =	shalt  }
0x7c: {  	_ =	shalt  }
0x7d: {  	_ =	shalt  }
0x7e: {  	_ =	shalt  }
0x7f: {  	_ =	shalt  }
0x80: {  	_ =	shalt  }
0x81: {  	_ =	shalt  }
0x82: {  	_ =	shalt  }
0x83: {  	_ =	shalt  }
0x84: {  	_ =	shalt  }
0x85: {  	_ =	shalt  }
0x86: {  	_ =	shalt  }
0x87: {  	_ =	shalt  }
.Lfunc_end0:
.L_simem_size_0:
called_computation.1_lowered:
.L_overlay_start_0:
0x88: {  	s2 =	sld [smem:$0x3FD9]  }
0x89: {  	s3 =	sld [smem:$0x3FFE];
	_ =	sdelay $0x1  }
0x8a: {  	s1 =	srdreg.scid  }
0x8b: {  	s0 =	sand.u32 $0x1, s1  }
0x8c: {  	s17 =	sshll.u32 s0, $0xA;
	s2 =	sadd.s32 s3, s2  }
0x8d: {  	s2 =	sadd.s32 s2, s17  }
0x8e: {  	[smem:$0x3FC0] =	sst s2  }
0x8f: {  	_ = 	snop  }
0x90: {  	s2 =	sld [smem:$0x3FD0];
	(tm) =	ssettm $0x1  }
0x91: {  	s18 =	sld [smem:$0x3FFB];
	_ =	sdelay $0x3  }
0x92: {  	_ =	strace s18  }
0x93: {  	s3 =	sld [smem:$0x3FFC];
	_ =	sdelay $0x3  }
0x94: {  	_ =	strace s3  }
0x95: {  	s3 =	sld [smem:$0x3FFD];
	_ =	sdelay $0x3  }
0x96: {  	_ =	strace s3  }
0x97: {  	_ =	strace $0x8FFFFFFF  }
0x98: {  	s19 =	sld [smem:$0x3FDB];
	_ =	sdelay $0x1  }
0x99: {  	s4 =	simm.s32 $_scs_section_size  }
0x9a: {  	s5 =	simm.s32 $_size__tile_overlayer_lowered;
	s6 =	simm.s32 $_tile_overlayer_lowered  }
0x9b: {  	s22 =	simm.s32 $0x1BFF;
	s21 =	sshll.u32 s6, $0x1;
	s3 =	sadd.s32 s4, s19  }
0x9c: {  	s7 =	simm.s32 $0x0;
	s20 =	sshll.u32 s5, $0x1;
	s5 =	sadd.s32 s21, s3  }
0x9d: {  	[timem:s7], [sflag:s22] =	dma.local [hbm:s5], s20  }
0x9e: {  	_ =	swait.ge [sflag:s22], s20  }
0x9f: {  	s4 =	ssub.s32 $0x0, s20;
	[sflag:s22] =	ssyncset.done $0x0  }
0xa0: {  	[sflag:s22] =	ssyncadd.s32 s4;
	_ =	sdelay $0x1  }
0xa1: {  	s23 =	simm.s32 $0x1B8B  }
0xa2: {  	_ =	swait.ge [sflag:s23], $0x1  }
0xa3: {  	[sflag:s23] =	ssyncset.done $0x0  }
0xa4: {  	s25 =	simm.s32 $0x1B8E;
	s24 =	sld [smem:$0x3FFE];
	[sflag:s23] =	ssyncadd.s32 $0xFFFFFFFF  }
0xa5: {  	s26 =	simm.s32 $execute0_lowered;
	[smem:$0x3FD2] =	sst s25  }
0xa6: {  	s5 =	sshll.u32 s26, $0x1;
	_ =	strace $0x8000004B;
	[dreg:$0x1] =	wrdreg $0xFFFFFFFF  }
0xa7: {  	s28 =	simm.s32 $_size_execute0_lowered;
	s3 =	sadd.s32 s3, s5;
	[dreg:$0x0] =	wrdreg $0x0  }
0xa8: {  	s5 =	sshll.u32 s28, $0x1;
	[dreg:$0x2] =	wrdreg s3  }
0xa9: {  	[dreg:$0x3] =	wrdreg s5  }
0xaa: {  	[dreg:$0x4] =	wrdreg $0xC0  }
0xab: {  	_ =	task [dreg:s7], $0x5FFFF  }
0xac: {  	[dreg:$0x1] =	wrdreg $0xFFFFFFFF  }
0xad: {  	[dreg:$0x0] =	wrdreg $0x60  }
0xae: {  	[dreg:$0x2] =	wrdreg s2  }
0xaf: {  	[dreg:$0x3] =	wrdreg s24  }
0xb0: {  	[dreg:$0x4] =	wrdreg $0x0  }
0xb1: {  	[dreg:$0x5] =	wrdreg $0x9  }
0xb2: {  	_ =	task.clear_ibuf [dreg:s7], $0x6FFFF;
	_ =	strace $0x9000004B  }
0xb3: {  	s29 =	simm.s32 $0x9;
	_ =	strace $0x8000004F  }
0xb4: {  	_ =	swait.ge [sflag:s29], $0x1  }
0xb5: {  	[sflag:s29] =	ssyncadd.s32 $0xFFFFFFFF  }
0xb6: {  	_ =	strace $0x9000004F  }
0xb7: {  	_ =	sfence  }
0xb8: {  	s30 =	sld [smem:$0x0];
	_ =	sdelay $0x2  }
0xb9: {  	s31 =	sshll.u32 s1, $0xD;
	s1 =	sshrl.u32 s1, $0x2  }
0xba: {  	s3 =	sand.u32 $0x4000, s31;
	s1 =	sadd.s32 s1, s30  }
0xbb: {  	s0 =	sor.u32 s3, s0;
	s1 =	sshll.u32 s1, $0x11  }
0xbc: {  	s0 =	sor.u32 s1, s0  }
0xbd: {  	s0 =	sadd.s32 $0x8F2B, s0  }
0xbe: {  	[sflag:s0] =	ssyncadd.remote.s32 $0x1  }
0xbf: {  	_ =	sfence.sel $0xFFFF  }
0xc0: {  	[dreg:$0x0] =	wrdreg $0xFFFFFFFF;
	(pc) =	sbr.abs _section_cstart, $3  }
0xc1: {  	[dreg:$0x1] =	wrdreg $0xFFFFFFFF  }
0xc2: {  	_ =	task.clear_ibuf [dreg:s7], $0x2FFFF;
	_ =	strace $0x9FFFFFFF  }
0xc3: {  	(tm) =	ssettm $0x7FFFFFFF  }
tec
execute0_lowered:
.L_overlay_start_1:
0x0: {  	(tag) =	ssettag $0x1  }
0x1: {  	s2 =	rddreg [dreg:$0x0]  }
0x2: {  	s0 =	rddreg [dreg:$0x1]  }
0x3: {  	s3 =	rddreg [dreg:$0x2];
	s9 =	stileid.u32  }
0x4: {  	s4 =	simm.s32 $0x0;
	s5 =	srdreg.scid;
	s29 =	simm.s32 $0x19000  }
0x5: {  	s30 =	simm.s32 $0x1;
	s1 =	smul.u32 $0xA00, s9;
	[smem:$0x7FF] =	sst s4  }
0x6: {  	s5 =	sand.u32 $0x1, s5;
	s6 =	sadd.s32 $0x16200, s0;
	s7 =	smul.u32 $0x50000, s9  }
0x7: {  	s9 =	smul.u32 $0x14000, s9;
	_ =	strace $0x8000004C;
	[dreg:$0x8] =	wrdreg s6  }
0x8: {  	s26 =	ssub.s32 $0x2, s5;
	s28 =	smul.u32 $0x140000, s5;
	p0 =	seq.s32 s5, $0x1  }
0x9: {  	s1 =	sadd.s32 s1, s0;
	s0 =	sadd.s32 $0x16A00, s0;
	s8 =	sshrl.u32 s26, $0x1  }
0xa: {  	s7 =	sshrl.u32 s7, $0x2;
	s31 =	sadd.s32 s9, s3;
	s15 =	sadd.s32 $0x4000, s9  }
0xb: {  	s17 =	sadd.s32 $0x8000, s9;
	s24 =	sadd.s32 $0x10000, s9;
	s6 =	ssub.s32 s26, s8  }
0xc: {  	s7 =	sadd.s32 s7, s3;
	[dreg:$0xa] =	wrdreg s31;
	s11 =	sadd.s32 s28, s9  }
0xd: {  	s16 =	sadd.s32 s15, s3;
	s18 =	sadd.s32 s28, s17;
	[dreg:$0x9] =	wrdreg s7  }
0xe: {  	s23 =	sadd.s32 $0xBE00, s1;
	s25 =	sadd.s32 $0x1E00, s1;
	[dreg:$0x11] =	wrdreg s16  }
0xf: {  	s26 =	sadd.s32 s28, s24;
	s31 =	sadd.s32 s24, s3;
	[dreg:$0x4] =	wrdreg s23  }
0x10: {  	s24 =	simm.s32 $0x14000;
	s6 =	smax.u32 s6, $0x1;
	[dreg:$0x5] =	wrdreg s25  }
0x11: {  	s10 =	sadd.s32 $0x4000, s7;
	s12 =	sadd.s32 $0x8000, s7;
	[dreg:$0x17] =	wrdreg s31  }
0x12: {  	s13 =	sadd.s32 $0xC000, s7;
	s5 =	sshrl.u32 s11, $0x3;
	[dreg:$0xb] =	wrdreg s6  }
0x13: {  	s14 =	sadd.s32 $0x10000, s7;
	s19 =	sshrl.u32 s18, $0x3;
	[dreg:$0xc] =	wrdreg s10  }
0x14: {  	s7 =	sshrl.u32 s26, $0x3;
	s23 =	simm.s32 $0x3;
	[dreg:$0xd] =	wrdreg s12  }
0x15: {  	s25 =	simm.s32 $0x14800;
	s26 =	simm.s32 $0x80;
	[dreg:$0xe] =	wrdreg s13  }
0x16: {  	[dreg:$0xf] =	wrdreg s14;
	s5 =	sadd.s32 s0, s5;
	s10 =	sadd.s32 $0xC000, s9  }
0x17: {  	s6 =	sadd.s32 s17, s3;
	s14 =	simm.s32 $0x14080;
	[dreg:$0x10] =	wrdreg s5  }
0x18: {  	s5 =	sadd.s32 s28, s15;
	[dreg:$0x13] =	wrdreg s6;
	s22 =	sadd.s32 s10, s3  }
0x19: {  	s20 =	sadd.s32 s28, s10;
	s28 =	sadd.s32 $0xC300, s1;
	[dreg:$0x15] =	wrdreg s22  }
0x1a: {  	s1 =	sadd.s32 $0x2300, s1;
	s5 =	sshrl.u32 s5, $0x3;
	[dreg:$0x6] =	wrdreg s28  }
.Ltmp0:
0x1b: {  	[dreg:$0x7] =	wrdreg s1;
	s5 =	sadd.s32 s0, s5;
	(pc) =	sbr.rel .LBB2_1-.Ltmp0, $4  }
0x1c: {  	s21 =	sshrl.u32 s20, $0x3;
	[dreg:$0x12] =	wrdreg s5;
	s5 =	sadd.s32 s0, s19  }
0x1d: {  	s15 =	simm.s32 $0x14880;
	[dreg:$0x14] =	wrdreg s5;
	s5 =	sadd.s32 s0, s21  }
0x1e: {  	s22 =	simm.s32 $0x15000;
	s0 =	sadd.s32 s0, s7;
	[dreg:$0x16] =	wrdreg s5  }
0x1f: {  	s1 =	simm.s32 $0x0;
	[dreg:$0x18] =	wrdreg s0;
	s0 =	simm.s32 $0x2  }
.LBB2_7:
0x20: {  	[sflag:s0] =	ssyncadd.s32 $0xFFFFC000;
	s1 =	rddreg [dreg:$0x19]  }
.LBB2_8:
0x21: {  	_ =	strace $0x9000004D  }
0x22: {  	[bflag:$0x0] =	sbarrier.arrive $0xFFFF  }
0x23: {  	_ =	strace $0x8000004E  }
0x24: {  	s13 =	rddreg [dreg:$0xa]  }
0x25: {  	[tilespmem:s22], [sflag:$0x3] =	stream.linear.gather [spmem:s13], $0x4000, $0x200038;
	[tilespmem:$0x1D000] =	vst v63  }
0x26: {  	_ =	swait.ge [sflag:s23], $0x4000  }
0x27: {  	[sflag:s23] =	ssyncset.done $0x0  }
0x28: {  	s11 =	rddreg [dreg:$0x10];
	[sflag:s23] =	ssyncadd.s32 $0xFFFFC000  }
0x29: {  	[hbm4b:s11+s4] =	stream.linear.scatter [tilespmem:s22], [sflag:$0x3], $0x4000, $0x200038;
	[tilespmem:$0x1D000] =	vst v63  }
0x2a: {  	_ =	swait.ge [sflag:s23], $0x4000  }
0x2b: {  	[sflag:s23] =	ssyncset.done $0x0  }
0x2c: {  	s12 =	rddreg [dreg:$0x11];
	[sflag:s23] =	ssyncadd.s32 $0xFFFFC000  }
0x2d: {  	[tilespmem:s22], [sflag:$0x3] =	stream.linear.gather [spmem:s12], $0x4000, $0x200038;
	[tilespmem:$0x1D000] =	vst v63  }
0x2e: {  	_ =	swait.ge [sflag:s23], $0x4000  }
0x2f: {  	[sflag:s23] =	ssyncset.done $0x0  }
0x30: {  	s16 =	rddreg [dreg:$0x12];
	[sflag:s23] =	ssyncadd.s32 $0xFFFFC000  }
0x31: {  	[hbm4b:s16+s4] =	stream.linear.scatter [tilespmem:s22], [sflag:$0x3], $0x4000, $0x200038;
	[tilespmem:$0x1D000] =	vst v63  }
0x32: {  	_ =	swait.ge [sflag:s23], $0x4000  }
0x33: {  	[sflag:s23] =	ssyncset.done $0x0  }
0x34: {  	s17 =	rddreg [dreg:$0x13];
	[sflag:s23] =	ssyncadd.s32 $0xFFFFC000  }
0x35: {  	[tilespmem:s22], [sflag:$0x3] =	stream.linear.gather [spmem:s17], $0x4000, $0x200038;
	[tilespmem:$0x1D000] =	vst v63  }
0x36: {  	_ =	swait.ge [sflag:s23], $0x4000  }
0x37: {  	[sflag:s23] =	ssyncset.done $0x0  }
0x38: {  	s18 =	rddreg [dreg:$0x14];
	[sflag:s23] =	ssyncadd.s32 $0xFFFFC000  }
0x39: {  	[hbm4b:s18+s4] =	stream.linear.scatter [tilespmem:s22], [sflag:$0x3], $0x4000, $0x200038;
	[tilespmem:$0x1D000] =	vst v63  }
0x3a: {  	_ =	swait.ge [sflag:s23], $0x4000  }
0x3b: {  	[sflag:s23] =	ssyncset.done $0x0  }
0x3c: {  	s19 =	rddreg [dreg:$0x15];
	[sflag:s23] =	ssyncadd.s32 $0xFFFFC000  }
0x3d: {  	[tilespmem:s22], [sflag:$0x3] =	stream.linear.gather [spmem:s19], $0x4000, $0x200038;
	[tilespmem:$0x1D000] =	vst v63  }
0x3e: {  	_ =	swait.ge [sflag:s23], $0x4000  }
0x3f: {  	[sflag:s23] =	ssyncset.done $0x0  }
0x40: {  	s20 =	rddreg [dreg:$0x16];
	[sflag:s23] =	ssyncadd.s32 $0xFFFFC000  }
0x41: {  	[hbm4b:s20+s4] =	stream.linear.scatter [tilespmem:s22], [sflag:$0x3], $0x4000, $0x200038;
	[tilespmem:$0x1D000] =	vst v63  }
0x42: {  	_ =	swait.ge [sflag:s23], $0x4000  }
0x43: {  	[sflag:s23] =	ssyncset.done $0x0  }
0x44: {  	s21 =	rddreg [dreg:$0x17];
	[sflag:s23] =	ssyncadd.s32 $0xFFFFC000  }
0x45: {  	[tilespmem:s22], [sflag:$0x3] =	stream.linear.gather [spmem:s21], $0x4000, $0x200038;
	[tilespmem:$0x1D000] =	vst v63  }
0x46: {  	_ =	swait.ge [sflag:s23], $0x4000  }
0x47: {  	[sflag:s23] =	ssyncset.done $0x0  }
0x48: {  	s28 =	rddreg [dreg:$0x18];
	[sflag:s23] =	ssyncadd.s32 $0xFFFFC000  }
0x49: {  	[hbm4b:s28+s4] =	stream.linear.scatter [tilespmem:s22], [sflag:$0x3], $0x4000, $0x200038;
	[tilespmem:$0x1D000] =	vst v63  }
0x4a: {  	_ =	swait.ge [sflag:s23], $0x4000  }
0x4b: {  	s1 =	sadd.s32 $0x1, s1;
	s31 =	rddreg [dreg:$0xb]  }
0x4c: {  	p1 =	sne.s32 s1, s31  }
.Ltmp1:
0x4d: {  	_ = 	snop;
	(pc) =	sbr.rel @!p1 .LBB2_9-.Ltmp1, $4  }
0x4e: {  	_ = 	snop  }
0x4f: {  	[sflag:s23] =	ssyncset.done $0x0  }
0x50: {  	[sflag:s23] =	ssyncadd.s32 $0xFFFFC000  }
0x51: {  	_ =	strace $0x9000004E  }
.LBB2_1:
0x52: {  	[dreg:$0x19] =	wrdreg s1  }
0x53: {  	s13 =	rddreg [dreg:$0x8]  }
0x54: {  	[tilespmem:s22], [sflag:$0x3] =	stream.linear.gather [hbm4b:s13+s4], $0x4000, $0x38;
	[tilespmem:$0x1D000] =	vst v63  }
0x55: {  	_ =	swait.ge [sflag:s23], $0x4000  }
0x56: {  	[sflag:s23] =	ssyncset.done $0x0  }
0x57: {  	s19 =	rddreg [dreg:$0x9];
	[sflag:s23] =	ssyncadd.s32 $0xFFFFC000  }
0x58: {  	[spmem:s19] =	stream.linear.scatter [tilespmem:s22], [sflag:$0x3], $0x4000, $0x38;
	[tilespmem:$0x1D000] =	vst v63  }
0x59: {  	_ =	swait.ge [sflag:s23], $0x4000  }
0x5a: {  	[sflag:s23] =	ssyncset.done $0x0  }
0x5b: {  	s20 =	rddreg [dreg:$0xc];
	[sflag:s23] =	ssyncadd.s32 $0xFFFFC000  }
0x5c: {  	[spmem:s20] =	stream.linear.scatter [tilespmem:s22], [sflag:$0x3], $0x4000, $0x38;
	[tilespmem:$0x1D000] =	vst v63  }
0x5d: {  	_ =	swait.ge [sflag:s23], $0x4000  }
0x5e: {  	[sflag:s23] =	ssyncset.done $0x0  }
0x5f: {  	s21 =	rddreg [dreg:$0xd];
	[sflag:s23] =	ssyncadd.s32 $0xFFFFC000  }
0x60: {  	[spmem:s21] =	stream.linear.scatter [tilespmem:s22], [sflag:$0x3], $0x4000, $0x38;
	[tilespmem:$0x1D000] =	vst v63  }
0x61: {  	_ =	swait.ge [sflag:s23], $0x4000  }
0x62: {  	[sflag:s23] =	ssyncset.done $0x0  }
0x63: {  	s28 =	rddreg [dreg:$0xe];
	[sflag:s23] =	ssyncadd.s32 $0xFFFFC000  }
0x64: {  	[spmem:s28] =	stream.linear.scatter [tilespmem:s22], [sflag:$0x3], $0x4000, $0x38;
	[tilespmem:$0x1D000] =	vst v63  }
0x65: {  	_ =	swait.ge [sflag:s23], $0x4000  }
0x66: {  	[sflag:s23] =	ssyncset.done $0x0  }
0x67: {  	s31 =	rddreg [dreg:$0xf];
	[sflag:s23] =	ssyncadd.s32 $0xFFFFC000  }
0x68: {  	[spmem:s31] =	stream.linear.scatter [tilespmem:s22], [sflag:$0x3], $0x4000, $0x38;
	[tilespmem:$0x1D000] =	vst v63  }
.Ltmp2:
0x69: {  	_ =	swait.ge [sflag:s23], $0x4000;
	(pc) =	sbr.rel @!p0 .LBB2_2-.Ltmp2, $4  }
0x6a: {  	[sflag:s23] =	ssyncset.done $0x0  }
0x6b: {  	[sflag:s23] =	ssyncadd.s32 $0xFFFFC000  }
0x6c: {  	[bflag:$0x0] =	sbarrier.arrive $0xFFFF  }
0x6d: {  	_ =	strace $0x8000004D  }
0x6e: {  	s13 =	rddreg [dreg:$0x7]  }
0x6f: {  	s13 =	sadd.s32 $0x0, s13  }
0x70: {  	[tilespmem:s24], [sflag:$0x3] =	stream.linear.gather [hbm4b:s13+s4], $0x800, $0x200038;
	[tilespmem:$0x1D000] =	vst v63  }
0x71: {  	_ =	swait.ge [sflag:s23], $0x800  }
0x72: {  	s10 =	rddreg [dreg:$0x6];
	[sflag:s23] =	ssyncset.done $0x0  }
0x73: {  	[sflag:s23] =	ssyncadd.s32 $0xFFFFF800;
	s13 =	sadd.s32 $0x0, s10  }
0x74: {  	[tilespmem:s25], [sflag:$0x3] =	stream.linear.gather [hbm4b:s13+s4], $0x800, $0x200038;
	[tilespmem:$0x1D000] =	vst v63  }
0x75: {  	_ =	swait.ge [sflag:s23], $0x800  }
0x76: {  	[sflag:s23] =	ssyncset.done $0x0  }
0x77: {  	[sflag:s23] =	ssyncadd.s32 $0xFFFFF800  }
0x78: {  	[tilespmem:s22], [sflag:$0x1] =	stream.indirect.gather [hbm4b:s2+s26], $0x80, s24, s26, $0x2000b8;
	[tilespmem:$0x1D000] =	vst v63  }
0x79: {  	_ = 	snop  }
0x7a: {  	[tilespmem:s29], [sflag:$0x1] =	stream.indirect.gather [hbm4b:s2+s26], $0x80, s14, s26, $0x2000b8;
	[tilespmem:$0x1D000] =	vst v63  }
0x7b: {  	_ =	swait.ge [sflag:s30], $0x4000  }
0x7c: {  	[sflag:s30] =	ssyncset.done $0x0  }
0x7d: {  	[sflag:s30] =	ssyncadd.s32 $0xFFFFC000  }
0x7e: {  	[spmem:s3] =	stream.indirect.scatter.add.f32 [tilespmem:s22], [sflag:$0x2], $0x80, s25, s26, $0x2000b8;
	[tilespmem:$0x1D000] =	vst v63  }
0x7f: {  	_ =	swait.ge [sflag:s30], $0x4000  }
0x80: {  	[sflag:s30] =	ssyncset.done $0x0  }
0x81: {  	[sflag:s30] =	ssyncadd.s32 $0xFFFFC000  }
0x82: {  	[spmem:s3] =	stream.indirect.scatter.add.f32 [tilespmem:s29], [sflag:$0x2], $0x80, s15, s26, $0x2000b8;
	[tilespmem:$0x1D000] =	vst v63  }
0x83: {  	_ =	swait.ge [sflag:s0], $0x4000  }
0x84: {  	[sflag:s0] =	ssyncset.done $0x0  }
0x85: {  	[sflag:s0] =	ssyncadd.s32 $0xFFFFC000  }
0x86: {  	_ =	swait.ge [sflag:s0], $0x4000  }
0x87: {  	[sflag:s0] =	ssyncset.done $0x0  }
0x88: {  	s1 =	simm.s32 $0x14100;
	[sflag:s0] =	ssyncadd.s32 $0xFFFFC000  }
0x89: {  	[tilespmem:s22], [sflag:$0x1] =	stream.indirect.gather [hbm4b:s2+s26], $0x80, s1, s26, $0x2000b8;
	[tilespmem:$0x1D000] =	vst v63  }
0x8a: {  	s11 =	simm.s32 $0x14180  }
0x8b: {  	[tilespmem:s29], [sflag:$0x1] =	stream.indirect.gather [hbm4b:s2+s26], $0x80, s11, s26, $0x2000b8;
	[tilespmem:$0x1D000] =	vst v63  }
0x8c: {  	_ =	swait.ge [sflag:s30], $0x4000  }
0x8d: {  	[sflag:s30] =	ssyncset.done $0x0  }
0x8e: {  	s12 =	simm.s32 $0x14900;
	[sflag:s30] =	ssyncadd.s32 $0xFFFFC000  }
0x8f: {  	[spmem:s3] =	stream.indirect.scatter.add.f32 [tilespmem:s22], [sflag:$0x2], $0x80, s12, s26, $0x2000b8;
	[tilespmem:$0x1D000] =	vst v63  }
0x90: {  	_ =	swait.ge [sflag:s30], $0x4000  }
0x91: {  	[sflag:s30] =	ssyncset.done $0x0  }
0x92: {  	s13 =	simm.s32 $0x14980;
	[sflag:s30] =	ssyncadd.s32 $0xFFFFC000  }
0x93: {  	[spmem:s3] =	stream.indirect.scatter.add.f32 [tilespmem:s29], [sflag:$0x2], $0x80, s13, s26, $0x2000b8;
	[tilespmem:$0x1D000] =	vst v63  }
0x94: {  	_ =	swait.ge [sflag:s0], $0x4000  }
0x95: {  	[sflag:s0] =	ssyncset.done $0x0  }
0x96: {  	[sflag:s0] =	ssyncadd.s32 $0xFFFFC000  }
0x97: {  	_ =	swait.ge [sflag:s0], $0x4000  }
0x98: {  	[sflag:s0] =	ssyncset.done $0x0  }
0x99: {  	s14 =	simm.s32 $0x14200;
	[sflag:s0] =	ssyncadd.s32 $0xFFFFC000  }
0x9a: {  	[tilespmem:s22], [sflag:$0x1] =	stream.indirect.gather [hbm4b:s2+s26], $0x80, s14, s26, $0x2000b8;
	[tilespmem:$0x1D000] =	vst v63  }
0x9b: {  	s15 =	simm.s32 $0x14280  }
0x9c: {  	[tilespmem:s29], [sflag:$0x1] =	stream.indirect.gather [hbm4b:s2+s26], $0x80, s15, s26, $0x2000b8;
	[tilespmem:$0x1D000] =	vst v63  }
0x9d: {  	_ =	swait.ge [sflag:s30], $0x4000  }
0x9e: {  	[sflag:s30] =	ssyncset.done $0x0  }
0x9f: {  	s16 =	simm.s32 $0x14A00;
	[sflag:s30] =	ssyncadd.s32 $0xFFFFC000  }
0xa0: {  	[spmem:s3] =	stream.indirect.scatter.add.f32 [tilespmem:s22], [sflag:$0x2], $0x80, s16, s26, $0x2000b8;
	[tilespmem:$0x1D000] =	vst v63  }
0xa1: {  	_ =	swait.ge [sflag:s30], $0x4000  }
0xa2: {  	[sflag:s30] =	ssyncset.done $0x0  }
0xa3: {  	s17 =	simm.s32 $0x14A80;
	[sflag:s30] =	ssyncadd.s32 $0xFFFFC000  }
0xa4: {  	[spmem:s3] =	stream.indirect.scatter.add.f32 [tilespmem:s29], [sflag:$0x2], $0x80, s17, s26, $0x2000b8;
	[tilespmem:$0x1D000] =	vst v63  }
0xa5: {  	_ =	swait.ge [sflag:s0], $0x4000  }
0xa6: {  	[sflag:s0] =	ssyncset.done $0x0  }
0xa7: {  	[sflag:s0] =	ssyncadd.s32 $0xFFFFC000  }
0xa8: {  	_ =	swait.ge [sflag:s0], $0x4000  }
0xa9: {  	[sflag:s0] =	ssyncset.done $0x0  }
0xaa: {  	s18 =	simm.s32 $0x14300;
	[sflag:s0] =	ssyncadd.s32 $0xFFFFC000  }
0xab: {  	[tilespmem:s22], [sflag:$0x1] =	stream.indirect.gather [hbm4b:s2+s26], $0x80, s18, s26, $0x2000b8;
	[tilespmem:$0x1D000] =	vst v63  }
0xac: {  	s19 =	simm.s32 $0x14380  }
0xad: {  	[tilespmem:s29], [sflag:$0x1] =	stream.indirect.gather [hbm4b:s2+s26], $0x80, s19, s26, $0x2000b8;
	[tilespmem:$0x1D000] =	vst v63  }
0xae: {  	_ =	swait.ge [sflag:s30], $0x4000  }
0xaf: {  	[sflag:s30] =	ssyncset.done $0x0  }
0xb0: {  	s20 =	simm.s32 $0x14B00;
	[sflag:s30] =	ssyncadd.s32 $0xFFFFC000  }
0xb1: {  	[spmem:s3] =	stream.indirect.scatter.add.f32 [tilespmem:s22], [sflag:$0x2], $0x80, s20, s26, $0x2000b8;
	[tilespmem:$0x1D000] =	vst v63  }
0xb2: {  	_ =	swait.ge [sflag:s30], $0x4000  }
0xb3: {  	[sflag:s30] =	ssyncset.done $0x0  }
0xb4: {  	s21 =	simm.s32 $0x14B80;
	[sflag:s30] =	ssyncadd.s32 $0xFFFFC000  }
0xb5: {  	[spmem:s3] =	stream.indirect.scatter.add.f32 [tilespmem:s29], [sflag:$0x2], $0x80, s21, s26, $0x2000b8;
	[tilespmem:$0x1D000] =	vst v63  }
0xb6: {  	_ =	swait.ge [sflag:s0], $0x4000  }
0xb7: {  	[sflag:s0] =	ssyncset.done $0x0  }
0xb8: {  	[sflag:s0] =	ssyncadd.s32 $0xFFFFC000  }
0xb9: {  	_ =	swait.ge [sflag:s0], $0x4000  }
0xba: {  	[sflag:s0] =	ssyncset.done $0x0  }
0xbb: {  	s8 =	simm.s32 $0x14400;
	[sflag:s0] =	ssyncadd.s32 $0xFFFFC000  }
0xbc: {  	[tilespmem:s22], [sflag:$0x1] =	stream.indirect.gather [hbm4b:s2+s26], $0x80, s8, s26, $0x2000b8;
	[tilespmem:$0x1D000] =	vst v63  }
0xbd: {  	s9 =	simm.s32 $0x14480  }
0xbe: {  	[tilespmem:s29], [sflag:$0x1] =	stream.indirect.gather [hbm4b:s2+s26], $0x80, s9, s26, $0x2000b8;
	[tilespmem:$0x1D000] =	vst v63  }
0xbf: {  	_ =	swait.ge [sflag:s30], $0x4000  }
0xc0: {  	[sflag:s30] =	ssyncset.done $0x0  }
0xc1: {  	s10 =	simm.s32 $0x14C00;
	[sflag:s30] =	ssyncadd.s32 $0xFFFFC000  }
0xc2: {  	[spmem:s3] =	stream.indirect.scatter.add.f32 [tilespmem:s22], [sflag:$0x2], $0x80, s10, s26, $0x2000b8;
	[tilespmem:$0x1D000] =	vst v63  }
0xc3: {  	_ =	swait.ge [sflag:s30], $0x4000  }
0xc4: {  	[sflag:s30] =	ssyncset.done $0x0  }
0xc5: {  	s11 =	simm.s32 $0x14C80;
	[sflag:s30] =	ssyncadd.s32 $0xFFFFC000  }
0xc6: {  	[spmem:s3] =	stream.indirect.scatter.add.f32 [tilespmem:s29], [sflag:$0x2], $0x80, s11, s26, $0x2000b8;
	[tilespmem:$0x1D000] =	vst v63  }
0xc7: {  	_ =	swait.ge [sflag:s0], $0x4000  }
0xc8: {  	[sflag:s0] =	ssyncset.done $0x0  }
0xc9: {  	[sflag:s0] =	ssyncadd.s32 $0xFFFFC000  }
0xca: {  	_ =	swait.ge [sflag:s0], $0x4000  }
0xcb: {  	[sflag:s0] =	ssyncset.done $0x0  }
0xcc: {  	s12 =	simm.s32 $0x14500;
	[sflag:s0] =	ssyncadd.s32 $0xFFFFC000  }
0xcd: {  	[tilespmem:s22], [sflag:$0x1] =	stream.indirect.gather [hbm4b:s2+s26], $0x80, s12, s26, $0x2000b8;
	[tilespmem:$0x1D000] =	vst v63  }
0xce: {  	s16 =	simm.s32 $0x14580  }
0xcf: {  	[tilespmem:s29], [sflag:$0x1] =	stream.indirect.gather [hbm4b:s2+s26], $0x80, s16, s26, $0x2000b8;
	[tilespmem:$0x1D000] =	vst v63  }
0xd0: {  	_ =	swait.ge [sflag:s30], $0x4000  }
0xd1: {  	[sflag:s30] =	ssyncset.done $0x0  }
0xd2: {  	s17 =	simm.s32 $0x14D00;
	[sflag:s30] =	ssyncadd.s32 $0xFFFFC000  }
0xd3: {  	[spmem:s3] =	stream.indirect.scatter.add.f32 [tilespmem:s22], [sflag:$0x2], $0x80, s17, s26, $0x2000b8;
	[tilespmem:$0x1D000] =	vst v63  }
0xd4: {  	_ =	swait.ge [sflag:s30], $0x4000  }
0xd5: {  	[sflag:s30] =	ssyncset.done $0x0  }
0xd6: {  	s18 =	simm.s32 $0x14D80;
	[sflag:s30] =	ssyncadd.s32 $0xFFFFC000  }
0xd7: {  	[spmem:s3] =	stream.indirect.scatter.add.f32 [tilespmem:s29], [sflag:$0x2], $0x80, s18, s26, $0x2000b8;
	[tilespmem:$0x1D000] =	vst v63  }
0xd8: {  	_ =	swait.ge [sflag:s0], $0x4000  }
0xd9: {  	[sflag:s0] =	ssyncset.done $0x0  }
0xda: {  	[sflag:s0] =	ssyncadd.s32 $0xFFFFC000  }
0xdb: {  	_ =	swait.ge [sflag:s0], $0x4000  }
0xdc: {  	[sflag:s0] =	ssyncset.done $0x0  }
0xdd: {  	s19 =	simm.s32 $0x14600;
	[sflag:s0] =	ssyncadd.s32 $0xFFFFC000  }
0xde: {  	[tilespmem:s22], [sflag:$0x1] =	stream.indirect.gather [hbm4b:s2+s26], $0x80, s19, s26, $0x2000b8;
	[tilespmem:$0x1D000] =	vst v63  }
0xdf: {  	s20 =	simm.s32 $0x14680  }
0xe0: {  	[tilespmem:s29], [sflag:$0x1] =	stream.indirect.gather [hbm4b:s2+s26], $0x80, s20, s26, $0x2000b8;
	[tilespmem:$0x1D000] =	vst v63  }
0xe1: {  	_ =	swait.ge [sflag:s30], $0x4000  }
0xe2: {  	[sflag:s30] =	ssyncset.done $0x0  }
0xe3: {  	s21 =	simm.s32 $0x14E00;
	[sflag:s30] =	ssyncadd.s32 $0xFFFFC000  }
0xe4: {  	[spmem:s3] =	stream.indirect.scatter.add.f32 [tilespmem:s22], [sflag:$0x2], $0x80, s21, s26, $0x2000b8;
	[tilespmem:$0x1D000] =	vst v63  }
0xe5: {  	_ =	swait.ge [sflag:s30], $0x4000  }
0xe6: {  	[sflag:s30] =	ssyncset.done $0x0  }
0xe7: {  	s6 =	simm.s32 $0x14E80;
	[sflag:s30] =	ssyncadd.s32 $0xFFFFC000  }
0xe8: {  	[spmem:s3] =	stream.indirect.scatter.add.f32 [tilespmem:s29], [sflag:$0x2], $0x80, s6, s26, $0x2000b8;
	[tilespmem:$0x1D000] =	vst v63  }
0xe9: {  	_ =	swait.ge [sflag:s0], $0x4000  }
0xea: {  	[sflag:s0] =	ssyncset.done $0x0  }
0xeb: {  	[sflag:s0] =	ssyncadd.s32 $0xFFFFC000  }
0xec: {  	_ =	swait.ge [sflag:s0], $0x4000  }
0xed: {  	[sflag:s0] =	ssyncset.done $0x0  }
0xee: {  	s28 =	simm.s32 $0x14700;
	[sflag:s0] =	ssyncadd.s32 $0xFFFFC000  }
0xef: {  	[tilespmem:s22], [sflag:$0x1] =	stream.indirect.gather [hbm4b:s2+s26], $0x80, s28, s26, $0x2000b8;
	[tilespmem:$0x1D000] =	vst v63  }
0xf0: {  	s31 =	simm.s32 $0x14780  }
0xf1: {  	[tilespmem:s29], [sflag:$0x1] =	stream.indirect.gather [hbm4b:s2+s26], $0x80, s31, s26, $0x2000b8;
	[tilespmem:$0x1D000] =	vst v63  }
0xf2: {  	_ =	swait.ge [sflag:s30], $0x4000  }
0xf3: {  	[sflag:s30] =	ssyncset.done $0x0  }
0xf4: {  	s1 =	simm.s32 $0x14F00;
	[sflag:s30] =	ssyncadd.s32 $0xFFFFC000  }
0xf5: {  	[spmem:s3] =	stream.indirect.scatter.add.f32 [tilespmem:s22], [sflag:$0x2], $0x80, s1, s26, $0x2000b8;
	[tilespmem:$0x1D000] =	vst v63  }
0xf6: {  	_ =	swait.ge [sflag:s30], $0x4000  }
0xf7: {  	[sflag:s30] =	ssyncset.done $0x0  }
0xf8: {  	s5 =	simm.s32 $0x14F80;
	[sflag:s30] =	ssyncadd.s32 $0xFFFFC000  }
0xf9: {  	[spmem:s3] =	stream.indirect.scatter.add.f32 [tilespmem:s29], [sflag:$0x2], $0x80, s5, s26, $0x2000b8;
	[tilespmem:$0x1D000] =	vst v63  }
0xfa: {  	_ =	swait.ge [sflag:s0], $0x4000  }
0xfb: {  	[sflag:s0] =	ssyncset.done $0x0  }
0xfc: {  	[sflag:s0] =	ssyncadd.s32 $0xFFFFC000  }
0xfd: {  	_ =	swait.ge [sflag:s0], $0x4000  }
0xfe: {  	s13 =	simm.s32 $0x100;
	[sflag:s0] =	ssyncset.done $0x0  }
.LBB2_6:
0xff: {  	s14 =	rddreg [dreg:$0x7];
	s15 =	smov.u32 s13  }
0x100: {  	[sflag:s0] =	ssyncadd.s32 $0xFFFFC000;
	s14 =	sadd.s32 s15, s14  }
0x101: {  	[tilespmem:s24], [sflag:$0x3] =	stream.linear.gather [hbm4b:s14+s4], $0x800, $0x200038;
	[tilespmem:$0x1D000] =	vst v63  }
0x102: {  	_ =	swait.ge [sflag:s23], $0x800  }
0x103: {  	s7 =	rddreg [dreg:$0x6];
	[sflag:s23] =	ssyncset.done $0x0  }
0x104: {  	[sflag:s23] =	ssyncadd.s32 $0xFFFFF800;
	s14 =	sadd.s32 s15, s7  }
0x105: {  	[tilespmem:s25], [sflag:$0x3] =	stream.linear.gather [hbm4b:s14+s4], $0x800, $0x200038;
	[tilespmem:$0x1D000] =	vst v63  }
0x106: {  	_ =	swait.ge [sflag:s23], $0x800  }
0x107: {  	[sflag:s23] =	ssyncset.done $0x0  }
0x108: {  	[sflag:s23] =	ssyncadd.s32 $0xFFFFF800  }
0x109: {  	[tilespmem:s22], [sflag:$0x1] =	stream.indirect.gather [hbm4b:s2+s26], $0x80, s24, s26, $0x2000b8;
	[tilespmem:$0x1D000] =	vst v63  }
0x10a: {  	s14 =	simm.s32 $0x14080  }
0x10b: {  	[tilespmem:s29], [sflag:$0x1] =	stream.indirect.gather [hbm4b:s2+s26], $0x80, s14, s26, $0x2000b8;
	[tilespmem:$0x1D000] =	vst v63  }
0x10c: {  	_ =	swait.ge [sflag:s30], $0x4000  }
0x10d: {  	[sflag:s30] =	ssyncset.done $0x0  }
0x10e: {  	[sflag:s30] =	ssyncadd.s32 $0xFFFFC000  }
0x10f: {  	[spmem:s3] =	stream.indirect.scatter.add.f32 [tilespmem:s22], [sflag:$0x2], $0x80, s25, s26, $0x2000b8;
	[tilespmem:$0x1D000] =	vst v63  }
0x110: {  	_ =	swait.ge [sflag:s30], $0x4000  }
0x111: {  	[sflag:s30] =	ssyncset.done $0x0  }
0x112: {  	s15 =	simm.s32 $0x14880;
	[sflag:s30] =	ssyncadd.s32 $0xFFFFC000  }
0x113: {  	[spmem:s3] =	stream.indirect.scatter.add.f32 [tilespmem:s29], [sflag:$0x2], $0x80, s15, s26, $0x2000b8;
	[tilespmem:$0x1D000] =	vst v63  }
0x114: {  	_ =	swait.ge [sflag:s0], $0x4000  }
0x115: {  	[sflag:s0] =	ssyncset.done $0x0  }
0x116: {  	[sflag:s0] =	ssyncadd.s32 $0xFFFFC000  }
0x117: {  	_ =	swait.ge [sflag:s0], $0x4000  }
0x118: {  	[sflag:s0] =	ssyncset.done $0x0  }
0x119: {  	s7 =	simm.s32 $0x14100;
	[sflag:s0] =	ssyncadd.s32 $0xFFFFC000  }
0x11a: {  	[tilespmem:s22], [sflag:$0x1] =	stream.indirect.gather [hbm4b:s2+s26], $0x80, s7, s26, $0x2000b8;
	[tilespmem:$0x1D000] =	vst v63  }
0x11b: {  	s7 =	simm.s32 $0x14180  }
0x11c: {  	[tilespmem:s29], [sflag:$0x1] =	stream.indirect.gather [hbm4b:s2+s26], $0x80, s7, s26, $0x2000b8;
	[tilespmem:$0x1D000] =	vst v63  }
0x11d: {  	_ =	swait.ge [sflag:s30], $0x4000  }
0x11e: {  	[sflag:s30] =	ssyncset.done $0x0  }
0x11f: {  	s7 =	simm.s32 $0x14900;
	[sflag:s30] =	ssyncadd.s32 $0xFFFFC000  }
0x120: {  	[spmem:s3] =	stream.indirect.scatter.add.f32 [tilespmem:s22], [sflag:$0x2], $0x80, s7, s26, $0x2000b8;
	[tilespmem:$0x1D000] =	vst v63  }
0x121: {  	_ =	swait.ge [sflag:s30], $0x4000  }
0x122: {  	[sflag:s30] =	ssyncset.done $0x0  }
0x123: {  	s7 =	simm.s32 $0x14980;
	[sflag:s30] =	ssyncadd.s32 $0xFFFFC000  }
0x124: {  	[spmem:s3] =	stream.indirect.scatter.add.f32 [tilespmem:s29], [sflag:$0x2], $0x80, s7, s26, $0x2000b8;
	[tilespmem:$0x1D000] =	vst v63  }
0x125: {  	_ =	swait.ge [sflag:s0], $0x4000  }
0x126: {  	[sflag:s0] =	ssyncset.done $0x0  }
0x127: {  	[sflag:s0] =	ssyncadd.s32 $0xFFFFC000  }
0x128: {  	_ =	swait.ge [sflag:s0], $0x4000  }
0x129: {  	[sflag:s0] =	ssyncset.done $0x0  }
0x12a: {  	s7 =	simm.s32 $0x14200;
	[sflag:s0] =	ssyncadd.s32 $0xFFFFC000  }
0x12b: {  	[tilespmem:s22], [sflag:$0x1] =	stream.indirect.gather [hbm4b:s2+s26], $0x80, s7, s26, $0x2000b8;
	[tilespmem:$0x1D000] =	vst v63  }
0x12c: {  	s7 =	simm.s32 $0x14280  }
0x12d: {  	[tilespmem:s29], [sflag:$0x1] =	stream.indirect.gather [hbm4b:s2+s26], $0x80, s7, s26, $0x2000b8;
	[tilespmem:$0x1D000] =	vst v63  }
0x12e: {  	_ =	swait.ge [sflag:s30], $0x4000  }
0x12f: {  	[sflag:s30] =	ssyncset.done $0x0  }
0x130: {  	s7 =	simm.s32 $0x14A00;
	[sflag:s30] =	ssyncadd.s32 $0xFFFFC000  }
0x131: {  	[spmem:s3] =	stream.indirect.scatter.add.f32 [tilespmem:s22], [sflag:$0x2], $0x80, s7, s26, $0x2000b8;
	[tilespmem:$0x1D000] =	vst v63  }
0x132: {  	_ =	swait.ge [sflag:s30], $0x4000  }
0x133: {  	[sflag:s30] =	ssyncset.done $0x0  }
0x134: {  	s7 =	simm.s32 $0x14A80;
	[sflag:s30] =	ssyncadd.s32 $0xFFFFC000  }
0x135: {  	[spmem:s3] =	stream.indirect.scatter.add.f32 [tilespmem:s29], [sflag:$0x2], $0x80, s7, s26, $0x2000b8;
	[tilespmem:$0x1D000] =	vst v63  }
0x136: {  	_ =	swait.ge [sflag:s0], $0x4000  }
0x137: {  	[sflag:s0] =	ssyncset.done $0x0  }
0x138: {  	[sflag:s0] =	ssyncadd.s32 $0xFFFFC000  }
0x139: {  	_ =	swait.ge [sflag:s0], $0x4000  }
0x13a: {  	[sflag:s0] =	ssyncset.done $0x0  }
0x13b: {  	s7 =	simm.s32 $0x14300;
	[sflag:s0] =	ssyncadd.s32 $0xFFFFC000  }
0x13c: {  	[tilespmem:s22], [sflag:$0x1] =	stream.indirect.gather [hbm4b:s2+s26], $0x80, s7, s26, $0x2000b8;
	[tilespmem:$0x1D000] =	vst v63  }
0x13d: {  	s7 =	simm.s32 $0x14380  }
0x13e: {  	[tilespmem:s29], [sflag:$0x1] =	stream.indirect.gather [hbm4b:s2+s26], $0x80, s7, s26, $0x2000b8;
	[tilespmem:$0x1D000] =	vst v63  }
0x13f: {  	_ =	swait.ge [sflag:s30], $0x4000  }
0x140: {  	[sflag:s30] =	ssyncset.done $0x0  }
0x141: {  	s7 =	simm.s32 $0x14B00;
	[sflag:s30] =	ssyncadd.s32 $0xFFFFC000  }
0x142: {  	[spmem:s3] =	stream.indirect.scatter.add.f32 [tilespmem:s22], [sflag:$0x2], $0x80, s7, s26, $0x2000b8;
	[tilespmem:$0x1D000] =	vst v63  }
0x143: {  	_ =	swait.ge [sflag:s30], $0x4000  }
0x144: {  	[sflag:s30] =	ssyncset.done $0x0  }
0x145: {  	s7 =	simm.s32 $0x14B80;
	[sflag:s30] =	ssyncadd.s32 $0xFFFFC000  }
0x146: {  	[spmem:s3] =	stream.indirect.scatter.add.f32 [tilespmem:s29], [sflag:$0x2], $0x80, s7, s26, $0x2000b8;
	[tilespmem:$0x1D000] =	vst v63  }
0x147: {  	_ =	swait.ge [sflag:s0], $0x4000  }
0x148: {  	[sflag:s0] =	ssyncset.done $0x0  }
0x149: {  	[sflag:s0] =	ssyncadd.s32 $0xFFFFC000  }
0x14a: {  	_ =	swait.ge [sflag:s0], $0x4000  }
0x14b: {  	[sflag:s0] =	ssyncset.done $0x0  }
0x14c: {  	[sflag:s0] =	ssyncadd.s32 $0xFFFFC000  }
0x14d: {  	[tilespmem:s22], [sflag:$0x1] =	stream.indirect.gather [hbm4b:s2+s26], $0x80, s8, s26, $0x2000b8;
	[tilespmem:$0x1D000] =	vst v63  }
0x14e: {  	_ = 	snop  }
0x14f: {  	[tilespmem:s29], [sflag:$0x1] =	stream.indirect.gather [hbm4b:s2+s26], $0x80, s9, s26, $0x2000b8;
	[tilespmem:$0x1D000] =	vst v63  }
0x150: {  	_ =	swait.ge [sflag:s30], $0x4000  }
0x151: {  	[sflag:s30] =	ssyncset.done $0x0  }
0x152: {  	[sflag:s30] =	ssyncadd.s32 $0xFFFFC000  }
0x153: {  	[spmem:s3] =	stream.indirect.scatter.add.f32 [tilespmem:s22], [sflag:$0x2], $0x80, s10, s26, $0x2000b8;
	[tilespmem:$0x1D000] =	vst v63  }
0x154: {  	_ =	swait.ge [sflag:s30], $0x4000  }
0x155: {  	[sflag:s30] =	ssyncset.done $0x0  }
0x156: {  	[sflag:s30] =	ssyncadd.s32 $0xFFFFC000  }
0x157: {  	[spmem:s3] =	stream.indirect.scatter.add.f32 [tilespmem:s29], [sflag:$0x2], $0x80, s11, s26, $0x2000b8;
	[tilespmem:$0x1D000] =	vst v63  }
0x158: {  	_ =	swait.ge [sflag:s0], $0x4000  }
0x159: {  	[sflag:s0] =	ssyncset.done $0x0  }
0x15a: {  	[sflag:s0] =	ssyncadd.s32 $0xFFFFC000  }
0x15b: {  	_ =	swait.ge [sflag:s0], $0x4000  }
0x15c: {  	[sflag:s0] =	ssyncset.done $0x0  }
0x15d: {  	[sflag:s0] =	ssyncadd.s32 $0xFFFFC000  }
0x15e: {  	[tilespmem:s22], [sflag:$0x1] =	stream.indirect.gather [hbm4b:s2+s26], $0x80, s12, s26, $0x2000b8;
	[tilespmem:$0x1D000] =	vst v63  }
0x15f: {  	_ = 	snop  }
0x160: {  	[tilespmem:s29], [sflag:$0x1] =	stream.indirect.gather [hbm4b:s2+s26], $0x80, s16, s26, $0x2000b8;
	[tilespmem:$0x1D000] =	vst v63  }
0x161: {  	_ =	swait.ge [sflag:s30], $0x4000  }
0x162: {  	[sflag:s30] =	ssyncset.done $0x0  }
0x163: {  	[sflag:s30] =	ssyncadd.s32 $0xFFFFC000  }
0x164: {  	[spmem:s3] =	stream.indirect.scatter.add.f32 [tilespmem:s22], [sflag:$0x2], $0x80, s17, s26, $0x2000b8;
	[tilespmem:$0x1D000] =	vst v63  }
0x165: {  	_ =	swait.ge [sflag:s30], $0x4000  }
0x166: {  	[sflag:s30] =	ssyncset.done $0x0  }
0x167: {  	[sflag:s30] =	ssyncadd.s32 $0xFFFFC000  }
0x168: {  	[spmem:s3] =	stream.indirect.scatter.add.f32 [tilespmem:s29], [sflag:$0x2], $0x80, s18, s26, $0x2000b8;
	[tilespmem:$0x1D000] =	vst v63  }
0x169: {  	_ =	swait.ge [sflag:s0], $0x4000  }
0x16a: {  	[sflag:s0] =	ssyncset.done $0x0  }
0x16b: {  	[sflag:s0] =	ssyncadd.s32 $0xFFFFC000  }
0x16c: {  	_ =	swait.ge [sflag:s0], $0x4000  }
0x16d: {  	[sflag:s0] =	ssyncset.done $0x0  }
0x16e: {  	[sflag:s0] =	ssyncadd.s32 $0xFFFFC000  }
0x16f: {  	[tilespmem:s22], [sflag:$0x1] =	stream.indirect.gather [hbm4b:s2+s26], $0x80, s19, s26, $0x2000b8;
	[tilespmem:$0x1D000] =	vst v63  }
0x170: {  	_ = 	snop  }
0x171: {  	[tilespmem:s29], [sflag:$0x1] =	stream.indirect.gather [hbm4b:s2+s26], $0x80, s20, s26, $0x2000b8;
	[tilespmem:$0x1D000] =	vst v63  }
0x172: {  	_ =	swait.ge [sflag:s30], $0x4000  }
0x173: {  	[sflag:s30] =	ssyncset.done $0x0  }
0x174: {  	[sflag:s30] =	ssyncadd.s32 $0xFFFFC000  }
0x175: {  	[spmem:s3] =	stream.indirect.scatter.add.f32 [tilespmem:s22], [sflag:$0x2], $0x80, s21, s26, $0x2000b8;
	[tilespmem:$0x1D000] =	vst v63  }
0x176: {  	_ =	swait.ge [sflag:s30], $0x4000  }
0x177: {  	[sflag:s30] =	ssyncset.done $0x0  }
0x178: {  	[sflag:s30] =	ssyncadd.s32 $0xFFFFC000  }
0x179: {  	[spmem:s3] =	stream.indirect.scatter.add.f32 [tilespmem:s29], [sflag:$0x2], $0x80, s6, s26, $0x2000b8;
	[tilespmem:$0x1D000] =	vst v63  }
0x17a: {  	_ =	swait.ge [sflag:s0], $0x4000  }
0x17b: {  	[sflag:s0] =	ssyncset.done $0x0  }
0x17c: {  	[sflag:s0] =	ssyncadd.s32 $0xFFFFC000  }
0x17d: {  	_ =	swait.ge [sflag:s0], $0x4000  }
0x17e: {  	[sflag:s0] =	ssyncset.done $0x0  }
0x17f: {  	[sflag:s0] =	ssyncadd.s32 $0xFFFFC000  }
0x180: {  	[tilespmem:s22], [sflag:$0x1] =	stream.indirect.gather [hbm4b:s2+s26], $0x80, s28, s26, $0x2000b8;
	[tilespmem:$0x1D000] =	vst v63  }
0x181: {  	_ = 	snop  }
0x182: {  	[tilespmem:s29], [sflag:$0x1] =	stream.indirect.gather [hbm4b:s2+s26], $0x80, s31, s26, $0x2000b8;
	[tilespmem:$0x1D000] =	vst v63  }
0x183: {  	_ =	swait.ge [sflag:s30], $0x4000  }
0x184: {  	[sflag:s30] =	ssyncset.done $0x0  }
0x185: {  	[sflag:s30] =	ssyncadd.s32 $0xFFFFC000  }
0x186: {  	[spmem:s3] =	stream.indirect.scatter.add.f32 [tilespmem:s22], [sflag:$0x2], $0x80, s1, s26, $0x2000b8;
	[tilespmem:$0x1D000] =	vst v63  }
0x187: {  	_ =	swait.ge [sflag:s30], $0x4000  }
0x188: {  	[sflag:s30] =	ssyncset.done $0x0  }
0x189: {  	p1 =	sne.s32 s13, $0x400;
	[sflag:s30] =	ssyncadd.s32 $0xFFFFC000  }
0x18a: {  	[spmem:s3] =	stream.indirect.scatter.add.f32 [tilespmem:s29], [sflag:$0x2], $0x80, s5, s26, $0x2000b8;
	[tilespmem:$0x1D000] =	vst v63  }
.Ltmp3:
0x18b: {  	_ =	swait.ge [sflag:s0], $0x4000;
	(pc) =	sbr.rel @p1 .LBB2_6-.Ltmp3, $4  }
0x18c: {  	[sflag:s0] =	ssyncset.done $0x0  }
0x18d: {  	[sflag:s0] =	ssyncadd.s32 $0xFFFFC000  }
0x18e: {  	_ =	swait.ge [sflag:s0], $0x4000  }
0x18f: {  	s13 =	sadd.s32 $0x100, s13;
	[sflag:s0] =	ssyncset.done $0x0  }
.Ltmp4:
0x190: {  	_ = 	snop;
	(pc) =	sbr.rel .LBB2_7-.Ltmp4, $1  }
0x191: {  	_ =	sdelay $0x3  }
.LBB2_2:
0x192: {  	s13 =	rddreg [dreg:$0x5]  }
0x193: {  	s13 =	sadd.s32 $0x0, s13  }
0x194: {  	[tilespmem:s24], [sflag:$0x3] =	stream.linear.gather [hbm4b:s13+s4], $0x800, $0x200038;
	[tilespmem:$0x1D000] =	vst v63  }
0x195: {  	_ =	swait.ge [sflag:s23], $0x800  }
0x196: {  	s10 =	rddreg [dreg:$0x4];
	[sflag:s23] =	ssyncset.done $0x0  }
0x197: {  	[sflag:s23] =	ssyncadd.s32 $0xFFFFF800;
	s13 =	sadd.s32 $0x0, s10  }
0x198: {  	[tilespmem:s25], [sflag:$0x3] =	stream.linear.gather [hbm4b:s13+s4], $0x800, $0x200038;
	[tilespmem:$0x1D000] =	vst v63  }
0x199: {  	_ =	swait.ge [sflag:s23], $0x800  }
0x19a: {  	[sflag:s23] =	ssyncset.done $0x0  }
0x19b: {  	[sflag:s23] =	ssyncadd.s32 $0xFFFFF800  }
0x19c: {  	[tilespmem:s22], [sflag:$0x1] =	stream.indirect.gather [hbm4b:s2+s26], $0x80, s24, s26, $0x2000b8;
	[tilespmem:$0x1D000] =	vst v63  }
0x19d: {  	_ = 	snop  }
0x19e: {  	[tilespmem:s29], [sflag:$0x1] =	stream.indirect.gather [hbm4b:s2+s26], $0x80, s14, s26, $0x2000b8;
	[tilespmem:$0x1D000] =	vst v63  }
0x19f: {  	_ =	swait.ge [sflag:s30], $0x4000  }
0x1a0: {  	[sflag:s30] =	ssyncset.done $0x0  }
0x1a1: {  	[sflag:s30] =	ssyncadd.s32 $0xFFFFC000  }
0x1a2: {  	[spmem:s3] =	stream.indirect.scatter.add.f32 [tilespmem:s22], [sflag:$0x2], $0x80, s25, s26, $0x2000b8;
	[tilespmem:$0x1D000] =	vst v63  }
0x1a3: {  	_ =	swait.ge [sflag:s30], $0x4000  }
0x1a4: {  	[sflag:s30] =	ssyncset.done $0x0  }
0x1a5: {  	[sflag:s30] =	ssyncadd.s32 $0xFFFFC000  }
0x1a6: {  	[spmem:s3] =	stream.indirect.scatter.add.f32 [tilespmem:s29], [sflag:$0x2], $0x80, s15, s26, $0x2000b8;
	[tilespmem:$0x1D000] =	vst v63  }
0x1a7: {  	_ =	swait.ge [sflag:s0], $0x4000  }
0x1a8: {  	[sflag:s0] =	ssyncset.done $0x0  }
0x1a9: {  	[sflag:s0] =	ssyncadd.s32 $0xFFFFC000  }
0x1aa: {  	_ =	swait.ge [sflag:s0], $0x4000  }
0x1ab: {  	[sflag:s0] =	ssyncset.done $0x0  }
0x1ac: {  	s1 =	simm.s32 $0x14100;
	[sflag:s0] =	ssyncadd.s32 $0xFFFFC000  }
0x1ad: {  	[tilespmem:s22], [sflag:$0x1] =	stream.indirect.gather [hbm4b:s2+s26], $0x80, s1, s26, $0x2000b8;
	[tilespmem:$0x1D000] =	vst v63  }
0x1ae: {  	s11 =	simm.s32 $0x14180  }
0x1af: {  	[tilespmem:s29], [sflag:$0x1] =	stream.indirect.gather [hbm4b:s2+s26], $0x80, s11, s26, $0x2000b8;
	[tilespmem:$0x1D000] =	vst v63  }
0x1b0: {  	_ =	swait.ge [sflag:s30], $0x4000  }
0x1b1: {  	[sflag:s30] =	ssyncset.done $0x0  }
0x1b2: {  	s12 =	simm.s32 $0x14900;
	[sflag:s30] =	ssyncadd.s32 $0xFFFFC000  }
0x1b3: {  	[spmem:s3] =	stream.indirect.scatter.add.f32 [tilespmem:s22], [sflag:$0x2], $0x80, s12, s26, $0x2000b8;
	[tilespmem:$0x1D000] =	vst v63  }
0x1b4: {  	_ =	swait.ge [sflag:s30], $0x4000  }
0x1b5: {  	[sflag:s30] =	ssyncset.done $0x0  }
0x1b6: {  	s13 =	simm.s32 $0x14980;
	[sflag:s30] =	ssyncadd.s32 $0xFFFFC000  }
0x1b7: {  	[spmem:s3] =	stream.indirect.scatter.add.f32 [tilespmem:s29], [sflag:$0x2], $0x80, s13, s26, $0x2000b8;
	[tilespmem:$0x1D000] =	vst v63  }
0x1b8: {  	_ =	swait.ge [sflag:s0], $0x4000  }
0x1b9: {  	[sflag:s0] =	ssyncset.done $0x0  }
0x1ba: {  	[sflag:s0] =	ssyncadd.s32 $0xFFFFC000  }
0x1bb: {  	_ =	swait.ge [sflag:s0], $0x4000  }
0x1bc: {  	[sflag:s0] =	ssyncset.done $0x0  }
0x1bd: {  	s14 =	simm.s32 $0x14200;
	[sflag:s0] =	ssyncadd.s32 $0xFFFFC000  }
0x1be: {  	[tilespmem:s22], [sflag:$0x1] =	stream.indirect.gather [hbm4b:s2+s26], $0x80, s14, s26, $0x2000b8;
	[tilespmem:$0x1D000] =	vst v63  }
0x1bf: {  	s15 =	simm.s32 $0x14280  }
0x1c0: {  	[tilespmem:s29], [sflag:$0x1] =	stream.indirect.gather [hbm4b:s2+s26], $0x80, s15, s26, $0x2000b8;
	[tilespmem:$0x1D000] =	vst v63  }
0x1c1: {  	_ =	swait.ge [sflag:s30], $0x4000  }
0x1c2: {  	[sflag:s30] =	ssyncset.done $0x0  }
0x1c3: {  	s16 =	simm.s32 $0x14A00;
	[sflag:s30] =	ssyncadd.s32 $0xFFFFC000  }
0x1c4: {  	[spmem:s3] =	stream.indirect.scatter.add.f32 [tilespmem:s22], [sflag:$0x2], $0x80, s16, s26, $0x2000b8;
	[tilespmem:$0x1D000] =	vst v63  }
0x1c5: {  	_ =	swait.ge [sflag:s30], $0x4000  }
0x1c6: {  	[sflag:s30] =	ssyncset.done $0x0  }
0x1c7: {  	s17 =	simm.s32 $0x14A80;
	[sflag:s30] =	ssyncadd.s32 $0xFFFFC000  }
0x1c8: {  	[spmem:s3] =	stream.indirect.scatter.add.f32 [tilespmem:s29], [sflag:$0x2], $0x80, s17, s26, $0x2000b8;
	[tilespmem:$0x1D000] =	vst v63  }
0x1c9: {  	_ =	swait.ge [sflag:s0], $0x4000  }
0x1ca: {  	[sflag:s0] =	ssyncset.done $0x0  }
0x1cb: {  	[sflag:s0] =	ssyncadd.s32 $0xFFFFC000  }
0x1cc: {  	_ =	swait.ge [sflag:s0], $0x4000  }
0x1cd: {  	[sflag:s0] =	ssyncset.done $0x0  }
0x1ce: {  	s18 =	simm.s32 $0x14300;
	[sflag:s0] =	ssyncadd.s32 $0xFFFFC000  }
0x1cf: {  	[tilespmem:s22], [sflag:$0x1] =	stream.indirect.gather [hbm4b:s2+s26], $0x80, s18, s26, $0x2000b8;
	[tilespmem:$0x1D000] =	vst v63  }
0x1d0: {  	s19 =	simm.s32 $0x14380  }
0x1d1: {  	[tilespmem:s29], [sflag:$0x1] =	stream.indirect.gather [hbm4b:s2+s26], $0x80, s19, s26, $0x2000b8;
	[tilespmem:$0x1D000] =	vst v63  }
0x1d2: {  	_ =	swait.ge [sflag:s30], $0x4000  }
0x1d3: {  	[sflag:s30] =	ssyncset.done $0x0  }
0x1d4: {  	s20 =	simm.s32 $0x14B00;
	[sflag:s30] =	ssyncadd.s32 $0xFFFFC000  }
0x1d5: {  	[spmem:s3] =	stream.indirect.scatter.add.f32 [tilespmem:s22], [sflag:$0x2], $0x80, s20, s26, $0x2000b8;
	[tilespmem:$0x1D000] =	vst v63  }
0x1d6: {  	_ =	swait.ge [sflag:s30], $0x4000  }
0x1d7: {  	[sflag:s30] =	ssyncset.done $0x0  }
0x1d8: {  	s21 =	simm.s32 $0x14B80;
	[sflag:s30] =	ssyncadd.s32 $0xFFFFC000  }
0x1d9: {  	[spmem:s3] =	stream.indirect.scatter.add.f32 [tilespmem:s29], [sflag:$0x2], $0x80, s21, s26, $0x2000b8;
	[tilespmem:$0x1D000] =	vst v63  }
0x1da: {  	_ =	swait.ge [sflag:s0], $0x4000  }
0x1db: {  	[sflag:s0] =	ssyncset.done $0x0  }
0x1dc: {  	[sflag:s0] =	ssyncadd.s32 $0xFFFFC000  }
0x1dd: {  	_ =	swait.ge [sflag:s0], $0x4000  }
0x1de: {  	[sflag:s0] =	ssyncset.done $0x0  }
0x1df: {  	s8 =	simm.s32 $0x14400;
	[sflag:s0] =	ssyncadd.s32 $0xFFFFC000  }
0x1e0: {  	[tilespmem:s22], [sflag:$0x1] =	stream.indirect.gather [hbm4b:s2+s26], $0x80, s8, s26, $0x2000b8;
	[tilespmem:$0x1D000] =	vst v63  }
0x1e1: {  	s9 =	simm.s32 $0x14480  }
0x1e2: {  	[tilespmem:s29], [sflag:$0x1] =	stream.indirect.gather [hbm4b:s2+s26], $0x80, s9, s26, $0x2000b8;
	[tilespmem:$0x1D000] =	vst v63  }
0x1e3: {  	_ =	swait.ge [sflag:s30], $0x4000  }
0x1e4: {  	[sflag:s30] =	ssyncset.done $0x0  }
0x1e5: {  	s10 =	simm.s32 $0x14C00;
	[sflag:s30] =	ssyncadd.s32 $0xFFFFC000  }
0x1e6: {  	[spmem:s3] =	stream.indirect.scatter.add.f32 [tilespmem:s22], [sflag:$0x2], $0x80, s10, s26, $0x2000b8;
	[tilespmem:$0x1D000] =	vst v63  }
0x1e7: {  	_ =	swait.ge [sflag:s30], $0x4000  }
0x1e8: {  	[sflag:s30] =	ssyncset.done $0x0  }
0x1e9: {  	s11 =	simm.s32 $0x14C80;
	[sflag:s30] =	ssyncadd.s32 $0xFFFFC000  }
0x1ea: {  	[spmem:s3] =	stream.indirect.scatter.add.f32 [tilespmem:s29], [sflag:$0x2], $0x80, s11, s26, $0x2000b8;
	[tilespmem:$0x1D000] =	vst v63  }
0x1eb: {  	_ =	swait.ge [sflag:s0], $0x4000  }
0x1ec: {  	[sflag:s0] =	ssyncset.done $0x0  }
0x1ed: {  	[sflag:s0] =	ssyncadd.s32 $0xFFFFC000  }
0x1ee: {  	_ =	swait.ge [sflag:s0], $0x4000  }
0x1ef: {  	[sflag:s0] =	ssyncset.done $0x0  }
0x1f0: {  	s12 =	simm.s32 $0x14500;
	[sflag:s0] =	ssyncadd.s32 $0xFFFFC000  }
0x1f1: {  	[tilespmem:s22], [sflag:$0x1] =	stream.indirect.gather [hbm4b:s2+s26], $0x80, s12, s26, $0x2000b8;
	[tilespmem:$0x1D000] =	vst v63  }
0x1f2: {  	s16 =	simm.s32 $0x14580  }
0x1f3: {  	[tilespmem:s29], [sflag:$0x1] =	stream.indirect.gather [hbm4b:s2+s26], $0x80, s16, s26, $0x2000b8;
	[tilespmem:$0x1D000] =	vst v63  }
0x1f4: {  	_ =	swait.ge [sflag:s30], $0x4000  }
0x1f5: {  	[sflag:s30] =	ssyncset.done $0x0  }
0x1f6: {  	s17 =	simm.s32 $0x14D00;
	[sflag:s30] =	ssyncadd.s32 $0xFFFFC000  }
0x1f7: {  	[spmem:s3] =	stream.indirect.scatter.add.f32 [tilespmem:s22], [sflag:$0x2], $0x80, s17, s26, $0x2000b8;
	[tilespmem:$0x1D000] =	vst v63  }
0x1f8: {  	_ =	swait.ge [sflag:s30], $0x4000  }
0x1f9: {  	[sflag:s30] =	ssyncset.done $0x0  }
0x1fa: {  	s18 =	simm.s32 $0x14D80;
	[sflag:s30] =	ssyncadd.s32 $0xFFFFC000  }
0x1fb: {  	[spmem:s3] =	stream.indirect.scatter.add.f32 [tilespmem:s29], [sflag:$0x2], $0x80, s18, s26, $0x2000b8;
	[tilespmem:$0x1D000] =	vst v63  }
0x1fc: {  	_ =	swait.ge [sflag:s0], $0x4000  }
0x1fd: {  	[sflag:s0] =	ssyncset.done $0x0  }
0x1fe: {  	[sflag:s0] =	ssyncadd.s32 $0xFFFFC000  }
0x1ff: {  	_ =	swait.ge [sflag:s0], $0x4000  }
0x200: {  	[sflag:s0] =	ssyncset.done $0x0  }
0x201: {  	s19 =	simm.s32 $0x14600;
	[sflag:s0] =	ssyncadd.s32 $0xFFFFC000  }
0x202: {  	[tilespmem:s22], [sflag:$0x1] =	stream.indirect.gather [hbm4b:s2+s26], $0x80, s19, s26, $0x2000b8;
	[tilespmem:$0x1D000] =	vst v63  }
0x203: {  	s20 =	simm.s32 $0x14680  }
0x204: {  	[tilespmem:s29], [sflag:$0x1] =	stream.indirect.gather [hbm4b:s2+s26], $0x80, s20, s26, $0x2000b8;
	[tilespmem:$0x1D000] =	vst v63  }
0x205: {  	_ =	swait.ge [sflag:s30], $0x4000  }
0x206: {  	[sflag:s30] =	ssyncset.done $0x0  }
0x207: {  	s21 =	simm.s32 $0x14E00;
	[sflag:s30] =	ssyncadd.s32 $0xFFFFC000  }
0x208: {  	[spmem:s3] =	stream.indirect.scatter.add.f32 [tilespmem:s22], [sflag:$0x2], $0x80, s21, s26, $0x2000b8;
	[tilespmem:$0x1D000] =	vst v63  }
0x209: {  	_ =	swait.ge [sflag:s30], $0x4000  }
0x20a: {  	[sflag:s30] =	ssyncset.done $0x0  }
0x20b: {  	s6 =	simm.s32 $0x14E80;
	[sflag:s30] =	ssyncadd.s32 $0xFFFFC000  }
0x20c: {  	[spmem:s3] =	stream.indirect.scatter.add.f32 [tilespmem:s29], [sflag:$0x2], $0x80, s6, s26, $0x2000b8;
	[tilespmem:$0x1D000] =	vst v63  }
0x20d: {  	_ =	swait.ge [sflag:s0], $0x4000  }
0x20e: {  	[sflag:s0] =	ssyncset.done $0x0  }
0x20f: {  	[sflag:s0] =	ssyncadd.s32 $0xFFFFC000  }
0x210: {  	_ =	swait.ge [sflag:s0], $0x4000  }
0x211: {  	[sflag:s0] =	ssyncset.done $0x0  }
0x212: {  	s28 =	simm.s32 $0x14700;
	[sflag:s0] =	ssyncadd.s32 $0xFFFFC000  }
0x213: {  	[tilespmem:s22], [sflag:$0x1] =	stream.indirect.gather [hbm4b:s2+s26], $0x80, s28, s26, $0x2000b8;
	[tilespmem:$0x1D000] =	vst v63  }
0x214: {  	s31 =	simm.s32 $0x14780  }
0x215: {  	[tilespmem:s29], [sflag:$0x1] =	stream.indirect.gather [hbm4b:s2+s26], $0x80, s31, s26, $0x2000b8;
	[tilespmem:$0x1D000] =	vst v63  }
0x216: {  	_ =	swait.ge [sflag:s30], $0x4000  }
0x217: {  	[sflag:s30] =	ssyncset.done $0x0  }
0x218: {  	s1 =	simm.s32 $0x14F00;
	[sflag:s30] =	ssyncadd.s32 $0xFFFFC000  }
0x219: {  	[spmem:s3] =	stream.indirect.scatter.add.f32 [tilespmem:s22], [sflag:$0x2], $0x80, s1, s26, $0x2000b8;
	[tilespmem:$0x1D000] =	vst v63  }
0x21a: {  	_ =	swait.ge [sflag:s30], $0x4000  }
0x21b: {  	[sflag:s30] =	ssyncset.done $0x0  }
0x21c: {  	s5 =	simm.s32 $0x14F80;
	[sflag:s30] =	ssyncadd.s32 $0xFFFFC000  }
0x21d: {  	[spmem:s3] =	stream.indirect.scatter.add.f32 [tilespmem:s29], [sflag:$0x2], $0x80, s5, s26, $0x2000b8;
	[tilespmem:$0x1D000] =	vst v63  }
0x21e: {  	_ =	swait.ge [sflag:s0], $0x4000  }
0x21f: {  	[sflag:s0] =	ssyncset.done $0x0  }
0x220: {  	[sflag:s0] =	ssyncadd.s32 $0xFFFFC000  }
0x221: {  	_ =	swait.ge [sflag:s0], $0x4000  }
0x222: {  	s13 =	simm.s32 $0x100;
	[sflag:s0] =	ssyncset.done $0x0  }
.LBB2_3:
0x223: {  	s14 =	rddreg [dreg:$0x5];
	s15 =	smov.u32 s13  }
0x224: {  	[sflag:s0] =	ssyncadd.s32 $0xFFFFC000;
	s14 =	sadd.s32 s15, s14  }
0x225: {  	[tilespmem:s24], [sflag:$0x3] =	stream.linear.gather [hbm4b:s14+s4], $0x800, $0x200038;
	[tilespmem:$0x1D000] =	vst v63  }
0x226: {  	_ =	swait.ge [sflag:s23], $0x800  }
0x227: {  	s7 =	rddreg [dreg:$0x4];
	[sflag:s23] =	ssyncset.done $0x0  }
0x228: {  	[sflag:s23] =	ssyncadd.s32 $0xFFFFF800;
	s14 =	sadd.s32 s15, s7  }
0x229: {  	[tilespmem:s25], [sflag:$0x3] =	stream.linear.gather [hbm4b:s14+s4], $0x800, $0x200038;
	[tilespmem:$0x1D000] =	vst v63  }
0x22a: {  	_ =	swait.ge [sflag:s23], $0x800  }
0x22b: {  	[sflag:s23] =	ssyncset.done $0x0  }
0x22c: {  	[sflag:s23] =	ssyncadd.s32 $0xFFFFF800  }
0x22d: {  	[tilespmem:s22], [sflag:$0x1] =	stream.indirect.gather [hbm4b:s2+s26], $0x80, s24, s26, $0x2000b8;
	[tilespmem:$0x1D000] =	vst v63  }
0x22e: {  	s14 =	simm.s32 $0x14080  }
0x22f: {  	[tilespmem:s29], [sflag:$0x1] =	stream.indirect.gather [hbm4b:s2+s26], $0x80, s14, s26, $0x2000b8;
	[tilespmem:$0x1D000] =	vst v63  }
0x230: {  	_ =	swait.ge [sflag:s30], $0x4000  }
0x231: {  	[sflag:s30] =	ssyncset.done $0x0  }
0x232: {  	[sflag:s30] =	ssyncadd.s32 $0xFFFFC000  }
0x233: {  	[spmem:s3] =	stream.indirect.scatter.add.f32 [tilespmem:s22], [sflag:$0x2], $0x80, s25, s26, $0x2000b8;
	[tilespmem:$0x1D000] =	vst v63  }
0x234: {  	_ =	swait.ge [sflag:s30], $0x4000  }
0x235: {  	[sflag:s30] =	ssyncset.done $0x0  }
0x236: {  	s15 =	simm.s32 $0x14880;
	[sflag:s30] =	ssyncadd.s32 $0xFFFFC000  }
0x237: {  	[spmem:s3] =	stream.indirect.scatter.add.f32 [tilespmem:s29], [sflag:$0x2], $0x80, s15, s26, $0x2000b8;
	[tilespmem:$0x1D000] =	vst v63  }
0x238: {  	_ =	swait.ge [sflag:s0], $0x4000  }
0x239: {  	[sflag:s0] =	ssyncset.done $0x0  }
0x23a: {  	[sflag:s0] =	ssyncadd.s32 $0xFFFFC000  }
0x23b: {  	_ =	swait.ge [sflag:s0], $0x4000  }
0x23c: {  	[sflag:s0] =	ssyncset.done $0x0  }
0x23d: {  	s7 =	simm.s32 $0x14100;
	[sflag:s0] =	ssyncadd.s32 $0xFFFFC000  }
0x23e: {  	[tilespmem:s22], [sflag:$0x1] =	stream.indirect.gather [hbm4b:s2+s26], $0x80, s7, s26, $0x2000b8;
	[tilespmem:$0x1D000] =	vst v63  }
0x23f: {  	s7 =	simm.s32 $0x14180  }
0x240: {  	[tilespmem:s29], [sflag:$0x1] =	stream.indirect.gather [hbm4b:s2+s26], $0x80, s7, s26, $0x2000b8;
	[tilespmem:$0x1D000] =	vst v63  }
0x241: {  	_ =	swait.ge [sflag:s30], $0x4000  }
0x242: {  	[sflag:s30] =	ssyncset.done $0x0  }
0x243: {  	s7 =	simm.s32 $0x14900;
	[sflag:s30] =	ssyncadd.s32 $0xFFFFC000  }
0x244: {  	[spmem:s3] =	stream.indirect.scatter.add.f32 [tilespmem:s22], [sflag:$0x2], $0x80, s7, s26, $0x2000b8;
	[tilespmem:$0x1D000] =	vst v63  }
0x245: {  	_ =	swait.ge [sflag:s30], $0x4000  }
0x246: {  	[sflag:s30] =	ssyncset.done $0x0  }
0x247: {  	s7 =	simm.s32 $0x14980;
	[sflag:s30] =	ssyncadd.s32 $0xFFFFC000  }
0x248: {  	[spmem:s3] =	stream.indirect.scatter.add.f32 [tilespmem:s29], [sflag:$0x2], $0x80, s7, s26, $0x2000b8;
	[tilespmem:$0x1D000] =	vst v63  }
0x249: {  	_ =	swait.ge [sflag:s0], $0x4000  }
0x24a: {  	[sflag:s0] =	ssyncset.done $0x0  }
0x24b: {  	[sflag:s0] =	ssyncadd.s32 $0xFFFFC000  }
0x24c: {  	_ =	swait.ge [sflag:s0], $0x4000  }
0x24d: {  	[sflag:s0] =	ssyncset.done $0x0  }
0x24e: {  	s7 =	simm.s32 $0x14200;
	[sflag:s0] =	ssyncadd.s32 $0xFFFFC000  }
0x24f: {  	[tilespmem:s22], [sflag:$0x1] =	stream.indirect.gather [hbm4b:s2+s26], $0x80, s7, s26, $0x2000b8;
	[tilespmem:$0x1D000] =	vst v63  }
0x250: {  	s7 =	simm.s32 $0x14280  }
0x251: {  	[tilespmem:s29], [sflag:$0x1] =	stream.indirect.gather [hbm4b:s2+s26], $0x80, s7, s26, $0x2000b8;
	[tilespmem:$0x1D000] =	vst v63  }
0x252: {  	_ =	swait.ge [sflag:s30], $0x4000  }
0x253: {  	[sflag:s30] =	ssyncset.done $0x0  }
0x254: {  	s7 =	simm.s32 $0x14A00;
	[sflag:s30] =	ssyncadd.s32 $0xFFFFC000  }
0x255: {  	[spmem:s3] =	stream.indirect.scatter.add.f32 [tilespmem:s22], [sflag:$0x2], $0x80, s7, s26, $0x2000b8;
	[tilespmem:$0x1D000] =	vst v63  }
0x256: {  	_ =	swait.ge [sflag:s30], $0x4000  }
0x257: {  	[sflag:s30] =	ssyncset.done $0x0  }
0x258: {  	s7 =	simm.s32 $0x14A80;
	[sflag:s30] =	ssyncadd.s32 $0xFFFFC000  }
0x259: {  	[spmem:s3] =	stream.indirect.scatter.add.f32 [tilespmem:s29], [sflag:$0x2], $0x80, s7, s26, $0x2000b8;
	[tilespmem:$0x1D000] =	vst v63  }
0x25a: {  	_ =	swait.ge [sflag:s0], $0x4000  }
0x25b: {  	[sflag:s0] =	ssyncset.done $0x0  }
0x25c: {  	[sflag:s0] =	ssyncadd.s32 $0xFFFFC000  }
0x25d: {  	_ =	swait.ge [sflag:s0], $0x4000  }
0x25e: {  	[sflag:s0] =	ssyncset.done $0x0  }
0x25f: {  	s7 =	simm.s32 $0x14300;
	[sflag:s0] =	ssyncadd.s32 $0xFFFFC000  }
0x260: {  	[tilespmem:s22], [sflag:$0x1] =	stream.indirect.gather [hbm4b:s2+s26], $0x80, s7, s26, $0x2000b8;
	[tilespmem:$0x1D000] =	vst v63  }
0x261: {  	s7 =	simm.s32 $0x14380  }
0x262: {  	[tilespmem:s29], [sflag:$0x1] =	stream.indirect.gather [hbm4b:s2+s26], $0x80, s7, s26, $0x2000b8;
	[tilespmem:$0x1D000] =	vst v63  }
0x263: {  	_ =	swait.ge [sflag:s30], $0x4000  }
0x264: {  	[sflag:s30] =	ssyncset.done $0x0  }
0x265: {  	s7 =	simm.s32 $0x14B00;
	[sflag:s30] =	ssyncadd.s32 $0xFFFFC000  }
0x266: {  	[spmem:s3] =	stream.indirect.scatter.add.f32 [tilespmem:s22], [sflag:$0x2], $0x80, s7, s26, $0x2000b8;
	[tilespmem:$0x1D000] =	vst v63  }
0x267: {  	_ =	swait.ge [sflag:s30], $0x4000  }
0x268: {  	[sflag:s30] =	ssyncset.done $0x0  }
0x269: {  	s7 =	simm.s32 $0x14B80;
	[sflag:s30] =	ssyncadd.s32 $0xFFFFC000  }
0x26a: {  	[spmem:s3] =	stream.indirect.scatter.add.f32 [tilespmem:s29], [sflag:$0x2], $0x80, s7, s26, $0x2000b8;
	[tilespmem:$0x1D000] =	vst v63  }
0x26b: {  	_ =	swait.ge [sflag:s0], $0x4000  }
0x26c: {  	[sflag:s0] =	ssyncset.done $0x0  }
0x26d: {  	[sflag:s0] =	ssyncadd.s32 $0xFFFFC000  }
0x26e: {  	_ =	swait.ge [sflag:s0], $0x4000  }
0x26f: {  	[sflag:s0] =	ssyncset.done $0x0  }
0x270: {  	[sflag:s0] =	ssyncadd.s32 $0xFFFFC000  }
0x271: {  	[tilespmem:s22], [sflag:$0x1] =	stream.indirect.gather [hbm4b:s2+s26], $0x80, s8, s26, $0x2000b8;
	[tilespmem:$0x1D000] =	vst v63  }
0x272: {  	_ = 	snop  }
0x273: {  	[tilespmem:s29], [sflag:$0x1] =	stream.indirect.gather [hbm4b:s2+s26], $0x80, s9, s26, $0x2000b8;
	[tilespmem:$0x1D000] =	vst v63  }
0x274: {  	_ =	swait.ge [sflag:s30], $0x4000  }
0x275: {  	[sflag:s30] =	ssyncset.done $0x0  }
0x276: {  	[sflag:s30] =	ssyncadd.s32 $0xFFFFC000  }
0x277: {  	[spmem:s3] =	stream.indirect.scatter.add.f32 [tilespmem:s22], [sflag:$0x2], $0x80, s10, s26, $0x2000b8;
	[tilespmem:$0x1D000] =	vst v63  }
0x278: {  	_ =	swait.ge [sflag:s30], $0x4000  }
0x279: {  	[sflag:s30] =	ssyncset.done $0x0  }
0x27a: {  	[sflag:s30] =	ssyncadd.s32 $0xFFFFC000  }
0x27b: {  	[spmem:s3] =	stream.indirect.scatter.add.f32 [tilespmem:s29], [sflag:$0x2], $0x80, s11, s26, $0x2000b8;
	[tilespmem:$0x1D000] =	vst v63  }
0x27c: {  	_ =	swait.ge [sflag:s0], $0x4000  }
0x27d: {  	[sflag:s0] =	ssyncset.done $0x0  }
0x27e: {  	[sflag:s0] =	ssyncadd.s32 $0xFFFFC000  }
0x27f: {  	_ =	swait.ge [sflag:s0], $0x4000  }
0x280: {  	[sflag:s0] =	ssyncset.done $0x0  }
0x281: {  	[sflag:s0] =	ssyncadd.s32 $0xFFFFC000  }
0x282: {  	[tilespmem:s22], [sflag:$0x1] =	stream.indirect.gather [hbm4b:s2+s26], $0x80, s12, s26, $0x2000b8;
	[tilespmem:$0x1D000] =	vst v63  }
0x283: {  	_ = 	snop  }
0x284: {  	[tilespmem:s29], [sflag:$0x1] =	stream.indirect.gather [hbm4b:s2+s26], $0x80, s16, s26, $0x2000b8;
	[tilespmem:$0x1D000] =	vst v63  }
0x285: {  	_ =	swait.ge [sflag:s30], $0x4000  }
0x286: {  	[sflag:s30] =	ssyncset.done $0x0  }
0x287: {  	[sflag:s30] =	ssyncadd.s32 $0xFFFFC000  }
0x288: {  	[spmem:s3] =	stream.indirect.scatter.add.f32 [tilespmem:s22], [sflag:$0x2], $0x80, s17, s26, $0x2000b8;
	[tilespmem:$0x1D000] =	vst v63  }
0x289: {  	_ =	swait.ge [sflag:s30], $0x4000  }
0x28a: {  	[sflag:s30] =	ssyncset.done $0x0  }
0x28b: {  	[sflag:s30] =	ssyncadd.s32 $0xFFFFC000  }
0x28c: {  	[spmem:s3] =	stream.indirect.scatter.add.f32 [tilespmem:s29], [sflag:$0x2], $0x80, s18, s26, $0x2000b8;
	[tilespmem:$0x1D000] =	vst v63  }
0x28d: {  	_ =	swait.ge [sflag:s0], $0x4000  }
0x28e: {  	[sflag:s0] =	ssyncset.done $0x0  }
0x28f: {  	[sflag:s0] =	ssyncadd.s32 $0xFFFFC000  }
0x290: {  	_ =	swait.ge [sflag:s0], $0x4000  }
0x291: {  	[sflag:s0] =	ssyncset.done $0x0  }
0x292: {  	[sflag:s0] =	ssyncadd.s32 $0xFFFFC000  }
0x293: {  	[tilespmem:s22], [sflag:$0x1] =	stream.indirect.gather [hbm4b:s2+s26], $0x80, s19, s26, $0x2000b8;
	[tilespmem:$0x1D000] =	vst v63  }
0x294: {  	_ = 	snop  }
0x295: {  	[tilespmem:s29], [sflag:$0x1] =	stream.indirect.gather [hbm4b:s2+s26], $0x80, s20, s26, $0x2000b8;
	[tilespmem:$0x1D000] =	vst v63  }
0x296: {  	_ =	swait.ge [sflag:s30], $0x4000  }
0x297: {  	[sflag:s30] =	ssyncset.done $0x0  }
0x298: {  	[sflag:s30] =	ssyncadd.s32 $0xFFFFC000  }
0x299: {  	[spmem:s3] =	stream.indirect.scatter.add.f32 [tilespmem:s22], [sflag:$0x2], $0x80, s21, s26, $0x2000b8;
	[tilespmem:$0x1D000] =	vst v63  }
0x29a: {  	_ =	swait.ge [sflag:s30], $0x4000  }
0x29b: {  	[sflag:s30] =	ssyncset.done $0x0  }
0x29c: {  	[sflag:s30] =	ssyncadd.s32 $0xFFFFC000  }
0x29d: {  	[spmem:s3] =	stream.indirect.scatter.add.f32 [tilespmem:s29], [sflag:$0x2], $0x80, s6, s26, $0x2000b8;
	[tilespmem:$0x1D000] =	vst v63  }
0x29e: {  	_ =	swait.ge [sflag:s0], $0x4000  }
0x29f: {  	[sflag:s0] =	ssyncset.done $0x0  }
0x2a0: {  	[sflag:s0] =	ssyncadd.s32 $0xFFFFC000  }
0x2a1: {  	_ =	swait.ge [sflag:s0], $0x4000  }
0x2a2: {  	[sflag:s0] =	ssyncset.done $0x0  }
0x2a3: {  	[sflag:s0] =	ssyncadd.s32 $0xFFFFC000  }
0x2a4: {  	[tilespmem:s22], [sflag:$0x1] =	stream.indirect.gather [hbm4b:s2+s26], $0x80, s28, s26, $0x2000b8;
	[tilespmem:$0x1D000] =	vst v63  }
0x2a5: {  	_ = 	snop  }
0x2a6: {  	[tilespmem:s29], [sflag:$0x1] =	stream.indirect.gather [hbm4b:s2+s26], $0x80, s31, s26, $0x2000b8;
	[tilespmem:$0x1D000] =	vst v63  }
0x2a7: {  	_ =	swait.ge [sflag:s30], $0x4000  }
0x2a8: {  	[sflag:s30] =	ssyncset.done $0x0  }
0x2a9: {  	[sflag:s30] =	ssyncadd.s32 $0xFFFFC000  }
0x2aa: {  	[spmem:s3] =	stream.indirect.scatter.add.f32 [tilespmem:s22], [sflag:$0x2], $0x80, s1, s26, $0x2000b8;
	[tilespmem:$0x1D000] =	vst v63  }
0x2ab: {  	_ =	swait.ge [sflag:s30], $0x4000  }
0x2ac: {  	[sflag:s30] =	ssyncset.done $0x0  }
0x2ad: {  	p1 =	seq.s32 s13, $0x400;
	[sflag:s30] =	ssyncadd.s32 $0xFFFFC000  }
0x2ae: {  	[spmem:s3] =	stream.indirect.scatter.add.f32 [tilespmem:s29], [sflag:$0x2], $0x80, s5, s26, $0x2000b8;
	[tilespmem:$0x1D000] =	vst v63  }
.Ltmp5:
0x2af: {  	_ =	swait.ge [sflag:s0], $0x4000;
	(pc) =	sbr.rel @!p1 .LBB2_3-.Ltmp5, $4  }
0x2b0: {  	[sflag:s0] =	ssyncset.done $0x0  }
0x2b1: {  	[sflag:s0] =	ssyncadd.s32 $0xFFFFC000  }
0x2b2: {  	_ =	swait.ge [sflag:s0], $0x4000  }
0x2b3: {  	s13 =	sadd.s32 $0x100, s13;
	[sflag:s0] =	ssyncset.done $0x0  }
.Ltmp6:
0x2b4: {  	(pc) =	sbr.rel .LBB2_8-.Ltmp6, $2  }
0x2b5: {  	_ =	sdelay $0x2  }
0x2b6: {  	[sflag:s0] =	ssyncadd.s32 $0xFFFFC000;
	s1 =	rddreg [dreg:$0x19]  }
.LBB2_9:
0x2b7: {  	_ =	sfence.sel $0x180000  }
0x2b8: {  	[bflag:$0x0] =	sbarrier.arrive $0xFFFF  }
0x2b9: {  	_ =	strace $0x9000004C  }
0x2ba: {  	s0 =	stileid.u32;
	[bflag:$0x2] =	sbarrier.arrive $0xFFFF  }
0x2bb: {  	p0 =	sne.s32 s0, $0x0;
	s0 =	rddreg [dreg:$0x3]  }
0x2bc: {  	s0 =	sadd.s32 @!p0 $0x100000, s0  }
0x2bd: {  	[sflag:s0] =	ssyncadd.tile.s32 @!p0 $0x1;
	_ =	shalt  }
.Lfunc_end2:
_tile_overlayer_lowered:
.L_overlay_start_2:
0x2be: {  	(tag) =	ssettag $0x2  }
0x2bf: {  	s0 =	rddreg [dreg:$0x0];
	s2 =	stileid.u32  }
0x2c0: {  	s1 =	rddreg [dreg:$0x1];
	p0 =	sne.s32 s2, $0x0  }
0x2c1: {  	s3 =	rddreg [dreg:$0x2];
	[bflag:$0x3] =	sbarrier.arrive $0xFFFF;
	s2 =	simm.s32 @!p0 $0x1C03  }
0x2c2: {  	[timem:s3], [sflag:s2] =	dma.local @!p0 [hbm:s0], s1  }
0x2c3: {  	s0 =	simm.s32 @!p0 $0x3  }
0x2c4: {  	_ =	swait.ge @!p0 [sflag:s0], s1  }
0x2c5: {  	s1 =	ssub.s32 @!p0 $0x0, s1;
	[sflag:s0] =	ssyncset.done @!p0 $0x0  }
0x2c6: {  	[sflag:s0] =	ssyncadd.s32 @!p0 s1  }
0x2c7: {  	[bflag:$0x3] =	sbarrier.arrive $0xFFFF  }
0x2c8: {  	_ =	shalt  }

// kernel: kernel.7.cloned.1.call-start
scs
__scs_entry_jumppad:
0x0: {  	(pc) =	sbr.rel $0x88, $3  }
0x1: {  	(tag) =	ssettag $0x0;
	lr =	simm.s32 $0x1  }
0x2: {  	[smem:$0x3F99] =	sst lr;
	_ =	strace $0xD0000000  }
0x3: {  	_ = 	snop  }
0x4: {  	_ = 	snop  }
0x5: {  	_ = 	snop  }
0x6: {  	_ = 	snop  }
0x7: {  	_ = 	snop  }
__scs_overlays_trampoline_lowered:
0x8: {  	[smem:$0x3FA8] =	sst s0  }
0x9: {  	[smem:$0x3FA9] =	sst s1  }
0xa: {  	[smem:$0x3FAA] =	sst s2  }
0xb: {  	[smem:$0x3FAB] =	sst s3  }
0xc: {  	[smem:$0x3FAC] =	sst s4  }
0xd: {  	[smem:$0x3FAD] =	sst s5  }
0xe: {  	[smem:$0x3FAE] =	sst s6  }
0xf: {  	[smem:$0x3FAF] =	sst s7  }
0x10: {  	[smem:$0x3FB0] =	sst s8  }
0x11: {  	[smem:$0x3FB1] =	sst s9;
	s0 =	simm.s32 @!p0 $0x0  }
0x12: {  	s1 =	sld [smem:$0x3F97];
	s0 =	simm.s32 @p0 $0x1  }
0x13: {  	[smem:$0x3FB2] =	sst s0;
	s0 =	simm.s32 @!p1 $0x0  }
0x14: {  	s2 =	sld [smem:$0x3F96];
	s0 =	simm.s32 @p1 $0x1  }
0x15: {  	[smem:$0x3FB3] =	sst s0;
	s0 =	simm.s32 @!p2 $0x0  }
0x16: {  	s3 =	sld [smem:$0x3FDB];
	s0 =	simm.s32 @p2 $0x1  }
0x17: {  	s4 =	simm.s32 $0x1BF5;
	[smem:$0x3FB5] =	sst s0  }
0x18: {  	s0 =	sld [smem:$0x3F98];
	_ =	swait.ge [sflag:s4], $0x0  }
0x19: {  	s7 =	sld [smem:$0x3F99]  }
0x1a: {  	s8 =	sadd.s32 $0xFFFFE003, lr  }
0x1b: {  	s9 =	sadd.s32 $0xFFFFFEF7, lr;
	s5 =	simm.s32 $0xFFFFFFFF;
	p2 =	slt.u32 s8, $0xFFFFF086  }
0x1c: {  	p1 =	slt.u32 s9, $0xF7A;
	s5 =	simm.s32 @!p2 $0x0  }
0x1d: {  	s5 =	simm.s32 @p1 $0x1;
	p0 =	seq.s32 s7, s2  }
0x1e: {  	s7 =	smul.u32 @!p0 $0xF7A, s2;
	p2 =	seq.s32 @!p0 s5, $0x0  }
0x1f: {  	s9 =	smul.u32 $0xF7A, s1;
	s8 =	simm.s32 @!p0 $0x1BF5;
	p2 =	por !p2, p0  }
0x20: {  	[sflag:s8] =	ssyncset.s32 @!p0 $0xFFFFF086;
	s6 =	sadd.s32 @!p0 s3, s7;
	s7 =	simm.s32 @!p0 $0x108  }
0x21: {  	s3 =	sadd.s32 s3, s9;
	s6 =	sadd.s32 @!p0 $0x88, s6;
	s7 =	simm.s32 @p2 $0x1082  }
0x22: {  	[simem:s7], [sflag:s8] =	dma.local @!p0 [hbm:s6], $0xF7A  }
0x23: {  	s9 =	sor.u32 $0xD0000000, s2;
	s6 =	simm.s32 $0x108;
	_ =	swait.ge @!p0 [sflag:s8], $0x0  }
0x24: {  	s3 =	sadd.s32 $0x88, s3;
	s6 =	simm.s32 @!p1 $0x1082;
	[sflag:s4] =	ssyncset.s32 $0xFFFFF086  }
0x25: {  	[simem:s6], [sflag:s4] =	dma.local [hbm:s3], $0xF7A  }
0x26: {  	[smem:$0x3F99] =	sst s1;
	(tag) =	ssettag s2;
	_ =	strace s9  }
0x27: {  	s1 =	sld [smem:$0x3FA9]  }
0x28: {  	s2 =	sld [smem:$0x3FAA]  }
0x29: {  	s4 =	sld [smem:$0x3FAC]  }
0x2a: {  	p0 =	seq.s32 s5, $0x0;
	s5 =	sld [smem:$0x3FAD]  }
0x2b: {  	s6 =	sld [smem:$0x3FAE]  }
0x2c: {  	s7 =	sld [smem:$0x3FAF]  }
0x2d: {  	s3 =	simm.s32 $0x108;
	s8 =	sld [smem:$0x3FB0]  }
0x2e: {  	s3 =	simm.s32 @!p0 $0x1082;
	s9 =	sld [smem:$0x3FB1]  }
0x2f: {  	lr =	sadd.s32 s0, s3;
	s0 =	sld [smem:$0x3FA8]  }
0x30: {  	s3 =	sld [smem:$0x3FAB]  }
0x31: {  	[smem:$0x3FB4] =	sst s10  }
0x32: {  	s10 =	sld [smem:$0x3FB2];
	_ =	sdelay $0x3  }
0x33: {  	p0 =	seq.s32 s10, $0x1;
	s10 =	sld [smem:$0x3FB4];
	_ =	sdelay $0x3  }
0x34: {  	[smem:$0x3FB4] =	sst s10  }
0x35: {  	s10 =	sld [smem:$0x3FB3];
	_ =	sdelay $0x3  }
0x36: {  	p1 =	seq.s32 s10, $0x1;
	s10 =	sld [smem:$0x3FB4];
	_ =	sdelay $0x3  }
0x37: {  	[smem:$0x3FB4] =	sst s10  }
0x38: {  	s10 =	sld [smem:$0x3FB5]  }
0x39: {  	_ = 	snop;
	(pc) =	sbr.ind lr, $3  }
0x3a: {  	_ = 	snop  }
0x3b: {  	_ = 	snop  }
0x3c: {  	p2 =	seq.s32 s10, $0x1;
	s10 =	sld [smem:$0x3FB4]  }
0x3d: {  	_ =	shalt  }
0x3e: {  	_ =	shalt  }
0x3f: {  	_ =	shalt  }
0x40: {  	_ =	shalt  }
0x41: {  	_ =	shalt  }
0x42: {  	_ =	shalt  }
0x43: {  	_ =	shalt  }
0x44: {  	_ =	shalt  }
0x45: {  	_ =	shalt  }
0x46: {  	_ =	shalt  }
0x47: {  	_ =	shalt  }
0x48: {  	_ =	shalt  }
0x49: {  	_ =	shalt  }
0x4a: {  	_ =	shalt  }
0x4b: {  	_ =	shalt  }
0x4c: {  	_ =	shalt  }
0x4d: {  	_ =	shalt  }
0x4e: {  	_ =	shalt  }
0x4f: {  	_ =	shalt  }
0x50: {  	_ =	shalt  }
0x51: {  	_ =	shalt  }
0x52: {  	_ =	shalt  }
0x53: {  	_ =	shalt  }
0x54: {  	_ =	shalt  }
0x55: {  	_ =	shalt  }
0x56: {  	_ =	shalt  }
0x57: {  	_ =	shalt  }
0x58: {  	_ =	shalt  }
0x59: {  	_ =	shalt  }
0x5a: {  	_ =	shalt  }
0x5b: {  	_ =	shalt  }
0x5c: {  	_ =	shalt  }
0x5d: {  	_ =	shalt  }
0x5e: {  	_ =	shalt  }
0x5f: {  	_ =	shalt  }
0x60: {  	_ =	shalt  }
0x61: {  	_ =	shalt  }
0x62: {  	_ =	shalt  }
0x63: {  	_ =	shalt  }
0x64: {  	_ =	shalt  }
0x65: {  	_ =	shalt  }
0x66: {  	_ =	shalt  }
0x67: {  	_ =	shalt  }
0x68: {  	_ =	shalt  }
0x69: {  	_ =	shalt  }
0x6a: {  	_ =	shalt  }
0x6b: {  	_ =	shalt  }
0x6c: {  	_ =	shalt  }
0x6d: {  	_ =	shalt  }
0x6e: {  	_ =	shalt  }
0x6f: {  	_ =	shalt  }
0x70: {  	_ =	shalt  }
0x71: {  	_ =	shalt  }
0x72: {  	_ =	shalt  }
0x73: {  	_ =	shalt  }
0x74: {  	_ =	shalt  }
0x75: {  	_ =	shalt  }
0x76: {  	_ =	shalt  }
0x77: {  	_ =	shalt  }
0x78: {  	_ =	shalt  }
0x79: {  	_ =	shalt  }
0x7a: {  	_ =	shalt  }
0x7b: {  	_ =	shalt  }
0x7c: {  	_ =	shalt  }
0x7d: {  	_ =	shalt  }
0x7e: {  	_ =	shalt  }
0x7f: {  	_ =	shalt  }
0x80: {  	_ =	shalt  }
0x81: {  	_ =	shalt  }
0x82: {  	_ =	shalt  }
0x83: {  	_ =	shalt  }
0x84: {  	_ =	shalt  }
0x85: {  	_ =	shalt  }
0x86: {  	_ =	shalt  }
0x87: {  	_ =	shalt  }
.Lfunc_end0:
.L_simem_size_0:
called_computation_lowered:
.L_overlay_start_0:
0x88: {  	s2 =	sld [smem:$0x3FD9]  }
0x89: {  	s3 =	sld [smem:$0x3FFE];
	_ =	sdelay $0x1  }
0x8a: {  	s1 =	srdreg.scid  }
0x8b: {  	s0 =	sand.u32 $0x1, s1  }
0x8c: {  	s17 =	sshll.u32 s0, $0xA;
	s2 =	sadd.s32 s3, s2  }
0x8d: {  	s2 =	sadd.s32 s2, s17  }
0x8e: {  	[smem:$0x3FC0] =	sst s2  }
0x8f: {  	_ = 	snop  }
0x90: {  	s2 =	sld [smem:$0x3FD0];
	(tm) =	ssettm $0x1  }
0x91: {  	s18 =	sld [smem:$0x3FFB];
	_ =	sdelay $0x3  }
0x92: {  	_ =	strace s18  }
0x93: {  	s3 =	sld [smem:$0x3FFC];
	_ =	sdelay $0x3  }
0x94: {  	_ =	strace s3  }
0x95: {  	s3 =	sld [smem:$0x3FFD];
	_ =	sdelay $0x3  }
0x96: {  	_ =	strace s3  }
0x97: {  	_ =	strace $0x8FFFFFFF  }
0x98: {  	s19 =	sld [smem:$0x3FDB];
	_ =	sdelay $0x1  }
0x99: {  	s4 =	simm.s32 $_scs_section_size  }
0x9a: {  	s5 =	simm.s32 $_size__tile_overlayer_lowered;
	s6 =	simm.s32 $_tile_overlayer_lowered  }
0x9b: {  	s22 =	simm.s32 $0x1BFF;
	s21 =	sshll.u32 s6, $0x1;
	s3 =	sadd.s32 s4, s19  }
0x9c: {  	s7 =	simm.s32 $0x0;
	s20 =	sshll.u32 s5, $0x1;
	s5 =	sadd.s32 s21, s3  }
0x9d: {  	[timem:s7], [sflag:s22] =	dma.local [hbm:s5], s20  }
0x9e: {  	_ =	swait.ge [sflag:s22], s20  }
0x9f: {  	s4 =	ssub.s32 $0x0, s20;
	[sflag:s22] =	ssyncset.done $0x0  }
0xa0: {  	[sflag:s22] =	ssyncadd.s32 s4;
	_ =	sdelay $0x1  }
0xa1: {  	s23 =	simm.s32 $0x1B8B  }
0xa2: {  	_ =	swait.ge [sflag:s23], $0x1  }
0xa3: {  	[sflag:s23] =	ssyncset.done $0x0  }
0xa4: {  	s25 =	simm.s32 $0x1B8E;
	s24 =	sld [smem:$0x3FFE];
	[sflag:s23] =	ssyncadd.s32 $0xFFFFFFFF  }
0xa5: {  	s26 =	simm.s32 $execute0_lowered;
	[smem:$0x3FD2] =	sst s25  }
0xa6: {  	s5 =	sshll.u32 s26, $0x1;
	_ =	strace $0x80000046;
	[dreg:$0x1] =	wrdreg $0xFFFFFFFF  }
0xa7: {  	s28 =	simm.s32 $_size_execute0_lowered;
	s3 =	sadd.s32 s3, s5;
	[dreg:$0x0] =	wrdreg $0x0  }
0xa8: {  	s5 =	sshll.u32 s28, $0x1;
	[dreg:$0x2] =	wrdreg s3  }
0xa9: {  	[dreg:$0x3] =	wrdreg s5  }
0xaa: {  	[dreg:$0x4] =	wrdreg $0xC0  }
0xab: {  	_ =	task [dreg:s7], $0x5FFFF  }
0xac: {  	[dreg:$0x1] =	wrdreg $0xFFFFFFFF  }
0xad: {  	[dreg:$0x0] =	wrdreg $0x60  }
0xae: {  	[dreg:$0x2] =	wrdreg s2  }
0xaf: {  	[dreg:$0x3] =	wrdreg s24  }
0xb0: {  	[dreg:$0x4] =	wrdreg $0x0  }
0xb1: {  	[dreg:$0x5] =	wrdreg $0x1D0000  }
0xb2: {  	[dreg:$0x6] =	wrdreg $0x9  }
0xb3: {  	_ =	task.clear_ibuf [dreg:s7], $0x7FFFF;
	_ =	strace $0x90000046  }
0xb4: {  	s29 =	simm.s32 $0x9;
	_ =	strace $0x8000004A  }
0xb5: {  	_ =	swait.ge [sflag:s29], $0x1  }
0xb6: {  	[sflag:s29] =	ssyncadd.s32 $0xFFFFFFFF  }
0xb7: {  	_ =	strace $0x9000004A  }
0xb8: {  	_ =	sfence  }
0xb9: {  	s30 =	sld [smem:$0x0];
	_ =	sdelay $0x2  }
0xba: {  	s31 =	sshll.u32 s1, $0xD;
	s1 =	sshrl.u32 s1, $0x2  }
0xbb: {  	s3 =	sand.u32 $0x4000, s31;
	s1 =	sadd.s32 s1, s30  }
0xbc: {  	s0 =	sor.u32 s3, s0;
	s1 =	sshll.u32 s1, $0x11  }
0xbd: {  	s0 =	sor.u32 s1, s0  }
0xbe: {  	s0 =	sadd.s32 $0x8F2B, s0  }
0xbf: {  	[sflag:s0] =	ssyncadd.remote.s32 $0x1  }
0xc0: {  	_ =	sfence.sel $0xFFFF  }
0xc1: {  	[dreg:$0x0] =	wrdreg $0xFFFFFFFF;
	(pc) =	sbr.abs _section_cstart, $3  }
0xc2: {  	[dreg:$0x1] =	wrdreg $0xFFFFFFFF  }
0xc3: {  	_ =	task.clear_ibuf [dreg:s7], $0x2FFFF;
	_ =	strace $0x9FFFFFFF  }
0xc4: {  	(tm) =	ssettm $0x7FFFFFFF  }
0xc5: {  	_ =	shalt  }
tec
execute0_lowered:
.L_overlay_start_1:
0x0: {  	(tag) =	ssettag $0x1  }
0x1: {  	s1 =	rddreg [dreg:$0x0]  }
0x2: {  	s0 =	rddreg [dreg:$0x1]  }
0x3: {  	s3 =	rddreg [dreg:$0x2]  }
0x4: {  	s4 =	rddreg [dreg:$0x3]  }
0x5: {  	s5 =	stileid.u32;
	s7 =	simm.s32 $0x0;
	s6 =	srdreg.scid  }
0x6: {  	s2 =	smul.u32 $0xA00, s5;
	[smem:$0x7FF] =	sst s7  }
0x7: {  	s6 =	sand.u32 $0x1, s6;
	s9 =	sadd.s32 $0x20A00, s0;
	s12 =	smul.u32 $0x2800, s5  }
0x8: {  	s11 =	sadd.s32 $0x16A00, s0;
	_ =	strace $0x80000047;
	s21 =	smul.u32 $0x140000, s6  }
0x9: {  	s8 =	ssub.s32 $0x2, s6;
	p0 =	seq.s32 s6, $0x1;
	s6 =	smul.u32 $0x28000, s6  }
0xa: {  	s7 =	sadd.s32 s2, s0;
	s10 =	sshrl.u32 s8, $0x1;
	s2 =	smul.u32 $0x14000, s5  }
0xb: {  	s20 =	sadd.s32 $0x2000, s12;
	s8 =	ssub.s32 s8, s10;
	s18 =	sadd.s32 s6, s12  }
0xc: {  	s26 =	sadd.s32 $0xBE00, s7;
	s30 =	sadd.s32 $0x1E00, s7;
	s31 =	sadd.s32 $0xC300, s7  }
0xd: {  	s7 =	sadd.s32 $0x2300, s7;
	s13 =	sadd.s32 $0x4000, s2;
	[dreg:$0x5] =	wrdreg s26  }
0xe: {  	s14 =	sadd.s32 s21, s2;
	s16 =	sadd.s32 $0x8000, s2;
	[dreg:$0x6] =	wrdreg s30  }
0xf: {  	s17 =	sadd.s32 $0x10000, s2;
	s25 =	sshrl.u32 s18, $0x3;
	[dreg:$0x7] =	wrdreg s31  }
0x10: {  	[dreg:$0x8] =	wrdreg s7;
	s30 =	sadd.s32 $0x16000, s0;
	s15 =	sadd.s32 s21, s13  }
0x11: {  	s14 =	sshrl.u32 s14, $0x3;
	[dreg:$0x14] =	wrdreg s30;
	s13 =	sadd.s32 s13, s3  }
0x12: {  	s23 =	sadd.s32 s21, s16;
	s14 =	sadd.s32 s9, s14;
	[dreg:$0x1b] =	wrdreg s13  }
0x13: {  	s10 =	sadd.s32 s21, s17;
	s15 =	sshrl.u32 s15, $0x3;
	[dreg:$0x9] =	wrdreg s14  }
0x14: {  	s22 =	sadd.s32 s9, s15;
	s14 =	sshrl.u32 s23, $0x3;
	s15 =	sadd.s32 $0xC000, s2  }
0x15: {  	s2 =	sadd.s32 s2, s3;
	[dreg:$0xa] =	wrdreg s22;
	s14 =	sadd.s32 s9, s14  }
0x16: {  	s24 =	sadd.s32 s21, s15;
	s21 =	sadd.s32 $0x1800, s12;
	[dreg:$0x1a] =	wrdreg s2  }
0x17: {  	s15 =	sadd.s32 s15, s3;
	[dreg:$0xb] =	wrdreg s14;
	s14 =	sshrl.u32 s24, $0x3  }
0x18: {  	s19 =	sadd.s32 s6, s21;
	[dreg:$0x1d] =	wrdreg s15;
	s21 =	sadd.s32 s21, s4  }
0x19: {  	s10 =	sshrl.u32 s10, $0x3;
	s14 =	sadd.s32 s9, s14;
	[smem:$0x7F4] =	sst s21  }
0x1a: {  	s24 =	smul.u32 $0x50000, s5;
	s9 =	sadd.s32 s9, s10;
	[dreg:$0xc] =	wrdreg s14  }
0x1b: {  	s19 =	sshrl.u32 s19, $0x3;
	[dreg:$0xd] =	wrdreg s9;
	s9 =	sadd.s32 s11, s25  }
0x1c: {  	s18 =	sadd.s32 $0x1000, s12;
	s23 =	sadd.s32 s11, s19;
	[dreg:$0xe] =	wrdreg s9  }
0x1d: {  	s26 =	sshrl.u32 s24, $0x2;
	s19 =	sadd.s32 s18, s4;
	[dreg:$0x11] =	wrdreg s23  }
0x1e: {  	s22 =	sadd.s32 s6, s18;
	s31 =	sadd.s32 s26, s3;
	[smem:$0x7F3] =	sst s19  }
0x1f: {  	s25 =	smul.u32 $0xA000, s5;
	s23 =	sadd.s32 $0x4000, s31;
	[dreg:$0x16] =	wrdreg s31  }
0x20: {  	s9 =	sadd.s32 $0x800, s12;
	s24 =	sadd.s32 $0x8000, s31;
	[smem:$0x7F6] =	sst s23  }
0x21: {  	s7 =	sshrl.u32 s25, $0x2;
	s25 =	sadd.s32 $0xC000, s31;
	[smem:$0x7F7] =	sst s24  }
0x22: {  	s28 =	sadd.s32 s6, s9;
	s26 =	sadd.s32 $0x10000, s31;
	[smem:$0x7F8] =	sst s25  }
0x23: {  	s14 =	sshrl.u32 s28, $0x3;
	s28 =	sadd.s32 $0x16200, s0;
	[smem:$0x7F9] =	sst s26  }
0x24: {  	s6 =	sadd.s32 s6, s20;
	s0 =	sadd.s32 $0x15E00, s0;
	[dreg:$0x13] =	wrdreg s28  }
0x25: {  	s6 =	sshrl.u32 s6, $0x3;
	s14 =	sadd.s32 s11, s14;
	[dreg:$0x15] =	wrdreg s0  }
0x26: {  	s6 =	sadd.s32 s11, s6;
	[dreg:$0xf] =	wrdreg s14  }
0x27: {  	s0 =	sadd.s32 s7, s4;
	[dreg:$0x12] =	wrdreg s6  }
0x28: {  	s14 =	sshrl.u32 s22, $0x3;
	s22 =	sadd.s32 s20, s4;
	[dreg:$0x17] =	wrdreg s0  }
0x29: {  	s29 =	simm.s32 $0x14180;
	s28 =	sadd.s32 $0x800, s0;
	[smem:$0x7F5] =	sst s22  }
0x2a: {  	s13 =	simm.s32 $0x15000;
	s30 =	sadd.s32 $0x1000, s0;
	[smem:$0x7FA] =	sst s28  }
0x2b: {  	s15 =	simm.s32 $0x1F800;
	s31 =	sadd.s32 $0x1800, s0;
	[smem:$0x7FB] =	sst s30  }
0x2c: {  	s21 =	simm.s32 $0x14880;
	s0 =	sadd.s32 $0x2000, s0;
	[smem:$0x7FC] =	sst s31  }
0x2d: {  	s18 =	simm.s32 $0x80;
	s14 =	sadd.s32 s11, s14;
	[smem:$0x7FD] =	sst s0  }
0x2e: {  	s23 =	simm.s32 $0x1;
	s11 =	sadd.s32 s12, s4;
	[dreg:$0x10] =	wrdreg s14  }
0x2f: {  	s25 =	simm.s32 $0x2;
	s12 =	smax.u32 s8, $0x1;
	[dreg:$0x18] =	wrdreg s11  }
.Ltmp0:
0x30: {  	[dreg:$0x19] =	wrdreg s12;
	s14 =	sadd.s32 s16, s3;
	(pc) =	sbr.rel .LBB2_1-.Ltmp0, $4  }
0x31: {  	s24 =	simm.s32 $0x14100;
	s16 =	sadd.s32 s17, s3;
	[dreg:$0x1c] =	wrdreg s14  }
0x32: {  	s22 =	simm.s32 $0x19000;
	s17 =	sadd.s32 s9, s4;
	[dreg:$0x1e] =	wrdreg s16  }
0x33: {  	s0 =	simm.s32 $0x0;
	s12 =	simm.s32 $0x14000;
	[dreg:$0x1f] =	wrdreg s17  }
0x34: {  	s14 =	simm.s32 $0x3;
	s17 =	simm.s32 $0x14800;
	s16 =	simm.s32 $0x14080  }
.LBB2_7:
0x35: {  	[sflag:s25] =	ssyncadd.s32 $0xFFFFF800;
	s5 =	sadd.s32 s7, s21;
	s12 =	simm.s32 $0x0  }
0x36: {  	[tilespmem:s24], [sflag:$0x3] =	stream.linear.gather [hbm4b:s5+s12], $0x800, $0x200038;
	v63 =	vld [tilespmem:$0x0]  }
0x37: {  	_ =	swait.ge [sflag:s14], $0x800  }
0x38: {  	s21 =	rddreg [dreg:$0x7];
	[sflag:s14] =	ssyncset.done $0x0  }
0x39: {  	s5 =	sadd.s32 s7, s21;
	[sflag:s14] =	ssyncadd.s32 $0xFFFFF800  }
0x3a: {  	[tilespmem:s17], [sflag:$0x3] =	stream.linear.gather [hbm4b:s5+s12], $0x800, $0x200038;
	v63 =	vld [tilespmem:$0x0]  }
0x3b: {  	_ =	swait.ge [sflag:s14], $0x800  }
0x3c: {  	[sflag:s14] =	ssyncset.done $0x0  }
0x3d: {  	[sflag:s14] =	ssyncadd.s32 $0xFFFFF800  }
0x3e: {  	[tilespmem:s13], [sflag:$0x1] =	stream.indirect.gather [hbm4b:s1+s18], $0x80, s24, s18, $0x2000b8;
	v63 =	vld [tilespmem:$0x0]  }
0x3f: {  	_ = 	snop  }
0x40: {  	[tilespmem:s22], [sflag:$0x1] =	stream.indirect.gather [hbm4b:s1+s18], $0x80, s16, s18, $0x2000b8;
	v63 =	vld [tilespmem:$0x0]  }
0x41: {  	_ =	swait.ge [sflag:s23], $0x4000  }
0x42: {  	[sflag:s23] =	ssyncset.done $0x0  }
0x43: {  	[sflag:s23] =	ssyncadd.s32 $0xFFFFC000  }
0x44: {  	[spmem:s3] =	stream.indirect.scatter.add.f32 [tilespmem:s13], [sflag:$0x2], $0x80, s17, s18, $0x2000b8;
	v63 =	vld [tilespmem:$0x0]  }
0x45: {  	_ = 	snop  }
0x46: {  	[spmem:s4] =	stream.indirect.scatter.add.f32 [tilespmem:s15], [sflag:$0x2], $0x10, s17, s18, $0x2000b8;
	v63 =	vld [tilespmem:$0x0]  }
0x47: {  	_ =	swait.ge [sflag:s23], $0x4000  }
0x48: {  	[sflag:s23] =	ssyncset.done $0x0  }
0x49: {  	[sflag:s23] =	ssyncadd.s32 $0xFFFFC000  }
0x4a: {  	[spmem:s3] =	stream.indirect.scatter.add.f32 [tilespmem:s22], [sflag:$0x2], $0x80, s29, s18, $0x2000b8;
	v63 =	vld [tilespmem:$0x0]  }
0x4b: {  	_ = 	snop  }
0x4c: {  	[spmem:s4] =	stream.indirect.scatter.add.f32 [tilespmem:s15], [sflag:$0x2], $0x10, s29, s18, $0x2000b8;
	v63 =	vld [tilespmem:$0x0]  }
0x4d: {  	_ =	swait.ge [sflag:s25], $0x4000  }
0x4e: {  	[sflag:s25] =	ssyncset.done $0x0  }
0x4f: {  	[sflag:s25] =	ssyncadd.s32 $0xFFFFC000  }
0x50: {  	_ =	swait.ge [sflag:s25], $0x800  }
0x51: {  	[sflag:s25] =	ssyncset.done $0x0  }
0x52: {  	[sflag:s25] =	ssyncadd.s32 $0xFFFFF800  }
0x53: {  	_ =	swait.ge [sflag:s25], $0x4000  }
0x54: {  	[sflag:s25] =	ssyncset.done $0x0  }
0x55: {  	[sflag:s25] =	ssyncadd.s32 $0xFFFFC000  }
0x56: {  	_ =	swait.ge [sflag:s25], $0x800  }
0x57: {  	[sflag:s25] =	ssyncset.done $0x0  }
0x58: {  	s21 =	simm.s32 $0x14100;
	[sflag:s25] =	ssyncadd.s32 $0xFFFFF800  }
0x59: {  	[tilespmem:s13], [sflag:$0x1] =	stream.indirect.gather [hbm4b:s1+s18], $0x80, s21, s18, $0x2000b8;
	v63 =	vld [tilespmem:$0x0]  }
0x5a: {  	s24 =	simm.s32 $0x14180  }
0x5b: {  	[tilespmem:s22], [sflag:$0x1] =	stream.indirect.gather [hbm4b:s1+s18], $0x80, s24, s18, $0x2000b8;
	v63 =	vld [tilespmem:$0x0]  }
0x5c: {  	_ =	swait.ge [sflag:s23], $0x4000  }
0x5d: {  	[sflag:s23] =	ssyncset.done $0x0  }
0x5e: {  	[sflag:s23] =	ssyncadd.s32 $0xFFFFC000  }
0x5f: {  	[spmem:s3] =	stream.indirect.scatter.add.f32 [tilespmem:s13], [sflag:$0x2], $0x80, s30, s18, $0x2000b8;
	v63 =	vld [tilespmem:$0x0]  }
0x60: {  	_ = 	snop  }
0x61: {  	[spmem:s4] =	stream.indirect.scatter.add.f32 [tilespmem:s15], [sflag:$0x2], $0x10, s30, s18, $0x2000b8;
	v63 =	vld [tilespmem:$0x0]  }
0x62: {  	_ =	swait.ge [sflag:s23], $0x4000  }
0x63: {  	[sflag:s23] =	ssyncset.done $0x0  }
0x64: {  	[sflag:s23] =	ssyncadd.s32 $0xFFFFC000  }
0x65: {  	[spmem:s3] =	stream.indirect.scatter.add.f32 [tilespmem:s22], [sflag:$0x2], $0x80, s2, s18, $0x2000b8;
	v63 =	vld [tilespmem:$0x0]  }
0x66: {  	_ = 	snop  }
0x67: {  	[spmem:s4] =	stream.indirect.scatter.add.f32 [tilespmem:s15], [sflag:$0x2], $0x10, s2, s18, $0x2000b8;
	v63 =	vld [tilespmem:$0x0]  }
0x68: {  	_ =	swait.ge [sflag:s25], $0x4000  }
0x69: {  	[sflag:s25] =	ssyncset.done $0x0  }
0x6a: {  	[sflag:s25] =	ssyncadd.s32 $0xFFFFC000  }
0x6b: {  	_ =	swait.ge [sflag:s25], $0x800  }
0x6c: {  	[sflag:s25] =	ssyncset.done $0x0  }
0x6d: {  	[sflag:s25] =	ssyncadd.s32 $0xFFFFF800  }
0x6e: {  	_ =	swait.ge [sflag:s25], $0x4000  }
0x6f: {  	[sflag:s25] =	ssyncset.done $0x0  }
0x70: {  	[sflag:s25] =	ssyncadd.s32 $0xFFFFC000  }
0x71: {  	_ =	swait.ge [sflag:s25], $0x800  }
0x72: {  	[sflag:s25] =	ssyncset.done $0x0  }
0x73: {  	s30 =	simm.s32 $0x14200;
	[sflag:s25] =	ssyncadd.s32 $0xFFFFF800  }
0x74: {  	[tilespmem:s13], [sflag:$0x1] =	stream.indirect.gather [hbm4b:s1+s18], $0x80, s30, s18, $0x2000b8;
	v63 =	vld [tilespmem:$0x0]  }
0x75: {  	s5 =	simm.s32 $0x14280  }
0x76: {  	[tilespmem:s22], [sflag:$0x1] =	stream.indirect.gather [hbm4b:s1+s18], $0x80, s5, s18, $0x2000b8;
	v63 =	vld [tilespmem:$0x0]  }
0x77: {  	_ =	swait.ge [sflag:s23], $0x4000  }
0x78: {  	[sflag:s23] =	ssyncset.done $0x0  }
0x79: {  	[sflag:s23] =	ssyncadd.s32 $0xFFFFC000  }
0x7a: {  	[spmem:s3] =	stream.indirect.scatter.add.f32 [tilespmem:s13], [sflag:$0x2], $0x80, s6, s18, $0x2000b8;
	v63 =	vld [tilespmem:$0x0]  }
0x7b: {  	_ = 	snop  }
0x7c: {  	[spmem:s4] =	stream.indirect.scatter.add.f32 [tilespmem:s15], [sflag:$0x2], $0x10, s6, s18, $0x2000b8;
	v63 =	vld [tilespmem:$0x0]  }
0x7d: {  	_ =	swait.ge [sflag:s23], $0x4000  }
0x7e: {  	[sflag:s23] =	ssyncset.done $0x0  }
0x7f: {  	[sflag:s23] =	ssyncadd.s32 $0xFFFFC000  }
0x80: {  	[spmem:s3] =	stream.indirect.scatter.add.f32 [tilespmem:s22], [sflag:$0x2], $0x80, s9, s18, $0x2000b8;
	v63 =	vld [tilespmem:$0x0]  }
0x81: {  	_ = 	snop  }
0x82: {  	[spmem:s4] =	stream.indirect.scatter.add.f32 [tilespmem:s15], [sflag:$0x2], $0x10, s9, s18, $0x2000b8;
	v63 =	vld [tilespmem:$0x0]  }
0x83: {  	_ =	swait.ge [sflag:s25], $0x4000  }
0x84: {  	[sflag:s25] =	ssyncset.done $0x0  }
0x85: {  	[sflag:s25] =	ssyncadd.s32 $0xFFFFC000  }
0x86: {  	_ =	swait.ge [sflag:s25], $0x800  }
0x87: {  	[sflag:s25] =	ssyncset.done $0x0  }
0x88: {  	[sflag:s25] =	ssyncadd.s32 $0xFFFFF800  }
0x89: {  	_ =	swait.ge [sflag:s25], $0x4000  }
0x8a: {  	[sflag:s25] =	ssyncset.done $0x0  }
0x8b: {  	[sflag:s25] =	ssyncadd.s32 $0xFFFFC000  }
0x8c: {  	_ =	swait.ge [sflag:s25], $0x800  }
0x8d: {  	[sflag:s25] =	ssyncset.done $0x0  }
0x8e: {  	s7 =	simm.s32 $0x14300;
	[sflag:s25] =	ssyncadd.s32 $0xFFFFF800  }
0x8f: {  	[tilespmem:s13], [sflag:$0x1] =	stream.indirect.gather [hbm4b:s1+s18], $0x80, s7, s18, $0x2000b8;
	v63 =	vld [tilespmem:$0x0]  }
0x90: {  	s9 =	simm.s32 $0x14380  }
0x91: {  	[tilespmem:s22], [sflag:$0x1] =	stream.indirect.gather [hbm4b:s1+s18], $0x80, s9, s18, $0x2000b8;
	v63 =	vld [tilespmem:$0x0]  }
0x92: {  	_ =	swait.ge [sflag:s23], $0x4000  }
0x93: {  	[sflag:s23] =	ssyncset.done $0x0  }
0x94: {  	[sflag:s23] =	ssyncadd.s32 $0xFFFFC000  }
0x95: {  	[spmem:s3] =	stream.indirect.scatter.add.f32 [tilespmem:s13], [sflag:$0x2], $0x80, s10, s18, $0x2000b8;
	v63 =	vld [tilespmem:$0x0]  }
0x96: {  	_ = 	snop  }
0x97: {  	[spmem:s4] =	stream.indirect.scatter.add.f32 [tilespmem:s15], [sflag:$0x2], $0x10, s10, s18, $0x2000b8;
	v63 =	vld [tilespmem:$0x0]  }
0x98: {  	_ =	swait.ge [sflag:s23], $0x4000  }
0x99: {  	[sflag:s23] =	ssyncset.done $0x0  }
0x9a: {  	[sflag:s23] =	ssyncadd.s32 $0xFFFFC000  }
0x9b: {  	[spmem:s3] =	stream.indirect.scatter.add.f32 [tilespmem:s22], [sflag:$0x2], $0x80, s19, s18, $0x2000b8;
	v63 =	vld [tilespmem:$0x0]  }
0x9c: {  	_ = 	snop  }
0x9d: {  	[spmem:s4] =	stream.indirect.scatter.add.f32 [tilespmem:s15], [sflag:$0x2], $0x10, s19, s18, $0x2000b8;
	v63 =	vld [tilespmem:$0x0]  }
0x9e: {  	_ =	swait.ge [sflag:s25], $0x4000  }
0x9f: {  	[sflag:s25] =	ssyncset.done $0x0  }
0xa0: {  	[sflag:s25] =	ssyncadd.s32 $0xFFFFC000  }
0xa1: {  	_ =	swait.ge [sflag:s25], $0x800  }
0xa2: {  	[sflag:s25] =	ssyncset.done $0x0  }
0xa3: {  	[sflag:s25] =	ssyncadd.s32 $0xFFFFF800  }
0xa4: {  	_ =	swait.ge [sflag:s25], $0x4000  }
0xa5: {  	[sflag:s25] =	ssyncset.done $0x0  }
0xa6: {  	[sflag:s25] =	ssyncadd.s32 $0xFFFFC000  }
0xa7: {  	_ =	swait.ge [sflag:s25], $0x800  }
0xa8: {  	[sflag:s25] =	ssyncset.done $0x0  }
0xa9: {  	s10 =	simm.s32 $0x14400;
	[sflag:s25] =	ssyncadd.s32 $0xFFFFF800  }
0xaa: {  	[tilespmem:s13], [sflag:$0x1] =	stream.indirect.gather [hbm4b:s1+s18], $0x80, s10, s18, $0x2000b8;
	v63 =	vld [tilespmem:$0x0]  }
0xab: {  	s12 =	simm.s32 $0x14480  }
0xac: {  	[tilespmem:s22], [sflag:$0x1] =	stream.indirect.gather [hbm4b:s1+s18], $0x80, s12, s18, $0x2000b8;
	v63 =	vld [tilespmem:$0x0]  }
0xad: {  	_ =	swait.ge [sflag:s23], $0x4000  }
0xae: {  	[sflag:s23] =	ssyncset.done $0x0  }
0xaf: {  	[sflag:s23] =	ssyncadd.s32 $0xFFFFC000  }
0xb0: {  	[spmem:s3] =	stream.indirect.scatter.add.f32 [tilespmem:s13], [sflag:$0x2], $0x80, s20, s18, $0x2000b8;
	v63 =	vld [tilespmem:$0x0]  }
0xb1: {  	_ = 	snop  }
0xb2: {  	[spmem:s4] =	stream.indirect.scatter.add.f32 [tilespmem:s15], [sflag:$0x2], $0x10, s20, s18, $0x2000b8;
	v63 =	vld [tilespmem:$0x0]  }
0xb3: {  	_ =	swait.ge [sflag:s23], $0x4000  }
0xb4: {  	[sflag:s23] =	ssyncset.done $0x0  }
0xb5: {  	[sflag:s23] =	ssyncadd.s32 $0xFFFFC000  }
0xb6: {  	[spmem:s3] =	stream.indirect.scatter.add.f32 [tilespmem:s22], [sflag:$0x2], $0x80, s28, s18, $0x2000b8;
	v63 =	vld [tilespmem:$0x0]  }
0xb7: {  	_ = 	snop  }
0xb8: {  	[spmem:s4] =	stream.indirect.scatter.add.f32 [tilespmem:s15], [sflag:$0x2], $0x10, s28, s18, $0x2000b8;
	v63 =	vld [tilespmem:$0x0]  }
0xb9: {  	_ =	swait.ge [sflag:s25], $0x4000  }
0xba: {  	[sflag:s25] =	ssyncset.done $0x0  }
0xbb: {  	[sflag:s25] =	ssyncadd.s32 $0xFFFFC000  }
0xbc: {  	_ =	swait.ge [sflag:s25], $0x800  }
0xbd: {  	[sflag:s25] =	ssyncset.done $0x0  }
0xbe: {  	[sflag:s25] =	ssyncadd.s32 $0xFFFFF800  }
0xbf: {  	_ =	swait.ge [sflag:s25], $0x4000  }
0xc0: {  	[sflag:s25] =	ssyncset.done $0x0  }
0xc1: {  	[sflag:s25] =	ssyncadd.s32 $0xFFFFC000  }
0xc2: {  	_ =	swait.ge [sflag:s25], $0x800  }
0xc3: {  	[sflag:s25] =	ssyncset.done $0x0  }
0xc4: {  	s19 =	simm.s32 $0x14500;
	[sflag:s25] =	ssyncadd.s32 $0xFFFFF800  }
0xc5: {  	[tilespmem:s13], [sflag:$0x1] =	stream.indirect.gather [hbm4b:s1+s18], $0x80, s19, s18, $0x2000b8;
	v63 =	vld [tilespmem:$0x0]  }
0xc6: {  	s20 =	simm.s32 $0x14580  }
0xc7: {  	[tilespmem:s22], [sflag:$0x1] =	stream.indirect.gather [hbm4b:s1+s18], $0x80, s20, s18, $0x2000b8;
	v63 =	vld [tilespmem:$0x0]  }
0xc8: {  	_ =	swait.ge [sflag:s23], $0x4000  }
0xc9: {  	[sflag:s23] =	ssyncset.done $0x0  }
0xca: {  	[sflag:s23] =	ssyncadd.s32 $0xFFFFC000  }
0xcb: {  	[spmem:s3] =	stream.indirect.scatter.add.f32 [tilespmem:s13], [sflag:$0x2], $0x80, s31, s18, $0x2000b8;
	v63 =	vld [tilespmem:$0x0]  }
0xcc: {  	_ = 	snop  }
0xcd: {  	[spmem:s4] =	stream.indirect.scatter.add.f32 [tilespmem:s15], [sflag:$0x2], $0x10, s31, s18, $0x2000b8;
	v63 =	vld [tilespmem:$0x0]  }
0xce: {  	_ =	swait.ge [sflag:s23], $0x4000  }
0xcf: {  	[sflag:s23] =	ssyncset.done $0x0  }
0xd0: {  	[sflag:s23] =	ssyncadd.s32 $0xFFFFC000  }
0xd1: {  	[spmem:s3] =	stream.indirect.scatter.add.f32 [tilespmem:s22], [sflag:$0x2], $0x80, s8, s18, $0x2000b8;
	v63 =	vld [tilespmem:$0x0]  }
0xd2: {  	_ = 	snop  }
0xd3: {  	[spmem:s4] =	stream.indirect.scatter.add.f32 [tilespmem:s15], [sflag:$0x2], $0x10, s8, s18, $0x2000b8;
	v63 =	vld [tilespmem:$0x0]  }
0xd4: {  	_ =	swait.ge [sflag:s25], $0x4000  }
0xd5: {  	[sflag:s25] =	ssyncset.done $0x0  }
0xd6: {  	[sflag:s25] =	ssyncadd.s32 $0xFFFFC000  }
0xd7: {  	_ =	swait.ge [sflag:s25], $0x800  }
0xd8: {  	[sflag:s25] =	ssyncset.done $0x0  }
0xd9: {  	[sflag:s25] =	ssyncadd.s32 $0xFFFFF800  }
0xda: {  	_ =	swait.ge [sflag:s25], $0x4000  }
0xdb: {  	[sflag:s25] =	ssyncset.done $0x0  }
0xdc: {  	[sflag:s25] =	ssyncadd.s32 $0xFFFFC000  }
0xdd: {  	_ =	swait.ge [sflag:s25], $0x800  }
0xde: {  	[sflag:s25] =	ssyncset.done $0x0  }
0xdf: {  	s21 =	simm.s32 $0x14600;
	[sflag:s25] =	ssyncadd.s32 $0xFFFFF800  }
0xe0: {  	[tilespmem:s13], [sflag:$0x1] =	stream.indirect.gather [hbm4b:s1+s18], $0x80, s21, s18, $0x2000b8;
	v63 =	vld [tilespmem:$0x0]  }
0xe1: {  	s24 =	simm.s32 $0x14680  }
0xe2: {  	[tilespmem:s22], [sflag:$0x1] =	stream.indirect.gather [hbm4b:s1+s18], $0x80, s24, s18, $0x2000b8;
	v63 =	vld [tilespmem:$0x0]  }
0xe3: {  	_ =	swait.ge [sflag:s23], $0x4000  }
0xe4: {  	[sflag:s23] =	ssyncset.done $0x0  }
0xe5: {  	[sflag:s23] =	ssyncadd.s32 $0xFFFFC000  }
0xe6: {  	[spmem:s3] =	stream.indirect.scatter.add.f32 [tilespmem:s13], [sflag:$0x2], $0x80, s11, s18, $0x2000b8;
	v63 =	vld [tilespmem:$0x0]  }
0xe7: {  	_ = 	snop  }
0xe8: {  	[spmem:s4] =	stream.indirect.scatter.add.f32 [tilespmem:s15], [sflag:$0x2], $0x10, s11, s18, $0x2000b8;
	v63 =	vld [tilespmem:$0x0]  }
0xe9: {  	_ =	swait.ge [sflag:s23], $0x4000  }
0xea: {  	[sflag:s23] =	ssyncset.done $0x0  }
0xeb: {  	[sflag:s23] =	ssyncadd.s32 $0xFFFFC000  }
0xec: {  	[spmem:s3] =	stream.indirect.scatter.add.f32 [tilespmem:s22], [sflag:$0x2], $0x80, s26, s18, $0x2000b8;
	v63 =	vld [tilespmem:$0x0]  }
0xed: {  	_ = 	snop  }
0xee: {  	[spmem:s4] =	stream.indirect.scatter.add.f32 [tilespmem:s15], [sflag:$0x2], $0x10, s26, s18, $0x2000b8;
	v63 =	vld [tilespmem:$0x0]  }
0xef: {  	_ =	swait.ge [sflag:s25], $0x4000  }
0xf0: {  	[sflag:s25] =	ssyncset.done $0x0  }
0xf1: {  	[sflag:s25] =	ssyncadd.s32 $0xFFFFC000  }
0xf2: {  	_ =	swait.ge [sflag:s25], $0x800  }
0xf3: {  	[sflag:s25] =	ssyncset.done $0x0  }
0xf4: {  	[sflag:s25] =	ssyncadd.s32 $0xFFFFF800  }
0xf5: {  	_ =	swait.ge [sflag:s25], $0x4000  }
0xf6: {  	[sflag:s25] =	ssyncset.done $0x0  }
0xf7: {  	[sflag:s25] =	ssyncadd.s32 $0xFFFFC000  }
0xf8: {  	_ =	swait.ge [sflag:s25], $0x800  }
0xf9: {  	[sflag:s25] =	ssyncset.done $0x0  }
0xfa: {  	s28 =	simm.s32 $0x14700;
	[sflag:s25] =	ssyncadd.s32 $0xFFFFF800  }
0xfb: {  	[tilespmem:s13], [sflag:$0x1] =	stream.indirect.gather [hbm4b:s1+s18], $0x80, s28, s18, $0x2000b8;
	v63 =	vld [tilespmem:$0x0]  }
0xfc: {  	s30 =	simm.s32 $0x14780  }
0xfd: {  	[tilespmem:s22], [sflag:$0x1] =	stream.indirect.gather [hbm4b:s1+s18], $0x80, s30, s18, $0x2000b8;
	v63 =	vld [tilespmem:$0x0]  }
0xfe: {  	_ =	swait.ge [sflag:s23], $0x4000  }
0xff: {  	[sflag:s23] =	ssyncset.done $0x0  }
0x100: {  	[sflag:s23] =	ssyncadd.s32 $0xFFFFC000  }
0x101: {  	[spmem:s3] =	stream.indirect.scatter.add.f32 [tilespmem:s13], [sflag:$0x2], $0x80, s0, s18, $0x2000b8;
	v63 =	vld [tilespmem:$0x0]  }
0x102: {  	_ = 	snop  }
0x103: {  	[spmem:s4] =	stream.indirect.scatter.add.f32 [tilespmem:s15], [sflag:$0x2], $0x10, s0, s18, $0x2000b8;
	v63 =	vld [tilespmem:$0x0]  }
0x104: {  	_ =	swait.ge [sflag:s23], $0x4000  }
0x105: {  	[sflag:s23] =	ssyncset.done $0x0  }
0x106: {  	s31 =	simm.s32 $0x14F80;
	[sflag:s23] =	ssyncadd.s32 $0xFFFFC000  }
0x107: {  	[spmem:s3] =	stream.indirect.scatter.add.f32 [tilespmem:s22], [sflag:$0x2], $0x80, s31, s18, $0x2000b8;
	v63 =	vld [tilespmem:$0x0]  }
0x108: {  	_ = 	snop  }
0x109: {  	[spmem:s4] =	stream.indirect.scatter.add.f32 [tilespmem:s15], [sflag:$0x2], $0x10, s31, s18, $0x2000b8;
	v63 =	vld [tilespmem:$0x0]  }
0x10a: {  	_ =	swait.ge [sflag:s25], $0x4000  }
0x10b: {  	[sflag:s25] =	ssyncset.done $0x0  }
0x10c: {  	[sflag:s25] =	ssyncadd.s32 $0xFFFFC000  }
0x10d: {  	_ =	swait.ge [sflag:s25], $0x800  }
0x10e: {  	[sflag:s25] =	ssyncset.done $0x0  }
0x10f: {  	[sflag:s25] =	ssyncadd.s32 $0xFFFFF800  }
0x110: {  	_ =	swait.ge [sflag:s25], $0x4000  }
0x111: {  	[sflag:s25] =	ssyncset.done $0x0  }
0x112: {  	[sflag:s25] =	ssyncadd.s32 $0xFFFFC000  }
0x113: {  	s29 =	simm.s32 $0x14180;
	_ =	swait.ge [sflag:s25], $0x800  }
0x114: {  	s12 =	simm.s32 $0x14000;
	s21 =	simm.s32 $0x14880;
	[sflag:s25] =	ssyncset.done $0x0  }
0x115: {  	s24 =	simm.s32 $0x14100;
	s0 =	sld [smem:$0x7F2];
	[sflag:s25] =	ssyncadd.s32 $0xFFFFF800  }
.LBB2_8:
0x116: {  	_ =	strace $0x90000048  }
0x117: {  	[bflag:$0x0] =	sbarrier.arrive $0xFFFF  }
0x118: {  	_ =	strace $0x80000049  }
0x119: {  	s5 =	rddreg [dreg:$0x1a]  }
0x11a: {  	[tilespmem:s13], [sflag:$0x3] =	stream.linear.gather [spmem:s5], $0x4000, $0x200038;
	v63 =	vld [tilespmem:$0x0]  }
0x11b: {  	_ =	swait.ge [sflag:s14], $0x4000  }
0x11c: {  	[sflag:s14] =	ssyncset.done $0x0  }
0x11d: {  	s5 =	simm.s32 $0x0;
	s7 =	rddreg [dreg:$0x9];
	[sflag:s14] =	ssyncadd.s32 $0xFFFFC000  }
0x11e: {  	[hbm4b:s7+s5] =	stream.linear.scatter [tilespmem:s13], [sflag:$0x3], $0x4000, $0x200038;
	v63 =	vld [tilespmem:$0x0]  }
0x11f: {  	_ =	swait.ge [sflag:s14], $0x4000  }
0x120: {  	[sflag:s14] =	ssyncset.done $0x0  }
0x121: {  	s11 =	rddreg [dreg:$0x1b];
	[sflag:s14] =	ssyncadd.s32 $0xFFFFC000  }
0x122: {  	[tilespmem:s13], [sflag:$0x3] =	stream.linear.gather [spmem:s11], $0x4000, $0x200038;
	v63 =	vld [tilespmem:$0x0]  }
0x123: {  	_ =	swait.ge [sflag:s14], $0x4000  }
0x124: {  	[sflag:s14] =	ssyncset.done $0x0  }
0x125: {  	s19 =	rddreg [dreg:$0xa];
	[sflag:s14] =	ssyncadd.s32 $0xFFFFC000  }
0x126: {  	[hbm4b:s19+s5] =	stream.linear.scatter [tilespmem:s13], [sflag:$0x3], $0x4000, $0x200038;
	v63 =	vld [tilespmem:$0x0]  }
0x127: {  	_ =	swait.ge [sflag:s14], $0x4000  }
0x128: {  	[sflag:s14] =	ssyncset.done $0x0  }
0x129: {  	s20 =	rddreg [dreg:$0x1c];
	[sflag:s14] =	ssyncadd.s32 $0xFFFFC000  }
0x12a: {  	[tilespmem:s13], [sflag:$0x3] =	stream.linear.gather [spmem:s20], $0x4000, $0x200038;
	v63 =	vld [tilespmem:$0x0]  }
0x12b: {  	_ =	swait.ge [sflag:s14], $0x4000  }
0x12c: {  	[sflag:s14] =	ssyncset.done $0x0  }
0x12d: {  	s26 =	rddreg [dreg:$0xb];
	[sflag:s14] =	ssyncadd.s32 $0xFFFFC000  }
0x12e: {  	[hbm4b:s26+s5] =	stream.linear.scatter [tilespmem:s13], [sflag:$0x3], $0x4000, $0x200038;
	v63 =	vld [tilespmem:$0x0]  }
0x12f: {  	_ =	swait.ge [sflag:s14], $0x4000  }
0x130: {  	[sflag:s14] =	ssyncset.done $0x0  }
0x131: {  	s28 =	rddreg [dreg:$0x1d];
	[sflag:s14] =	ssyncadd.s32 $0xFFFFC000  }
0x132: {  	[tilespmem:s13], [sflag:$0x3] =	stream.linear.gather [spmem:s28], $0x4000, $0x200038;
	v63 =	vld [tilespmem:$0x0]  }
0x133: {  	_ =	swait.ge [sflag:s14], $0x4000  }
0x134: {  	[sflag:s14] =	ssyncset.done $0x0  }
0x135: {  	s30 =	rddreg [dreg:$0xc];
	[sflag:s14] =	ssyncadd.s32 $0xFFFFC000  }
0x136: {  	[hbm4b:s30+s5] =	stream.linear.scatter [tilespmem:s13], [sflag:$0x3], $0x4000, $0x200038;
	v63 =	vld [tilespmem:$0x0]  }
0x137: {  	_ =	swait.ge [sflag:s14], $0x4000  }
0x138: {  	[sflag:s14] =	ssyncset.done $0x0  }
0x139: {  	s31 =	rddreg [dreg:$0x1e];
	[sflag:s14] =	ssyncadd.s32 $0xFFFFC000  }
0x13a: {  	[tilespmem:s13], [sflag:$0x3] =	stream.linear.gather [spmem:s31], $0x4000, $0x200038;
	v63 =	vld [tilespmem:$0x0]  }
0x13b: {  	_ =	swait.ge [sflag:s14], $0x4000  }
0x13c: {  	[sflag:s14] =	ssyncset.done $0x0  }
0x13d: {  	s2 =	rddreg [dreg:$0xd];
	[sflag:s14] =	ssyncadd.s32 $0xFFFFC000  }
0x13e: {  	[hbm4b:s2+s5] =	stream.linear.scatter [tilespmem:s13], [sflag:$0x3], $0x4000, $0x200038;
	v63 =	vld [tilespmem:$0x0]  }
0x13f: {  	_ =	swait.ge [sflag:s14], $0x4000  }
0x140: {  	[sflag:s14] =	ssyncset.done $0x0  }
0x141: {  	s6 =	rddreg [dreg:$0x18];
	[sflag:s14] =	ssyncadd.s32 $0xFFFFC000  }
0x142: {  	[tilespmem:s15], [sflag:$0x3] =	stream.linear.gather [spmem:s6], $0x800, $0x200038;
	v63 =	vld [tilespmem:$0x0]  }
0x143: {  	_ =	swait.ge [sflag:s14], $0x800  }
0x144: {  	[sflag:s14] =	ssyncset.done $0x0  }
0x145: {  	s8 =	rddreg [dreg:$0xe];
	[sflag:s14] =	ssyncadd.s32 $0xFFFFF800  }
0x146: {  	[hbm4b:s8+s5] =	stream.linear.scatter [tilespmem:s15], [sflag:$0x3], $0x800, $0x200038;
	v63 =	vld [tilespmem:$0x0]  }
0x147: {  	_ =	swait.ge [sflag:s14], $0x800  }
0x148: {  	[sflag:s14] =	ssyncset.done $0x0  }
0x149: {  	s9 =	rddreg [dreg:$0x1f];
	[sflag:s14] =	ssyncadd.s32 $0xFFFFF800  }
0x14a: {  	[tilespmem:s15], [sflag:$0x3] =	stream.linear.gather [spmem:s9], $0x800, $0x200038;
	v63 =	vld [tilespmem:$0x0]  }
0x14b: {  	_ =	swait.ge [sflag:s14], $0x800  }
0x14c: {  	[sflag:s14] =	ssyncset.done $0x0  }
0x14d: {  	s10 =	rddreg [dreg:$0xf];
	[sflag:s14] =	ssyncadd.s32 $0xFFFFF800  }
0x14e: {  	[hbm4b:s10+s5] =	stream.linear.scatter [tilespmem:s15], [sflag:$0x3], $0x800, $0x200038;
	v63 =	vld [tilespmem:$0x0]  }
0x14f: {  	_ =	swait.ge [sflag:s14], $0x800  }
0x150: {  	s11 =	sld [smem:$0x7F3]  }
0x151: {  	[sflag:s14] =	ssyncset.done $0x0  }
0x152: {  	[sflag:s14] =	ssyncadd.s32 $0xFFFFF800  }
0x153: {  	[tilespmem:s15], [sflag:$0x3] =	stream.linear.gather [spmem:s11], $0x800, $0x200038;
	v63 =	vld [tilespmem:$0x0]  }
0x154: {  	_ =	swait.ge [sflag:s14], $0x800  }
0x155: {  	[sflag:s14] =	ssyncset.done $0x0  }
0x156: {  	s19 =	rddreg [dreg:$0x10];
	[sflag:s14] =	ssyncadd.s32 $0xFFFFF800  }
0x157: {  	[hbm4b:s19+s5] =	stream.linear.scatter [tilespmem:s15], [sflag:$0x3], $0x800, $0x200038;
	v63 =	vld [tilespmem:$0x0]  }
0x158: {  	_ =	swait.ge [sflag:s14], $0x800  }
0x159: {  	s20 =	sld [smem:$0x7F4]  }
0x15a: {  	[sflag:s14] =	ssyncset.done $0x0  }
0x15b: {  	[sflag:s14] =	ssyncadd.s32 $0xFFFFF800  }
0x15c: {  	[tilespmem:s15], [sflag:$0x3] =	stream.linear.gather [spmem:s20], $0x800, $0x200038;
	v63 =	vld [tilespmem:$0x0]  }
0x15d: {  	_ =	swait.ge [sflag:s14], $0x800  }
0x15e: {  	[sflag:s14] =	ssyncset.done $0x0  }
0x15f: {  	s26 =	rddreg [dreg:$0x11];
	[sflag:s14] =	ssyncadd.s32 $0xFFFFF800  }
0x160: {  	[hbm4b:s26+s5] =	stream.linear.scatter [tilespmem:s15], [sflag:$0x3], $0x800, $0x200038;
	v63 =	vld [tilespmem:$0x0]  }
0x161: {  	_ =	swait.ge [sflag:s14], $0x800  }
0x162: {  	s28 =	sld [smem:$0x7F5]  }
0x163: {  	[sflag:s14] =	ssyncset.done $0x0  }
0x164: {  	[sflag:s14] =	ssyncadd.s32 $0xFFFFF800  }
0x165: {  	[tilespmem:s15], [sflag:$0x3] =	stream.linear.gather [spmem:s28], $0x800, $0x200038;
	v63 =	vld [tilespmem:$0x0]  }
0x166: {  	_ =	swait.ge [sflag:s14], $0x800  }
0x167: {  	[sflag:s14] =	ssyncset.done $0x0  }
0x168: {  	s30 =	rddreg [dreg:$0x12];
	[sflag:s14] =	ssyncadd.s32 $0xFFFFF800  }
0x169: {  	[hbm4b:s30+s5] =	stream.linear.scatter [tilespmem:s15], [sflag:$0x3], $0x800, $0x200038;
	v63 =	vld [tilespmem:$0x0]  }
0x16a: {  	_ =	swait.ge [sflag:s14], $0x800  }
0x16b: {  	s0 =	sadd.s32 $0x1, s0;
	s31 =	rddreg [dreg:$0x19]  }
0x16c: {  	p1 =	sne.s32 s0, s31  }
.Ltmp1:
0x16d: {  	_ = 	snop;
	(pc) =	sbr.rel @!p1 .LBB2_9-.Ltmp1, $4  }
0x16e: {  	_ = 	snop  }
0x16f: {  	[sflag:s14] =	ssyncset.done $0x0  }
0x170: {  	[sflag:s14] =	ssyncadd.s32 $0xFFFFF800  }
0x171: {  	_ =	strace $0x90000049  }
.LBB2_1:
0x172: {  	[smem:$0x7F2] =	sst s0  }
0x173: {  	s5 =	simm.s32 $0x0;
	s7 =	rddreg [dreg:$0x13]  }
0x174: {  	[tilespmem:s13], [sflag:$0x3] =	stream.linear.gather [hbm4b:s7+s5], $0x4000, $0x38;
	v63 =	vld [tilespmem:$0x0]  }
0x175: {  	_ =	swait.ge [sflag:s14], $0x4000  }
0x176: {  	[sflag:s14] =	ssyncset.done $0x0  }
0x177: {  	s2 =	rddreg [dreg:$0x16];
	[sflag:s14] =	ssyncadd.s32 $0xFFFFC000  }
0x178: {  	[spmem:s2] =	stream.linear.scatter [tilespmem:s13], [sflag:$0x3], $0x4000, $0x38;
	v63 =	vld [tilespmem:$0x0]  }
0x179: {  	_ =	swait.ge [sflag:s14], $0x4000  }
0x17a: {  	s6 =	sld [smem:$0x7F6]  }
0x17b: {  	[sflag:s14] =	ssyncset.done $0x0  }
0x17c: {  	[sflag:s14] =	ssyncadd.s32 $0xFFFFC000  }
0x17d: {  	[spmem:s6] =	stream.linear.scatter [tilespmem:s13], [sflag:$0x3], $0x4000, $0x38;
	v63 =	vld [tilespmem:$0x0]  }
0x17e: {  	_ =	swait.ge [sflag:s14], $0x4000  }
0x17f: {  	s8 =	sld [smem:$0x7F7]  }
0x180: {  	[sflag:s14] =	ssyncset.done $0x0  }
0x181: {  	[sflag:s14] =	ssyncadd.s32 $0xFFFFC000  }
0x182: {  	[spmem:s8] =	stream.linear.scatter [tilespmem:s13], [sflag:$0x3], $0x4000, $0x38;
	v63 =	vld [tilespmem:$0x0]  }
0x183: {  	_ =	swait.ge [sflag:s14], $0x4000  }
0x184: {  	s9 =	sld [smem:$0x7F8]  }
0x185: {  	[sflag:s14] =	ssyncset.done $0x0  }
0x186: {  	[sflag:s14] =	ssyncadd.s32 $0xFFFFC000  }
0x187: {  	[spmem:s9] =	stream.linear.scatter [tilespmem:s13], [sflag:$0x3], $0x4000, $0x38;
	v63 =	vld [tilespmem:$0x0]  }
0x188: {  	_ =	swait.ge [sflag:s14], $0x4000  }
0x189: {  	s10 =	sld [smem:$0x7F9]  }
0x18a: {  	[sflag:s14] =	ssyncset.done $0x0  }
0x18b: {  	[sflag:s14] =	ssyncadd.s32 $0xFFFFC000  }
0x18c: {  	[spmem:s10] =	stream.linear.scatter [tilespmem:s13], [sflag:$0x3], $0x4000, $0x38;
	v63 =	vld [tilespmem:$0x0]  }
0x18d: {  	_ =	swait.ge [sflag:s14], $0x4000  }
0x18e: {  	[sflag:s14] =	ssyncset.done $0x0  }
0x18f: {  	s11 =	rddreg [dreg:$0x14];
	[sflag:s14] =	ssyncadd.s32 $0xFFFFC000  }
0x190: {  	[tilespmem:s15], [sflag:$0x3] =	stream.linear.gather [hbm4b:s11+s5], $0x800, $0x38;
	v63 =	vld [tilespmem:$0x0]  }
0x191: {  	_ =	swait.ge [sflag:s14], $0x800  }
0x192: {  	[sflag:s14] =	ssyncset.done $0x0  }
0x193: {  	s19 =	rddreg [dreg:$0x17];
	[sflag:s14] =	ssyncadd.s32 $0xFFFFF800  }
0x194: {  	[spmem:s19] =	stream.linear.scatter [tilespmem:s15], [sflag:$0x3], $0x800, $0x38;
	v63 =	vld [tilespmem:$0x0]  }
0x195: {  	_ =	swait.ge [sflag:s14], $0x800  }
0x196: {  	s20 =	sld [smem:$0x7FA]  }
0x197: {  	[sflag:s14] =	ssyncset.done $0x0  }
0x198: {  	[sflag:s14] =	ssyncadd.s32 $0xFFFFF800  }
0x199: {  	[spmem:s20] =	stream.linear.scatter [tilespmem:s15], [sflag:$0x3], $0x800, $0x38;
	v63 =	vld [tilespmem:$0x0]  }
0x19a: {  	_ =	swait.ge [sflag:s14], $0x800  }
0x19b: {  	s26 =	sld [smem:$0x7FB]  }
0x19c: {  	[sflag:s14] =	ssyncset.done $0x0  }
0x19d: {  	[sflag:s14] =	ssyncadd.s32 $0xFFFFF800  }
0x19e: {  	[spmem:s26] =	stream.linear.scatter [tilespmem:s15], [sflag:$0x3], $0x800, $0x38;
	v63 =	vld [tilespmem:$0x0]  }
0x19f: {  	_ =	swait.ge [sflag:s14], $0x800  }
0x1a0: {  	s28 =	sld [smem:$0x7FC]  }
0x1a1: {  	[sflag:s14] =	ssyncset.done $0x0  }
0x1a2: {  	[sflag:s14] =	ssyncadd.s32 $0xFFFFF800  }
0x1a3: {  	[spmem:s28] =	stream.linear.scatter [tilespmem:s15], [sflag:$0x3], $0x800, $0x38;
	v63 =	vld [tilespmem:$0x0]  }
0x1a4: {  	_ =	swait.ge [sflag:s14], $0x800  }
0x1a5: {  	s30 =	sld [smem:$0x7FD]  }
0x1a6: {  	[sflag:s14] =	ssyncset.done $0x0  }
0x1a7: {  	[sflag:s14] =	ssyncadd.s32 $0xFFFFF800  }
0x1a8: {  	[spmem:s30] =	stream.linear.scatter [tilespmem:s15], [sflag:$0x3], $0x800, $0x38;
	v63 =	vld [tilespmem:$0x0]  }
0x1a9: {  	_ =	swait.ge [sflag:s14], $0x800  }
0x1aa: {  	[sflag:s14] =	ssyncset.done $0x0  }
0x1ab: {  	s31 =	rddreg [dreg:$0x15];
	[sflag:s14] =	ssyncadd.s32 $0xFFFFF800  }
0x1ac: {  	[tilespmem:s15], [sflag:$0x3] =	stream.linear.gather [hbm4b:s31+s5], $0x800, $0x38;
	v63 =	vld [tilespmem:$0x0]  }
.Ltmp2:
0x1ad: {  	_ =	swait.ge [sflag:s14], $0x800;
	(pc) =	sbr.rel @!p0 .LBB2_2-.Ltmp2, $4  }
0x1ae: {  	[sflag:s14] =	ssyncset.done $0x0  }
0x1af: {  	[sflag:s14] =	ssyncadd.s32 $0xFFFFF800  }
0x1b0: {  	[bflag:$0x0] =	sbarrier.arrive $0xFFFF  }
0x1b1: {  	_ =	strace $0x80000048  }
0x1b2: {  	s5 =	rddreg [dreg:$0x8]  }
0x1b3: {  	s7 =	simm.s32 $0x0;
	s5 =	sadd.s32 $0x0, s5  }
0x1b4: {  	[tilespmem:s12], [sflag:$0x3] =	stream.linear.gather [hbm4b:s5+s7], $0x800, $0x200038;
	v63 =	vld [tilespmem:$0x0]  }
0x1b5: {  	_ =	swait.ge [sflag:s14], $0x800  }
0x1b6: {  	s19 =	rddreg [dreg:$0x7];
	[sflag:s14] =	ssyncset.done $0x0  }
0x1b7: {  	[sflag:s14] =	ssyncadd.s32 $0xFFFFF800;
	s5 =	sadd.s32 $0x0, s19  }
0x1b8: {  	[tilespmem:s17], [sflag:$0x3] =	stream.linear.gather [hbm4b:s5+s7], $0x800, $0x200038;
	v63 =	vld [tilespmem:$0x0]  }
0x1b9: {  	_ =	swait.ge [sflag:s14], $0x800  }
0x1ba: {  	[sflag:s14] =	ssyncset.done $0x0  }
0x1bb: {  	[sflag:s14] =	ssyncadd.s32 $0xFFFFF800  }
0x1bc: {  	[tilespmem:s13], [sflag:$0x1] =	stream.indirect.gather [hbm4b:s1+s18], $0x80, s12, s18, $0x2000b8;
	v63 =	vld [tilespmem:$0x0]  }
0x1bd: {  	_ = 	snop  }
0x1be: {  	[tilespmem:s22], [sflag:$0x1] =	stream.indirect.gather [hbm4b:s1+s18], $0x80, s16, s18, $0x2000b8;
	v63 =	vld [tilespmem:$0x0]  }
0x1bf: {  	_ =	swait.ge [sflag:s23], $0x4000  }
0x1c0: {  	[sflag:s23] =	ssyncset.done $0x0  }
0x1c1: {  	[sflag:s23] =	ssyncadd.s32 $0xFFFFC000  }
0x1c2: {  	[spmem:s3] =	stream.indirect.scatter.add.f32 [tilespmem:s13], [sflag:$0x2], $0x80, s17, s18, $0x2000b8;
	v63 =	vld [tilespmem:$0x0]  }
0x1c3: {  	_ = 	snop  }
0x1c4: {  	[spmem:s4] =	stream.indirect.scatter.add.f32 [tilespmem:s15], [sflag:$0x2], $0x10, s17, s18, $0x2000b8;
	v63 =	vld [tilespmem:$0x0]  }
0x1c5: {  	_ =	swait.ge [sflag:s23], $0x4000  }
0x1c6: {  	[sflag:s23] =	ssyncset.done $0x0  }
0x1c7: {  	[sflag:s23] =	ssyncadd.s32 $0xFFFFC000  }
0x1c8: {  	[spmem:s3] =	stream.indirect.scatter.add.f32 [tilespmem:s22], [sflag:$0x2], $0x80, s21, s18, $0x2000b8;
	v63 =	vld [tilespmem:$0x0]  }
0x1c9: {  	_ = 	snop  }
0x1ca: {  	[spmem:s4] =	stream.indirect.scatter.add.f32 [tilespmem:s15], [sflag:$0x2], $0x10, s21, s18, $0x2000b8;
	v63 =	vld [tilespmem:$0x0]  }
0x1cb: {  	_ =	swait.ge [sflag:s25], $0x4000  }
0x1cc: {  	[sflag:s25] =	ssyncset.done $0x0  }
0x1cd: {  	[sflag:s25] =	ssyncadd.s32 $0xFFFFC000  }
0x1ce: {  	_ =	swait.ge [sflag:s25], $0x800  }
0x1cf: {  	[sflag:s25] =	ssyncset.done $0x0  }
0x1d0: {  	[sflag:s25] =	ssyncadd.s32 $0xFFFFF800  }
0x1d1: {  	_ =	swait.ge [sflag:s25], $0x4000  }
0x1d2: {  	[sflag:s25] =	ssyncset.done $0x0  }
0x1d3: {  	[sflag:s25] =	ssyncadd.s32 $0xFFFFC000  }
0x1d4: {  	_ =	swait.ge [sflag:s25], $0x800  }
0x1d5: {  	[sflag:s25] =	ssyncset.done $0x0  }
0x1d6: {  	[sflag:s25] =	ssyncadd.s32 $0xFFFFF800  }
0x1d7: {  	[tilespmem:s13], [sflag:$0x1] =	stream.indirect.gather [hbm4b:s1+s18], $0x80, s24, s18, $0x2000b8;
	v63 =	vld [tilespmem:$0x0]  }
0x1d8: {  	_ = 	snop  }
0x1d9: {  	[tilespmem:s22], [sflag:$0x1] =	stream.indirect.gather [hbm4b:s1+s18], $0x80, s29, s18, $0x2000b8;
	v63 =	vld [tilespmem:$0x0]  }
0x1da: {  	_ =	swait.ge [sflag:s23], $0x4000  }
0x1db: {  	[sflag:s23] =	ssyncset.done $0x0  }
0x1dc: {  	s30 =	simm.s32 $0x14900;
	[sflag:s23] =	ssyncadd.s32 $0xFFFFC000  }
0x1dd: {  	[spmem:s3] =	stream.indirect.scatter.add.f32 [tilespmem:s13], [sflag:$0x2], $0x80, s30, s18, $0x2000b8;
	v63 =	vld [tilespmem:$0x0]  }
0x1de: {  	_ = 	snop  }
0x1df: {  	[spmem:s4] =	stream.indirect.scatter.add.f32 [tilespmem:s15], [sflag:$0x2], $0x10, s30, s18, $0x2000b8;
	v63 =	vld [tilespmem:$0x0]  }
0x1e0: {  	_ =	swait.ge [sflag:s23], $0x4000  }
0x1e1: {  	[sflag:s23] =	ssyncset.done $0x0  }
0x1e2: {  	s2 =	simm.s32 $0x14980;
	[sflag:s23] =	ssyncadd.s32 $0xFFFFC000  }
0x1e3: {  	[spmem:s3] =	stream.indirect.scatter.add.f32 [tilespmem:s22], [sflag:$0x2], $0x80, s2, s18, $0x2000b8;
	v63 =	vld [tilespmem:$0x0]  }
0x1e4: {  	_ = 	snop  }
0x1e5: {  	[spmem:s4] =	stream.indirect.scatter.add.f32 [tilespmem:s15], [sflag:$0x2], $0x10, s2, s18, $0x2000b8;
	v63 =	vld [tilespmem:$0x0]  }
0x1e6: {  	_ =	swait.ge [sflag:s25], $0x4000  }
0x1e7: {  	[sflag:s25] =	ssyncset.done $0x0  }
0x1e8: {  	[sflag:s25] =	ssyncadd.s32 $0xFFFFC000  }
0x1e9: {  	_ =	swait.ge [sflag:s25], $0x800  }
0x1ea: {  	[sflag:s25] =	ssyncset.done $0x0  }
0x1eb: {  	[sflag:s25] =	ssyncadd.s32 $0xFFFFF800  }
0x1ec: {  	_ =	swait.ge [sflag:s25], $0x4000  }
0x1ed: {  	[sflag:s25] =	ssyncset.done $0x0  }
0x1ee: {  	[sflag:s25] =	ssyncadd.s32 $0xFFFFC000  }
0x1ef: {  	_ =	swait.ge [sflag:s25], $0x800  }
0x1f0: {  	[sflag:s25] =	ssyncset.done $0x0  }
0x1f1: {  	s0 =	simm.s32 $0x14200;
	[sflag:s25] =	ssyncadd.s32 $0xFFFFF800  }
0x1f2: {  	[tilespmem:s13], [sflag:$0x1] =	stream.indirect.gather [hbm4b:s1+s18], $0x80, s0, s18, $0x2000b8;
	v63 =	vld [tilespmem:$0x0]  }
0x1f3: {  	s20 =	simm.s32 $0x14280  }
0x1f4: {  	[tilespmem:s22], [sflag:$0x1] =	stream.indirect.gather [hbm4b:s1+s18], $0x80, s20, s18, $0x2000b8;
	v63 =	vld [tilespmem:$0x0]  }
0x1f5: {  	_ =	swait.ge [sflag:s23], $0x4000  }
0x1f6: {  	[sflag:s23] =	ssyncset.done $0x0  }
0x1f7: {  	s6 =	simm.s32 $0x14A00;
	[sflag:s23] =	ssyncadd.s32 $0xFFFFC000  }
0x1f8: {  	[spmem:s3] =	stream.indirect.scatter.add.f32 [tilespmem:s13], [sflag:$0x2], $0x80, s6, s18, $0x2000b8;
	v63 =	vld [tilespmem:$0x0]  }
0x1f9: {  	_ = 	snop  }
0x1fa: {  	[spmem:s4] =	stream.indirect.scatter.add.f32 [tilespmem:s15], [sflag:$0x2], $0x10, s6, s18, $0x2000b8;
	v63 =	vld [tilespmem:$0x0]  }
0x1fb: {  	_ =	swait.ge [sflag:s23], $0x4000  }
0x1fc: {  	[sflag:s23] =	ssyncset.done $0x0  }
0x1fd: {  	s9 =	simm.s32 $0x14A80;
	[sflag:s23] =	ssyncadd.s32 $0xFFFFC000  }
0x1fe: {  	[spmem:s3] =	stream.indirect.scatter.add.f32 [tilespmem:s22], [sflag:$0x2], $0x80, s9, s18, $0x2000b8;
	v63 =	vld [tilespmem:$0x0]  }
0x1ff: {  	_ = 	snop  }
0x200: {  	[spmem:s4] =	stream.indirect.scatter.add.f32 [tilespmem:s15], [sflag:$0x2], $0x10, s9, s18, $0x2000b8;
	v63 =	vld [tilespmem:$0x0]  }
0x201: {  	_ =	swait.ge [sflag:s25], $0x4000  }
0x202: {  	[sflag:s25] =	ssyncset.done $0x0  }
0x203: {  	[sflag:s25] =	ssyncadd.s32 $0xFFFFC000  }
0x204: {  	_ =	swait.ge [sflag:s25], $0x800  }
0x205: {  	[sflag:s25] =	ssyncset.done $0x0  }
0x206: {  	[sflag:s25] =	ssyncadd.s32 $0xFFFFF800  }
0x207: {  	_ =	swait.ge [sflag:s25], $0x4000  }
0x208: {  	[sflag:s25] =	ssyncset.done $0x0  }
0x209: {  	[sflag:s25] =	ssyncadd.s32 $0xFFFFC000  }
0x20a: {  	_ =	swait.ge [sflag:s25], $0x800  }
0x20b: {  	[sflag:s25] =	ssyncset.done $0x0  }
0x20c: {  	s21 =	simm.s32 $0x14300;
	[sflag:s25] =	ssyncadd.s32 $0xFFFFF800  }
0x20d: {  	[tilespmem:s13], [sflag:$0x1] =	stream.indirect.gather [hbm4b:s1+s18], $0x80, s21, s18, $0x2000b8;
	v63 =	vld [tilespmem:$0x0]  }
0x20e: {  	s24 =	simm.s32 $0x14380  }
0x20f: {  	[tilespmem:s22], [sflag:$0x1] =	stream.indirect.gather [hbm4b:s1+s18], $0x80, s24, s18, $0x2000b8;
	v63 =	vld [tilespmem:$0x0]  }
0x210: {  	_ =	swait.ge [sflag:s23], $0x4000  }
0x211: {  	[sflag:s23] =	ssyncset.done $0x0  }
0x212: {  	s10 =	simm.s32 $0x14B00;
	[sflag:s23] =	ssyncadd.s32 $0xFFFFC000  }
0x213: {  	[spmem:s3] =	stream.indirect.scatter.add.f32 [tilespmem:s13], [sflag:$0x2], $0x80, s10, s18, $0x2000b8;
	v63 =	vld [tilespmem:$0x0]  }
0x214: {  	_ = 	snop  }
0x215: {  	[spmem:s4] =	stream.indirect.scatter.add.f32 [tilespmem:s15], [sflag:$0x2], $0x10, s10, s18, $0x2000b8;
	v63 =	vld [tilespmem:$0x0]  }
0x216: {  	_ =	swait.ge [sflag:s23], $0x4000  }
0x217: {  	[sflag:s23] =	ssyncset.done $0x0  }
0x218: {  	s19 =	simm.s32 $0x14B80;
	[sflag:s23] =	ssyncadd.s32 $0xFFFFC000  }
0x219: {  	[spmem:s3] =	stream.indirect.scatter.add.f32 [tilespmem:s22], [sflag:$0x2], $0x80, s19, s18, $0x2000b8;
	v63 =	vld [tilespmem:$0x0]  }
0x21a: {  	_ = 	snop  }
0x21b: {  	[spmem:s4] =	stream.indirect.scatter.add.f32 [tilespmem:s15], [sflag:$0x2], $0x10, s19, s18, $0x2000b8;
	v63 =	vld [tilespmem:$0x0]  }
0x21c: {  	_ =	swait.ge [sflag:s25], $0x4000  }
0x21d: {  	[sflag:s25] =	ssyncset.done $0x0  }
0x21e: {  	[sflag:s25] =	ssyncadd.s32 $0xFFFFC000  }
0x21f: {  	_ =	swait.ge [sflag:s25], $0x800  }
0x220: {  	[sflag:s25] =	ssyncset.done $0x0  }
0x221: {  	[sflag:s25] =	ssyncadd.s32 $0xFFFFF800  }
0x222: {  	_ =	swait.ge [sflag:s25], $0x4000  }
0x223: {  	[sflag:s25] =	ssyncset.done $0x0  }
0x224: {  	[sflag:s25] =	ssyncadd.s32 $0xFFFFC000  }
0x225: {  	_ =	swait.ge [sflag:s25], $0x800  }
0x226: {  	[sflag:s25] =	ssyncset.done $0x0  }
0x227: {  	s26 =	simm.s32 $0x14400;
	[sflag:s25] =	ssyncadd.s32 $0xFFFFF800  }
0x228: {  	[tilespmem:s13], [sflag:$0x1] =	stream.indirect.gather [hbm4b:s1+s18], $0x80, s26, s18, $0x2000b8;
	v63 =	vld [tilespmem:$0x0]  }
0x229: {  	s5 =	simm.s32 $0x14480  }
0x22a: {  	[tilespmem:s22], [sflag:$0x1] =	stream.indirect.gather [hbm4b:s1+s18], $0x80, s5, s18, $0x2000b8;
	v63 =	vld [tilespmem:$0x0]  }
0x22b: {  	_ =	swait.ge [sflag:s23], $0x4000  }
0x22c: {  	[sflag:s23] =	ssyncset.done $0x0  }
0x22d: {  	s20 =	simm.s32 $0x14C00;
	[sflag:s23] =	ssyncadd.s32 $0xFFFFC000  }
0x22e: {  	[spmem:s3] =	stream.indirect.scatter.add.f32 [tilespmem:s13], [sflag:$0x2], $0x80, s20, s18, $0x2000b8;
	v63 =	vld [tilespmem:$0x0]  }
0x22f: {  	_ = 	snop  }
0x230: {  	[spmem:s4] =	stream.indirect.scatter.add.f32 [tilespmem:s15], [sflag:$0x2], $0x10, s20, s18, $0x2000b8;
	v63 =	vld [tilespmem:$0x0]  }
0x231: {  	_ =	swait.ge [sflag:s23], $0x4000  }
0x232: {  	[sflag:s23] =	ssyncset.done $0x0  }
0x233: {  	s28 =	simm.s32 $0x14C80;
	[sflag:s23] =	ssyncadd.s32 $0xFFFFC000  }
0x234: {  	[spmem:s3] =	stream.indirect.scatter.add.f32 [tilespmem:s22], [sflag:$0x2], $0x80, s28, s18, $0x2000b8;
	v63 =	vld [tilespmem:$0x0]  }
0x235: {  	_ = 	snop  }
0x236: {  	[spmem:s4] =	stream.indirect.scatter.add.f32 [tilespmem:s15], [sflag:$0x2], $0x10, s28, s18, $0x2000b8;
	v63 =	vld [tilespmem:$0x0]  }
0x237: {  	_ =	swait.ge [sflag:s25], $0x4000  }
0x238: {  	[sflag:s25] =	ssyncset.done $0x0  }
0x239: {  	[sflag:s25] =	ssyncadd.s32 $0xFFFFC000  }
0x23a: {  	_ =	swait.ge [sflag:s25], $0x800  }
0x23b: {  	[sflag:s25] =	ssyncset.done $0x0  }
0x23c: {  	[sflag:s25] =	ssyncadd.s32 $0xFFFFF800  }
0x23d: {  	_ =	swait.ge [sflag:s25], $0x4000  }
0x23e: {  	[sflag:s25] =	ssyncset.done $0x0  }
0x23f: {  	[sflag:s25] =	ssyncadd.s32 $0xFFFFC000  }
0x240: {  	_ =	swait.ge [sflag:s25], $0x800  }
0x241: {  	[sflag:s25] =	ssyncset.done $0x0  }
0x242: {  	s7 =	simm.s32 $0x14500;
	[sflag:s25] =	ssyncadd.s32 $0xFFFFF800  }
0x243: {  	[tilespmem:s13], [sflag:$0x1] =	stream.indirect.gather [hbm4b:s1+s18], $0x80, s7, s18, $0x2000b8;
	v63 =	vld [tilespmem:$0x0]  }
0x244: {  	s8 =	simm.s32 $0x14580  }
0x245: {  	[tilespmem:s22], [sflag:$0x1] =	stream.indirect.gather [hbm4b:s1+s18], $0x80, s8, s18, $0x2000b8;
	v63 =	vld [tilespmem:$0x0]  }
0x246: {  	_ =	swait.ge [sflag:s23], $0x4000  }
0x247: {  	[sflag:s23] =	ssyncset.done $0x0  }
0x248: {  	s31 =	simm.s32 $0x14D00;
	[sflag:s23] =	ssyncadd.s32 $0xFFFFC000  }
0x249: {  	[spmem:s3] =	stream.indirect.scatter.add.f32 [tilespmem:s13], [sflag:$0x2], $0x80, s31, s18, $0x2000b8;
	v63 =	vld [tilespmem:$0x0]  }
0x24a: {  	_ = 	snop  }
0x24b: {  	[spmem:s4] =	stream.indirect.scatter.add.f32 [tilespmem:s15], [sflag:$0x2], $0x10, s31, s18, $0x2000b8;
	v63 =	vld [tilespmem:$0x0]  }
0x24c: {  	_ =	swait.ge [sflag:s23], $0x4000  }
0x24d: {  	[sflag:s23] =	ssyncset.done $0x0  }
0x24e: {  	s8 =	simm.s32 $0x14D80;
	[sflag:s23] =	ssyncadd.s32 $0xFFFFC000  }
0x24f: {  	[spmem:s3] =	stream.indirect.scatter.add.f32 [tilespmem:s22], [sflag:$0x2], $0x80, s8, s18, $0x2000b8;
	v63 =	vld [tilespmem:$0x0]  }
0x250: {  	_ = 	snop  }
0x251: {  	[spmem:s4] =	stream.indirect.scatter.add.f32 [tilespmem:s15], [sflag:$0x2], $0x10, s8, s18, $0x2000b8;
	v63 =	vld [tilespmem:$0x0]  }
0x252: {  	_ =	swait.ge [sflag:s25], $0x4000  }
0x253: {  	[sflag:s25] =	ssyncset.done $0x0  }
0x254: {  	[sflag:s25] =	ssyncadd.s32 $0xFFFFC000  }
0x255: {  	_ =	swait.ge [sflag:s25], $0x800  }
0x256: {  	[sflag:s25] =	ssyncset.done $0x0  }
0x257: {  	[sflag:s25] =	ssyncadd.s32 $0xFFFFF800  }
0x258: {  	_ =	swait.ge [sflag:s25], $0x4000  }
0x259: {  	[sflag:s25] =	ssyncset.done $0x0  }
0x25a: {  	[sflag:s25] =	ssyncadd.s32 $0xFFFFC000  }
0x25b: {  	_ =	swait.ge [sflag:s25], $0x800  }
0x25c: {  	[sflag:s25] =	ssyncset.done $0x0  }
0x25d: {  	s11 =	simm.s32 $0x14600;
	[sflag:s25] =	ssyncadd.s32 $0xFFFFF800  }
0x25e: {  	[tilespmem:s13], [sflag:$0x1] =	stream.indirect.gather [hbm4b:s1+s18], $0x80, s11, s18, $0x2000b8;
	v63 =	vld [tilespmem:$0x0]  }
0x25f: {  	s12 =	simm.s32 $0x14680  }
0x260: {  	[tilespmem:s22], [sflag:$0x1] =	stream.indirect.gather [hbm4b:s1+s18], $0x80, s12, s18, $0x2000b8;
	v63 =	vld [tilespmem:$0x0]  }
0x261: {  	_ =	swait.ge [sflag:s23], $0x4000  }
0x262: {  	[sflag:s23] =	ssyncset.done $0x0  }
0x263: {  	s11 =	simm.s32 $0x14E00;
	[sflag:s23] =	ssyncadd.s32 $0xFFFFC000  }
0x264: {  	[spmem:s3] =	stream.indirect.scatter.add.f32 [tilespmem:s13], [sflag:$0x2], $0x80, s11, s18, $0x2000b8;
	v63 =	vld [tilespmem:$0x0]  }
0x265: {  	_ = 	snop  }
0x266: {  	[spmem:s4] =	stream.indirect.scatter.add.f32 [tilespmem:s15], [sflag:$0x2], $0x10, s11, s18, $0x2000b8;
	v63 =	vld [tilespmem:$0x0]  }
0x267: {  	_ =	swait.ge [sflag:s23], $0x4000  }
0x268: {  	[sflag:s23] =	ssyncset.done $0x0  }
0x269: {  	s26 =	simm.s32 $0x14E80;
	[sflag:s23] =	ssyncadd.s32 $0xFFFFC000  }
0x26a: {  	[spmem:s3] =	stream.indirect.scatter.add.f32 [tilespmem:s22], [sflag:$0x2], $0x80, s26, s18, $0x2000b8;
	v63 =	vld [tilespmem:$0x0]  }
0x26b: {  	_ = 	snop  }
0x26c: {  	[spmem:s4] =	stream.indirect.scatter.add.f32 [tilespmem:s15], [sflag:$0x2], $0x10, s26, s18, $0x2000b8;
	v63 =	vld [tilespmem:$0x0]  }
0x26d: {  	_ =	swait.ge [sflag:s25], $0x4000  }
0x26e: {  	[sflag:s25] =	ssyncset.done $0x0  }
0x26f: {  	[sflag:s25] =	ssyncadd.s32 $0xFFFFC000  }
0x270: {  	_ =	swait.ge [sflag:s25], $0x800  }
0x271: {  	[sflag:s25] =	ssyncset.done $0x0  }
0x272: {  	[sflag:s25] =	ssyncadd.s32 $0xFFFFF800  }
0x273: {  	_ =	swait.ge [sflag:s25], $0x4000  }
0x274: {  	[sflag:s25] =	ssyncset.done $0x0  }
0x275: {  	[sflag:s25] =	ssyncadd.s32 $0xFFFFC000  }
0x276: {  	_ =	swait.ge [sflag:s25], $0x800  }
0x277: {  	[sflag:s25] =	ssyncset.done $0x0  }
0x278: {  	s16 =	simm.s32 $0x14700;
	[sflag:s25] =	ssyncadd.s32 $0xFFFFF800  }
0x279: {  	[tilespmem:s13], [sflag:$0x1] =	stream.indirect.gather [hbm4b:s1+s18], $0x80, s16, s18, $0x2000b8;
	v63 =	vld [tilespmem:$0x0]  }
0x27a: {  	s21 =	simm.s32 $0x14780  }
0x27b: {  	[tilespmem:s22], [sflag:$0x1] =	stream.indirect.gather [hbm4b:s1+s18], $0x80, s21, s18, $0x2000b8;
	v63 =	vld [tilespmem:$0x0]  }
0x27c: {  	_ =	swait.ge [sflag:s23], $0x4000  }
0x27d: {  	[sflag:s23] =	ssyncset.done $0x0  }
0x27e: {  	s0 =	simm.s32 $0x14F00;
	[sflag:s23] =	ssyncadd.s32 $0xFFFFC000  }
0x27f: {  	[spmem:s3] =	stream.indirect.scatter.add.f32 [tilespmem:s13], [sflag:$0x2], $0x80, s0, s18, $0x2000b8;
	v63 =	vld [tilespmem:$0x0]  }
0x280: {  	_ = 	snop  }
0x281: {  	[spmem:s4] =	stream.indirect.scatter.add.f32 [tilespmem:s15], [sflag:$0x2], $0x10, s0, s18, $0x2000b8;
	v63 =	vld [tilespmem:$0x0]  }
0x282: {  	_ =	swait.ge [sflag:s23], $0x4000  }
0x283: {  	[sflag:s23] =	ssyncset.done $0x0  }
0x284: {  	s24 =	simm.s32 $0x14F80;
	[sflag:s23] =	ssyncadd.s32 $0xFFFFC000  }
0x285: {  	[spmem:s3] =	stream.indirect.scatter.add.f32 [tilespmem:s22], [sflag:$0x2], $0x80, s24, s18, $0x2000b8;
	v63 =	vld [tilespmem:$0x0]  }
0x286: {  	_ = 	snop  }
0x287: {  	[spmem:s4] =	stream.indirect.scatter.add.f32 [tilespmem:s15], [sflag:$0x2], $0x10, s24, s18, $0x2000b8;
	v63 =	vld [tilespmem:$0x0]  }
0x288: {  	_ =	swait.ge [sflag:s25], $0x4000  }
0x289: {  	[sflag:s25] =	ssyncset.done $0x0  }
0x28a: {  	[sflag:s25] =	ssyncadd.s32 $0xFFFFC000  }
0x28b: {  	_ =	swait.ge [sflag:s25], $0x800  }
0x28c: {  	[sflag:s25] =	ssyncset.done $0x0  }
0x28d: {  	[sflag:s25] =	ssyncadd.s32 $0xFFFFF800  }
0x28e: {  	_ =	swait.ge [sflag:s25], $0x4000  }
0x28f: {  	[sflag:s25] =	ssyncset.done $0x0  }
0x290: {  	s29 =	simm.s32 $0x14880;
	[sflag:s25] =	ssyncadd.s32 $0xFFFFC000  }
0x291: {  	s7 =	simm.s32 $0x100;
	s12 =	simm.s32 $0x200;
	_ =	swait.ge [sflag:s25], $0x800  }
0x292: {  	s24 =	simm.s32 $0x14000;
	s21 =	rddreg [dreg:$0x8];
	[sflag:s25] =	ssyncset.done $0x0  }
.LBB2_6:
0x293: {  	[sflag:s25] =	ssyncadd.s32 $0xFFFFF800;
	s21 =	sadd.s32 s7, s21;
	s16 =	simm.s32 $0x0  }
0x294: {  	[tilespmem:s24], [sflag:$0x3] =	stream.linear.gather [hbm4b:s21+s16], $0x800, $0x200038;
	v63 =	vld [tilespmem:$0x0]  }
0x295: {  	_ =	swait.ge [sflag:s14], $0x800  }
0x296: {  	s21 =	rddreg [dreg:$0x7];
	[sflag:s14] =	ssyncset.done $0x0  }
0x297: {  	[sflag:s14] =	ssyncadd.s32 $0xFFFFF800;
	s21 =	sadd.s32 s7, s21  }
0x298: {  	[tilespmem:s17], [sflag:$0x3] =	stream.linear.gather [hbm4b:s21+s16], $0x800, $0x200038;
	v63 =	vld [tilespmem:$0x0]  }
0x299: {  	_ =	swait.ge [sflag:s14], $0x800  }
0x29a: {  	[sflag:s14] =	ssyncset.done $0x0  }
0x29b: {  	[sflag:s14] =	ssyncadd.s32 $0xFFFFF800  }
0x29c: {  	[tilespmem:s13], [sflag:$0x1] =	stream.indirect.gather [hbm4b:s1+s18], $0x80, s24, s18, $0x2000b8;
	v63 =	vld [tilespmem:$0x0]  }
0x29d: {  	s16 =	simm.s32 $0x14080  }
0x29e: {  	[tilespmem:s22], [sflag:$0x1] =	stream.indirect.gather [hbm4b:s1+s18], $0x80, s16, s18, $0x2000b8;
	v63 =	vld [tilespmem:$0x0]  }
0x29f: {  	_ =	swait.ge [sflag:s23], $0x4000  }
0x2a0: {  	[sflag:s23] =	ssyncset.done $0x0  }
0x2a1: {  	[sflag:s23] =	ssyncadd.s32 $0xFFFFC000  }
0x2a2: {  	[spmem:s3] =	stream.indirect.scatter.add.f32 [tilespmem:s13], [sflag:$0x2], $0x80, s17, s18, $0x2000b8;
	v63 =	vld [tilespmem:$0x0]  }
0x2a3: {  	_ = 	snop  }
0x2a4: {  	[spmem:s4] =	stream.indirect.scatter.add.f32 [tilespmem:s15], [sflag:$0x2], $0x10, s17, s18, $0x2000b8;
	v63 =	vld [tilespmem:$0x0]  }
0x2a5: {  	_ =	swait.ge [sflag:s23], $0x4000  }
0x2a6: {  	[sflag:s23] =	ssyncset.done $0x0  }
0x2a7: {  	[sflag:s23] =	ssyncadd.s32 $0xFFFFC000  }
0x2a8: {  	[spmem:s3] =	stream.indirect.scatter.add.f32 [tilespmem:s22], [sflag:$0x2], $0x80, s29, s18, $0x2000b8;
	v63 =	vld [tilespmem:$0x0]  }
0x2a9: {  	_ = 	snop  }
0x2aa: {  	[spmem:s4] =	stream.indirect.scatter.add.f32 [tilespmem:s15], [sflag:$0x2], $0x10, s29, s18, $0x2000b8;
	v63 =	vld [tilespmem:$0x0]  }
0x2ab: {  	_ =	swait.ge [sflag:s25], $0x4000  }
0x2ac: {  	[sflag:s25] =	ssyncset.done $0x0  }
0x2ad: {  	[sflag:s25] =	ssyncadd.s32 $0xFFFFC000  }
0x2ae: {  	_ =	swait.ge [sflag:s25], $0x800  }
0x2af: {  	[sflag:s25] =	ssyncset.done $0x0  }
0x2b0: {  	[sflag:s25] =	ssyncadd.s32 $0xFFFFF800  }
0x2b1: {  	_ =	swait.ge [sflag:s25], $0x4000  }
0x2b2: {  	[sflag:s25] =	ssyncset.done $0x0  }
0x2b3: {  	[sflag:s25] =	ssyncadd.s32 $0xFFFFC000  }
0x2b4: {  	_ =	swait.ge [sflag:s25], $0x800  }
0x2b5: {  	[sflag:s25] =	ssyncset.done $0x0  }
0x2b6: {  	s21 =	simm.s32 $0x14100;
	[sflag:s25] =	ssyncadd.s32 $0xFFFFF800  }
0x2b7: {  	[tilespmem:s13], [sflag:$0x1] =	stream.indirect.gather [hbm4b:s1+s18], $0x80, s21, s18, $0x2000b8;
	v63 =	vld [tilespmem:$0x0]  }
0x2b8: {  	s21 =	simm.s32 $0x14180  }
0x2b9: {  	[tilespmem:s22], [sflag:$0x1] =	stream.indirect.gather [hbm4b:s1+s18], $0x80, s21, s18, $0x2000b8;
	v63 =	vld [tilespmem:$0x0]  }
0x2ba: {  	_ =	swait.ge [sflag:s23], $0x4000  }
0x2bb: {  	[sflag:s23] =	ssyncset.done $0x0  }
0x2bc: {  	[sflag:s23] =	ssyncadd.s32 $0xFFFFC000  }
0x2bd: {  	[spmem:s3] =	stream.indirect.scatter.add.f32 [tilespmem:s13], [sflag:$0x2], $0x80, s30, s18, $0x2000b8;
	v63 =	vld [tilespmem:$0x0]  }
0x2be: {  	_ = 	snop  }
0x2bf: {  	[spmem:s4] =	stream.indirect.scatter.add.f32 [tilespmem:s15], [sflag:$0x2], $0x10, s30, s18, $0x2000b8;
	v63 =	vld [tilespmem:$0x0]  }
0x2c0: {  	_ =	swait.ge [sflag:s23], $0x4000  }
0x2c1: {  	[sflag:s23] =	ssyncset.done $0x0  }
0x2c2: {  	[sflag:s23] =	ssyncadd.s32 $0xFFFFC000  }
0x2c3: {  	[spmem:s3] =	stream.indirect.scatter.add.f32 [tilespmem:s22], [sflag:$0x2], $0x80, s2, s18, $0x2000b8;
	v63 =	vld [tilespmem:$0x0]  }
0x2c4: {  	_ = 	snop  }
0x2c5: {  	[spmem:s4] =	stream.indirect.scatter.add.f32 [tilespmem:s15], [sflag:$0x2], $0x10, s2, s18, $0x2000b8;
	v63 =	vld [tilespmem:$0x0]  }
0x2c6: {  	_ =	swait.ge [sflag:s25], $0x4000  }
0x2c7: {  	[sflag:s25] =	ssyncset.done $0x0  }
0x2c8: {  	[sflag:s25] =	ssyncadd.s32 $0xFFFFC000  }
0x2c9: {  	_ =	swait.ge [sflag:s25], $0x800  }
0x2ca: {  	[sflag:s25] =	ssyncset.done $0x0  }
0x2cb: {  	[sflag:s25] =	ssyncadd.s32 $0xFFFFF800  }
0x2cc: {  	_ =	swait.ge [sflag:s25], $0x4000  }
0x2cd: {  	[sflag:s25] =	ssyncset.done $0x0  }
0x2ce: {  	[sflag:s25] =	ssyncadd.s32 $0xFFFFC000  }
0x2cf: {  	_ =	swait.ge [sflag:s25], $0x800  }
0x2d0: {  	[sflag:s25] =	ssyncset.done $0x0  }
0x2d1: {  	s21 =	simm.s32 $0x14200;
	[sflag:s25] =	ssyncadd.s32 $0xFFFFF800  }
0x2d2: {  	[tilespmem:s13], [sflag:$0x1] =	stream.indirect.gather [hbm4b:s1+s18], $0x80, s21, s18, $0x2000b8;
	v63 =	vld [tilespmem:$0x0]  }
0x2d3: {  	s21 =	simm.s32 $0x14280  }
0x2d4: {  	[tilespmem:s22], [sflag:$0x1] =	stream.indirect.gather [hbm4b:s1+s18], $0x80, s21, s18, $0x2000b8;
	v63 =	vld [tilespmem:$0x0]  }
0x2d5: {  	_ =	swait.ge [sflag:s23], $0x4000  }
0x2d6: {  	[sflag:s23] =	ssyncset.done $0x0  }
0x2d7: {  	[sflag:s23] =	ssyncadd.s32 $0xFFFFC000  }
0x2d8: {  	[spmem:s3] =	stream.indirect.scatter.add.f32 [tilespmem:s13], [sflag:$0x2], $0x80, s6, s18, $0x2000b8;
	v63 =	vld [tilespmem:$0x0]  }
0x2d9: {  	_ = 	snop  }
0x2da: {  	[spmem:s4] =	stream.indirect.scatter.add.f32 [tilespmem:s15], [sflag:$0x2], $0x10, s6, s18, $0x2000b8;
	v63 =	vld [tilespmem:$0x0]  }
0x2db: {  	_ =	swait.ge [sflag:s23], $0x4000  }
0x2dc: {  	[sflag:s23] =	ssyncset.done $0x0  }
0x2dd: {  	[sflag:s23] =	ssyncadd.s32 $0xFFFFC000  }
0x2de: {  	[spmem:s3] =	stream.indirect.scatter.add.f32 [tilespmem:s22], [sflag:$0x2], $0x80, s9, s18, $0x2000b8;
	v63 =	vld [tilespmem:$0x0]  }
0x2df: {  	_ = 	snop  }
0x2e0: {  	[spmem:s4] =	stream.indirect.scatter.add.f32 [tilespmem:s15], [sflag:$0x2], $0x10, s9, s18, $0x2000b8;
	v63 =	vld [tilespmem:$0x0]  }
0x2e1: {  	_ =	swait.ge [sflag:s25], $0x4000  }
0x2e2: {  	[sflag:s25] =	ssyncset.done $0x0  }
0x2e3: {  	[sflag:s25] =	ssyncadd.s32 $0xFFFFC000  }
0x2e4: {  	_ =	swait.ge [sflag:s25], $0x800  }
0x2e5: {  	[sflag:s25] =	ssyncset.done $0x0  }
0x2e6: {  	[sflag:s25] =	ssyncadd.s32 $0xFFFFF800  }
0x2e7: {  	_ =	swait.ge [sflag:s25], $0x4000  }
0x2e8: {  	[sflag:s25] =	ssyncset.done $0x0  }
0x2e9: {  	[sflag:s25] =	ssyncadd.s32 $0xFFFFC000  }
0x2ea: {  	_ =	swait.ge [sflag:s25], $0x800  }
0x2eb: {  	[sflag:s25] =	ssyncset.done $0x0  }
0x2ec: {  	s21 =	simm.s32 $0x14300;
	[sflag:s25] =	ssyncadd.s32 $0xFFFFF800  }
0x2ed: {  	[tilespmem:s13], [sflag:$0x1] =	stream.indirect.gather [hbm4b:s1+s18], $0x80, s21, s18, $0x2000b8;
	v63 =	vld [tilespmem:$0x0]  }
0x2ee: {  	s21 =	simm.s32 $0x14380  }
0x2ef: {  	[tilespmem:s22], [sflag:$0x1] =	stream.indirect.gather [hbm4b:s1+s18], $0x80, s21, s18, $0x2000b8;
	v63 =	vld [tilespmem:$0x0]  }
0x2f0: {  	_ =	swait.ge [sflag:s23], $0x4000  }
0x2f1: {  	[sflag:s23] =	ssyncset.done $0x0  }
0x2f2: {  	[sflag:s23] =	ssyncadd.s32 $0xFFFFC000  }
0x2f3: {  	[spmem:s3] =	stream.indirect.scatter.add.f32 [tilespmem:s13], [sflag:$0x2], $0x80, s10, s18, $0x2000b8;
	v63 =	vld [tilespmem:$0x0]  }
0x2f4: {  	_ = 	snop  }
0x2f5: {  	[spmem:s4] =	stream.indirect.scatter.add.f32 [tilespmem:s15], [sflag:$0x2], $0x10, s10, s18, $0x2000b8;
	v63 =	vld [tilespmem:$0x0]  }
0x2f6: {  	_ =	swait.ge [sflag:s23], $0x4000  }
0x2f7: {  	[sflag:s23] =	ssyncset.done $0x0  }
0x2f8: {  	[sflag:s23] =	ssyncadd.s32 $0xFFFFC000  }
0x2f9: {  	[spmem:s3] =	stream.indirect.scatter.add.f32 [tilespmem:s22], [sflag:$0x2], $0x80, s19, s18, $0x2000b8;
	v63 =	vld [tilespmem:$0x0]  }
0x2fa: {  	_ = 	snop  }
0x2fb: {  	[spmem:s4] =	stream.indirect.scatter.add.f32 [tilespmem:s15], [sflag:$0x2], $0x10, s19, s18, $0x2000b8;
	v63 =	vld [tilespmem:$0x0]  }
0x2fc: {  	_ =	swait.ge [sflag:s25], $0x4000  }
0x2fd: {  	[sflag:s25] =	ssyncset.done $0x0  }
0x2fe: {  	[sflag:s25] =	ssyncadd.s32 $0xFFFFC000  }
0x2ff: {  	_ =	swait.ge [sflag:s25], $0x800  }
0x300: {  	[sflag:s25] =	ssyncset.done $0x0  }
0x301: {  	[sflag:s25] =	ssyncadd.s32 $0xFFFFF800  }
0x302: {  	_ =	swait.ge [sflag:s25], $0x4000  }
0x303: {  	[sflag:s25] =	ssyncset.done $0x0  }
0x304: {  	[sflag:s25] =	ssyncadd.s32 $0xFFFFC000  }
0x305: {  	_ =	swait.ge [sflag:s25], $0x800  }
0x306: {  	[sflag:s25] =	ssyncset.done $0x0  }
0x307: {  	s21 =	simm.s32 $0x14400;
	[sflag:s25] =	ssyncadd.s32 $0xFFFFF800  }
0x308: {  	[tilespmem:s13], [sflag:$0x1] =	stream.indirect.gather [hbm4b:s1+s18], $0x80, s21, s18, $0x2000b8;
	v63 =	vld [tilespmem:$0x0]  }
0x309: {  	s21 =	simm.s32 $0x14480  }
0x30a: {  	[tilespmem:s22], [sflag:$0x1] =	stream.indirect.gather [hbm4b:s1+s18], $0x80, s21, s18, $0x2000b8;
	v63 =	vld [tilespmem:$0x0]  }
0x30b: {  	_ =	swait.ge [sflag:s23], $0x4000  }
0x30c: {  	[sflag:s23] =	ssyncset.done $0x0  }
0x30d: {  	[sflag:s23] =	ssyncadd.s32 $0xFFFFC000  }
0x30e: {  	[spmem:s3] =	stream.indirect.scatter.add.f32 [tilespmem:s13], [sflag:$0x2], $0x80, s20, s18, $0x2000b8;
	v63 =	vld [tilespmem:$0x0]  }
0x30f: {  	_ = 	snop  }
0x310: {  	[spmem:s4] =	stream.indirect.scatter.add.f32 [tilespmem:s15], [sflag:$0x2], $0x10, s20, s18, $0x2000b8;
	v63 =	vld [tilespmem:$0x0]  }
0x311: {  	_ =	swait.ge [sflag:s23], $0x4000  }
0x312: {  	[sflag:s23] =	ssyncset.done $0x0  }
0x313: {  	[sflag:s23] =	ssyncadd.s32 $0xFFFFC000  }
0x314: {  	[spmem:s3] =	stream.indirect.scatter.add.f32 [tilespmem:s22], [sflag:$0x2], $0x80, s28, s18, $0x2000b8;
	v63 =	vld [tilespmem:$0x0]  }
0x315: {  	_ = 	snop  }
0x316: {  	[spmem:s4] =	stream.indirect.scatter.add.f32 [tilespmem:s15], [sflag:$0x2], $0x10, s28, s18, $0x2000b8;
	v63 =	vld [tilespmem:$0x0]  }
0x317: {  	_ =	swait.ge [sflag:s25], $0x4000  }
0x318: {  	[sflag:s25] =	ssyncset.done $0x0  }
0x319: {  	[sflag:s25] =	ssyncadd.s32 $0xFFFFC000  }
0x31a: {  	_ =	swait.ge [sflag:s25], $0x800  }
0x31b: {  	[sflag:s25] =	ssyncset.done $0x0  }
0x31c: {  	[sflag:s25] =	ssyncadd.s32 $0xFFFFF800  }
0x31d: {  	_ =	swait.ge [sflag:s25], $0x4000  }
0x31e: {  	[sflag:s25] =	ssyncset.done $0x0  }
0x31f: {  	[sflag:s25] =	ssyncadd.s32 $0xFFFFC000  }
0x320: {  	_ =	swait.ge [sflag:s25], $0x800  }
0x321: {  	[sflag:s25] =	ssyncset.done $0x0  }
0x322: {  	s21 =	simm.s32 $0x14500;
	[sflag:s25] =	ssyncadd.s32 $0xFFFFF800  }
0x323: {  	[tilespmem:s13], [sflag:$0x1] =	stream.indirect.gather [hbm4b:s1+s18], $0x80, s21, s18, $0x2000b8;
	v63 =	vld [tilespmem:$0x0]  }
0x324: {  	s21 =	simm.s32 $0x14580  }
0x325: {  	[tilespmem:s22], [sflag:$0x1] =	stream.indirect.gather [hbm4b:s1+s18], $0x80, s21, s18, $0x2000b8;
	v63 =	vld [tilespmem:$0x0]  }
0x326: {  	_ =	swait.ge [sflag:s23], $0x4000  }
0x327: {  	[sflag:s23] =	ssyncset.done $0x0  }
0x328: {  	[sflag:s23] =	ssyncadd.s32 $0xFFFFC000  }
0x329: {  	[spmem:s3] =	stream.indirect.scatter.add.f32 [tilespmem:s13], [sflag:$0x2], $0x80, s31, s18, $0x2000b8;
	v63 =	vld [tilespmem:$0x0]  }
0x32a: {  	_ = 	snop  }
0x32b: {  	[spmem:s4] =	stream.indirect.scatter.add.f32 [tilespmem:s15], [sflag:$0x2], $0x10, s31, s18, $0x2000b8;
	v63 =	vld [tilespmem:$0x0]  }
0x32c: {  	_ =	swait.ge [sflag:s23], $0x4000  }
0x32d: {  	[sflag:s23] =	ssyncset.done $0x0  }
0x32e: {  	[sflag:s23] =	ssyncadd.s32 $0xFFFFC000  }
0x32f: {  	[spmem:s3] =	stream.indirect.scatter.add.f32 [tilespmem:s22], [sflag:$0x2], $0x80, s8, s18, $0x2000b8;
	v63 =	vld [tilespmem:$0x0]  }
0x330: {  	_ = 	snop  }
0x331: {  	[spmem:s4] =	stream.indirect.scatter.add.f32 [tilespmem:s15], [sflag:$0x2], $0x10, s8, s18, $0x2000b8;
	v63 =	vld [tilespmem:$0x0]  }
0x332: {  	_ =	swait.ge [sflag:s25], $0x4000  }
0x333: {  	[sflag:s25] =	ssyncset.done $0x0  }
0x334: {  	[sflag:s25] =	ssyncadd.s32 $0xFFFFC000  }
0x335: {  	_ =	swait.ge [sflag:s25], $0x800  }
0x336: {  	[sflag:s25] =	ssyncset.done $0x0  }
0x337: {  	[sflag:s25] =	ssyncadd.s32 $0xFFFFF800  }
0x338: {  	_ =	swait.ge [sflag:s25], $0x4000  }
0x339: {  	[sflag:s25] =	ssyncset.done $0x0  }
0x33a: {  	[sflag:s25] =	ssyncadd.s32 $0xFFFFC000  }
0x33b: {  	_ =	swait.ge [sflag:s25], $0x800  }
0x33c: {  	[sflag:s25] =	ssyncset.done $0x0  }
0x33d: {  	s21 =	simm.s32 $0x14600;
	[sflag:s25] =	ssyncadd.s32 $0xFFFFF800  }
0x33e: {  	[tilespmem:s13], [sflag:$0x1] =	stream.indirect.gather [hbm4b:s1+s18], $0x80, s21, s18, $0x2000b8;
	v63 =	vld [tilespmem:$0x0]  }
0x33f: {  	s21 =	simm.s32 $0x14680  }
0x340: {  	[tilespmem:s22], [sflag:$0x1] =	stream.indirect.gather [hbm4b:s1+s18], $0x80, s21, s18, $0x2000b8;
	v63 =	vld [tilespmem:$0x0]  }
0x341: {  	_ =	swait.ge [sflag:s23], $0x4000  }
0x342: {  	[sflag:s23] =	ssyncset.done $0x0  }
0x343: {  	[sflag:s23] =	ssyncadd.s32 $0xFFFFC000  }
0x344: {  	[spmem:s3] =	stream.indirect.scatter.add.f32 [tilespmem:s13], [sflag:$0x2], $0x80, s11, s18, $0x2000b8;
	v63 =	vld [tilespmem:$0x0]  }
0x345: {  	_ = 	snop  }
0x346: {  	[spmem:s4] =	stream.indirect.scatter.add.f32 [tilespmem:s15], [sflag:$0x2], $0x10, s11, s18, $0x2000b8;
	v63 =	vld [tilespmem:$0x0]  }
0x347: {  	_ =	swait.ge [sflag:s23], $0x4000  }
0x348: {  	[sflag:s23] =	ssyncset.done $0x0  }
0x349: {  	[sflag:s23] =	ssyncadd.s32 $0xFFFFC000  }
0x34a: {  	[spmem:s3] =	stream.indirect.scatter.add.f32 [tilespmem:s22], [sflag:$0x2], $0x80, s26, s18, $0x2000b8;
	v63 =	vld [tilespmem:$0x0]  }
0x34b: {  	_ = 	snop  }
0x34c: {  	[spmem:s4] =	stream.indirect.scatter.add.f32 [tilespmem:s15], [sflag:$0x2], $0x10, s26, s18, $0x2000b8;
	v63 =	vld [tilespmem:$0x0]  }
0x34d: {  	_ =	swait.ge [sflag:s25], $0x4000  }
0x34e: {  	[sflag:s25] =	ssyncset.done $0x0  }
0x34f: {  	[sflag:s25] =	ssyncadd.s32 $0xFFFFC000  }
0x350: {  	_ =	swait.ge [sflag:s25], $0x800  }
0x351: {  	[sflag:s25] =	ssyncset.done $0x0  }
0x352: {  	[sflag:s25] =	ssyncadd.s32 $0xFFFFF800  }
0x353: {  	_ =	swait.ge [sflag:s25], $0x4000  }
0x354: {  	[sflag:s25] =	ssyncset.done $0x0  }
0x355: {  	[sflag:s25] =	ssyncadd.s32 $0xFFFFC000  }
0x356: {  	_ =	swait.ge [sflag:s25], $0x800  }
0x357: {  	[sflag:s25] =	ssyncset.done $0x0  }
0x358: {  	s21 =	simm.s32 $0x14700;
	[sflag:s25] =	ssyncadd.s32 $0xFFFFF800  }
0x359: {  	[tilespmem:s13], [sflag:$0x1] =	stream.indirect.gather [hbm4b:s1+s18], $0x80, s21, s18, $0x2000b8;
	v63 =	vld [tilespmem:$0x0]  }
0x35a: {  	s21 =	simm.s32 $0x14780  }
0x35b: {  	[tilespmem:s22], [sflag:$0x1] =	stream.indirect.gather [hbm4b:s1+s18], $0x80, s21, s18, $0x2000b8;
	v63 =	vld [tilespmem:$0x0]  }
0x35c: {  	_ =	swait.ge [sflag:s23], $0x4000  }
0x35d: {  	[sflag:s23] =	ssyncset.done $0x0  }
0x35e: {  	[sflag:s23] =	ssyncadd.s32 $0xFFFFC000  }
0x35f: {  	[spmem:s3] =	stream.indirect.scatter.add.f32 [tilespmem:s13], [sflag:$0x2], $0x80, s0, s18, $0x2000b8;
	v63 =	vld [tilespmem:$0x0]  }
0x360: {  	_ = 	snop  }
0x361: {  	[spmem:s4] =	stream.indirect.scatter.add.f32 [tilespmem:s15], [sflag:$0x2], $0x10, s0, s18, $0x2000b8;
	v63 =	vld [tilespmem:$0x0]  }
0x362: {  	_ =	swait.ge [sflag:s23], $0x4000  }
0x363: {  	[sflag:s23] =	ssyncset.done $0x0  }
0x364: {  	s21 =	simm.s32 $0x14F80;
	[sflag:s23] =	ssyncadd.s32 $0xFFFFC000  }
0x365: {  	[spmem:s3] =	stream.indirect.scatter.add.f32 [tilespmem:s22], [sflag:$0x2], $0x80, s21, s18, $0x2000b8;
	v63 =	vld [tilespmem:$0x0]  }
0x366: {  	_ = 	snop  }
0x367: {  	[spmem:s4] =	stream.indirect.scatter.add.f32 [tilespmem:s15], [sflag:$0x2], $0x10, s21, s18, $0x2000b8;
	v63 =	vld [tilespmem:$0x0]  }
0x368: {  	_ =	swait.ge [sflag:s25], $0x4000  }
0x369: {  	[sflag:s25] =	ssyncset.done $0x0  }
0x36a: {  	[sflag:s25] =	ssyncadd.s32 $0xFFFFC000  }
0x36b: {  	_ =	swait.ge [sflag:s25], $0x800  }
0x36c: {  	[sflag:s25] =	ssyncset.done $0x0  }
0x36d: {  	p1 =	sne.s32 s12, $0x400;
	[sflag:s25] =	ssyncadd.s32 $0xFFFFF800  }
.Ltmp3:
0x36e: {  	_ =	swait.ge [sflag:s25], $0x4000;
	(pc) =	sbr.rel @p1 .LBB2_6-.Ltmp3, $4  }
0x36f: {  	[sflag:s25] =	ssyncset.done $0x0  }
0x370: {  	[sflag:s25] =	ssyncadd.s32 $0xFFFFC000  }
0x371: {  	s5 =	smov.u32 s12;
	s12 =	sadd.s32 $0x100, s12;
	_ =	swait.ge [sflag:s25], $0x800  }
0x372: {  	s7 =	smov.u32 s5;
	s21 =	rddreg [dreg:$0x8];
	[sflag:s25] =	ssyncset.done $0x0  }
.Ltmp4:
0x373: {  	_ = 	snop;
	(pc) =	sbr.rel .LBB2_7-.Ltmp4, $1  }
0x374: {  	_ =	sdelay $0x3  }
.LBB2_2:
0x375: {  	s7 =	rddreg [dreg:$0x6]  }
0x376: {  	s5 =	simm.s32 $0x0;
	s7 =	sadd.s32 $0x0, s7  }
0x377: {  	[tilespmem:s12], [sflag:$0x3] =	stream.linear.gather [hbm4b:s7+s5], $0x800, $0x200038;
	v63 =	vld [tilespmem:$0x0]  }
0x378: {  	_ =	swait.ge [sflag:s14], $0x800  }
0x379: {  	s19 =	rddreg [dreg:$0x5];
	[sflag:s14] =	ssyncset.done $0x0  }
0x37a: {  	[sflag:s14] =	ssyncadd.s32 $0xFFFFF800;
	s7 =	sadd.s32 $0x0, s19  }
0x37b: {  	[tilespmem:s17], [sflag:$0x3] =	stream.linear.gather [hbm4b:s7+s5], $0x800, $0x200038;
	v63 =	vld [tilespmem:$0x0]  }
0x37c: {  	_ =	swait.ge [sflag:s14], $0x800  }
0x37d: {  	[sflag:s14] =	ssyncset.done $0x0  }
0x37e: {  	[sflag:s14] =	ssyncadd.s32 $0xFFFFF800  }
0x37f: {  	[tilespmem:s13], [sflag:$0x1] =	stream.indirect.gather [hbm4b:s1+s18], $0x80, s12, s18, $0x2000b8;
	v63 =	vld [tilespmem:$0x0]  }
0x380: {  	_ = 	snop  }
0x381: {  	[tilespmem:s22], [sflag:$0x1] =	stream.indirect.gather [hbm4b:s1+s18], $0x80, s16, s18, $0x2000b8;
	v63 =	vld [tilespmem:$0x0]  }
0x382: {  	_ =	swait.ge [sflag:s23], $0x4000  }
0x383: {  	[sflag:s23] =	ssyncset.done $0x0  }
0x384: {  	[sflag:s23] =	ssyncadd.s32 $0xFFFFC000  }
0x385: {  	[spmem:s3] =	stream.indirect.scatter.add.f32 [tilespmem:s13], [sflag:$0x2], $0x80, s17, s18, $0x2000b8;
	v63 =	vld [tilespmem:$0x0]  }
0x386: {  	_ = 	snop  }
0x387: {  	[spmem:s4] =	stream.indirect.scatter.add.f32 [tilespmem:s15], [sflag:$0x2], $0x10, s17, s18, $0x2000b8;
	v63 =	vld [tilespmem:$0x0]  }
0x388: {  	_ =	swait.ge [sflag:s23], $0x4000  }
0x389: {  	[sflag:s23] =	ssyncset.done $0x0  }
0x38a: {  	[sflag:s23] =	ssyncadd.s32 $0xFFFFC000  }
0x38b: {  	[spmem:s3] =	stream.indirect.scatter.add.f32 [tilespmem:s22], [sflag:$0x2], $0x80, s21, s18, $0x2000b8;
	v63 =	vld [tilespmem:$0x0]  }
0x38c: {  	_ = 	snop  }
0x38d: {  	[spmem:s4] =	stream.indirect.scatter.add.f32 [tilespmem:s15], [sflag:$0x2], $0x10, s21, s18, $0x2000b8;
	v63 =	vld [tilespmem:$0x0]  }
0x38e: {  	_ =	swait.ge [sflag:s25], $0x4000  }
0x38f: {  	[sflag:s25] =	ssyncset.done $0x0  }
0x390: {  	[sflag:s25] =	ssyncadd.s32 $0xFFFFC000  }
0x391: {  	_ =	swait.ge [sflag:s25], $0x800  }
0x392: {  	[sflag:s25] =	ssyncset.done $0x0  }
0x393: {  	[sflag:s25] =	ssyncadd.s32 $0xFFFFF800  }
0x394: {  	_ =	swait.ge [sflag:s25], $0x4000  }
0x395: {  	[sflag:s25] =	ssyncset.done $0x0  }
0x396: {  	[sflag:s25] =	ssyncadd.s32 $0xFFFFC000  }
0x397: {  	_ =	swait.ge [sflag:s25], $0x800  }
0x398: {  	[sflag:s25] =	ssyncset.done $0x0  }
0x399: {  	[sflag:s25] =	ssyncadd.s32 $0xFFFFF800  }
0x39a: {  	[tilespmem:s13], [sflag:$0x1] =	stream.indirect.gather [hbm4b:s1+s18], $0x80, s24, s18, $0x2000b8;
	v63 =	vld [tilespmem:$0x0]  }
0x39b: {  	_ = 	snop  }
0x39c: {  	[tilespmem:s22], [sflag:$0x1] =	stream.indirect.gather [hbm4b:s1+s18], $0x80, s29, s18, $0x2000b8;
	v63 =	vld [tilespmem:$0x0]  }
0x39d: {  	_ =	swait.ge [sflag:s23], $0x4000  }
0x39e: {  	[sflag:s23] =	ssyncset.done $0x0  }
0x39f: {  	s30 =	simm.s32 $0x14900;
	[sflag:s23] =	ssyncadd.s32 $0xFFFFC000  }
0x3a0: {  	[spmem:s3] =	stream.indirect.scatter.add.f32 [tilespmem:s13], [sflag:$0x2], $0x80, s30, s18, $0x2000b8;
	v63 =	vld [tilespmem:$0x0]  }
0x3a1: {  	_ = 	snop  }
0x3a2: {  	[spmem:s4] =	stream.indirect.scatter.add.f32 [tilespmem:s15], [sflag:$0x2], $0x10, s30, s18, $0x2000b8;
	v63 =	vld [tilespmem:$0x0]  }
0x3a3: {  	_ =	swait.ge [sflag:s23], $0x4000  }
0x3a4: {  	[sflag:s23] =	ssyncset.done $0x0  }
0x3a5: {  	s2 =	simm.s32 $0x14980;
	[sflag:s23] =	ssyncadd.s32 $0xFFFFC000  }
0x3a6: {  	[spmem:s3] =	stream.indirect.scatter.add.f32 [tilespmem:s22], [sflag:$0x2], $0x80, s2, s18, $0x2000b8;
	v63 =	vld [tilespmem:$0x0]  }
0x3a7: {  	_ = 	snop  }
0x3a8: {  	[spmem:s4] =	stream.indirect.scatter.add.f32 [tilespmem:s15], [sflag:$0x2], $0x10, s2, s18, $0x2000b8;
	v63 =	vld [tilespmem:$0x0]  }
0x3a9: {  	_ =	swait.ge [sflag:s25], $0x4000  }
0x3aa: {  	[sflag:s25] =	ssyncset.done $0x0  }
0x3ab: {  	[sflag:s25] =	ssyncadd.s32 $0xFFFFC000  }
0x3ac: {  	_ =	swait.ge [sflag:s25], $0x800  }
0x3ad: {  	[sflag:s25] =	ssyncset.done $0x0  }
0x3ae: {  	[sflag:s25] =	ssyncadd.s32 $0xFFFFF800  }
0x3af: {  	_ =	swait.ge [sflag:s25], $0x4000  }
0x3b0: {  	[sflag:s25] =	ssyncset.done $0x0  }
0x3b1: {  	[sflag:s25] =	ssyncadd.s32 $0xFFFFC000  }
0x3b2: {  	_ =	swait.ge [sflag:s25], $0x800  }
0x3b3: {  	[sflag:s25] =	ssyncset.done $0x0  }
0x3b4: {  	s0 =	simm.s32 $0x14200;
	[sflag:s25] =	ssyncadd.s32 $0xFFFFF800  }
0x3b5: {  	[tilespmem:s13], [sflag:$0x1] =	stream.indirect.gather [hbm4b:s1+s18], $0x80, s0, s18, $0x2000b8;
	v63 =	vld [tilespmem:$0x0]  }
0x3b6: {  	s20 =	simm.s32 $0x14280  }
0x3b7: {  	[tilespmem:s22], [sflag:$0x1] =	stream.indirect.gather [hbm4b:s1+s18], $0x80, s20, s18, $0x2000b8;
	v63 =	vld [tilespmem:$0x0]  }
0x3b8: {  	_ =	swait.ge [sflag:s23], $0x4000  }
0x3b9: {  	[sflag:s23] =	ssyncset.done $0x0  }
0x3ba: {  	s6 =	simm.s32 $0x14A00;
	[sflag:s23] =	ssyncadd.s32 $0xFFFFC000  }
0x3bb: {  	[spmem:s3] =	stream.indirect.scatter.add.f32 [tilespmem:s13], [sflag:$0x2], $0x80, s6, s18, $0x2000b8;
	v63 =	vld [tilespmem:$0x0]  }
0x3bc: {  	_ = 	snop  }
0x3bd: {  	[spmem:s4] =	stream.indirect.scatter.add.f32 [tilespmem:s15], [sflag:$0x2], $0x10, s6, s18, $0x2000b8;
	v63 =	vld [tilespmem:$0x0]  }
0x3be: {  	_ =	swait.ge [sflag:s23], $0x4000  }
0x3bf: {  	[sflag:s23] =	ssyncset.done $0x0  }
0x3c0: {  	s9 =	simm.s32 $0x14A80;
	[sflag:s23] =	ssyncadd.s32 $0xFFFFC000  }
0x3c1: {  	[spmem:s3] =	stream.indirect.scatter.add.f32 [tilespmem:s22], [sflag:$0x2], $0x80, s9, s18, $0x2000b8;
	v63 =	vld [tilespmem:$0x0]  }
0x3c2: {  	_ = 	snop  }
0x3c3: {  	[spmem:s4] =	stream.indirect.scatter.add.f32 [tilespmem:s15], [sflag:$0x2], $0x10, s9, s18, $0x2000b8;
	v63 =	vld [tilespmem:$0x0]  }
0x3c4: {  	_ =	swait.ge [sflag:s25], $0x4000  }
0x3c5: {  	[sflag:s25] =	ssyncset.done $0x0  }
0x3c6: {  	[sflag:s25] =	ssyncadd.s32 $0xFFFFC000  }
0x3c7: {  	_ =	swait.ge [sflag:s25], $0x800  }
0x3c8: {  	[sflag:s25] =	ssyncset.done $0x0  }
0x3c9: {  	[sflag:s25] =	ssyncadd.s32 $0xFFFFF800  }
0x3ca: {  	_ =	swait.ge [sflag:s25], $0x4000  }
0x3cb: {  	[sflag:s25] =	ssyncset.done $0x0  }
0x3cc: {  	[sflag:s25] =	ssyncadd.s32 $0xFFFFC000  }
0x3cd: {  	_ =	swait.ge [sflag:s25], $0x800  }
0x3ce: {  	[sflag:s25] =	ssyncset.done $0x0  }
0x3cf: {  	s21 =	simm.s32 $0x14300;
	[sflag:s25] =	ssyncadd.s32 $0xFFFFF800  }
0x3d0: {  	[tilespmem:s13], [sflag:$0x1] =	stream.indirect.gather [hbm4b:s1+s18], $0x80, s21, s18, $0x2000b8;
	v63 =	vld [tilespmem:$0x0]  }
0x3d1: {  	s24 =	simm.s32 $0x14380  }
0x3d2: {  	[tilespmem:s22], [sflag:$0x1] =	stream.indirect.gather [hbm4b:s1+s18], $0x80, s24, s18, $0x2000b8;
	v63 =	vld [tilespmem:$0x0]  }
0x3d3: {  	_ =	swait.ge [sflag:s23], $0x4000  }
0x3d4: {  	[sflag:s23] =	ssyncset.done $0x0  }
0x3d5: {  	s10 =	simm.s32 $0x14B00;
	[sflag:s23] =	ssyncadd.s32 $0xFFFFC000  }
0x3d6: {  	[spmem:s3] =	stream.indirect.scatter.add.f32 [tilespmem:s13], [sflag:$0x2], $0x80, s10, s18, $0x2000b8;
	v63 =	vld [tilespmem:$0x0]  }
0x3d7: {  	_ = 	snop  }
0x3d8: {  	[spmem:s4] =	stream.indirect.scatter.add.f32 [tilespmem:s15], [sflag:$0x2], $0x10, s10, s18, $0x2000b8;
	v63 =	vld [tilespmem:$0x0]  }
0x3d9: {  	_ =	swait.ge [sflag:s23], $0x4000  }
0x3da: {  	[sflag:s23] =	ssyncset.done $0x0  }
0x3db: {  	s19 =	simm.s32 $0x14B80;
	[sflag:s23] =	ssyncadd.s32 $0xFFFFC000  }
0x3dc: {  	[spmem:s3] =	stream.indirect.scatter.add.f32 [tilespmem:s22], [sflag:$0x2], $0x80, s19, s18, $0x2000b8;
	v63 =	vld [tilespmem:$0x0]  }
0x3dd: {  	_ = 	snop  }
0x3de: {  	[spmem:s4] =	stream.indirect.scatter.add.f32 [tilespmem:s15], [sflag:$0x2], $0x10, s19, s18, $0x2000b8;
	v63 =	vld [tilespmem:$0x0]  }
0x3df: {  	_ =	swait.ge [sflag:s25], $0x4000  }
0x3e0: {  	[sflag:s25] =	ssyncset.done $0x0  }
0x3e1: {  	[sflag:s25] =	ssyncadd.s32 $0xFFFFC000  }
0x3e2: {  	_ =	swait.ge [sflag:s25], $0x800  }
0x3e3: {  	[sflag:s25] =	ssyncset.done $0x0  }
0x3e4: {  	[sflag:s25] =	ssyncadd.s32 $0xFFFFF800  }
0x3e5: {  	_ =	swait.ge [sflag:s25], $0x4000  }
0x3e6: {  	[sflag:s25] =	ssyncset.done $0x0  }
0x3e7: {  	[sflag:s25] =	ssyncadd.s32 $0xFFFFC000  }
0x3e8: {  	_ =	swait.ge [sflag:s25], $0x800  }
0x3e9: {  	[sflag:s25] =	ssyncset.done $0x0  }
0x3ea: {  	s26 =	simm.s32 $0x14400;
	[sflag:s25] =	ssyncadd.s32 $0xFFFFF800  }
0x3eb: {  	[tilespmem:s13], [sflag:$0x1] =	stream.indirect.gather [hbm4b:s1+s18], $0x80, s26, s18, $0x2000b8;
	v63 =	vld [tilespmem:$0x0]  }
0x3ec: {  	s5 =	simm.s32 $0x14480  }
0x3ed: {  	[tilespmem:s22], [sflag:$0x1] =	stream.indirect.gather [hbm4b:s1+s18], $0x80, s5, s18, $0x2000b8;
	v63 =	vld [tilespmem:$0x0]  }
0x3ee: {  	_ =	swait.ge [sflag:s23], $0x4000  }
0x3ef: {  	[sflag:s23] =	ssyncset.done $0x0  }
0x3f0: {  	s20 =	simm.s32 $0x14C00;
	[sflag:s23] =	ssyncadd.s32 $0xFFFFC000  }
0x3f1: {  	[spmem:s3] =	stream.indirect.scatter.add.f32 [tilespmem:s13], [sflag:$0x2], $0x80, s20, s18, $0x2000b8;
	v63 =	vld [tilespmem:$0x0]  }
0x3f2: {  	_ = 	snop  }
0x3f3: {  	[spmem:s4] =	stream.indirect.scatter.add.f32 [tilespmem:s15], [sflag:$0x2], $0x10, s20, s18, $0x2000b8;
	v63 =	vld [tilespmem:$0x0]  }
0x3f4: {  	_ =	swait.ge [sflag:s23], $0x4000  }
0x3f5: {  	[sflag:s23] =	ssyncset.done $0x0  }
0x3f6: {  	s28 =	simm.s32 $0x14C80;
	[sflag:s23] =	ssyncadd.s32 $0xFFFFC000  }
0x3f7: {  	[spmem:s3] =	stream.indirect.scatter.add.f32 [tilespmem:s22], [sflag:$0x2], $0x80, s28, s18, $0x2000b8;
	v63 =	vld [tilespmem:$0x0]  }
0x3f8: {  	_ = 	snop  }
0x3f9: {  	[spmem:s4] =	stream.indirect.scatter.add.f32 [tilespmem:s15], [sflag:$0x2], $0x10, s28, s18, $0x2000b8;
	v63 =	vld [tilespmem:$0x0]  }
0x3fa: {  	_ =	swait.ge [sflag:s25], $0x4000  }
0x3fb: {  	[sflag:s25] =	ssyncset.done $0x0  }
0x3fc: {  	[sflag:s25] =	ssyncadd.s32 $0xFFFFC000  }
0x3fd: {  	_ =	swait.ge [sflag:s25], $0x800  }
0x3fe: {  	[sflag:s25] =	ssyncset.done $0x0  }
0x3ff: {  	[sflag:s25] =	ssyncadd.s32 $0xFFFFF800  }
0x400: {  	_ =	swait.ge [sflag:s25], $0x4000  }
0x401: {  	[sflag:s25] =	ssyncset.done $0x0  }
0x402: {  	[sflag:s25] =	ssyncadd.s32 $0xFFFFC000  }
0x403: {  	_ =	swait.ge [sflag:s25], $0x800  }
0x404: {  	[sflag:s25] =	ssyncset.done $0x0  }
0x405: {  	s7 =	simm.s32 $0x14500;
	[sflag:s25] =	ssyncadd.s32 $0xFFFFF800  }
0x406: {  	[tilespmem:s13], [sflag:$0x1] =	stream.indirect.gather [hbm4b:s1+s18], $0x80, s7, s18, $0x2000b8;
	v63 =	vld [tilespmem:$0x0]  }
0x407: {  	s8 =	simm.s32 $0x14580  }
0x408: {  	[tilespmem:s22], [sflag:$0x1] =	stream.indirect.gather [hbm4b:s1+s18], $0x80, s8, s18, $0x2000b8;
	v63 =	vld [tilespmem:$0x0]  }
0x409: {  	_ =	swait.ge [sflag:s23], $0x4000  }
0x40a: {  	[sflag:s23] =	ssyncset.done $0x0  }
0x40b: {  	s31 =	simm.s32 $0x14D00;
	[sflag:s23] =	ssyncadd.s32 $0xFFFFC000  }
0x40c: {  	[spmem:s3] =	stream.indirect.scatter.add.f32 [tilespmem:s13], [sflag:$0x2], $0x80, s31, s18, $0x2000b8;
	v63 =	vld [tilespmem:$0x0]  }
0x40d: {  	_ = 	snop  }
0x40e: {  	[spmem:s4] =	stream.indirect.scatter.add.f32 [tilespmem:s15], [sflag:$0x2], $0x10, s31, s18, $0x2000b8;
	v63 =	vld [tilespmem:$0x0]  }
0x40f: {  	_ =	swait.ge [sflag:s23], $0x4000  }
0x410: {  	[sflag:s23] =	ssyncset.done $0x0  }
0x411: {  	s8 =	simm.s32 $0x14D80;
	[sflag:s23] =	ssyncadd.s32 $0xFFFFC000  }
0x412: {  	[spmem:s3] =	stream.indirect.scatter.add.f32 [tilespmem:s22], [sflag:$0x2], $0x80, s8, s18, $0x2000b8;
	v63 =	vld [tilespmem:$0x0]  }
0x413: {  	_ = 	snop  }
0x414: {  	[spmem:s4] =	stream.indirect.scatter.add.f32 [tilespmem:s15], [sflag:$0x2], $0x10, s8, s18, $0x2000b8;
	v63 =	vld [tilespmem:$0x0]  }
0x415: {  	_ =	swait.ge [sflag:s25], $0x4000  }
0x416: {  	[sflag:s25] =	ssyncset.done $0x0  }
0x417: {  	[sflag:s25] =	ssyncadd.s32 $0xFFFFC000  }
0x418: {  	_ =	swait.ge [sflag:s25], $0x800  }
0x419: {  	[sflag:s25] =	ssyncset.done $0x0  }
0x41a: {  	[sflag:s25] =	ssyncadd.s32 $0xFFFFF800  }
0x41b: {  	_ =	swait.ge [sflag:s25], $0x4000  }
0x41c: {  	[sflag:s25] =	ssyncset.done $0x0  }
0x41d: {  	[sflag:s25] =	ssyncadd.s32 $0xFFFFC000  }
0x41e: {  	_ =	swait.ge [sflag:s25], $0x800  }
0x41f: {  	[sflag:s25] =	ssyncset.done $0x0  }
0x420: {  	s11 =	simm.s32 $0x14600;
	[sflag:s25] =	ssyncadd.s32 $0xFFFFF800  }
0x421: {  	[tilespmem:s13], [sflag:$0x1] =	stream.indirect.gather [hbm4b:s1+s18], $0x80, s11, s18, $0x2000b8;
	v63 =	vld [tilespmem:$0x0]  }
0x422: {  	s12 =	simm.s32 $0x14680  }
0x423: {  	[tilespmem:s22], [sflag:$0x1] =	stream.indirect.gather [hbm4b:s1+s18], $0x80, s12, s18, $0x2000b8;
	v63 =	vld [tilespmem:$0x0]  }
0x424: {  	_ =	swait.ge [sflag:s23], $0x4000  }
0x425: {  	[sflag:s23] =	ssyncset.done $0x0  }
0x426: {  	s11 =	simm.s32 $0x14E00;
	[sflag:s23] =	ssyncadd.s32 $0xFFFFC000  }
0x427: {  	[spmem:s3] =	stream.indirect.scatter.add.f32 [tilespmem:s13], [sflag:$0x2], $0x80, s11, s18, $0x2000b8;
	v63 =	vld [tilespmem:$0x0]  }
0x428: {  	_ = 	snop  }
0x429: {  	[spmem:s4] =	stream.indirect.scatter.add.f32 [tilespmem:s15], [sflag:$0x2], $0x10, s11, s18, $0x2000b8;
	v63 =	vld [tilespmem:$0x0]  }
0x42a: {  	_ =	swait.ge [sflag:s23], $0x4000  }
0x42b: {  	[sflag:s23] =	ssyncset.done $0x0  }
0x42c: {  	s26 =	simm.s32 $0x14E80;
	[sflag:s23] =	ssyncadd.s32 $0xFFFFC000  }
0x42d: {  	[spmem:s3] =	stream.indirect.scatter.add.f32 [tilespmem:s22], [sflag:$0x2], $0x80, s26, s18, $0x2000b8;
	v63 =	vld [tilespmem:$0x0]  }
0x42e: {  	_ = 	snop  }
0x42f: {  	[spmem:s4] =	stream.indirect.scatter.add.f32 [tilespmem:s15], [sflag:$0x2], $0x10, s26, s18, $0x2000b8;
	v63 =	vld [tilespmem:$0x0]  }
0x430: {  	_ =	swait.ge [sflag:s25], $0x4000  }
0x431: {  	[sflag:s25] =	ssyncset.done $0x0  }
0x432: {  	[sflag:s25] =	ssyncadd.s32 $0xFFFFC000  }
0x433: {  	_ =	swait.ge [sflag:s25], $0x800  }
0x434: {  	[sflag:s25] =	ssyncset.done $0x0  }
0x435: {  	[sflag:s25] =	ssyncadd.s32 $0xFFFFF800  }
0x436: {  	_ =	swait.ge [sflag:s25], $0x4000  }
0x437: {  	[sflag:s25] =	ssyncset.done $0x0  }
0x438: {  	[sflag:s25] =	ssyncadd.s32 $0xFFFFC000  }
0x439: {  	_ =	swait.ge [sflag:s25], $0x800  }
0x43a: {  	[sflag:s25] =	ssyncset.done $0x0  }
0x43b: {  	s16 =	simm.s32 $0x14700;
	[sflag:s25] =	ssyncadd.s32 $0xFFFFF800  }
0x43c: {  	[tilespmem:s13], [sflag:$0x1] =	stream.indirect.gather [hbm4b:s1+s18], $0x80, s16, s18, $0x2000b8;
	v63 =	vld [tilespmem:$0x0]  }
0x43d: {  	s21 =	simm.s32 $0x14780  }
0x43e: {  	[tilespmem:s22], [sflag:$0x1] =	stream.indirect.gather [hbm4b:s1+s18], $0x80, s21, s18, $0x2000b8;
	v63 =	vld [tilespmem:$0x0]  }
0x43f: {  	_ =	swait.ge [sflag:s23], $0x4000  }
0x440: {  	[sflag:s23] =	ssyncset.done $0x0  }
0x441: {  	s0 =	simm.s32 $0x14F00;
	[sflag:s23] =	ssyncadd.s32 $0xFFFFC000  }
0x442: {  	[spmem:s3] =	stream.indirect.scatter.add.f32 [tilespmem:s13], [sflag:$0x2], $0x80, s0, s18, $0x2000b8;
	v63 =	vld [tilespmem:$0x0]  }
0x443: {  	_ = 	snop  }
0x444: {  	[spmem:s4] =	stream.indirect.scatter.add.f32 [tilespmem:s15], [sflag:$0x2], $0x10, s0, s18, $0x2000b8;
	v63 =	vld [tilespmem:$0x0]  }
0x445: {  	_ =	swait.ge [sflag:s23], $0x4000  }
0x446: {  	[sflag:s23] =	ssyncset.done $0x0  }
0x447: {  	s24 =	simm.s32 $0x14F80;
	[sflag:s23] =	ssyncadd.s32 $0xFFFFC000  }
0x448: {  	[spmem:s3] =	stream.indirect.scatter.add.f32 [tilespmem:s22], [sflag:$0x2], $0x80, s24, s18, $0x2000b8;
	v63 =	vld [tilespmem:$0x0]  }
0x449: {  	_ = 	snop  }
0x44a: {  	[spmem:s4] =	stream.indirect.scatter.add.f32 [tilespmem:s15], [sflag:$0x2], $0x10, s24, s18, $0x2000b8;
	v63 =	vld [tilespmem:$0x0]  }
0x44b: {  	_ =	swait.ge [sflag:s25], $0x4000  }
0x44c: {  	[sflag:s25] =	ssyncset.done $0x0  }
0x44d: {  	[sflag:s25] =	ssyncadd.s32 $0xFFFFC000  }
0x44e: {  	_ =	swait.ge [sflag:s25], $0x800  }
0x44f: {  	[sflag:s25] =	ssyncset.done $0x0  }
0x450: {  	[sflag:s25] =	ssyncadd.s32 $0xFFFFF800  }
0x451: {  	_ =	swait.ge [sflag:s25], $0x4000  }
0x452: {  	[sflag:s25] =	ssyncset.done $0x0  }
0x453: {  	s29 =	simm.s32 $0x14880;
	[sflag:s25] =	ssyncadd.s32 $0xFFFFC000  }
0x454: {  	s7 =	simm.s32 $0x100;
	s12 =	simm.s32 $0x200;
	_ =	swait.ge [sflag:s25], $0x800  }
0x455: {  	s24 =	simm.s32 $0x14000;
	s21 =	rddreg [dreg:$0x6];
	[sflag:s25] =	ssyncset.done $0x0  }
.LBB2_3:
0x456: {  	[sflag:s25] =	ssyncadd.s32 $0xFFFFF800;
	s21 =	sadd.s32 s7, s21;
	s16 =	simm.s32 $0x0  }
0x457: {  	[tilespmem:s24], [sflag:$0x3] =	stream.linear.gather [hbm4b:s21+s16], $0x800, $0x200038;
	v63 =	vld [tilespmem:$0x0]  }
0x458: {  	_ =	swait.ge [sflag:s14], $0x800  }
0x459: {  	s21 =	rddreg [dreg:$0x5];
	[sflag:s14] =	ssyncset.done $0x0  }
0x45a: {  	[sflag:s14] =	ssyncadd.s32 $0xFFFFF800;
	s21 =	sadd.s32 s7, s21  }
0x45b: {  	[tilespmem:s17], [sflag:$0x3] =	stream.linear.gather [hbm4b:s21+s16], $0x800, $0x200038;
	v63 =	vld [tilespmem:$0x0]  }
0x45c: {  	_ =	swait.ge [sflag:s14], $0x800  }
0x45d: {  	[sflag:s14] =	ssyncset.done $0x0  }
0x45e: {  	[sflag:s14] =	ssyncadd.s32 $0xFFFFF800  }
0x45f: {  	[tilespmem:s13], [sflag:$0x1] =	stream.indirect.gather [hbm4b:s1+s18], $0x80, s24, s18, $0x2000b8;
	v63 =	vld [tilespmem:$0x0]  }
0x460: {  	s16 =	simm.s32 $0x14080  }
0x461: {  	[tilespmem:s22], [sflag:$0x1] =	stream.indirect.gather [hbm4b:s1+s18], $0x80, s16, s18, $0x2000b8;
	v63 =	vld [tilespmem:$0x0]  }
0x462: {  	_ =	swait.ge [sflag:s23], $0x4000  }
0x463: {  	[sflag:s23] =	ssyncset.done $0x0  }
0x464: {  	[sflag:s23] =	ssyncadd.s32 $0xFFFFC000  }
0x465: {  	[spmem:s3] =	stream.indirect.scatter.add.f32 [tilespmem:s13], [sflag:$0x2], $0x80, s17, s18, $0x2000b8;
	v63 =	vld [tilespmem:$0x0]  }
0x466: {  	_ = 	snop  }
0x467: {  	[spmem:s4] =	stream.indirect.scatter.add.f32 [tilespmem:s15], [sflag:$0x2], $0x10, s17, s18, $0x2000b8;
	v63 =	vld [tilespmem:$0x0]  }
0x468: {  	_ =	swait.ge [sflag:s23], $0x4000  }
0x469: {  	[sflag:s23] =	ssyncset.done $0x0  }
0x46a: {  	[sflag:s23] =	ssyncadd.s32 $0xFFFFC000  }
0x46b: {  	[spmem:s3] =	stream.indirect.scatter.add.f32 [tilespmem:s22], [sflag:$0x2], $0x80, s29, s18, $0x2000b8;
	v63 =	vld [tilespmem:$0x0]  }
0x46c: {  	_ = 	snop  }
0x46d: {  	[spmem:s4] =	stream.indirect.scatter.add.f32 [tilespmem:s15], [sflag:$0x2], $0x10, s29, s18, $0x2000b8;
	v63 =	vld [tilespmem:$0x0]  }
0x46e: {  	_ =	swait.ge [sflag:s25], $0x4000  }
0x46f: {  	[sflag:s25] =	ssyncset.done $0x0  }
0x470: {  	[sflag:s25] =	ssyncadd.s32 $0xFFFFC000  }
0x471: {  	_ =	swait.ge [sflag:s25], $0x800  }
0x472: {  	[sflag:s25] =	ssyncset.done $0x0  }
0x473: {  	[sflag:s25] =	ssyncadd.s32 $0xFFFFF800  }
0x474: {  	_ =	swait.ge [sflag:s25], $0x4000  }
0x475: {  	[sflag:s25] =	ssyncset.done $0x0  }
0x476: {  	[sflag:s25] =	ssyncadd.s32 $0xFFFFC000  }
0x477: {  	_ =	swait.ge [sflag:s25], $0x800  }
0x478: {  	[sflag:s25] =	ssyncset.done $0x0  }
0x479: {  	s21 =	simm.s32 $0x14100;
	[sflag:s25] =	ssyncadd.s32 $0xFFFFF800  }
0x47a: {  	[tilespmem:s13], [sflag:$0x1] =	stream.indirect.gather [hbm4b:s1+s18], $0x80, s21, s18, $0x2000b8;
	v63 =	vld [tilespmem:$0x0]  }
0x47b: {  	s21 =	simm.s32 $0x14180  }
0x47c: {  	[tilespmem:s22], [sflag:$0x1] =	stream.indirect.gather [hbm4b:s1+s18], $0x80, s21, s18, $0x2000b8;
	v63 =	vld [tilespmem:$0x0]  }
0x47d: {  	_ =	swait.ge [sflag:s23], $0x4000  }
0x47e: {  	[sflag:s23] =	ssyncset.done $0x0  }
0x47f: {  	[sflag:s23] =	ssyncadd.s32 $0xFFFFC000  }
0x480: {  	[spmem:s3] =	stream.indirect.scatter.add.f32 [tilespmem:s13], [sflag:$0x2], $0x80, s30, s18, $0x2000b8;
	v63 =	vld [tilespmem:$0x0]  }
0x481: {  	_ = 	snop  }
0x482: {  	[spmem:s4] =	stream.indirect.scatter.add.f32 [tilespmem:s15], [sflag:$0x2], $0x10, s30, s18, $0x2000b8;
	v63 =	vld [tilespmem:$0x0]  }
0x483: {  	_ =	swait.ge [sflag:s23], $0x4000  }
0x484: {  	[sflag:s23] =	ssyncset.done $0x0  }
0x485: {  	[sflag:s23] =	ssyncadd.s32 $0xFFFFC000  }
0x486: {  	[spmem:s3] =	stream.indirect.scatter.add.f32 [tilespmem:s22], [sflag:$0x2], $0x80, s2, s18, $0x2000b8;
	v63 =	vld [tilespmem:$0x0]  }
0x487: {  	_ = 	snop  }
0x488: {  	[spmem:s4] =	stream.indirect.scatter.add.f32 [tilespmem:s15], [sflag:$0x2], $0x10, s2, s18, $0x2000b8;
	v63 =	vld [tilespmem:$0x0]  }
0x489: {  	_ =	swait.ge [sflag:s25], $0x4000  }
0x48a: {  	[sflag:s25] =	ssyncset.done $0x0  }
0x48b: {  	[sflag:s25] =	ssyncadd.s32 $0xFFFFC000  }
0x48c: {  	_ =	swait.ge [sflag:s25], $0x800  }
0x48d: {  	[sflag:s25] =	ssyncset.done $0x0  }
0x48e: {  	[sflag:s25] =	ssyncadd.s32 $0xFFFFF800  }
0x48f: {  	_ =	swait.ge [sflag:s25], $0x4000  }
0x490: {  	[sflag:s25] =	ssyncset.done $0x0  }
0x491: {  	[sflag:s25] =	ssyncadd.s32 $0xFFFFC000  }
0x492: {  	_ =	swait.ge [sflag:s25], $0x800  }
0x493: {  	[sflag:s25] =	ssyncset.done $0x0  }
0x494: {  	s21 =	simm.s32 $0x14200;
	[sflag:s25] =	ssyncadd.s32 $0xFFFFF800  }
0x495: {  	[tilespmem:s13], [sflag:$0x1] =	stream.indirect.gather [hbm4b:s1+s18], $0x80, s21, s18, $0x2000b8;
	v63 =	vld [tilespmem:$0x0]  }
0x496: {  	s21 =	simm.s32 $0x14280  }
0x497: {  	[tilespmem:s22], [sflag:$0x1] =	stream.indirect.gather [hbm4b:s1+s18], $0x80, s21, s18, $0x2000b8;
	v63 =	vld [tilespmem:$0x0]  }
0x498: {  	_ =	swait.ge [sflag:s23], $0x4000  }
0x499: {  	[sflag:s23] =	ssyncset.done $0x0  }
0x49a: {  	[sflag:s23] =	ssyncadd.s32 $0xFFFFC000  }
0x49b: {  	[spmem:s3] =	stream.indirect.scatter.add.f32 [tilespmem:s13], [sflag:$0x2], $0x80, s6, s18, $0x2000b8;
	v63 =	vld [tilespmem:$0x0]  }
0x49c: {  	_ = 	snop  }
0x49d: {  	[spmem:s4] =	stream.indirect.scatter.add.f32 [tilespmem:s15], [sflag:$0x2], $0x10, s6, s18, $0x2000b8;
	v63 =	vld [tilespmem:$0x0]  }
0x49e: {  	_ =	swait.ge [sflag:s23], $0x4000  }
0x49f: {  	[sflag:s23] =	ssyncset.done $0x0  }
0x4a0: {  	[sflag:s23] =	ssyncadd.s32 $0xFFFFC000  }
0x4a1: {  	[spmem:s3] =	stream.indirect.scatter.add.f32 [tilespmem:s22], [sflag:$0x2], $0x80, s9, s18, $0x2000b8;
	v63 =	vld [tilespmem:$0x0]  }
0x4a2: {  	_ = 	snop  }
0x4a3: {  	[spmem:s4] =	stream.indirect.scatter.add.f32 [tilespmem:s15], [sflag:$0x2], $0x10, s9, s18, $0x2000b8;
	v63 =	vld [tilespmem:$0x0]  }
0x4a4: {  	_ =	swait.ge [sflag:s25], $0x4000  }
0x4a5: {  	[sflag:s25] =	ssyncset.done $0x0  }
0x4a6: {  	[sflag:s25] =	ssyncadd.s32 $0xFFFFC000  }
0x4a7: {  	_ =	swait.ge [sflag:s25], $0x800  }
0x4a8: {  	[sflag:s25] =	ssyncset.done $0x0  }
0x4a9: {  	[sflag:s25] =	ssyncadd.s32 $0xFFFFF800  }
0x4aa: {  	_ =	swait.ge [sflag:s25], $0x4000  }
0x4ab: {  	[sflag:s25] =	ssyncset.done $0x0  }
0x4ac: {  	[sflag:s25] =	ssyncadd.s32 $0xFFFFC000  }
0x4ad: {  	_ =	swait.ge [sflag:s25], $0x800  }
0x4ae: {  	[sflag:s25] =	ssyncset.done $0x0  }
0x4af: {  	s21 =	simm.s32 $0x14300;
	[sflag:s25] =	ssyncadd.s32 $0xFFFFF800  }
0x4b0: {  	[tilespmem:s13], [sflag:$0x1] =	stream.indirect.gather [hbm4b:s1+s18], $0x80, s21, s18, $0x2000b8;
	v63 =	vld [tilespmem:$0x0]  }
0x4b1: {  	s21 =	simm.s32 $0x14380  }
0x4b2: {  	[tilespmem:s22], [sflag:$0x1] =	stream.indirect.gather [hbm4b:s1+s18], $0x80, s21, s18, $0x2000b8;
	v63 =	vld [tilespmem:$0x0]  }
0x4b3: {  	_ =	swait.ge [sflag:s23], $0x4000  }
0x4b4: {  	[sflag:s23] =	ssyncset.done $0x0  }
0x4b5: {  	[sflag:s23] =	ssyncadd.s32 $0xFFFFC000  }
0x4b6: {  	[spmem:s3] =	stream.indirect.scatter.add.f32 [tilespmem:s13], [sflag:$0x2], $0x80, s10, s18, $0x2000b8;
	v63 =	vld [tilespmem:$0x0]  }
0x4b7: {  	_ = 	snop  }
0x4b8: {  	[spmem:s4] =	stream.indirect.scatter.add.f32 [tilespmem:s15], [sflag:$0x2], $0x10, s10, s18, $0x2000b8;
	v63 =	vld [tilespmem:$0x0]  }
0x4b9: {  	_ =	swait.ge [sflag:s23], $0x4000  }
0x4ba: {  	[sflag:s23] =	ssyncset.done $0x0  }
0x4bb: {  	[sflag:s23] =	ssyncadd.s32 $0xFFFFC000  }
0x4bc: {  	[spmem:s3] =	stream.indirect.scatter.add.f32 [tilespmem:s22], [sflag:$0x2], $0x80, s19, s18, $0x2000b8;
	v63 =	vld [tilespmem:$0x0]  }
0x4bd: {  	_ = 	snop  }
0x4be: {  	[spmem:s4] =	stream.indirect.scatter.add.f32 [tilespmem:s15], [sflag:$0x2], $0x10, s19, s18, $0x2000b8;
	v63 =	vld [tilespmem:$0x0]  }
0x4bf: {  	_ =	swait.ge [sflag:s25], $0x4000  }
0x4c0: {  	[sflag:s25] =	ssyncset.done $0x0  }
0x4c1: {  	[sflag:s25] =	ssyncadd.s32 $0xFFFFC000  }
0x4c2: {  	_ =	swait.ge [sflag:s25], $0x800  }
0x4c3: {  	[sflag:s25] =	ssyncset.done $0x0  }
0x4c4: {  	[sflag:s25] =	ssyncadd.s32 $0xFFFFF800  }
0x4c5: {  	_ =	swait.ge [sflag:s25], $0x4000  }
0x4c6: {  	[sflag:s25] =	ssyncset.done $0x0  }
0x4c7: {  	[sflag:s25] =	ssyncadd.s32 $0xFFFFC000  }
0x4c8: {  	_ =	swait.ge [sflag:s25], $0x800  }
0x4c9: {  	[sflag:s25] =	ssyncset.done $0x0  }
0x4ca: {  	s21 =	simm.s32 $0x14400;
	[sflag:s25] =	ssyncadd.s32 $0xFFFFF800  }
0x4cb: {  	[tilespmem:s13], [sflag:$0x1] =	stream.indirect.gather [hbm4b:s1+s18], $0x80, s21, s18, $0x2000b8;
	v63 =	vld [tilespmem:$0x0]  }
0x4cc: {  	s21 =	simm.s32 $0x14480  }
0x4cd: {  	[tilespmem:s22], [sflag:$0x1] =	stream.indirect.gather [hbm4b:s1+s18], $0x80, s21, s18, $0x2000b8;
	v63 =	vld [tilespmem:$0x0]  }
0x4ce: {  	_ =	swait.ge [sflag:s23], $0x4000  }
0x4cf: {  	[sflag:s23] =	ssyncset.done $0x0  }
0x4d0: {  	[sflag:s23] =	ssyncadd.s32 $0xFFFFC000  }
0x4d1: {  	[spmem:s3] =	stream.indirect.scatter.add.f32 [tilespmem:s13], [sflag:$0x2], $0x80, s20, s18, $0x2000b8;
	v63 =	vld [tilespmem:$0x0]  }
0x4d2: {  	_ = 	snop  }
0x4d3: {  	[spmem:s4] =	stream.indirect.scatter.add.f32 [tilespmem:s15], [sflag:$0x2], $0x10, s20, s18, $0x2000b8;
	v63 =	vld [tilespmem:$0x0]  }
0x4d4: {  	_ =	swait.ge [sflag:s23], $0x4000  }
0x4d5: {  	[sflag:s23] =	ssyncset.done $0x0  }
0x4d6: {  	[sflag:s23] =	ssyncadd.s32 $0xFFFFC000  }
0x4d7: {  	[spmem:s3] =	stream.indirect.scatter.add.f32 [tilespmem:s22], [sflag:$0x2], $0x80, s28, s18, $0x2000b8;
	v63 =	vld [tilespmem:$0x0]  }
0x4d8: {  	_ = 	snop  }
0x4d9: {  	[spmem:s4] =	stream.indirect.scatter.add.f32 [tilespmem:s15], [sflag:$0x2], $0x10, s28, s18, $0x2000b8;
	v63 =	vld [tilespmem:$0x0]  }
0x4da: {  	_ =	swait.ge [sflag:s25], $0x4000  }
0x4db: {  	[sflag:s25] =	ssyncset.done $0x0  }
0x4dc: {  	[sflag:s25] =	ssyncadd.s32 $0xFFFFC000  }
0x4dd: {  	_ =	swait.ge [sflag:s25], $0x800  }
0x4de: {  	[sflag:s25] =	ssyncset.done $0x0  }
0x4df: {  	[sflag:s25] =	ssyncadd.s32 $0xFFFFF800  }
0x4e0: {  	_ =	swait.ge [sflag:s25], $0x4000  }
0x4e1: {  	[sflag:s25] =	ssyncset.done $0x0  }
0x4e2: {  	[sflag:s25] =	ssyncadd.s32 $0xFFFFC000  }
0x4e3: {  	_ =	swait.ge [sflag:s25], $0x800  }
0x4e4: {  	[sflag:s25] =	ssyncset.done $0x0  }
0x4e5: {  	s21 =	simm.s32 $0x14500;
	[sflag:s25] =	ssyncadd.s32 $0xFFFFF800  }
0x4e6: {  	[tilespmem:s13], [sflag:$0x1] =	stream.indirect.gather [hbm4b:s1+s18], $0x80, s21, s18, $0x2000b8;
	v63 =	vld [tilespmem:$0x0]  }
0x4e7: {  	s21 =	simm.s32 $0x14580  }
0x4e8: {  	[tilespmem:s22], [sflag:$0x1] =	stream.indirect.gather [hbm4b:s1+s18], $0x80, s21, s18, $0x2000b8;
	v63 =	vld [tilespmem:$0x0]  }
0x4e9: {  	_ =	swait.ge [sflag:s23], $0x4000  }
0x4ea: {  	[sflag:s23] =	ssyncset.done $0x0  }
0x4eb: {  	[sflag:s23] =	ssyncadd.s32 $0xFFFFC000  }
0x4ec: {  	[spmem:s3] =	stream.indirect.scatter.add.f32 [tilespmem:s13], [sflag:$0x2], $0x80, s31, s18, $0x2000b8;
	v63 =	vld [tilespmem:$0x0]  }
0x4ed: {  	_ = 	snop  }
0x4ee: {  	[spmem:s4] =	stream.indirect.scatter.add.f32 [tilespmem:s15], [sflag:$0x2], $0x10, s31, s18, $0x2000b8;
	v63 =	vld [tilespmem:$0x0]  }
0x4ef: {  	_ =	swait.ge [sflag:s23], $0x4000  }
0x4f0: {  	[sflag:s23] =	ssyncset.done $0x0  }
0x4f1: {  	[sflag:s23] =	ssyncadd.s32 $0xFFFFC000  }
0x4f2: {  	[spmem:s3] =	stream.indirect.scatter.add.f32 [tilespmem:s22], [sflag:$0x2], $0x80, s8, s18, $0x2000b8;
	v63 =	vld [tilespmem:$0x0]  }
0x4f3: {  	_ = 	snop  }
0x4f4: {  	[spmem:s4] =	stream.indirect.scatter.add.f32 [tilespmem:s15], [sflag:$0x2], $0x10, s8, s18, $0x2000b8;
	v63 =	vld [tilespmem:$0x0]  }
0x4f5: {  	_ =	swait.ge [sflag:s25], $0x4000  }
0x4f6: {  	[sflag:s25] =	ssyncset.done $0x0  }
0x4f7: {  	[sflag:s25] =	ssyncadd.s32 $0xFFFFC000  }
0x4f8: {  	_ =	swait.ge [sflag:s25], $0x800  }
0x4f9: {  	[sflag:s25] =	ssyncset.done $0x0  }
0x4fa: {  	[sflag:s25] =	ssyncadd.s32 $0xFFFFF800  }
0x4fb: {  	_ =	swait.ge [sflag:s25], $0x4000  }
0x4fc: {  	[sflag:s25] =	ssyncset.done $0x0  }
0x4fd: {  	[sflag:s25] =	ssyncadd.s32 $0xFFFFC000  }
0x4fe: {  	_ =	swait.ge [sflag:s25], $0x800  }
0x4ff: {  	[sflag:s25] =	ssyncset.done $0x0  }
0x500: {  	s21 =	simm.s32 $0x14600;
	[sflag:s25] =	ssyncadd.s32 $0xFFFFF800  }
0x501: {  	[tilespmem:s13], [sflag:$0x1] =	stream.indirect.gather [hbm4b:s1+s18], $0x80, s21, s18, $0x2000b8;
	v63 =	vld [tilespmem:$0x0]  }
0x502: {  	s21 =	simm.s32 $0x14680  }
0x503: {  	[tilespmem:s22], [sflag:$0x1] =	stream.indirect.gather [hbm4b:s1+s18], $0x80, s21, s18, $0x2000b8;
	v63 =	vld [tilespmem:$0x0]  }
0x504: {  	_ =	swait.ge [sflag:s23], $0x4000  }
0x505: {  	[sflag:s23] =	ssyncset.done $0x0  }
0x506: {  	[sflag:s23] =	ssyncadd.s32 $0xFFFFC000  }
0x507: {  	[spmem:s3] =	stream.indirect.scatter.add.f32 [tilespmem:s13], [sflag:$0x2], $0x80, s11, s18, $0x2000b8;
	v63 =	vld [tilespmem:$0x0]  }
0x508: {  	_ = 	snop  }
0x509: {  	[spmem:s4] =	stream.indirect.scatter.add.f32 [tilespmem:s15], [sflag:$0x2], $0x10, s11, s18, $0x2000b8;
	v63 =	vld [tilespmem:$0x0]  }
0x50a: {  	_ =	swait.ge [sflag:s23], $0x4000  }
0x50b: {  	[sflag:s23] =	ssyncset.done $0x0  }
0x50c: {  	[sflag:s23] =	ssyncadd.s32 $0xFFFFC000  }
0x50d: {  	[spmem:s3] =	stream.indirect.scatter.add.f32 [tilespmem:s22], [sflag:$0x2], $0x80, s26, s18, $0x2000b8;
	v63 =	vld [tilespmem:$0x0]  }
0x50e: {  	_ = 	snop  }
0x50f: {  	[spmem:s4] =	stream.indirect.scatter.add.f32 [tilespmem:s15], [sflag:$0x2], $0x10, s26, s18, $0x2000b8;
	v63 =	vld [tilespmem:$0x0]  }
0x510: {  	_ =	swait.ge [sflag:s25], $0x4000  }
0x511: {  	[sflag:s25] =	ssyncset.done $0x0  }
0x512: {  	[sflag:s25] =	ssyncadd.s32 $0xFFFFC000  }
0x513: {  	_ =	swait.ge [sflag:s25], $0x800  }
0x514: {  	[sflag:s25] =	ssyncset.done $0x0  }
0x515: {  	[sflag:s25] =	ssyncadd.s32 $0xFFFFF800  }
0x516: {  	_ =	swait.ge [sflag:s25], $0x4000  }
0x517: {  	[sflag:s25] =	ssyncset.done $0x0  }
0x518: {  	[sflag:s25] =	ssyncadd.s32 $0xFFFFC000  }
0x519: {  	_ =	swait.ge [sflag:s25], $0x800  }
0x51a: {  	[sflag:s25] =	ssyncset.done $0x0  }
0x51b: {  	s21 =	simm.s32 $0x14700;
	[sflag:s25] =	ssyncadd.s32 $0xFFFFF800  }
0x51c: {  	[tilespmem:s13], [sflag:$0x1] =	stream.indirect.gather [hbm4b:s1+s18], $0x80, s21, s18, $0x2000b8;
	v63 =	vld [tilespmem:$0x0]  }
0x51d: {  	s21 =	simm.s32 $0x14780  }
0x51e: {  	[tilespmem:s22], [sflag:$0x1] =	stream.indirect.gather [hbm4b:s1+s18], $0x80, s21, s18, $0x2000b8;
	v63 =	vld [tilespmem:$0x0]  }
0x51f: {  	_ =	swait.ge [sflag:s23], $0x4000  }
0x520: {  	[sflag:s23] =	ssyncset.done $0x0  }
0x521: {  	[sflag:s23] =	ssyncadd.s32 $0xFFFFC000  }
0x522: {  	[spmem:s3] =	stream.indirect.scatter.add.f32 [tilespmem:s13], [sflag:$0x2], $0x80, s0, s18, $0x2000b8;
	v63 =	vld [tilespmem:$0x0]  }
0x523: {  	_ = 	snop  }
0x524: {  	[spmem:s4] =	stream.indirect.scatter.add.f32 [tilespmem:s15], [sflag:$0x2], $0x10, s0, s18, $0x2000b8;
	v63 =	vld [tilespmem:$0x0]  }
0x525: {  	_ =	swait.ge [sflag:s23], $0x4000  }
0x526: {  	[sflag:s23] =	ssyncset.done $0x0  }
0x527: {  	s21 =	simm.s32 $0x14F80;
	[sflag:s23] =	ssyncadd.s32 $0xFFFFC000  }
0x528: {  	[spmem:s3] =	stream.indirect.scatter.add.f32 [tilespmem:s22], [sflag:$0x2], $0x80, s21, s18, $0x2000b8;
	v63 =	vld [tilespmem:$0x0]  }
0x529: {  	_ = 	snop  }
0x52a: {  	[spmem:s4] =	stream.indirect.scatter.add.f32 [tilespmem:s15], [sflag:$0x2], $0x10, s21, s18, $0x2000b8;
	v63 =	vld [tilespmem:$0x0]  }
0x52b: {  	_ =	swait.ge [sflag:s25], $0x4000  }
0x52c: {  	[sflag:s25] =	ssyncset.done $0x0  }
0x52d: {  	[sflag:s25] =	ssyncadd.s32 $0xFFFFC000  }
0x52e: {  	_ =	swait.ge [sflag:s25], $0x800  }
0x52f: {  	[sflag:s25] =	ssyncset.done $0x0  }
0x530: {  	p1 =	seq.s32 s12, $0x400;
	[sflag:s25] =	ssyncadd.s32 $0xFFFFF800  }
.Ltmp5:
0x531: {  	_ =	swait.ge [sflag:s25], $0x4000;
	(pc) =	sbr.rel @!p1 .LBB2_3-.Ltmp5, $4  }
0x532: {  	[sflag:s25] =	ssyncset.done $0x0  }
0x533: {  	[sflag:s25] =	ssyncadd.s32 $0xFFFFC000  }
0x534: {  	s5 =	smov.u32 s12;
	s12 =	sadd.s32 $0x100, s12;
	_ =	swait.ge [sflag:s25], $0x800  }
0x535: {  	s7 =	smov.u32 s5;
	s21 =	rddreg [dreg:$0x6];
	[sflag:s25] =	ssyncset.done $0x0  }
0x536: {  	[sflag:s25] =	ssyncadd.s32 $0xFFFFF800;
	s5 =	sadd.s32 s7, s21;
	s12 =	simm.s32 $0x0  }
0x537: {  	[tilespmem:s24], [sflag:$0x3] =	stream.linear.gather [hbm4b:s5+s12], $0x800, $0x200038;
	v63 =	vld [tilespmem:$0x0]  }
0x538: {  	_ =	swait.ge [sflag:s14], $0x800  }
0x539: {  	s21 =	rddreg [dreg:$0x5];
	[sflag:s14] =	ssyncset.done $0x0  }
0x53a: {  	s5 =	sadd.s32 s7, s21;
	[sflag:s14] =	ssyncadd.s32 $0xFFFFF800  }
0x53b: {  	[tilespmem:s17], [sflag:$0x3] =	stream.linear.gather [hbm4b:s5+s12], $0x800, $0x200038;
	v63 =	vld [tilespmem:$0x0]  }
0x53c: {  	_ =	swait.ge [sflag:s14], $0x800  }
0x53d: {  	[sflag:s14] =	ssyncset.done $0x0  }
0x53e: {  	[sflag:s14] =	ssyncadd.s32 $0xFFFFF800  }
0x53f: {  	[tilespmem:s13], [sflag:$0x1] =	stream.indirect.gather [hbm4b:s1+s18], $0x80, s24, s18, $0x2000b8;
	v63 =	vld [tilespmem:$0x0]  }
0x540: {  	_ = 	snop  }
0x541: {  	[tilespmem:s22], [sflag:$0x1] =	stream.indirect.gather [hbm4b:s1+s18], $0x80, s16, s18, $0x2000b8;
	v63 =	vld [tilespmem:$0x0]  }
0x542: {  	_ =	swait.ge [sflag:s23], $0x4000  }
0x543: {  	[sflag:s23] =	ssyncset.done $0x0  }
0x544: {  	[sflag:s23] =	ssyncadd.s32 $0xFFFFC000  }
0x545: {  	[spmem:s3] =	stream.indirect.scatter.add.f32 [tilespmem:s13], [sflag:$0x2], $0x80, s17, s18, $0x2000b8;
	v63 =	vld [tilespmem:$0x0]  }
0x546: {  	_ = 	snop  }
0x547: {  	[spmem:s4] =	stream.indirect.scatter.add.f32 [tilespmem:s15], [sflag:$0x2], $0x10, s17, s18, $0x2000b8;
	v63 =	vld [tilespmem:$0x0]  }
0x548: {  	_ =	swait.ge [sflag:s23], $0x4000  }
0x549: {  	[sflag:s23] =	ssyncset.done $0x0  }
0x54a: {  	[sflag:s23] =	ssyncadd.s32 $0xFFFFC000  }
0x54b: {  	[spmem:s3] =	stream.indirect.scatter.add.f32 [tilespmem:s22], [sflag:$0x2], $0x80, s29, s18, $0x2000b8;
	v63 =	vld [tilespmem:$0x0]  }
0x54c: {  	_ = 	snop  }
0x54d: {  	[spmem:s4] =	stream.indirect.scatter.add.f32 [tilespmem:s15], [sflag:$0x2], $0x10, s29, s18, $0x2000b8;
	v63 =	vld [tilespmem:$0x0]  }
0x54e: {  	_ =	swait.ge [sflag:s25], $0x4000  }
0x54f: {  	[sflag:s25] =	ssyncset.done $0x0  }
0x550: {  	[sflag:s25] =	ssyncadd.s32 $0xFFFFC000  }
0x551: {  	_ =	swait.ge [sflag:s25], $0x800  }
0x552: {  	[sflag:s25] =	ssyncset.done $0x0  }
0x553: {  	[sflag:s25] =	ssyncadd.s32 $0xFFFFF800  }
0x554: {  	_ =	swait.ge [sflag:s25], $0x4000  }
0x555: {  	[sflag:s25] =	ssyncset.done $0x0  }
0x556: {  	[sflag:s25] =	ssyncadd.s32 $0xFFFFC000  }
0x557: {  	_ =	swait.ge [sflag:s25], $0x800  }
0x558: {  	[sflag:s25] =	ssyncset.done $0x0  }
0x559: {  	s21 =	simm.s32 $0x14100;
	[sflag:s25] =	ssyncadd.s32 $0xFFFFF800  }
0x55a: {  	[tilespmem:s13], [sflag:$0x1] =	stream.indirect.gather [hbm4b:s1+s18], $0x80, s21, s18, $0x2000b8;
	v63 =	vld [tilespmem:$0x0]  }
0x55b: {  	s24 =	simm.s32 $0x14180  }
0x55c: {  	[tilespmem:s22], [sflag:$0x1] =	stream.indirect.gather [hbm4b:s1+s18], $0x80, s24, s18, $0x2000b8;
	v63 =	vld [tilespmem:$0x0]  }
0x55d: {  	_ =	swait.ge [sflag:s23], $0x4000  }
0x55e: {  	[sflag:s23] =	ssyncset.done $0x0  }
0x55f: {  	[sflag:s23] =	ssyncadd.s32 $0xFFFFC000  }
0x560: {  	[spmem:s3] =	stream.indirect.scatter.add.f32 [tilespmem:s13], [sflag:$0x2], $0x80, s30, s18, $0x2000b8;
	v63 =	vld [tilespmem:$0x0]  }
0x561: {  	_ = 	snop  }
0x562: {  	[spmem:s4] =	stream.indirect.scatter.add.f32 [tilespmem:s15], [sflag:$0x2], $0x10, s30, s18, $0x2000b8;
	v63 =	vld [tilespmem:$0x0]  }
0x563: {  	_ =	swait.ge [sflag:s23], $0x4000  }
0x564: {  	[sflag:s23] =	ssyncset.done $0x0  }
0x565: {  	[sflag:s23] =	ssyncadd.s32 $0xFFFFC000  }
0x566: {  	[spmem:s3] =	stream.indirect.scatter.add.f32 [tilespmem:s22], [sflag:$0x2], $0x80, s2, s18, $0x2000b8;
	v63 =	vld [tilespmem:$0x0]  }
0x567: {  	_ = 	snop  }
0x568: {  	[spmem:s4] =	stream.indirect.scatter.add.f32 [tilespmem:s15], [sflag:$0x2], $0x10, s2, s18, $0x2000b8;
	v63 =	vld [tilespmem:$0x0]  }
0x569: {  	_ =	swait.ge [sflag:s25], $0x4000  }
0x56a: {  	[sflag:s25] =	ssyncset.done $0x0  }
0x56b: {  	[sflag:s25] =	ssyncadd.s32 $0xFFFFC000  }
0x56c: {  	_ =	swait.ge [sflag:s25], $0x800  }
0x56d: {  	[sflag:s25] =	ssyncset.done $0x0  }
0x56e: {  	[sflag:s25] =	ssyncadd.s32 $0xFFFFF800  }
0x56f: {  	_ =	swait.ge [sflag:s25], $0x4000  }
0x570: {  	[sflag:s25] =	ssyncset.done $0x0  }
0x571: {  	[sflag:s25] =	ssyncadd.s32 $0xFFFFC000  }
0x572: {  	_ =	swait.ge [sflag:s25], $0x800  }
0x573: {  	[sflag:s25] =	ssyncset.done $0x0  }
0x574: {  	s30 =	simm.s32 $0x14200;
	[sflag:s25] =	ssyncadd.s32 $0xFFFFF800  }
0x575: {  	[tilespmem:s13], [sflag:$0x1] =	stream.indirect.gather [hbm4b:s1+s18], $0x80, s30, s18, $0x2000b8;
	v63 =	vld [tilespmem:$0x0]  }
0x576: {  	s5 =	simm.s32 $0x14280  }
0x577: {  	[tilespmem:s22], [sflag:$0x1] =	stream.indirect.gather [hbm4b:s1+s18], $0x80, s5, s18, $0x2000b8;
	v63 =	vld [tilespmem:$0x0]  }
0x578: {  	_ =	swait.ge [sflag:s23], $0x4000  }
0x579: {  	[sflag:s23] =	ssyncset.done $0x0  }
0x57a: {  	[sflag:s23] =	ssyncadd.s32 $0xFFFFC000  }
0x57b: {  	[spmem:s3] =	stream.indirect.scatter.add.f32 [tilespmem:s13], [sflag:$0x2], $0x80, s6, s18, $0x2000b8;
	v63 =	vld [tilespmem:$0x0]  }
0x57c: {  	_ = 	snop  }
0x57d: {  	[spmem:s4] =	stream.indirect.scatter.add.f32 [tilespmem:s15], [sflag:$0x2], $0x10, s6, s18, $0x2000b8;
	v63 =	vld [tilespmem:$0x0]  }
0x57e: {  	_ =	swait.ge [sflag:s23], $0x4000  }
0x57f: {  	[sflag:s23] =	ssyncset.done $0x0  }
0x580: {  	[sflag:s23] =	ssyncadd.s32 $0xFFFFC000  }
0x581: {  	[spmem:s3] =	stream.indirect.scatter.add.f32 [tilespmem:s22], [sflag:$0x2], $0x80, s9, s18, $0x2000b8;
	v63 =	vld [tilespmem:$0x0]  }
0x582: {  	_ = 	snop  }
0x583: {  	[spmem:s4] =	stream.indirect.scatter.add.f32 [tilespmem:s15], [sflag:$0x2], $0x10, s9, s18, $0x2000b8;
	v63 =	vld [tilespmem:$0x0]  }
0x584: {  	_ =	swait.ge [sflag:s25], $0x4000  }
0x585: {  	[sflag:s25] =	ssyncset.done $0x0  }
0x586: {  	[sflag:s25] =	ssyncadd.s32 $0xFFFFC000  }
0x587: {  	_ =	swait.ge [sflag:s25], $0x800  }
0x588: {  	[sflag:s25] =	ssyncset.done $0x0  }
0x589: {  	[sflag:s25] =	ssyncadd.s32 $0xFFFFF800  }
0x58a: {  	_ =	swait.ge [sflag:s25], $0x4000  }
0x58b: {  	[sflag:s25] =	ssyncset.done $0x0  }
0x58c: {  	[sflag:s25] =	ssyncadd.s32 $0xFFFFC000  }
0x58d: {  	_ =	swait.ge [sflag:s25], $0x800  }
0x58e: {  	[sflag:s25] =	ssyncset.done $0x0  }
0x58f: {  	s7 =	simm.s32 $0x14300;
	[sflag:s25] =	ssyncadd.s32 $0xFFFFF800  }
0x590: {  	[tilespmem:s13], [sflag:$0x1] =	stream.indirect.gather [hbm4b:s1+s18], $0x80, s7, s18, $0x2000b8;
	v63 =	vld [tilespmem:$0x0]  }
0x591: {  	s9 =	simm.s32 $0x14380  }
0x592: {  	[tilespmem:s22], [sflag:$0x1] =	stream.indirect.gather [hbm4b:s1+s18], $0x80, s9, s18, $0x2000b8;
	v63 =	vld [tilespmem:$0x0]  }
0x593: {  	_ =	swait.ge [sflag:s23], $0x4000  }
0x594: {  	[sflag:s23] =	ssyncset.done $0x0  }
0x595: {  	[sflag:s23] =	ssyncadd.s32 $0xFFFFC000  }
0x596: {  	[spmem:s3] =	stream.indirect.scatter.add.f32 [tilespmem:s13], [sflag:$0x2], $0x80, s10, s18, $0x2000b8;
	v63 =	vld [tilespmem:$0x0]  }
0x597: {  	_ = 	snop  }
0x598: {  	[spmem:s4] =	stream.indirect.scatter.add.f32 [tilespmem:s15], [sflag:$0x2], $0x10, s10, s18, $0x2000b8;
	v63 =	vld [tilespmem:$0x0]  }
0x599: {  	_ =	swait.ge [sflag:s23], $0x4000  }
0x59a: {  	[sflag:s23] =	ssyncset.done $0x0  }
0x59b: {  	[sflag:s23] =	ssyncadd.s32 $0xFFFFC000  }
0x59c: {  	[spmem:s3] =	stream.indirect.scatter.add.f32 [tilespmem:s22], [sflag:$0x2], $0x80, s19, s18, $0x2000b8;
	v63 =	vld [tilespmem:$0x0]  }
0x59d: {  	_ = 	snop  }
0x59e: {  	[spmem:s4] =	stream.indirect.scatter.add.f32 [tilespmem:s15], [sflag:$0x2], $0x10, s19, s18, $0x2000b8;
	v63 =	vld [tilespmem:$0x0]  }
0x59f: {  	_ =	swait.ge [sflag:s25], $0x4000  }
0x5a0: {  	[sflag:s25] =	ssyncset.done $0x0  }
0x5a1: {  	[sflag:s25] =	ssyncadd.s32 $0xFFFFC000  }
0x5a2: {  	_ =	swait.ge [sflag:s25], $0x800  }
0x5a3: {  	[sflag:s25] =	ssyncset.done $0x0  }
0x5a4: {  	[sflag:s25] =	ssyncadd.s32 $0xFFFFF800  }
0x5a5: {  	_ =	swait.ge [sflag:s25], $0x4000  }
0x5a6: {  	[sflag:s25] =	ssyncset.done $0x0  }
0x5a7: {  	[sflag:s25] =	ssyncadd.s32 $0xFFFFC000  }
0x5a8: {  	_ =	swait.ge [sflag:s25], $0x800  }
0x5a9: {  	[sflag:s25] =	ssyncset.done $0x0  }
0x5aa: {  	s10 =	simm.s32 $0x14400;
	[sflag:s25] =	ssyncadd.s32 $0xFFFFF800  }
0x5ab: {  	[tilespmem:s13], [sflag:$0x1] =	stream.indirect.gather [hbm4b:s1+s18], $0x80, s10, s18, $0x2000b8;
	v63 =	vld [tilespmem:$0x0]  }
0x5ac: {  	s12 =	simm.s32 $0x14480  }
0x5ad: {  	[tilespmem:s22], [sflag:$0x1] =	stream.indirect.gather [hbm4b:s1+s18], $0x80, s12, s18, $0x2000b8;
	v63 =	vld [tilespmem:$0x0]  }
0x5ae: {  	_ =	swait.ge [sflag:s23], $0x4000  }
0x5af: {  	[sflag:s23] =	ssyncset.done $0x0  }
0x5b0: {  	[sflag:s23] =	ssyncadd.s32 $0xFFFFC000  }
0x5b1: {  	[spmem:s3] =	stream.indirect.scatter.add.f32 [tilespmem:s13], [sflag:$0x2], $0x80, s20, s18, $0x2000b8;
	v63 =	vld [tilespmem:$0x0]  }
0x5b2: {  	_ = 	snop  }
0x5b3: {  	[spmem:s4] =	stream.indirect.scatter.add.f32 [tilespmem:s15], [sflag:$0x2], $0x10, s20, s18, $0x2000b8;
	v63 =	vld [tilespmem:$0x0]  }
0x5b4: {  	_ =	swait.ge [sflag:s23], $0x4000  }
0x5b5: {  	[sflag:s23] =	ssyncset.done $0x0  }
0x5b6: {  	[sflag:s23] =	ssyncadd.s32 $0xFFFFC000  }
0x5b7: {  	[spmem:s3] =	stream.indirect.scatter.add.f32 [tilespmem:s22], [sflag:$0x2], $0x80, s28, s18, $0x2000b8;
	v63 =	vld [tilespmem:$0x0]  }
0x5b8: {  	_ = 	snop  }
0x5b9: {  	[spmem:s4] =	stream.indirect.scatter.add.f32 [tilespmem:s15], [sflag:$0x2], $0x10, s28, s18, $0x2000b8;
	v63 =	vld [tilespmem:$0x0]  }
0x5ba: {  	_ =	swait.ge [sflag:s25], $0x4000  }
0x5bb: {  	[sflag:s25] =	ssyncset.done $0x0  }
0x5bc: {  	[sflag:s25] =	ssyncadd.s32 $0xFFFFC000  }
0x5bd: {  	_ =	swait.ge [sflag:s25], $0x800  }
0x5be: {  	[sflag:s25] =	ssyncset.done $0x0  }
0x5bf: {  	[sflag:s25] =	ssyncadd.s32 $0xFFFFF800  }
0x5c0: {  	_ =	swait.ge [sflag:s25], $0x4000  }
0x5c1: {  	[sflag:s25] =	ssyncset.done $0x0  }
0x5c2: {  	[sflag:s25] =	ssyncadd.s32 $0xFFFFC000  }
0x5c3: {  	_ =	swait.ge [sflag:s25], $0x800  }
0x5c4: {  	[sflag:s25] =	ssyncset.done $0x0  }
0x5c5: {  	s19 =	simm.s32 $0x14500;
	[sflag:s25] =	ssyncadd.s32 $0xFFFFF800  }
0x5c6: {  	[tilespmem:s13], [sflag:$0x1] =	stream.indirect.gather [hbm4b:s1+s18], $0x80, s19, s18, $0x2000b8;
	v63 =	vld [tilespmem:$0x0]  }
0x5c7: {  	s20 =	simm.s32 $0x14580  }
0x5c8: {  	[tilespmem:s22], [sflag:$0x1] =	stream.indirect.gather [hbm4b:s1+s18], $0x80, s20, s18, $0x2000b8;
	v63 =	vld [tilespmem:$0x0]  }
0x5c9: {  	_ =	swait.ge [sflag:s23], $0x4000  }
0x5ca: {  	[sflag:s23] =	ssyncset.done $0x0  }
0x5cb: {  	[sflag:s23] =	ssyncadd.s32 $0xFFFFC000  }
0x5cc: {  	[spmem:s3] =	stream.indirect.scatter.add.f32 [tilespmem:s13], [sflag:$0x2], $0x80, s31, s18, $0x2000b8;
	v63 =	vld [tilespmem:$0x0]  }
0x5cd: {  	_ = 	snop  }
0x5ce: {  	[spmem:s4] =	stream.indirect.scatter.add.f32 [tilespmem:s15], [sflag:$0x2], $0x10, s31, s18, $0x2000b8;
	v63 =	vld [tilespmem:$0x0]  }
0x5cf: {  	_ =	swait.ge [sflag:s23], $0x4000  }
0x5d0: {  	[sflag:s23] =	ssyncset.done $0x0  }
0x5d1: {  	[sflag:s23] =	ssyncadd.s32 $0xFFFFC000  }
0x5d2: {  	[spmem:s3] =	stream.indirect.scatter.add.f32 [tilespmem:s22], [sflag:$0x2], $0x80, s8, s18, $0x2000b8;
	v63 =	vld [tilespmem:$0x0]  }
0x5d3: {  	_ = 	snop  }
0x5d4: {  	[spmem:s4] =	stream.indirect.scatter.add.f32 [tilespmem:s15], [sflag:$0x2], $0x10, s8, s18, $0x2000b8;
	v63 =	vld [tilespmem:$0x0]  }
0x5d5: {  	_ =	swait.ge [sflag:s25], $0x4000  }
0x5d6: {  	[sflag:s25] =	ssyncset.done $0x0  }
0x5d7: {  	[sflag:s25] =	ssyncadd.s32 $0xFFFFC000  }
0x5d8: {  	_ =	swait.ge [sflag:s25], $0x800  }
0x5d9: {  	[sflag:s25] =	ssyncset.done $0x0  }
0x5da: {  	[sflag:s25] =	ssyncadd.s32 $0xFFFFF800  }
0x5db: {  	_ =	swait.ge [sflag:s25], $0x4000  }
0x5dc: {  	[sflag:s25] =	ssyncset.done $0x0  }
0x5dd: {  	[sflag:s25] =	ssyncadd.s32 $0xFFFFC000  }
0x5de: {  	_ =	swait.ge [sflag:s25], $0x800  }
0x5df: {  	[sflag:s25] =	ssyncset.done $0x0  }
0x5e0: {  	s21 =	simm.s32 $0x14600;
	[sflag:s25] =	ssyncadd.s32 $0xFFFFF800  }
0x5e1: {  	[tilespmem:s13], [sflag:$0x1] =	stream.indirect.gather [hbm4b:s1+s18], $0x80, s21, s18, $0x2000b8;
	v63 =	vld [tilespmem:$0x0]  }
0x5e2: {  	s24 =	simm.s32 $0x14680  }
0x5e3: {  	[tilespmem:s22], [sflag:$0x1] =	stream.indirect.gather [hbm4b:s1+s18], $0x80, s24, s18, $0x2000b8;
	v63 =	vld [tilespmem:$0x0]  }
0x5e4: {  	_ =	swait.ge [sflag:s23], $0x4000  }
0x5e5: {  	[sflag:s23] =	ssyncset.done $0x0  }
0x5e6: {  	[sflag:s23] =	ssyncadd.s32 $0xFFFFC000  }
0x5e7: {  	[spmem:s3] =	stream.indirect.scatter.add.f32 [tilespmem:s13], [sflag:$0x2], $0x80, s11, s18, $0x2000b8;
	v63 =	vld [tilespmem:$0x0]  }
0x5e8: {  	_ = 	snop  }
0x5e9: {  	[spmem:s4] =	stream.indirect.scatter.add.f32 [tilespmem:s15], [sflag:$0x2], $0x10, s11, s18, $0x2000b8;
	v63 =	vld [tilespmem:$0x0]  }
0x5ea: {  	_ =	swait.ge [sflag:s23], $0x4000  }
0x5eb: {  	[sflag:s23] =	ssyncset.done $0x0  }
0x5ec: {  	[sflag:s23] =	ssyncadd.s32 $0xFFFFC000  }
0x5ed: {  	[spmem:s3] =	stream.indirect.scatter.add.f32 [tilespmem:s22], [sflag:$0x2], $0x80, s26, s18, $0x2000b8;
	v63 =	vld [tilespmem:$0x0]  }
0x5ee: {  	_ = 	snop  }
0x5ef: {  	[spmem:s4] =	stream.indirect.scatter.add.f32 [tilespmem:s15], [sflag:$0x2], $0x10, s26, s18, $0x2000b8;
	v63 =	vld [tilespmem:$0x0]  }
0x5f0: {  	_ =	swait.ge [sflag:s25], $0x4000  }
0x5f1: {  	[sflag:s25] =	ssyncset.done $0x0  }
0x5f2: {  	[sflag:s25] =	ssyncadd.s32 $0xFFFFC000  }
0x5f3: {  	_ =	swait.ge [sflag:s25], $0x800  }
0x5f4: {  	[sflag:s25] =	ssyncset.done $0x0  }
0x5f5: {  	[sflag:s25] =	ssyncadd.s32 $0xFFFFF800  }
0x5f6: {  	_ =	swait.ge [sflag:s25], $0x4000  }
0x5f7: {  	[sflag:s25] =	ssyncset.done $0x0  }
0x5f8: {  	[sflag:s25] =	ssyncadd.s32 $0xFFFFC000  }
0x5f9: {  	_ =	swait.ge [sflag:s25], $0x800  }
0x5fa: {  	[sflag:s25] =	ssyncset.done $0x0  }
0x5fb: {  	s28 =	simm.s32 $0x14700;
	[sflag:s25] =	ssyncadd.s32 $0xFFFFF800  }
0x5fc: {  	[tilespmem:s13], [sflag:$0x1] =	stream.indirect.gather [hbm4b:s1+s18], $0x80, s28, s18, $0x2000b8;
	v63 =	vld [tilespmem:$0x0]  }
0x5fd: {  	s30 =	simm.s32 $0x14780  }
0x5fe: {  	[tilespmem:s22], [sflag:$0x1] =	stream.indirect.gather [hbm4b:s1+s18], $0x80, s30, s18, $0x2000b8;
	v63 =	vld [tilespmem:$0x0]  }
0x5ff: {  	_ =	swait.ge [sflag:s23], $0x4000  }
0x600: {  	[sflag:s23] =	ssyncset.done $0x0  }
0x601: {  	[sflag:s23] =	ssyncadd.s32 $0xFFFFC000  }
0x602: {  	[spmem:s3] =	stream.indirect.scatter.add.f32 [tilespmem:s13], [sflag:$0x2], $0x80, s0, s18, $0x2000b8;
	v63 =	vld [tilespmem:$0x0]  }
0x603: {  	_ = 	snop  }
0x604: {  	[spmem:s4] =	stream.indirect.scatter.add.f32 [tilespmem:s15], [sflag:$0x2], $0x10, s0, s18, $0x2000b8;
	v63 =	vld [tilespmem:$0x0]  }
0x605: {  	_ =	swait.ge [sflag:s23], $0x4000  }
0x606: {  	[sflag:s23] =	ssyncset.done $0x0  }
0x607: {  	s31 =	simm.s32 $0x14F80;
	[sflag:s23] =	ssyncadd.s32 $0xFFFFC000  }
0x608: {  	[spmem:s3] =	stream.indirect.scatter.add.f32 [tilespmem:s22], [sflag:$0x2], $0x80, s31, s18, $0x2000b8;
	v63 =	vld [tilespmem:$0x0]  }
0x609: {  	_ = 	snop  }
0x60a: {  	[spmem:s4] =	stream.indirect.scatter.add.f32 [tilespmem:s15], [sflag:$0x2], $0x10, s31, s18, $0x2000b8;
	v63 =	vld [tilespmem:$0x0]  }
0x60b: {  	_ =	swait.ge [sflag:s25], $0x4000  }
0x60c: {  	[sflag:s25] =	ssyncset.done $0x0  }
0x60d: {  	[sflag:s25] =	ssyncadd.s32 $0xFFFFC000  }
0x60e: {  	_ =	swait.ge [sflag:s25], $0x800  }
0x60f: {  	[sflag:s25] =	ssyncset.done $0x0  }
0x610: {  	[sflag:s25] =	ssyncadd.s32 $0xFFFFF800  }
0x611: {  	_ =	swait.ge [sflag:s25], $0x4000  }
.Ltmp6:
0x612: {  	[sflag:s25] =	ssyncset.done $0x0;
	(pc) =	sbr.rel .LBB2_8-.Ltmp6, $4  }
0x613: {  	[sflag:s25] =	ssyncadd.s32 $0xFFFFC000  }
0x614: {  	s29 =	simm.s32 $0x14180;
	_ =	swait.ge [sflag:s25], $0x800  }
0x615: {  	s12 =	simm.s32 $0x14000;
	s21 =	simm.s32 $0x14880;
	[sflag:s25] =	ssyncset.done $0x0  }
0x616: {  	s24 =	simm.s32 $0x14100;
	s0 =	sld [smem:$0x7F2];
	[sflag:s25] =	ssyncadd.s32 $0xFFFFF800  }
.LBB2_9:
0x617: {  	_ =	sfence.sel $0x180000  }
0x618: {  	[bflag:$0x0] =	sbarrier.arrive $0xFFFF  }
0x619: {  	_ =	strace $0x90000047  }
0x61a: {  	s0 =	stileid.u32;
	[bflag:$0x2] =	sbarrier.arrive $0xFFFF  }
0x61b: {  	p0 =	sne.s32 s0, $0x0;
	s0 =	rddreg [dreg:$0x4]  }
0x61c: {  	s0 =	sadd.s32 @!p0 $0x100000, s0  }
0x61d: {  	[sflag:s0] =	ssyncadd.tile.s32 @!p0 $0x1;
	_ =	shalt  }
.Lfunc_end2:
_tile_overlayer_lowered:
.L_overlay_start_2:
0x61e: {  	(tag) =	ssettag $0x2  }
0x61f: {  	s0 =	rddreg [dreg:$0x0];
	s2 =	stileid.u32  }
0x620: {  	s1 =	rddreg [dreg:$0x1];
	p0 =	sne.s32 s2, $0x0  }
0x621: {  	s3 =	rddreg [dreg:$0x2];
	[bflag:$0x3] =	sbarrier.arrive $0xFFFF;
	s2 =	simm.s32 @!p0 $0x1C03  }
0x622: {  	[timem:s3], [sflag:s2] =	dma.local @!p0 [hbm:s0], s1  }
0x623: {  	s0 =	simm.s32 @!p0 $0x3  }
0x624: {  	_ =	swait.ge @!p0 [sflag:s0], s1  }
0x625: {  	s1 =	ssub.s32 @!p0 $0x0, s1;
	[sflag:s0] =	ssyncset.done @!p0 $0x0  }
0x626: {  	[sflag:s0] =	ssyncadd.s32 @!p0 s1  }
0x627: {  	[bflag:$0x3] =	sbarrier.arrive $0xFFFF  }
0x628: {  	_ =	shalt  }

</sc_bundles>
